<compile_context>
chip_gen: v7x
topology: tpu7x:2x2x1
jax: 0.10.2.dev20260603
libtpu: 0.0.44.dev20260713+nightly
codegen_flags: <defaults>
</compile_context>

<pallas_src>
import functools

import jax
import jax.numpy as jnp
from jax import lax
from jax.experimental import pallas as pl
from jax.experimental.pallas import tpu as pltpu
from jax.experimental.pallas import tpu_sc as plsc

N = 10000
E = 320000
IN_DIM = 128
HID = 256
OUT_DIM = 78
G = 256
HALF = HID // 2
NC, NS = 2, 16
CHUNK = 128
E_PAD = 327680
NCHUNK = E_PAD // CHUNK
AGG_JC = NCHUNK // NS
DEG_JC = NCHUNK // (NC * NS)
NHALF = 5000
NSAC = 64
NH = NHALF + NSAC
SUB5 = 312
PAD_DST = 1 << 20
R = 1000
NBLK = N // R

_f32 = jnp.float32
_HIGH = lax.Precision.HIGHEST


def _clamp_slices(dst_src_ref, dstv_ref, p):
    @pl.loop(0, CHUNK // 16)
    def _(kk):
        sl = pl.ds(kk * 16, 16)
        dv = dst_src_ref[sl]
        sac = NHALF + (dv & (NSAC - 1))
        if p == 0:
            dstv_ref[sl] = jnp.where(dv < NHALF, dv, sac)
        else:
            ok = (dv >= NHALF) & (dv < 2 * NHALF)
            dstv_ref[sl] = jnp.where(ok, dv - NHALF, sac)


def _sc_deg_body(dst_hbm, out_hbm, dstbuf, dstv, ones_v, zbuf, acc_sh):
    c = lax.axis_index("c")
    s = lax.axis_index("s")

    @pl.loop(0, CHUNK)
    def _(i):
        @pl.loop(0, 8)
        def _(kk):
            ones_v[i, pl.ds(kk * 16, 16)] = jnp.full((16,), 1.0, _f32)

    @pl.loop(0, SUB5)
    def _(i):
        @pl.loop(0, 8)
        def _(kk):
            zbuf[i, pl.ds(kk * 16, 16)] = jnp.zeros((16,), _f32)

    base_cid = c * (NCHUNK // NC) + s * DEG_JC
    pltpu.sync_copy(dst_hbm.at[pl.ds(base_cid * CHUNK, DEG_JC * CHUNK)],
                    dstbuf)

    for p in range(2):
        base = s * SUB5
        pltpu.sync_copy(zbuf, acc_sh.at[pl.ds(base, SUB5)])

        @pl.when(s == NS - 1)
        def _():
            pltpu.sync_copy(zbuf.at[pl.ds(0, 8)],
                            acc_sh.at[pl.ds(NS * SUB5, 8)])

        plsc.subcore_barrier()

        @pl.loop(0, DEG_JC)
        def _(j):
            _clamp_slices(dstbuf.at[pl.ds(j * CHUNK, CHUNK)], dstv, p)
            pltpu.sync_copy(ones_v, acc_sh.at[dstv], add=True)

        plsc.subcore_barrier()
        lo = p * NHALF
        pltpu.sync_copy(acc_sh.at[pl.ds(base, SUB5)],
                        out_hbm.at[pl.ds(c * N + lo + base, SUB5), :])

        @pl.when(s == NS - 1)
        def _():
            pltpu.sync_copy(acc_sh.at[pl.ds(NS * SUB5, 8)],
                            out_hbm.at[pl.ds(c * N + lo + NS * SUB5, 8), :])

        plsc.subcore_barrier()


def _sc_agg_body(scaled_hbm, src2_hbm, dst_hbm, out_hbm, srcbuf, dstbuf,
                 dstv0, dstv1, rows_v0, rows_v1, acc_sh, sem0, sem1):
    c = lax.axis_index("c")
    s = lax.axis_index("s")

    base_e = s * AGG_JC * CHUNK
    pltpu.sync_copy(src2_hbm.at[pl.ds(c * E_PAD + base_e, AGG_JC * CHUNK)],
                    srcbuf.at[pl.ds(0, AGG_JC * CHUNK)])
    pltpu.sync_copy(dst_hbm.at[pl.ds(base_e, AGG_JC * CHUNK)], dstbuf)

    @pl.loop(0, CHUNK // 16)
    def _(kk):
        srcbuf[pl.ds(AGG_JC * CHUNK + kk * 16, 16)] = jnp.zeros(
            (16,), jnp.int32)

    def g_start(j, buf, sem):
        pltpu.async_copy(scaled_hbm.at[srcbuf.at[pl.ds(j * CHUNK, CHUNK)]],
                         buf, sem)

    def g_wait(buf, sem):
        pltpu.make_async_copy(scaled_hbm.at[pl.ds(0, CHUNK), :], buf,
                              sem).wait()

    for p in range(2):
        lo = p * NHALF
        base = s * SUB5
        pltpu.sync_copy(scaled_hbm.at[pl.ds(c * N + lo + base, SUB5), :],
                        acc_sh.at[pl.ds(base, SUB5)])

        @pl.when(s == NS - 1)
        def _():
            pltpu.sync_copy(
                scaled_hbm.at[pl.ds(c * N + lo + NS * SUB5, 8), :],
                acc_sh.at[pl.ds(NS * SUB5, 8)])

        plsc.subcore_barrier()

        g_start(0, rows_v0, sem0)

        @pl.loop(0, AGG_JC // 2)
        def _(jj):
            j0 = jj * 2
            g_start(j0 + 1, rows_v1, sem1)
            _clamp_slices(dstbuf.at[pl.ds(j0 * CHUNK, CHUNK)], dstv0, p)
            g_wait(rows_v0, sem0)
            pltpu.sync_copy(rows_v0, acc_sh.at[dstv0], add=True)
            g_start(j0 + 2, rows_v0, sem0)
            _clamp_slices(dstbuf.at[pl.ds(j0 * CHUNK + CHUNK, CHUNK)],
                          dstv1, p)
            g_wait(rows_v1, sem1)
            pltpu.sync_copy(rows_v1, acc_sh.at[dstv1], add=True)

        g_wait(rows_v0, sem0)
        plsc.subcore_barrier()
        pltpu.sync_copy(acc_sh.at[pl.ds(base, SUB5)],
                        out_hbm.at[pl.ds(c * N + lo + base, SUB5), :])

        @pl.when(s == NS - 1)
        def _():
            pltpu.sync_copy(acc_sh.at[pl.ds(NS * SUB5, 8)],
                            out_hbm.at[pl.ds(c * N + lo + NS * SUB5, 8), :])

        plsc.subcore_barrier()


@functools.cache
def _sc_kernels():
    mesh = plsc.VectorSubcoreMesh(core_axis_name="c", subcore_axis_name="s")
    sc_deg = functools.partial(
        pl.kernel,
        mesh=mesh,
        out_type=jax.ShapeDtypeStruct((NC * N, 128), _f32),
        scratch_types=[
            pltpu.VMEM((DEG_JC * CHUNK,), jnp.int32),
            pltpu.VMEM((CHUNK,), jnp.int32),
            pltpu.VMEM((CHUNK, 128), _f32),
            pltpu.VMEM((SUB5, 128), _f32),
            pltpu.VMEM_SHARED((NH, 128), _f32),
        ],
    )(_sc_deg_body)
    sc_agg = functools.partial(
        pl.kernel,
        mesh=mesh,
        out_type=jax.ShapeDtypeStruct((NC * N, 128), _f32),
        scratch_types=[
            pltpu.VMEM(((AGG_JC + 1) * CHUNK,), jnp.int32),
            pltpu.VMEM((AGG_JC * CHUNK,), jnp.int32),
            pltpu.VMEM((CHUNK,), jnp.int32),
            pltpu.VMEM((CHUNK,), jnp.int32),
            pltpu.VMEM((CHUNK, 128), _f32),
            pltpu.VMEM((CHUNK, 128), _f32),
            pltpu.VMEM_SHARED((NH, 128), _f32),
            pltpu.SemaphoreType.DMA,
            pltpu.SemaphoreType.DMA,
        ],
    )(_sc_agg_body)
    return sc_deg, sc_agg


def _sc_deg(dst):
    return _sc_kernels()[0](dst)


def _sc_agg(scaled, src2, dst):
    return _sc_kernels()[1](scaled, src2, dst)


def _dinv_from_parts(dp_ref):
    deg = dp_ref[0, :, 0:1] + dp_ref[1, :, 0:1] + 1.0
    return lax.rsqrt(deg)


def _t1_body(dp_ref, x_ref, w_ref, out_ref):
    dinv = _dinv_from_parts(dp_ref)
    xw = jnp.dot(x_ref[...], w_ref[...], precision=_HIGH,
                 preferred_element_type=_f32)
    scaled = xw * dinv
    out_ref[0] = scaled[:, :HALF]
    out_ref[1] = scaled[:, HALF:]


def _t2_body(acc_ref, dp_ref, b_ref, w_ref, out_ref):
    dinv = _dinv_from_parts(dp_ref)
    acc = jnp.concatenate([acc_ref[0], acc_ref[1]], axis=1)
    h = jnp.maximum(acc * dinv + b_ref[...], 0.0)
    scaled = jnp.dot(h, w_ref[...], precision=_HIGH,
                     preferred_element_type=_f32) * dinv
    out_ref[0] = scaled[:, :HALF]
    out_ref[1] = scaled[:, HALF:]


def _t4_body(acc_ref, dp_ref, b_ref, batch_ref, m1_ref, mb1_ref, m2_ref,
             mb2_ref, out_ref, sums_ref, cnt_ref):
    i = pl.program_id(0)

    @pl.when(i == 0)
    def _():
        sums_ref[...] = jnp.zeros_like(sums_ref)
        cnt_ref[...] = jnp.zeros_like(cnt_ref)

    dinv = _dinv_from_parts(dp_ref)
    acc = jnp.concatenate([acc_ref[0], acc_ref[1]], axis=1)
    h = jnp.maximum(acc * dinv + b_ref[...], 0.0)
    gi = lax.broadcasted_iota(jnp.int32, (R, G), 1)
    onehot = (batch_ref[0] == gi).astype(_f32)
    sums_ref[...] += lax.dot_general(onehot, h, (((0,), (0,)), ((), ())),
                                     precision=_HIGH,
                                     preferred_element_type=_f32)
    cnt_ref[...] += lax.dot_general(onehot, jnp.ones((R, 128), _f32),
                                    (((0,), (0,)), ((), ())),
                                    precision=_HIGH,
                                    preferred_element_type=_f32)

    @pl.when(i == pl.num_programs(0) - 1)
    def _():
        g = sums_ref[...] / jnp.maximum(cnt_ref[:, 0:1], 1.0)
        a1 = jnp.maximum(jnp.dot(g, m1_ref[...], precision=_HIGH,
                                 preferred_element_type=_f32) + mb1_ref[...],
                         0.0)
        logits = jnp.dot(a1, m2_ref[...], precision=_HIGH,
                         preferred_element_type=_f32) + mb2_ref[...]
        out_ref[...] = jax.nn.sigmoid(logits)


def _t1(deg_parts, x, W1):
    return pl.pallas_call(
        _t1_body,
        grid=(NBLK,),
        in_specs=[
            pl.BlockSpec((2, R, 128), lambda i: (0, i, 0)),
            pl.BlockSpec((R, IN_DIM), lambda i: (i, 0)),
            pl.BlockSpec((IN_DIM, HID), lambda i: (0, 0)),
        ],
        out_specs=pl.BlockSpec((2, R, HALF), lambda i: (0, i, 0)),
        out_shape=jax.ShapeDtypeStruct((2, N, HALF), _f32),
    )(deg_parts, x, W1)


def _t2(acc, deg_parts, b_prev, W_next):
    return pl.pallas_call(
        _t2_body,
        grid=(NBLK,),
        in_specs=[
            pl.BlockSpec((2, R, HALF), lambda i: (0, i, 0)),
            pl.BlockSpec((2, R, 128), lambda i: (0, i, 0)),
            pl.BlockSpec((1, HID), lambda i: (0, 0)),
            pl.BlockSpec((HID, HID), lambda i: (0, 0)),
        ],
        out_specs=pl.BlockSpec((2, R, HALF), lambda i: (0, i, 0)),
        out_shape=jax.ShapeDtypeStruct((2, N, HALF), _f32),
    )(acc, deg_parts, b_prev, W_next)


def _t4(acc, deg_parts, b3, batch3, M1, mb1, M2, mb2):
    return pl.pallas_call(
        _t4_body,
        grid=(NBLK,),
        in_specs=[
            pl.BlockSpec((2, R, HALF), lambda i: (0, i, 0)),
            pl.BlockSpec((2, R, 128), lambda i: (0, i, 0)),
            pl.BlockSpec((1, HID), lambda i: (0, 0)),
            pl.BlockSpec((1, R, 1), lambda i: (i, 0, 0)),
            pl.BlockSpec((HID, HID), lambda i: (0, 0)),
            pl.BlockSpec((1, HID), lambda i: (0, 0)),
            pl.BlockSpec((HID, OUT_DIM), lambda i: (0, 0)),
            pl.BlockSpec((1, OUT_DIM), lambda i: (0, 0)),
        ],
        out_specs=pl.BlockSpec((G, OUT_DIM), lambda i: (0, 0)),
        out_shape=jax.ShapeDtypeStruct((G, OUT_DIM), _f32),
        scratch_shapes=[
            pltpu.VMEM((G, HID), _f32),
            pltpu.VMEM((G, 128), _f32),
        ],
    )(acc, deg_parts, b3, batch3, M1, mb1, M2, mb2)


@jax.jit
def kernel(x, edge_index, batch, W1, b1, W2, b2, W3, b3, M1, mb1, M2, mb2):
    src = edge_index[0]
    dst = edge_index[1]
    npad = E_PAD - E
    src_p = jnp.concatenate([src, jnp.zeros((npad,), jnp.int32)])
    dst_p = jnp.concatenate([dst, jnp.full((npad,), PAD_DST, jnp.int32)])
    src2 = jnp.concatenate([src_p, src_p + N])
    batch3 = batch.reshape(NBLK, R, 1)
    b1r, b2r, b3r = b1.reshape(1, HID), b2.reshape(1, HID), b3.reshape(1, HID)
    mb1r, mb2r = mb1.reshape(1, HID), mb2.reshape(1, OUT_DIM)

    deg_parts = _sc_deg(dst_p).reshape(2, N, 128)

    scaled1 = _t1(deg_parts, x, W1).reshape(2 * N, HALF)
    acc1 = _sc_agg(scaled1, src2, dst_p).reshape(2, N, HALF)
    scaled2 = _t2(acc1, deg_parts, b1r, W2).reshape(2 * N, HALF)
    acc2 = _sc_agg(scaled2, src2, dst_p).reshape(2, N, HALF)
    scaled3 = _t2(acc2, deg_parts, b2r, W3).reshape(2 * N, HALF)
    acc3 = _sc_agg(scaled3, src2, dst_p).reshape(2, N, HALF)
    return _t4(acc3, deg_parts, b3r, batch3, M1, mb1r, M2, mb2r)

# --- scband reference (transcript-rebuilt; emitter-appended) ---
"""Pipeline reference for scband-pep-frag-gnn-59837484368060 (READ-ONLY COPY).

The authoritative reference and input builder live on the scoring server;
editing this copy changes nothing except your own understanding.
"""

import jax, jax.numpy as jnp
import numpy as np

N = 10000
E = 320000
IN_DIM = 128
HID = 256
OUT_DIM = 78
G = 256


def setup_inputs(seed: int = 0) -> dict:
    key = jax.random.key(seed)
    ks = jax.random.split(key, 16)
    x = jax.random.normal(ks[0], (N, IN_DIM), dtype=jnp.float32)
    edge_index = jax.random.randint(ks[1], (2, E), 0, N, dtype=jnp.int32)
    batch = jnp.sort(jax.random.randint(ks[2], (N,), 0, G, dtype=jnp.int32))
    W1 = jax.random.normal(ks[3], (IN_DIM, HID), dtype=jnp.float32) * 0.05
    b1 = jnp.zeros((HID,), dtype=jnp.float32)
    W2 = jax.random.normal(ks[4], (HID, HID), dtype=jnp.float32) * 0.05
    b2 = jnp.zeros((HID,), dtype=jnp.float32)
    W3 = jax.random.normal(ks[5], (HID, HID), dtype=jnp.float32) * 0.05
    b3 = jnp.zeros((HID,), dtype=jnp.float32)
    M1 = jax.random.normal(ks[6], (HID, HID), dtype=jnp.float32) * 0.05
    mb1 = jnp.zeros((HID,), dtype=jnp.float32)
    M2 = jax.random.normal(ks[7], (HID, OUT_DIM), dtype=jnp.float32) * 0.05
    mb2 = jnp.zeros((OUT_DIM,), dtype=jnp.float32)
    return {"x": x, "edge_index": edge_index, "batch": batch,
            "W1": W1, "b1": b1, "W2": W2, "b2": b2, "W3": W3, "b3": b3,
            "M1": M1, "mb1": mb1, "M2": M2, "mb2": mb2}


def _gcn_conv(x, edge_index, W, b):
    # PyG GCNConv: add self-loops, symmetric normalization, scatter-add aggregation
    src = edge_index[0]
    dst = edge_index[1]
    loop = jnp.arange(N, dtype=src.dtype)
    src_all = jnp.concatenate([src, loop])
    dst_all = jnp.concatenate([dst, loop])
    deg = jnp.zeros((N,), dtype=jnp.float32).at[dst_all].add(1.0)
    deg_inv_sqrt = jnp.where(deg > 0, deg ** -0.5, 0.0)
    norm = deg_inv_sqrt[src_all] * deg_inv_sqrt[dst_all]
    xw = x @ W
    msg = xw[src_all] * norm[:, None]
    out = jnp.zeros((N, W.shape[1]), dtype=jnp.float32).at[dst_all].add(msg)
    return out + b


def reference(x, edge_index, batch, W1, b1, W2, b2, W3, b3, M1, mb1, M2, mb2):
    h = jax.nn.relu(_gcn_conv(x, edge_index, W1, b1))
    h = jax.nn.relu(_gcn_conv(h, edge_index, W2, b2))
    h = jax.nn.relu(_gcn_conv(h, edge_index, W3, b3))
    # global_mean_pool over graph ids
    sums = jax.ops.segment_sum(h, batch, num_segments=G)
    cnt = jax.ops.segment_sum(jnp.ones((N, 1), dtype=jnp.float32), batch, num_segments=G)
    g = sums / jnp.clip(cnt, 1.0, None)
    # MLP head: Linear -> ReLU -> Linear -> Sigmoid
    out = jax.nn.sigmoid(jax.nn.relu(g @ M1 + mb1) @ M2 + mb2)
    return out

if __name__ == "__main__":
    import jax
    _d = setup_inputs()
    print(jax.jit(kernel)(*tuple(_d.values())))

</pallas_src>

<mosaic_0001>
#map = affine_map<(d0, d1) -> (0)>
#map1 = affine_map<(d0, d1) -> (0, 0)>
module attributes {stable_mosaic.version = 14 : i64} {
  func.func @_sc_deg_body(%arg0: i32, %arg1: i32, %arg2: memref<327680xi32, #tpu.memory_space<hbm>>, %arg3: memref<20000x128xf32, #tpu.memory_space<hbm>>, %arg4: memref<10240xi32, #tpu.memory_space<vmem>>, %arg5: memref<128xi32, #tpu.memory_space<vmem>>, %arg6: memref<128x128xf32, #tpu.memory_space<vmem>>, %arg7: memref<312x128xf32, #tpu.memory_space<vmem>>, %arg8: memref<5064x128xf32, #tpu.memory_space<vmem_shared>>) attributes {dimension_semantics = [#tpu.dimension_semantics<core_parallel>, #tpu.dimension_semantics<subcore_parallel>], iteration_bounds = array<i64: 2, 16>, scalar_prefetch = 0 : i64, scratch_operands = 5 : i64, tpu.core_type = #tpu.core_type<sc_vector_subcore>, window_params = [{transform_indices = #map}, {transform_indices = #map1}]} {
    %scan3A = arith.constant 0 : i32
    %scan3A_0 = arith.constant 128 : i32
    %scan3A_1 = arith.addi %scan3A, %scan3A_0 : i32
    %scan3A_2 = arith.constant 1 : i32
    scf.for %scan3A_60 = %scan3A to %scan3A_1 step %scan3A_2  : i32 {
      %mul3A_61 = arith.constant 1 : i32
      %mul3A_62 = arith.muli %scan3A_60, %mul3A_61 : i32
      %add3A_63 = arith.constant 0 : i32
      %add3A_64 = arith.addi %add3A_63, %mul3A_62 : i32
      %scan3A_65 = arith.constant 0 : i32
      %scan3A_66 = arith.constant 8 : i32
      %scan3A_67 = arith.addi %scan3A_65, %scan3A_66 : i32
      %scan3A_68 = arith.constant 1 : i32
      scf.for %scan3A_70 = %scan3A_65 to %scan3A_67 step %scan3A_68  : i32 {
        %mul3A_71 = arith.constant 1 : i32
        %mul3A_72 = arith.muli %scan3A_70, %mul3A_71 : i32
        %add3A_73 = arith.constant 0 : i32
        %add3A_74 = arith.addi %add3A_73, %mul3A_72 : i32
        %broadcast_in_dim3A = arith.constant 1.000000e+00 : f32
        %broadcast_in_dim3A_75 = vector.broadcast %broadcast_in_dim3A : f32 to vector<16xf32>
        %mul3A_76 = arith.constant 16 : i32
        %mul3A_77 = arith.muli %add3A_74, %mul3A_76 : i32
        %swap3A = arith.index_cast %add3A_64 : i32 to index
        %swap3A_78 = arith.index_cast %mul3A_77 : i32 to index
        %swap3A_79 = tpu.vector_load %arg6[%swap3A, %swap3A_78] {strides = array<i32>} : memref<128x128xf32, #tpu.memory_space<vmem>>, vector<1x16xf32>,
        %swap3A_80 = vector.shape_cast %swap3A_79 : vector<1x16xf32> to vector<16xf32>
        %swap3A_81 = vector.shape_cast %broadcast_in_dim3A_75 : vector<16xf32> to vector<1x16xf32>
        tpu.vector_store %arg6[%swap3A, %swap3A_78], %swap3A_81 {strides = array<i32>} : memref<128x128xf32, #tpu.memory_space<vmem>>, vector<1x16xf32>,
      }
      %scan3A_69 = arith.constant 8 : i32
    }
    %scan3A_3 = arith.constant 128 : i32
    %scan3A_4 = arith.constant 0 : i32
    %scan3A_5 = arith.constant 312 : i32
    %scan3A_6 = arith.addi %scan3A_4, %scan3A_5 : i32
    %scan3A_7 = arith.constant 1 : i32
    scf.for %scan3A_60 = %scan3A_4 to %scan3A_6 step %scan3A_7  : i32 {
      %mul3A_61 = arith.constant 1 : i32
      %mul3A_62 = arith.muli %scan3A_60, %mul3A_61 : i32
      %add3A_63 = arith.constant 0 : i32
      %add3A_64 = arith.addi %add3A_63, %mul3A_62 : i32
      %scan3A_65 = arith.constant 0 : i32
      %scan3A_66 = arith.constant 8 : i32
      %scan3A_67 = arith.addi %scan3A_65, %scan3A_66 : i32
      %scan3A_68 = arith.constant 1 : i32
      scf.for %scan3A_70 = %scan3A_65 to %scan3A_67 step %scan3A_68  : i32 {
        %mul3A_71 = arith.constant 1 : i32
        %mul3A_72 = arith.muli %scan3A_70, %mul3A_71 : i32
        %add3A_73 = arith.constant 0 : i32
        %add3A_74 = arith.addi %add3A_73, %mul3A_72 : i32
        %broadcast_in_dim3A = arith.constant 0.000000e+00 : f32
        %broadcast_in_dim3A_75 = vector.broadcast %broadcast_in_dim3A : f32 to vector<16xf32>
        %mul3A_76 = arith.constant 16 : i32
        %mul3A_77 = arith.muli %add3A_74, %mul3A_76 : i32
        %swap3A = arith.index_cast %add3A_64 : i32 to index
        %swap3A_78 = arith.index_cast %mul3A_77 : i32 to index
        %swap3A_79 = tpu.vector_load %arg7[%swap3A, %swap3A_78] {strides = array<i32>} : memref<312x128xf32, #tpu.memory_space<vmem>>, vector<1x16xf32>,
        %swap3A_80 = vector.shape_cast %swap3A_79 : vector<1x16xf32> to vector<16xf32>
        %swap3A_81 = vector.shape_cast %broadcast_in_dim3A_75 : vector<16xf32> to vector<1x16xf32>
        tpu.vector_store %arg7[%swap3A, %swap3A_78], %swap3A_81 {strides = array<i32>} : memref<312x128xf32, #tpu.memory_space<vmem>>, vector<1x16xf32>,
      }
      %scan3A_69 = arith.constant 8 : i32
    }
    %scan3A_8 = arith.constant 312 : i32
    %mul3A = arith.constant 1280 : i32
    %mul3A_9 = arith.muli %arg0, %mul3A : i32
    %mul3A_10 = arith.constant 80 : i32
    %mul3A_11 = arith.muli %arg1, %mul3A_10 : i32
    %add3A = arith.addi %mul3A_9, %mul3A_11 : i32
    %mul3A_12 = arith.constant 128 : i32
    %mul3A_13 = arith.muli %add3A, %mul3A_12 : i32
    "tpu.region"() ({
      %run_scoped3A = tpu.sem_alloc : memref<!tpu.dma_semaphore, #tpu.memory_space<semaphore_mem>>
      %dma_start3A = tpu.memref_slice %arg2[%mul3A_13] : memref<327680xi32, #tpu.memory_space<hbm>> -> memref<10240xi32, #tpu.memory_space<hbm>>
      %dma_start3A_60 = tpu.memref_slice %arg2[%mul3A_13] : memref<327680xi32, #tpu.memory_space<hbm>> -> memref<10240xi32, #tpu.memory_space<hbm>>
      tpu.enqueue_dma source(%dma_start3A_60 : memref<10240xi32, #tpu.memory_space<hbm>>) target(%arg4 : memref<10240xi32, #tpu.memory_space<vmem>>) target_semaphore(%run_scoped3A : memref<!tpu.dma_semaphore, #tpu.memory_space<semaphore_mem>>)
      %dma_wait3A = tpu.memref_slice %arg2[%mul3A_13] : memref<327680xi32, #tpu.memory_space<hbm>> -> memref<10240xi32, #tpu.memory_space<hbm>>
      %dma_wait3A_61 = tpu.memref_slice %arg2[%mul3A_13] : memref<327680xi32, #tpu.memory_space<hbm>> -> memref<10240xi32, #tpu.memory_space<hbm>>
      tpu.wait_dma2 semaphore(%run_scoped3A : memref<!tpu.dma_semaphore, #tpu.memory_space<semaphore_mem>>) src(%dma_wait3A_61 : memref<10240xi32, #tpu.memory_space<hbm>>) dst(%arg4 : memref<10240xi32, #tpu.memory_space<vmem>>)
      tpu.yield
    }) : () -> ()
    %mul3A_14 = arith.constant 312 : i32
    %mul3A_15 = arith.muli %arg1, %mul3A_14 : i32
    "tpu.region"() ({
      %run_scoped3A = tpu.sem_alloc : memref<!tpu.dma_semaphore, #tpu.memory_space<semaphore_mem>>
      %dma_start3A = arith.constant 0 : i32
      %dma_start3A_60 = tpu.memref_slice %arg8[%mul3A_15, %dma_start3A] : memref<5064x128xf32, #tpu.memory_space<vmem_shared>> -> memref<312x128xf32, #tpu.memory_space<vmem_shared>>
      %dma_start3A_61 = arith.constant 0 : i32
      %dma_start3A_62 = tpu.memref_slice %arg8[%mul3A_15, %dma_start3A_61] : memref<5064x128xf32, #tpu.memory_space<vmem_shared>> -> memref<312x128xf32, #tpu.memory_space<vmem_shared>>
      tpu.enqueue_dma source(%arg7 : memref<312x128xf32, #tpu.memory_space<vmem>>) target(%dma_start3A_62 : memref<312x128xf32, #tpu.memory_space<vmem_shared>>) target_semaphore(%run_scoped3A : memref<!tpu.dma_semaphore, #tpu.memory_space<semaphore_mem>>)
      %dma_wait3A = arith.constant 0 : i32
      %dma_wait3A_63 = tpu.memref_slice %arg8[%mul3A_15, %dma_wait3A] : memref<5064x128xf32, #tpu.memory_space<vmem_shared>> -> memref<312x128xf32, #tpu.memory_space<vmem_shared>>
      %dma_wait3A_64 = arith.constant 0 : i32
      %dma_wait3A_65 = tpu.memref_slice %arg8[%mul3A_15, %dma_wait3A_64] : memref<5064x128xf32, #tpu.memory_space<vmem_shared>> -> memref<312x128xf32, #tpu.memory_space<vmem_shared>>
      tpu.wait_dma2 semaphore(%run_scoped3A : memref<!tpu.dma_semaphore, #tpu.memory_space<semaphore_mem>>) src(%arg7 : memref<312x128xf32, #tpu.memory_space<vmem>>) dst(%dma_wait3A_65 : memref<312x128xf32, #tpu.memory_space<vmem_shared>>)
      tpu.yield
    }) : () -> ()
    %eq3A = arith.constant 15 : i32
    %eq3A_16 = arith.cmpi eq, %arg1, %eq3A : i32
    %convert_element_type3A = arith.extui %eq3A_16 : i1 to i32
    %cond3A = arith.constant 0 : i32
    %cond3A_17 = arith.cmpi ne, %convert_element_type3A, %cond3A : i32
    scf.if %cond3A_17 {
      "tpu.region"() ({
        %run_scoped3A = tpu.sem_alloc : memref<!tpu.dma_semaphore, #tpu.memory_space<semaphore_mem>>
        %dma_start3A = arith.constant 0 : i32
        %dma_start3A_60 = arith.constant 0 : i32
        %dma_start3A_61 = tpu.memref_slice %arg7[%dma_start3A, %dma_start3A_60] : memref<312x128xf32, #tpu.memory_space<vmem>> -> memref<8x128xf32, #tpu.memory_space<vmem>>
        %dma_start3A_62 = arith.constant 4992 : i32
        %dma_start3A_63 = arith.constant 0 : i32
        %dma_start3A_64 = tpu.memref_slice %arg8[%dma_start3A_62, %dma_start3A_63] : memref<5064x128xf32, #tpu.memory_space<vmem_shared>> -> memref<8x128xf32, #tpu.memory_space<vmem_shared>>
        %dma_start3A_65 = arith.constant 4992 : i32
        %dma_start3A_66 = arith.constant 0 : i32
        %dma_start3A_67 = tpu.memref_slice %arg8[%dma_start3A_65, %dma_start3A_66] : memref<5064x128xf32, #tpu.memory_space<vmem_shared>> -> memref<8x128xf32, #tpu.memory_space<vmem_shared>>
        %dma_start3A_68 = arith.constant 0 : i32
        %dma_start3A_69 = arith.constant 0 : i32
        %dma_start3A_70 = tpu.memref_slice %arg7[%dma_start3A_68, %dma_start3A_69] : memref<312x128xf32, #tpu.memory_space<vmem>> -> memref<8x128xf32, #tpu.memory_space<vmem>>
        tpu.enqueue_dma source(%dma_start3A_70 : memref<8x128xf32, #tpu.memory_space<vmem>>) target(%dma_start3A_67 : memref<8x128xf32, #tpu.memory_space<vmem_shared>>) target_semaphore(%run_scoped3A : memref<!tpu.dma_semaphore, #tpu.memory_space<semaphore_mem>>)
        %dma_wait3A = arith.constant 0 : i32
        %dma_wait3A_71 = arith.constant 0 : i32
        %dma_wait3A_72 = tpu.memref_slice %arg7[%dma_wait3A, %dma_wait3A_71] : memref<312x128xf32, #tpu.memory_space<vmem>> -> memref<8x128xf32, #tpu.memory_space<vmem>>
        %dma_wait3A_73 = arith.constant 4992 : i32
        %dma_wait3A_74 = arith.constant 0 : i32
        %dma_wait3A_75 = tpu.memref_slice %arg8[%dma_wait3A_73, %dma_wait3A_74] : memref<5064x128xf32, #tpu.memory_space<vmem_shared>> -> memref<8x128xf32, #tpu.memory_space<vmem_shared>>
        %dma_wait3A_76 = arith.constant 4992 : i32
        %dma_wait3A_77 = arith.constant 0 : i32
        %dma_wait3A_78 = tpu.memref_slice %arg8[%dma_wait3A_76, %dma_wait3A_77] : memref<5064x128xf32, #tpu.memory_space<vmem_shared>> -> memref<8x128xf32, #tpu.memory_space<vmem_shared>>
        %dma_wait3A_79 = arith.constant 0 : i32
        %dma_wait3A_80 = arith.constant 0 : i32
        %dma_wait3A_81 = tpu.memref_slice %arg7[%dma_wait3A_79, %dma_wait3A_80] : memref<312x128xf32, #tpu.memory_space<vmem>> -> memref<8x128xf32, #tpu.memory_space<vmem>>
        tpu.wait_dma2 semaphore(%run_scoped3A : memref<!tpu.dma_semaphore, #tpu.memory_space<semaphore_mem>>) src(%dma_wait3A_81 : memref<8x128xf32, #tpu.memory_space<vmem>>) dst(%dma_wait3A_78 : memref<8x128xf32, #tpu.memory_space<vmem_shared>>)
        tpu.yield
      }) : () -> ()
    } else {
    }
    %barrier3A = arith.constant 0 : index
    tpu.barrier barrier_id(%barrier3A)
    %scan3A_18 = arith.constant 0 : i32
    %scan3A_19 = arith.constant 80 : i32
    %scan3A_20 = arith.addi %scan3A_18, %scan3A_19 : i32
    %scan3A_21 = arith.constant 1 : i32
    scf.for %scan3A_60 = %scan3A_18 to %scan3A_20 step %scan3A_21  : i32 {
      %mul3A_61 = arith.constant 1 : i32
      %mul3A_62 = arith.muli %scan3A_60, %mul3A_61 : i32
      %add3A_63 = arith.constant 0 : i32
      %add3A_64 = arith.addi %add3A_63, %mul3A_62 : i32
      %mul3A_65 = arith.constant 128 : i32
      %mul3A_66 = arith.muli %add3A_64, %mul3A_65 : i32
      %scan3A_67 = arith.constant 0 : i32
      %scan3A_68 = arith.constant 8 : i32
      %scan3A_69 = arith.addi %scan3A_67, %scan3A_68 : i32
      %scan3A_70 = arith.constant 1 : i32
      scf.for %scan3A_72 = %scan3A_67 to %scan3A_69 step %scan3A_70  : i32 {
        %mul3A_73 = arith.constant 1 : i32
        %mul3A_74 = arith.muli %scan3A_72, %mul3A_73 : i32
        %add3A_75 = arith.constant 0 : i32
        %add3A_76 = arith.addi %add3A_75, %mul3A_74 : i32
        %mul3A_77 = arith.constant 16 : i32
        %mul3A_78 = arith.muli %add3A_76, %mul3A_77 : i32
        %get3A = tpu.memref_slice %arg4[%mul3A_66] : memref<10240xi32, #tpu.memory_space<vmem>> -> memref<128xi32, #tpu.memory_space<vmem>>
        %get3A_79 = arith.index_cast %mul3A_78 : i32 to index
        %get3A_80 = tpu.vector_load %get3A[%get3A_79] {strides = array<i32>} : memref<128xi32, #tpu.memory_space<vmem>>, vector<16xi32>,
        %get3A_81 = vector.shape_cast %get3A_80 : vector<16xi32> to vector<16xi32>
        %and3A = arith.constant 63 : i32
        %and3A_82 = vector.broadcast %and3A : i32 to vector<16xi32>
        %and3A_83 = arith.andi %get3A_81, %and3A_82 : vector<16xi32>
        %add3A_84 = arith.constant 5000 : i32
        %add3A_85 = vector.broadcast %add3A_84 : i32 to vector<16xi32>
        %add3A_86 = arith.addi %add3A_85, %and3A_83 : vector<16xi32>
        %lt3A = arith.constant 5000 : i32
        %lt3A_87 = vector.broadcast %lt3A : i32 to vector<16xi32>
        %lt3A_88 = arith.cmpi slt, %get3A_81, %lt3A_87 : vector<16xi32>
        %select_n3A = arith.select %lt3A_88, %get3A_81, %add3A_86 : vector<16xi1>, vector<16xi32>
        %swap3A = arith.index_cast %mul3A_78 : i32 to index
        %swap3A_89 = tpu.vector_load %arg5[%swap3A] {strides = array<i32>} : memref<128xi32, #tpu.memory_space<vmem>>, vector<16xi32>,
        %swap3A_90 = vector.shape_cast %swap3A_89 : vector<16xi32> to vector<16xi32>
        %swap3A_91 = vector.shape_cast %select_n3A : vector<16xi32> to vector<16xi32>
        tpu.vector_store %arg5[%swap3A], %swap3A_91 {strides = array<i32>} : memref<128xi32, #tpu.memory_space<vmem>>, vector<16xi32>,
      }
      %scan3A_71 = arith.constant 8 : i32
      "tpu.region"() ({
        %run_scoped3A = tpu.sem_alloc : memref<!tpu.dma_semaphore, #tpu.memory_space<semaphore_mem>>
        %dma_start3A = arith.constant 0 : i32
        %dma_start3A_72 = arith.constant 0 : i32
        %dma_start3A_73 = tpu.memref_slice %arg8[%dma_start3A, %dma_start3A_72] : memref<5064x128xf32, #tpu.memory_space<vmem_shared>> -> memref<5064x128xf32, #tpu.memory_space<vmem_shared>>
        tpu.enqueue_indirect_dma source(%arg6 : memref<128x128xf32, #tpu.memory_space<vmem>>) target(%dma_start3A_73 : memref<5064x128xf32, #tpu.memory_space<vmem_shared>>) offsets(%arg5 : memref<128xi32, #tpu.memory_space<vmem>>) semaphore(%run_scoped3A : memref<!tpu.dma_semaphore, #tpu.memory_space<semaphore_mem>>) {add = true}
        %dma_wait3A = arith.constant 0 : i32
        %dma_wait3A_74 = arith.constant 0 : i32
        %dma_wait3A_75 = tpu.memref_slice %arg8[%dma_wait3A, %dma_wait3A_74] : memref<5064x128xf32, #tpu.memory_space<vmem_shared>> -> memref<5064x128xf32, #tpu.memory_space<vmem_shared>>
        tpu.wait_indirect_dma semaphore(%run_scoped3A : memref<!tpu.dma_semaphore, #tpu.memory_space<semaphore_mem>>) src(%arg6 : memref<128x128xf32, #tpu.memory_space<vmem>>) dst(%dma_wait3A_75 : memref<5064x128xf32, #tpu.memory_space<vmem_shared>>)
        tpu.yield
      }) : () -> ()
    }
    %scan3A_22 = arith.constant 80 : i32
    %barrier3A_23 = arith.constant 0 : index
    tpu.barrier barrier_id(%barrier3A_23)
    %mul3A_24 = arith.constant 10000 : i32
    %mul3A_25 = arith.muli %arg0, %mul3A_24 : i32
    %add3A_26 = arith.constant 0 : i32
    %add3A_27 = arith.addi %mul3A_25, %add3A_26 : i32
    %add3A_28 = arith.addi %add3A_27, %mul3A_15 : i32
    "tpu.region"() ({
      %run_scoped3A = tpu.sem_alloc : memref<!tpu.dma_semaphore, #tpu.memory_space<semaphore_mem>>
      %dma_start3A = arith.constant 0 : i32
      %dma_start3A_60 = tpu.memref_slice %arg3[%add3A_28, %dma_start3A] : memref<20000x128xf32, #tpu.memory_space<hbm>> -> memref<312x128xf32, #tpu.memory_space<hbm>>
      %dma_start3A_61 = arith.constant 0 : i32
      %dma_start3A_62 = tpu.memref_slice %arg8[%mul3A_15, %dma_start3A_61] : memref<5064x128xf32, #tpu.memory_space<vmem_shared>> -> memref<312x128xf32, #tpu.memory_space<vmem_shared>>
      tpu.enqueue_dma source(%dma_start3A_62 : memref<312x128xf32, #tpu.memory_space<vmem_shared>>) target(%dma_start3A_60 : memref<312x128xf32, #tpu.memory_space<hbm>>) target_semaphore(%run_scoped3A : memref<!tpu.dma_semaphore, #tpu.memory_space<semaphore_mem>>)
      %dma_wait3A = arith.constant 0 : i32
      %dma_wait3A_63 = tpu.memref_slice %arg3[%add3A_28, %dma_wait3A] : memref<20000x128xf32, #tpu.memory_space<hbm>> -> memref<312x128xf32, #tpu.memory_space<hbm>>
      %dma_wait3A_64 = arith.constant 0 : i32
      %dma_wait3A_65 = tpu.memref_slice %arg8[%mul3A_15, %dma_wait3A_64] : memref<5064x128xf32, #tpu.memory_space<vmem_shared>> -> memref<312x128xf32, #tpu.memory_space<vmem_shared>>
      tpu.wait_dma2 semaphore(%run_scoped3A : memref<!tpu.dma_semaphore, #tpu.memory_space<semaphore_mem>>) src(%dma_wait3A_65 : memref<312x128xf32, #tpu.memory_space<vmem_shared>>) dst(%dma_wait3A_63 : memref<312x128xf32, #tpu.memory_space<hbm>>)
      tpu.yield
    }) : () -> ()
    %eq3A_29 = arith.constant 15 : i32
    %eq3A_30 = arith.cmpi eq, %arg1, %eq3A_29 : i32
    %convert_element_type3A_31 = arith.extui %eq3A_30 : i1 to i32
    %cond3A_32 = arith.constant 0 : i32
    %cond3A_33 = arith.cmpi ne, %convert_element_type3A_31, %cond3A_32 : i32
    scf.if %cond3A_33 {
      %mul3A_60 = arith.constant 10000 : i32
      %mul3A_61 = arith.muli %arg0, %mul3A_60 : i32
      %add3A_62 = arith.constant 0 : i32
      %add3A_63 = arith.addi %mul3A_61, %add3A_62 : i32
      %add3A_64 = arith.constant 4992 : i32
      %add3A_65 = arith.addi %add3A_63, %add3A_64 : i32
      "tpu.region"() ({
        %run_scoped3A = tpu.sem_alloc : memref<!tpu.dma_semaphore, #tpu.memory_space<semaphore_mem>>
        %dma_start3A = arith.constant 0 : i32
        %dma_start3A_66 = tpu.memref_slice %arg3[%add3A_65, %dma_start3A] : memref<20000x128xf32, #tpu.memory_space<hbm>> -> memref<8x128xf32, #tpu.memory_space<hbm>>
        %dma_start3A_67 = arith.constant 4992 : i32
        %dma_start3A_68 = arith.constant 0 : i32
        %dma_start3A_69 = tpu.memref_slice %arg8[%dma_start3A_67, %dma_start3A_68] : memref<5064x128xf32, #tpu.memory_space<vmem_shared>> -> memref<8x128xf32, #tpu.memory_space<vmem_shared>>
        tpu.enqueue_dma source(%dma_start3A_69 : memref<8x128xf32, #tpu.memory_space<vmem_shared>>) target(%dma_start3A_66 : memref<8x128xf32, #tpu.memory_space<hbm>>) target_semaphore(%run_scoped3A : memref<!tpu.dma_semaphore, #tpu.memory_space<semaphore_mem>>)
        %dma_wait3A = arith.constant 0 : i32
        %dma_wait3A_70 = tpu.memref_slice %arg3[%add3A_65, %dma_wait3A] : memref<20000x128xf32, #tpu.memory_space<hbm>> -> memref<8x128xf32, #tpu.memory_space<hbm>>
        %dma_wait3A_71 = arith.constant 4992 : i32
        %dma_wait3A_72 = arith.constant 0 : i32
        %dma_wait3A_73 = tpu.memref_slice %arg8[%dma_wait3A_71, %dma_wait3A_72] : memref<5064x128xf32, #tpu.memory_space<vmem_shared>> -> memref<8x128xf32, #tpu.memory_space<vmem_shared>>
        tpu.wait_dma2 semaphore(%run_scoped3A : memref<!tpu.dma_semaphore, #tpu.memory_space<semaphore_mem>>) src(%dma_wait3A_73 : memref<8x128xf32, #tpu.memory_space<vmem_shared>>) dst(%dma_wait3A_70 : memref<8x128xf32, #tpu.memory_space<hbm>>)
        tpu.yield
      }) : () -> ()
    } else {
    }
    %barrier3A_34 = arith.constant 0 : index
    tpu.barrier barrier_id(%barrier3A_34)
    %mul3A_35 = arith.constant 312 : i32
    %mul3A_36 = arith.muli %arg1, %mul3A_35 : i32
    "tpu.region"() ({
      %run_scoped3A = tpu.sem_alloc : memref<!tpu.dma_semaphore, #tpu.memory_space<semaphore_mem>>
      %dma_start3A = arith.constant 0 : i32
      %dma_start3A_60 = tpu.memref_slice %arg8[%mul3A_36, %dma_start3A] : memref<5064x128xf32, #tpu.memory_space<vmem_shared>> -> memref<312x128xf32, #tpu.memory_space<vmem_shared>>
      %dma_start3A_61 = arith.constant 0 : i32
      %dma_start3A_62 = tpu.memref_slice %arg8[%mul3A_36, %dma_start3A_61] : memref<5064x128xf32, #tpu.memory_space<vmem_shared>> -> memref<312x128xf32, #tpu.memory_space<vmem_shared>>
      tpu.enqueue_dma source(%arg7 : memref<312x128xf32, #tpu.memory_space<vmem>>) target(%dma_start3A_62 : memref<312x128xf32, #tpu.memory_space<vmem_shared>>) target_semaphore(%run_scoped3A : memref<!tpu.dma_semaphore, #tpu.memory_space<semaphore_mem>>)
      %dma_wait3A = arith.constant 0 : i32
      %dma_wait3A_63 = tpu.memref_slice %arg8[%mul3A_36, %dma_wait3A] : memref<5064x128xf32, #tpu.memory_space<vmem_shared>> -> memref<312x128xf32, #tpu.memory_space<vmem_shared>>
      %dma_wait3A_64 = arith.constant 0 : i32
      %dma_wait3A_65 = tpu.memref_slice %arg8[%mul3A_36, %dma_wait3A_64] : memref<5064x128xf32, #tpu.memory_space<vmem_shared>> -> memref<312x128xf32, #tpu.memory_space<vmem_shared>>
      tpu.wait_dma2 semaphore(%run_scoped3A : memref<!tpu.dma_semaphore, #tpu.memory_space<semaphore_mem>>) src(%arg7 : memref<312x128xf32, #tpu.memory_space<vmem>>) dst(%dma_wait3A_65 : memref<312x128xf32, #tpu.memory_space<vmem_shared>>)
      tpu.yield
    }) : () -> ()
    %eq3A_37 = arith.constant 15 : i32
    %eq3A_38 = arith.cmpi eq, %arg1, %eq3A_37 : i32
    %convert_element_type3A_39 = arith.extui %eq3A_38 : i1 to i32
    %cond3A_40 = arith.constant 0 : i32
    %cond3A_41 = arith.cmpi ne, %convert_element_type3A_39, %cond3A_40 : i32
    scf.if %cond3A_41 {
      "tpu.region"() ({
        %run_scoped3A = tpu.sem_alloc : memref<!tpu.dma_semaphore, #tpu.memory_space<semaphore_mem>>
        %dma_start3A = arith.constant 0 : i32
        %dma_start3A_60 = arith.constant 0 : i32
        %dma_start3A_61 = tpu.memref_slice %arg7[%dma_start3A, %dma_start3A_60] : memref<312x128xf32, #tpu.memory_space<vmem>> -> memref<8x128xf32, #tpu.memory_space<vmem>>
        %dma_start3A_62 = arith.constant 4992 : i32
        %dma_start3A_63 = arith.constant 0 : i32
        %dma_start3A_64 = tpu.memref_slice %arg8[%dma_start3A_62, %dma_start3A_63] : memref<5064x128xf32, #tpu.memory_space<vmem_shared>> -> memref<8x128xf32, #tpu.memory_space<vmem_shared>>
        %dma_start3A_65 = arith.constant 4992 : i32
        %dma_start3A_66 = arith.constant 0 : i32
        %dma_start3A_67 = tpu.memref_slice %arg8[%dma_start3A_65, %dma_start3A_66] : memref<5064x128xf32, #tpu.memory_space<vmem_shared>> -> memref<8x128xf32, #tpu.memory_space<vmem_shared>>
        %dma_start3A_68 = arith.constant 0 : i32
        %dma_start3A_69 = arith.constant 0 : i32
        %dma_start3A_70 = tpu.memref_slice %arg7[%dma_start3A_68, %dma_start3A_69] : memref<312x128xf32, #tpu.memory_space<vmem>> -> memref<8x128xf32, #tpu.memory_space<vmem>>
        tpu.enqueue_dma source(%dma_start3A_70 : memref<8x128xf32, #tpu.memory_space<vmem>>) target(%dma_start3A_67 : memref<8x128xf32, #tpu.memory_space<vmem_shared>>) target_semaphore(%run_scoped3A : memref<!tpu.dma_semaphore, #tpu.memory_space<semaphore_mem>>)
        %dma_wait3A = arith.constant 0 : i32
        %dma_wait3A_71 = arith.constant 0 : i32
        %dma_wait3A_72 = tpu.memref_slice %arg7[%dma_wait3A, %dma_wait3A_71] : memref<312x128xf32, #tpu.memory_space<vmem>> -> memref<8x128xf32, #tpu.memory_space<vmem>>
        %dma_wait3A_73 = arith.constant 4992 : i32
        %dma_wait3A_74 = arith.constant 0 : i32
        %dma_wait3A_75 = tpu.memref_slice %arg8[%dma_wait3A_73, %dma_wait3A_74] : memref<5064x128xf32, #tpu.memory_space<vmem_shared>> -> memref<8x128xf32, #tpu.memory_space<vmem_shared>>
        %dma_wait3A_76 = arith.constant 4992 : i32
        %dma_wait3A_77 = arith.constant 0 : i32
        %dma_wait3A_78 = tpu.memref_slice %arg8[%dma_wait3A_76, %dma_wait3A_77] : memref<5064x128xf32, #tpu.memory_space<vmem_shared>> -> memref<8x128xf32, #tpu.memory_space<vmem_shared>>
        %dma_wait3A_79 = arith.constant 0 : i32
        %dma_wait3A_80 = arith.constant 0 : i32
        %dma_wait3A_81 = tpu.memref_slice %arg7[%dma_wait3A_79, %dma_wait3A_80] : memref<312x128xf32, #tpu.memory_space<vmem>> -> memref<8x128xf32, #tpu.memory_space<vmem>>
        tpu.wait_dma2 semaphore(%run_scoped3A : memref<!tpu.dma_semaphore, #tpu.memory_space<semaphore_mem>>) src(%dma_wait3A_81 : memref<8x128xf32, #tpu.memory_space<vmem>>) dst(%dma_wait3A_78 : memref<8x128xf32, #tpu.memory_space<vmem_shared>>)
        tpu.yield
      }) : () -> ()
    } else {
    }
    %barrier3A_42 = arith.constant 0 : index
    tpu.barrier barrier_id(%barrier3A_42)
    %scan3A_43 = arith.constant 0 : i32
    %scan3A_44 = arith.constant 80 : i32
    %scan3A_45 = arith.addi %scan3A_43, %scan3A_44 : i32
    %scan3A_46 = arith.constant 1 : i32
    scf.for %scan3A_60 = %scan3A_43 to %scan3A_45 step %scan3A_46  : i32 {
      %mul3A_61 = arith.constant 1 : i32
      %mul3A_62 = arith.muli %scan3A_60, %mul3A_61 : i32
      %add3A_63 = arith.constant 0 : i32
      %add3A_64 = arith.addi %add3A_63, %mul3A_62 : i32
      %mul3A_65 = arith.constant 128 : i32
      %mul3A_66 = arith.muli %add3A_64, %mul3A_65 : i32
      %scan3A_67 = arith.constant 0 : i32
      %scan3A_68 = arith.constant 8 : i32
      %scan3A_69 = arith.addi %scan3A_67, %scan3A_68 : i32
      %scan3A_70 = arith.constant 1 : i32
      scf.for %scan3A_72 = %scan3A_67 to %scan3A_69 step %scan3A_70  : i32 {
        %mul3A_73 = arith.constant 1 : i32
        %mul3A_74 = arith.muli %scan3A_72, %mul3A_73 : i32
        %add3A_75 = arith.constant 0 : i32
        %add3A_76 = arith.addi %add3A_75, %mul3A_74 : i32
        %mul3A_77 = arith.constant 16 : i32
        %mul3A_78 = arith.muli %add3A_76, %mul3A_77 : i32
        %get3A = tpu.memref_slice %arg4[%mul3A_66] : memref<10240xi32, #tpu.memory_space<vmem>> -> memref<128xi32, #tpu.memory_space<vmem>>
        %get3A_79 = arith.index_cast %mul3A_78 : i32 to index
        %get3A_80 = tpu.vector_load %get3A[%get3A_79] {strides = array<i32>} : memref<128xi32, #tpu.memory_space<vmem>>, vector<16xi32>,
        %get3A_81 = vector.shape_cast %get3A_80 : vector<16xi32> to vector<16xi32>
        %and3A = arith.constant 63 : i32
        %and3A_82 = vector.broadcast %and3A : i32 to vector<16xi32>
        %and3A_83 = arith.andi %get3A_81, %and3A_82 : vector<16xi32>
        %add3A_84 = arith.constant 5000 : i32
        %add3A_85 = vector.broadcast %add3A_84 : i32 to vector<16xi32>
        %add3A_86 = arith.addi %add3A_85, %and3A_83 : vector<16xi32>
        %ge3A = arith.constant 5000 : i32
        %ge3A_87 = vector.broadcast %ge3A : i32 to vector<16xi32>
        %ge3A_88 = arith.cmpi sge, %get3A_81, %ge3A_87 : vector<16xi32>
        %lt3A = arith.constant 10000 : i32
        %lt3A_89 = vector.broadcast %lt3A : i32 to vector<16xi32>
        %lt3A_90 = arith.cmpi slt, %get3A_81, %lt3A_89 : vector<16xi32>
        %and3A_91 = arith.andi %ge3A_88, %lt3A_90 : vector<16xi1>
        %sub3A = arith.constant 5000 : i32
        %sub3A_92 = vector.broadcast %sub3A : i32 to vector<16xi32>
        %sub3A_93 = arith.subi %get3A_81, %sub3A_92 : vector<16xi32>
        %select_n3A = arith.select %and3A_91, %sub3A_93, %add3A_86 : vector<16xi1>, vector<16xi32>
        %swap3A = arith.index_cast %mul3A_78 : i32 to index
        %swap3A_94 = tpu.vector_load %arg5[%swap3A] {strides = array<i32>} : memref<128xi32, #tpu.memory_space<vmem>>, vector<16xi32>,
        %swap3A_95 = vector.shape_cast %swap3A_94 : vector<16xi32> to vector<16xi32>
        %swap3A_96 = vector.shape_cast %select_n3A : vector<16xi32> to vector<16xi32>
        tpu.vector_store %arg5[%swap3A], %swap3A_96 {strides = array<i32>} : memref<128xi32, #tpu.memory_space<vmem>>, vector<16xi32>,
      }
      %scan3A_71 = arith.constant 8 : i32
      "tpu.region"() ({
        %run_scoped3A = tpu.sem_alloc : memref<!tpu.dma_semaphore, #tpu.memory_space<semaphore_mem>>
        %dma_start3A = arith.constant 0 : i32
        %dma_start3A_72 = arith.constant 0 : i32
        %dma_start3A_73 = tpu.memref_slice %arg8[%dma_start3A, %dma_start3A_72] : memref<5064x128xf32, #tpu.memory_space<vmem_shared>> -> memref<5064x128xf32, #tpu.memory_space<vmem_shared>>
        tpu.enqueue_indirect_dma source(%arg6 : memref<128x128xf32, #tpu.memory_space<vmem>>) target(%dma_start3A_73 : memref<5064x128xf32, #tpu.memory_space<vmem_shared>>) offsets(%arg5 : memref<128xi32, #tpu.memory_space<vmem>>) semaphore(%run_scoped3A : memref<!tpu.dma_semaphore, #tpu.memory_space<semaphore_mem>>) {add = true}
        %dma_wait3A = arith.constant 0 : i32
        %dma_wait3A_74 = arith.constant 0 : i32
        %dma_wait3A_75 = tpu.memref_slice %arg8[%dma_wait3A, %dma_wait3A_74] : memref<5064x128xf32, #tpu.memory_space<vmem_shared>> -> memref<5064x128xf32, #tpu.memory_space<vmem_shared>>
        tpu.wait_indirect_dma semaphore(%run_scoped3A : memref<!tpu.dma_semaphore, #tpu.memory_space<semaphore_mem>>) src(%arg6 : memref<128x128xf32, #tpu.memory_space<vmem>>) dst(%dma_wait3A_75 : memref<5064x128xf32, #tpu.memory_space<vmem_shared>>)
        tpu.yield
      }) : () -> ()
    }
    %scan3A_47 = arith.constant 80 : i32
    %barrier3A_48 = arith.constant 0 : index
    tpu.barrier barrier_id(%barrier3A_48)
    %mul3A_49 = arith.constant 10000 : i32
    %mul3A_50 = arith.muli %arg0, %mul3A_49 : i32
    %add3A_51 = arith.constant 5000 : i32
    %add3A_52 = arith.addi %mul3A_50, %add3A_51 : i32
    %add3A_53 = arith.addi %add3A_52, %mul3A_36 : i32
    "tpu.region"() ({
      %run_scoped3A = tpu.sem_alloc : memref<!tpu.dma_semaphore, #tpu.memory_space<semaphore_mem>>
      %dma_start3A = arith.constant 0 : i32
      %dma_start3A_60 = tpu.memref_slice %arg3[%add3A_53, %dma_start3A] : memref<20000x128xf32, #tpu.memory_space<hbm>> -> memref<312x128xf32, #tpu.memory_space<hbm>>
      %dma_start3A_61 = arith.constant 0 : i32
      %dma_start3A_62 = tpu.memref_slice %arg8[%mul3A_36, %dma_start3A_61] : memref<5064x128xf32, #tpu.memory_space<vmem_shared>> -> memref<312x128xf32, #tpu.memory_space<vmem_shared>>
      tpu.enqueue_dma source(%dma_start3A_62 : memref<312x128xf32, #tpu.memory_space<vmem_shared>>) target(%dma_start3A_60 : memref<312x128xf32, #tpu.memory_space<hbm>>) target_semaphore(%run_scoped3A : memref<!tpu.dma_semaphore, #tpu.memory_space<semaphore_mem>>)
      %dma_wait3A = arith.constant 0 : i32
      %dma_wait3A_63 = tpu.memref_slice %arg3[%add3A_53, %dma_wait3A] : memref<20000x128xf32, #tpu.memory_space<hbm>> -> memref<312x128xf32, #tpu.memory_space<hbm>>
      %dma_wait3A_64 = arith.constant 0 : i32
      %dma_wait3A_65 = tpu.memref_slice %arg8[%mul3A_36, %dma_wait3A_64] : memref<5064x128xf32, #tpu.memory_space<vmem_shared>> -> memref<312x128xf32, #tpu.memory_space<vmem_shared>>
      tpu.wait_dma2 semaphore(%run_scoped3A : memref<!tpu.dma_semaphore, #tpu.memory_space<semaphore_mem>>) src(%dma_wait3A_65 : memref<312x128xf32, #tpu.memory_space<vmem_shared>>) dst(%dma_wait3A_63 : memref<312x128xf32, #tpu.memory_space<hbm>>)
      tpu.yield
    }) : () -> ()
    %eq3A_54 = arith.constant 15 : i32
    %eq3A_55 = arith.cmpi eq, %arg1, %eq3A_54 : i32
    %convert_element_type3A_56 = arith.extui %eq3A_55 : i1 to i32
    %cond3A_57 = arith.constant 0 : i32
    %cond3A_58 = arith.cmpi ne, %convert_element_type3A_56, %cond3A_57 : i32
    scf.if %cond3A_58 {
      %mul3A_60 = arith.constant 10000 : i32
      %mul3A_61 = arith.muli %arg0, %mul3A_60 : i32
      %add3A_62 = arith.constant 5000 : i32
      %add3A_63 = arith.addi %mul3A_61, %add3A_62 : i32
      %add3A_64 = arith.constant 4992 : i32
      %add3A_65 = arith.addi %add3A_63, %add3A_64 : i32
      "tpu.region"() ({
        %run_scoped3A = tpu.sem_alloc : memref<!tpu.dma_semaphore, #tpu.memory_space<semaphore_mem>>
        %dma_start3A = arith.constant 0 : i32
        %dma_start3A_66 = tpu.memref_slice %arg3[%add3A_65, %dma_start3A] : memref<20000x128xf32, #tpu.memory_space<hbm>> -> memref<8x128xf32, #tpu.memory_space<hbm>>
        %dma_start3A_67 = arith.constant 4992 : i32
        %dma_start3A_68 = arith.constant 0 : i32
        %dma_start3A_69 = tpu.memref_slice %arg8[%dma_start3A_67, %dma_start3A_68] : memref<5064x128xf32, #tpu.memory_space<vmem_shared>> -> memref<8x128xf32, #tpu.memory_space<vmem_shared>>
        tpu.enqueue_dma source(%dma_start3A_69 : memref<8x128xf32, #tpu.memory_space<vmem_shared>>) target(%dma_start3A_66 : memref<8x128xf32, #tpu.memory_space<hbm>>) target_semaphore(%run_scoped3A : memref<!tpu.dma_semaphore, #tpu.memory_space<semaphore_mem>>)
        %dma_wait3A = arith.constant 0 : i32
        %dma_wait3A_70 = tpu.memref_slice %arg3[%add3A_65, %dma_wait3A] : memref<20000x128xf32, #tpu.memory_space<hbm>> -> memref<8x128xf32, #tpu.memory_space<hbm>>
        %dma_wait3A_71 = arith.constant 4992 : i32
        %dma_wait3A_72 = arith.constant 0 : i32
        %dma_wait3A_73 = tpu.memref_slice %arg8[%dma_wait3A_71, %dma_wait3A_72] : memref<5064x128xf32, #tpu.memory_space<vmem_shared>> -> memref<8x128xf32, #tpu.memory_space<vmem_shared>>
        tpu.wait_dma2 semaphore(%run_scoped3A : memref<!tpu.dma_semaphore, #tpu.memory_space<semaphore_mem>>) src(%dma_wait3A_73 : memref<8x128xf32, #tpu.memory_space<vmem_shared>>) dst(%dma_wait3A_70 : memref<8x128xf32, #tpu.memory_space<hbm>>)
        tpu.yield
      }) : () -> ()
    } else {
    }
    %barrier3A_59 = arith.constant 0 : index
    tpu.barrier barrier_id(%barrier3A_59)
    return
  }
}

#map = affine_map<(d0, d1) -> (0, 0)>
#map1 = affine_map<(d0, d1) -> (0)>
module attributes {stable_mosaic.version = 14 : i64} {
  func.func @_sc_agg_body(%arg0: i32, %arg1: i32, %arg2: memref<20000x128xf32, #tpu.memory_space<hbm>>, %arg3: memref<655360xi32, #tpu.memory_space<hbm>>, %arg4: memref<327680xi32, #tpu.memory_space<hbm>>, %arg5: memref<20000x128xf32, #tpu.memory_space<hbm>>, %arg6: memref<20608xi32, #tpu.memory_space<vmem>>, %arg7: memref<20480xi32, #tpu.memory_space<vmem>>, %arg8: memref<128xi32, #tpu.memory_space<vmem>>, %arg9: memref<128xi32, #tpu.memory_space<vmem>>, %arg10: memref<128x128xf32, #tpu.memory_space<vmem>>, %arg11: memref<128x128xf32, #tpu.memory_space<vmem>>, %arg12: memref<5064x128xf32, #tpu.memory_space<vmem_shared>>, %arg13: memref<!tpu.dma_semaphore, #tpu.memory_space<semaphore_mem>>, %arg14: memref<!tpu.dma_semaphore, #tpu.memory_space<semaphore_mem>>) attributes {dimension_semantics = [#tpu.dimension_semantics<core_parallel>, #tpu.dimension_semantics<subcore_parallel>], iteration_bounds = array<i64: 2, 16>, scalar_prefetch = 0 : i64, scratch_operands = 9 : i64, tpu.core_type = #tpu.core_type<sc_vector_subcore>, window_params = [{transform_indices = #map}, {transform_indices = #map1}, {transform_indices = #map1}, {transform_indices = #map}]} {
    %mul3A = arith.constant 160 : i32
    %mul3A_0 = arith.muli %arg1, %mul3A : i32
    %mul3A_1 = arith.constant 128 : i32
    %mul3A_2 = arith.muli %mul3A_0, %mul3A_1 : i32
    %mul3A_3 = arith.constant 327680 : i32
    %mul3A_4 = arith.muli %arg0, %mul3A_3 : i32
    %add3A = arith.addi %mul3A_4, %mul3A_2 : i32
    "tpu.region"() ({
      %run_scoped3A = tpu.sem_alloc : memref<!tpu.dma_semaphore, #tpu.memory_space<semaphore_mem>>
      %dma_start3A_85 = arith.constant 0 : i32
      %dma_start3A_86 = tpu.memref_slice %arg6[%dma_start3A_85] : memref<20608xi32, #tpu.memory_space<vmem>> -> memref<20480xi32, #tpu.memory_space<vmem>>
      %dma_start3A_87 = tpu.memref_slice %arg3[%add3A] : memref<655360xi32, #tpu.memory_space<hbm>> -> memref<20480xi32, #tpu.memory_space<hbm>>
      %dma_start3A_88 = arith.constant 0 : i32
      %dma_start3A_89 = tpu.memref_slice %arg6[%dma_start3A_88] : memref<20608xi32, #tpu.memory_space<vmem>> -> memref<20480xi32, #tpu.memory_space<vmem>>
      %dma_start3A_90 = tpu.memref_slice %arg3[%add3A] : memref<655360xi32, #tpu.memory_space<hbm>> -> memref<20480xi32, #tpu.memory_space<hbm>>
      tpu.enqueue_dma source(%dma_start3A_90 : memref<20480xi32, #tpu.memory_space<hbm>>) target(%dma_start3A_89 : memref<20480xi32, #tpu.memory_space<vmem>>) target_semaphore(%run_scoped3A : memref<!tpu.dma_semaphore, #tpu.memory_space<semaphore_mem>>)
      %dma_wait3A_91 = arith.constant 0 : i32
      %dma_wait3A_92 = tpu.memref_slice %arg6[%dma_wait3A_91] : memref<20608xi32, #tpu.memory_space<vmem>> -> memref<20480xi32, #tpu.memory_space<vmem>>
      %dma_wait3A_93 = tpu.memref_slice %arg3[%add3A] : memref<655360xi32, #tpu.memory_space<hbm>> -> memref<20480xi32, #tpu.memory_space<hbm>>
      %dma_wait3A_94 = arith.constant 0 : i32
      %dma_wait3A_95 = tpu.memref_slice %arg6[%dma_wait3A_94] : memref<20608xi32, #tpu.memory_space<vmem>> -> memref<20480xi32, #tpu.memory_space<vmem>>
      %dma_wait3A_96 = tpu.memref_slice %arg3[%add3A] : memref<655360xi32, #tpu.memory_space<hbm>> -> memref<20480xi32, #tpu.memory_space<hbm>>
      tpu.wait_dma2 semaphore(%run_scoped3A : memref<!tpu.dma_semaphore, #tpu.memory_space<semaphore_mem>>) src(%dma_wait3A_96 : memref<20480xi32, #tpu.memory_space<hbm>>) dst(%dma_wait3A_95 : memref<20480xi32, #tpu.memory_space<vmem>>)
      tpu.yield
    }) : () -> ()
    "tpu.region"() ({
      %run_scoped3A = tpu.sem_alloc : memref<!tpu.dma_semaphore, #tpu.memory_space<semaphore_mem>>
      %dma_start3A_85 = tpu.memref_slice %arg4[%mul3A_2] : memref<327680xi32, #tpu.memory_space<hbm>> -> memref<20480xi32, #tpu.memory_space<hbm>>
      %dma_start3A_86 = tpu.memref_slice %arg4[%mul3A_2] : memref<327680xi32, #tpu.memory_space<hbm>> -> memref<20480xi32, #tpu.memory_space<hbm>>
      tpu.enqueue_dma source(%dma_start3A_86 : memref<20480xi32, #tpu.memory_space<hbm>>) target(%arg7 : memref<20480xi32, #tpu.memory_space<vmem>>) target_semaphore(%run_scoped3A : memref<!tpu.dma_semaphore, #tpu.memory_space<semaphore_mem>>)
      %dma_wait3A_87 = tpu.memref_slice %arg4[%mul3A_2] : memref<327680xi32, #tpu.memory_space<hbm>> -> memref<20480xi32, #tpu.memory_space<hbm>>
      %dma_wait3A_88 = tpu.memref_slice %arg4[%mul3A_2] : memref<327680xi32, #tpu.memory_space<hbm>> -> memref<20480xi32, #tpu.memory_space<hbm>>
      tpu.wait_dma2 semaphore(%run_scoped3A : memref<!tpu.dma_semaphore, #tpu.memory_space<semaphore_mem>>) src(%dma_wait3A_88 : memref<20480xi32, #tpu.memory_space<hbm>>) dst(%arg7 : memref<20480xi32, #tpu.memory_space<vmem>>)
      tpu.yield
    }) : () -> ()
    %scan3A = arith.constant 0 : i32
    %scan3A_5 = arith.constant 8 : i32
    %scan3A_6 = arith.addi %scan3A, %scan3A_5 : i32
    %scan3A_7 = arith.constant 1 : i32
    scf.for %scan3A_85 = %scan3A to %scan3A_6 step %scan3A_7  : i32 {
      %mul3A_86 = arith.constant 1 : i32
      %mul3A_87 = arith.muli %scan3A_85, %mul3A_86 : i32
      %add3A_88 = arith.constant 0 : i32
      %add3A_89 = arith.addi %add3A_88, %mul3A_87 : i32
      %broadcast_in_dim3A = arith.constant 0 : i32
      %broadcast_in_dim3A_90 = vector.broadcast %broadcast_in_dim3A : i32 to vector<16xi32>
      %mul3A_91 = arith.constant 16 : i32
      %mul3A_92 = arith.muli %add3A_89, %mul3A_91 : i32
      %add3A_93 = arith.constant 20480 : i32
      %add3A_94 = arith.addi %add3A_93, %mul3A_92 : i32
      %swap3A = arith.index_cast %add3A_94 : i32 to index
      %swap3A_95 = tpu.vector_load %arg6[%swap3A] {strides = array<i32>} : memref<20608xi32, #tpu.memory_space<vmem>>, vector<16xi32>,
      %swap3A_96 = vector.shape_cast %swap3A_95 : vector<16xi32> to vector<16xi32>
      %swap3A_97 = vector.shape_cast %broadcast_in_dim3A_90 : vector<16xi32> to vector<16xi32>
      tpu.vector_store %arg6[%swap3A], %swap3A_97 {strides = array<i32>} : memref<20608xi32, #tpu.memory_space<vmem>>, vector<16xi32>,
    }
    %scan3A_8 = arith.constant 8 : i32
    %mul3A_9 = arith.constant 312 : i32
    %mul3A_10 = arith.muli %arg1, %mul3A_9 : i32
    %mul3A_11 = arith.constant 10000 : i32
    %mul3A_12 = arith.muli %arg0, %mul3A_11 : i32
    %add3A_13 = arith.constant 0 : i32
    %add3A_14 = arith.addi %mul3A_12, %add3A_13 : i32
    %add3A_15 = arith.addi %add3A_14, %mul3A_10 : i32
    "tpu.region"() ({
      %run_scoped3A = tpu.sem_alloc : memref<!tpu.dma_semaphore, #tpu.memory_space<semaphore_mem>>
      %dma_start3A_85 = arith.constant 0 : i32
      %dma_start3A_86 = tpu.memref_slice %arg12[%mul3A_10, %dma_start3A_85] : memref<5064x128xf32, #tpu.memory_space<vmem_shared>> -> memref<312x128xf32, #tpu.memory_space<vmem_shared>>
      %dma_start3A_87 = arith.constant 0 : i32
      %dma_start3A_88 = tpu.memref_slice %arg2[%add3A_15, %dma_start3A_87] : memref<20000x128xf32, #tpu.memory_space<hbm>> -> memref<312x128xf32, #tpu.memory_space<hbm>>
      tpu.enqueue_dma source(%dma_start3A_88 : memref<312x128xf32, #tpu.memory_space<hbm>>) target(%dma_start3A_86 : memref<312x128xf32, #tpu.memory_space<vmem_shared>>) target_semaphore(%run_scoped3A : memref<!tpu.dma_semaphore, #tpu.memory_space<semaphore_mem>>)
      %dma_wait3A_89 = arith.constant 0 : i32
      %dma_wait3A_90 = tpu.memref_slice %arg12[%mul3A_10, %dma_wait3A_89] : memref<5064x128xf32, #tpu.memory_space<vmem_shared>> -> memref<312x128xf32, #tpu.memory_space<vmem_shared>>
      %dma_wait3A_91 = arith.constant 0 : i32
      %dma_wait3A_92 = tpu.memref_slice %arg2[%add3A_15, %dma_wait3A_91] : memref<20000x128xf32, #tpu.memory_space<hbm>> -> memref<312x128xf32, #tpu.memory_space<hbm>>
      tpu.wait_dma2 semaphore(%run_scoped3A : memref<!tpu.dma_semaphore, #tpu.memory_space<semaphore_mem>>) src(%dma_wait3A_92 : memref<312x128xf32, #tpu.memory_space<hbm>>) dst(%dma_wait3A_90 : memref<312x128xf32, #tpu.memory_space<vmem_shared>>)
      tpu.yield
    }) : () -> ()
    %eq3A = arith.constant 15 : i32
    %eq3A_16 = arith.cmpi eq, %arg1, %eq3A : i32
    %convert_element_type3A = arith.extui %eq3A_16 : i1 to i32
    %cond3A = arith.constant 0 : i32
    %cond3A_17 = arith.cmpi ne, %convert_element_type3A, %cond3A : i32
    scf.if %cond3A_17 {
      %mul3A_85 = arith.constant 10000 : i32
      %mul3A_86 = arith.muli %arg0, %mul3A_85 : i32
      %add3A_87 = arith.constant 0 : i32
      %add3A_88 = arith.addi %mul3A_86, %add3A_87 : i32
      %add3A_89 = arith.constant 4992 : i32
      %add3A_90 = arith.addi %add3A_88, %add3A_89 : i32
      "tpu.region"() ({
        %run_scoped3A = tpu.sem_alloc : memref<!tpu.dma_semaphore, #tpu.memory_space<semaphore_mem>>
        %dma_start3A_91 = arith.constant 4992 : i32
        %dma_start3A_92 = arith.constant 0 : i32
        %dma_start3A_93 = tpu.memref_slice %arg12[%dma_start3A_91, %dma_start3A_92] : memref<5064x128xf32, #tpu.memory_space<vmem_shared>> -> memref<8x128xf32, #tpu.memory_space<vmem_shared>>
        %dma_start3A_94 = arith.constant 0 : i32
        %dma_start3A_95 = tpu.memref_slice %arg2[%add3A_90, %dma_start3A_94] : memref<20000x128xf32, #tpu.memory_space<hbm>> -> memref<8x128xf32, #tpu.memory_space<hbm>>
        tpu.enqueue_dma source(%dma_start3A_95 : memref<8x128xf32, #tpu.memory_space<hbm>>) target(%dma_start3A_93 : memref<8x128xf32, #tpu.memory_space<vmem_shared>>) target_semaphore(%run_scoped3A : memref<!tpu.dma_semaphore, #tpu.memory_space<semaphore_mem>>)
        %dma_wait3A_96 = arith.constant 4992 : i32
        %dma_wait3A_97 = arith.constant 0 : i32
        %dma_wait3A_98 = tpu.memref_slice %arg12[%dma_wait3A_96, %dma_wait3A_97] : memref<5064x128xf32, #tpu.memory_space<vmem_shared>> -> memref<8x128xf32, #tpu.memory_space<vmem_shared>>
        %dma_wait3A_99 = arith.constant 0 : i32
        %dma_wait3A_100 = tpu.memref_slice %arg2[%add3A_90, %dma_wait3A_99] : memref<20000x128xf32, #tpu.memory_space<hbm>> -> memref<8x128xf32, #tpu.memory_space<hbm>>
        tpu.wait_dma2 semaphore(%run_scoped3A : memref<!tpu.dma_semaphore, #tpu.memory_space<semaphore_mem>>) src(%dma_wait3A_100 : memref<8x128xf32, #tpu.memory_space<hbm>>) dst(%dma_wait3A_98 : memref<8x128xf32, #tpu.memory_space<vmem_shared>>)
        tpu.yield
      }) : () -> ()
    } else {
    }
    %barrier3A = arith.constant 0 : index
    tpu.barrier barrier_id(%barrier3A)
    %dma_start3A = arith.constant 0 : i32
    %dma_start3A_18 = tpu.memref_slice %arg6[%dma_start3A] : memref<20608xi32, #tpu.memory_space<vmem>> -> memref<128xi32, #tpu.memory_space<vmem>>
    %dma_start3A_19 = arith.constant 0 : i32
    %dma_start3A_20 = arith.constant 0 : i32
    %dma_start3A_21 = tpu.memref_slice %arg2[%dma_start3A_19, %dma_start3A_20] : memref<20000x128xf32, #tpu.memory_space<hbm>> -> memref<20000x128xf32, #tpu.memory_space<hbm>>
    tpu.enqueue_indirect_dma source(%dma_start3A_21 : memref<20000x128xf32, #tpu.memory_space<hbm>>) target(%arg10 : memref<128x128xf32, #tpu.memory_space<vmem>>) offsets(%dma_start3A_18 : memref<128xi32, #tpu.memory_space<vmem>>) semaphore(%arg13 : memref<!tpu.dma_semaphore, #tpu.memory_space<semaphore_mem>>)
    %scan3A_22 = arith.constant 0 : i32
    %scan3A_23 = arith.constant 80 : i32
    %scan3A_24 = arith.addi %scan3A_22, %scan3A_23 : i32
    %scan3A_25 = arith.constant 1 : i32
    scf.for %scan3A_85 = %scan3A_22 to %scan3A_24 step %scan3A_25  : i32 {
      %mul3A_86 = arith.constant 1 : i32
      %mul3A_87 = arith.muli %scan3A_85, %mul3A_86 : i32
      %add3A_88 = arith.constant 0 : i32
      %add3A_89 = arith.addi %add3A_88, %mul3A_87 : i32
      %mul3A_90 = arith.constant 2 : i32
      %mul3A_91 = arith.muli %add3A_89, %mul3A_90 : i32
      %add3A_92 = arith.constant 1 : i32
      %add3A_93 = arith.addi %mul3A_91, %add3A_92 : i32
      %mul3A_94 = arith.constant 128 : i32
      %mul3A_95 = arith.muli %add3A_93, %mul3A_94 : i32
      %dma_start3A_96 = tpu.memref_slice %arg6[%mul3A_95] : memref<20608xi32, #tpu.memory_space<vmem>> -> memref<128xi32, #tpu.memory_space<vmem>>
      %dma_start3A_97 = arith.constant 0 : i32
      %dma_start3A_98 = arith.constant 0 : i32
      %dma_start3A_99 = tpu.memref_slice %arg2[%dma_start3A_97, %dma_start3A_98] : memref<20000x128xf32, #tpu.memory_space<hbm>> -> memref<20000x128xf32, #tpu.memory_space<hbm>>
      tpu.enqueue_indirect_dma source(%dma_start3A_99 : memref<20000x128xf32, #tpu.memory_space<hbm>>) target(%arg11 : memref<128x128xf32, #tpu.memory_space<vmem>>) offsets(%dma_start3A_96 : memref<128xi32, #tpu.memory_space<vmem>>) semaphore(%arg14 : memref<!tpu.dma_semaphore, #tpu.memory_space<semaphore_mem>>)
      %mul3A_100 = arith.constant 128 : i32
      %mul3A_101 = arith.muli %mul3A_91, %mul3A_100 : i32
      %scan3A_102 = arith.constant 0 : i32
      %scan3A_103 = arith.constant 8 : i32
      %scan3A_104 = arith.addi %scan3A_102, %scan3A_103 : i32
      %scan3A_105 = arith.constant 1 : i32
      scf.for %scan3A_136 = %scan3A_102 to %scan3A_104 step %scan3A_105  : i32 {
        %mul3A_137 = arith.constant 1 : i32
        %mul3A_138 = arith.muli %scan3A_136, %mul3A_137 : i32
        %add3A_139 = arith.constant 0 : i32
        %add3A_140 = arith.addi %add3A_139, %mul3A_138 : i32
        %mul3A_141 = arith.constant 16 : i32
        %mul3A_142 = arith.muli %add3A_140, %mul3A_141 : i32
        %get3A = tpu.memref_slice %arg7[%mul3A_101] : memref<20480xi32, #tpu.memory_space<vmem>> -> memref<128xi32, #tpu.memory_space<vmem>>
        %get3A_143 = arith.index_cast %mul3A_142 : i32 to index
        %get3A_144 = tpu.vector_load %get3A[%get3A_143] {strides = array<i32>} : memref<128xi32, #tpu.memory_space<vmem>>, vector<16xi32>,
        %get3A_145 = vector.shape_cast %get3A_144 : vector<16xi32> to vector<16xi32>
        %and3A = arith.constant 63 : i32
        %and3A_146 = vector.broadcast %and3A : i32 to vector<16xi32>
        %and3A_147 = arith.andi %get3A_145, %and3A_146 : vector<16xi32>
        %add3A_148 = arith.constant 5000 : i32
        %add3A_149 = vector.broadcast %add3A_148 : i32 to vector<16xi32>
        %add3A_150 = arith.addi %add3A_149, %and3A_147 : vector<16xi32>
        %lt3A = arith.constant 5000 : i32
        %lt3A_151 = vector.broadcast %lt3A : i32 to vector<16xi32>
        %lt3A_152 = arith.cmpi slt, %get3A_145, %lt3A_151 : vector<16xi32>
        %select_n3A = arith.select %lt3A_152, %get3A_145, %add3A_150 : vector<16xi1>, vector<16xi32>
        %swap3A = arith.index_cast %mul3A_142 : i32 to index
        %swap3A_153 = tpu.vector_load %arg8[%swap3A] {strides = array<i32>} : memref<128xi32, #tpu.memory_space<vmem>>, vector<16xi32>,
        %swap3A_154 = vector.shape_cast %swap3A_153 : vector<16xi32> to vector<16xi32>
        %swap3A_155 = vector.shape_cast %select_n3A : vector<16xi32> to vector<16xi32>
        tpu.vector_store %arg8[%swap3A], %swap3A_155 {strides = array<i32>} : memref<128xi32, #tpu.memory_space<vmem>>, vector<16xi32>,
      }
      %scan3A_106 = arith.constant 8 : i32
      %dma_wait3A_107 = arith.constant 0 : i32
      %dma_wait3A_108 = arith.constant 0 : i32
      %dma_wait3A_109 = tpu.memref_slice %arg2[%dma_wait3A_107, %dma_wait3A_108] : memref<20000x128xf32, #tpu.memory_space<hbm>> -> memref<128x128xf32, #tpu.memory_space<hbm>>
      %dma_wait3A_110 = arith.constant 0 : i32
      %dma_wait3A_111 = arith.constant 0 : i32
      %dma_wait3A_112 = tpu.memref_slice %arg2[%dma_wait3A_110, %dma_wait3A_111] : memref<20000x128xf32, #tpu.memory_space<hbm>> -> memref<128x128xf32, #tpu.memory_space<hbm>>
      tpu.wait_dma2 semaphore(%arg13 : memref<!tpu.dma_semaphore, #tpu.memory_space<semaphore_mem>>) src(%dma_wait3A_112 : memref<128x128xf32, #tpu.memory_space<hbm>>) dst(%arg10 : memref<128x128xf32, #tpu.memory_space<vmem>>)
      "tpu.region"() ({
        %run_scoped3A = tpu.sem_alloc : memref<!tpu.dma_semaphore, #tpu.memory_space<semaphore_mem>>
        %dma_start3A_136 = arith.constant 0 : i32
        %dma_start3A_137 = arith.constant 0 : i32
        %dma_start3A_138 = tpu.memref_slice %arg12[%dma_start3A_136, %dma_start3A_137] : memref<5064x128xf32, #tpu.memory_space<vmem_shared>> -> memref<5064x128xf32, #tpu.memory_space<vmem_shared>>
        tpu.enqueue_indirect_dma source(%arg10 : memref<128x128xf32, #tpu.memory_space<vmem>>) target(%dma_start3A_138 : memref<5064x128xf32, #tpu.memory_space<vmem_shared>>) offsets(%arg8 : memref<128xi32, #tpu.memory_space<vmem>>) semaphore(%run_scoped3A : memref<!tpu.dma_semaphore, #tpu.memory_space<semaphore_mem>>) {add = true}
        %dma_wait3A_139 = arith.constant 0 : i32
        %dma_wait3A_140 = arith.constant 0 : i32
        %dma_wait3A_141 = tpu.memref_slice %arg12[%dma_wait3A_139, %dma_wait3A_140] : memref<5064x128xf32, #tpu.memory_space<vmem_shared>> -> memref<5064x128xf32, #tpu.memory_space<vmem_shared>>
        tpu.wait_indirect_dma semaphore(%run_scoped3A : memref<!tpu.dma_semaphore, #tpu.memory_space<semaphore_mem>>) src(%arg10 : memref<128x128xf32, #tpu.memory_space<vmem>>) dst(%dma_wait3A_141 : memref<5064x128xf32, #tpu.memory_space<vmem_shared>>)
        tpu.yield
      }) : () -> ()
      %add3A_113 = arith.constant 2 : i32
      %add3A_114 = arith.addi %mul3A_91, %add3A_113 : i32
      %mul3A_115 = arith.constant 128 : i32
      %mul3A_116 = arith.muli %add3A_114, %mul3A_115 : i32
      %dma_start3A_117 = tpu.memref_slice %arg6[%mul3A_116] : memref<20608xi32, #tpu.memory_space<vmem>> -> memref<128xi32, #tpu.memory_space<vmem>>
      %dma_start3A_118 = arith.constant 0 : i32
      %dma_start3A_119 = arith.constant 0 : i32
      %dma_start3A_120 = tpu.memref_slice %arg2[%dma_start3A_118, %dma_start3A_119] : memref<20000x128xf32, #tpu.memory_space<hbm>> -> memref<20000x128xf32, #tpu.memory_space<hbm>>
      tpu.enqueue_indirect_dma source(%dma_start3A_120 : memref<20000x128xf32, #tpu.memory_space<hbm>>) target(%arg10 : memref<128x128xf32, #tpu.memory_space<vmem>>) offsets(%dma_start3A_117 : memref<128xi32, #tpu.memory_space<vmem>>) semaphore(%arg13 : memref<!tpu.dma_semaphore, #tpu.memory_space<semaphore_mem>>)
      %mul3A_121 = arith.constant 128 : i32
      %mul3A_122 = arith.muli %mul3A_91, %mul3A_121 : i32
      %add3A_123 = arith.constant 128 : i32
      %add3A_124 = arith.addi %mul3A_122, %add3A_123 : i32
      %scan3A_125 = arith.constant 0 : i32
      %scan3A_126 = arith.constant 8 : i32
      %scan3A_127 = arith.addi %scan3A_125, %scan3A_126 : i32
      %scan3A_128 = arith.constant 1 : i32
      scf.for %scan3A_136 = %scan3A_125 to %scan3A_127 step %scan3A_128  : i32 {
        %mul3A_137 = arith.constant 1 : i32
        %mul3A_138 = arith.muli %scan3A_136, %mul3A_137 : i32
        %add3A_139 = arith.constant 0 : i32
        %add3A_140 = arith.addi %add3A_139, %mul3A_138 : i32
        %mul3A_141 = arith.constant 16 : i32
        %mul3A_142 = arith.muli %add3A_140, %mul3A_141 : i32
        %get3A = tpu.memref_slice %arg7[%add3A_124] : memref<20480xi32, #tpu.memory_space<vmem>> -> memref<128xi32, #tpu.memory_space<vmem>>
        %get3A_143 = arith.index_cast %mul3A_142 : i32 to index
        %get3A_144 = tpu.vector_load %get3A[%get3A_143] {strides = array<i32>} : memref<128xi32, #tpu.memory_space<vmem>>, vector<16xi32>,
        %get3A_145 = vector.shape_cast %get3A_144 : vector<16xi32> to vector<16xi32>
        %and3A = arith.constant 63 : i32
        %and3A_146 = vector.broadcast %and3A : i32 to vector<16xi32>
        %and3A_147 = arith.andi %get3A_145, %and3A_146 : vector<16xi32>
        %add3A_148 = arith.constant 5000 : i32
        %add3A_149 = vector.broadcast %add3A_148 : i32 to vector<16xi32>
        %add3A_150 = arith.addi %add3A_149, %and3A_147 : vector<16xi32>
        %lt3A = arith.constant 5000 : i32
        %lt3A_151 = vector.broadcast %lt3A : i32 to vector<16xi32>
        %lt3A_152 = arith.cmpi slt, %get3A_145, %lt3A_151 : vector<16xi32>
        %select_n3A = arith.select %lt3A_152, %get3A_145, %add3A_150 : vector<16xi1>, vector<16xi32>
        %swap3A = arith.index_cast %mul3A_142 : i32 to index
        %swap3A_153 = tpu.vector_load %arg9[%swap3A] {strides = array<i32>} : memref<128xi32, #tpu.memory_space<vmem>>, vector<16xi32>,
        %swap3A_154 = vector.shape_cast %swap3A_153 : vector<16xi32> to vector<16xi32>
        %swap3A_155 = vector.shape_cast %select_n3A : vector<16xi32> to vector<16xi32>
        tpu.vector_store %arg9[%swap3A], %swap3A_155 {strides = array<i32>} : memref<128xi32, #tpu.memory_space<vmem>>, vector<16xi32>,
      }
      %scan3A_129 = arith.constant 8 : i32
      %dma_wait3A_130 = arith.constant 0 : i32
      %dma_wait3A_131 = arith.constant 0 : i32
      %dma_wait3A_132 = tpu.memref_slice %arg2[%dma_wait3A_130, %dma_wait3A_131] : memref<20000x128xf32, #tpu.memory_space<hbm>> -> memref<128x128xf32, #tpu.memory_space<hbm>>
      %dma_wait3A_133 = arith.constant 0 : i32
      %dma_wait3A_134 = arith.constant 0 : i32
      %dma_wait3A_135 = tpu.memref_slice %arg2[%dma_wait3A_133, %dma_wait3A_134] : memref<20000x128xf32, #tpu.memory_space<hbm>> -> memref<128x128xf32, #tpu.memory_space<hbm>>
      tpu.wait_dma2 semaphore(%arg14 : memref<!tpu.dma_semaphore, #tpu.memory_space<semaphore_mem>>) src(%dma_wait3A_135 : memref<128x128xf32, #tpu.memory_space<hbm>>) dst(%arg11 : memref<128x128xf32, #tpu.memory_space<vmem>>)
      "tpu.region"() ({
        %run_scoped3A = tpu.sem_alloc : memref<!tpu.dma_semaphore, #tpu.memory_space<semaphore_mem>>
        %dma_start3A_136 = arith.constant 0 : i32
        %dma_start3A_137 = arith.constant 0 : i32
        %dma_start3A_138 = tpu.memref_slice %arg12[%dma_start3A_136, %dma_start3A_137] : memref<5064x128xf32, #tpu.memory_space<vmem_shared>> -> memref<5064x128xf32, #tpu.memory_space<vmem_shared>>
        tpu.enqueue_indirect_dma source(%arg11 : memref<128x128xf32, #tpu.memory_space<vmem>>) target(%dma_start3A_138 : memref<5064x128xf32, #tpu.memory_space<vmem_shared>>) offsets(%arg9 : memref<128xi32, #tpu.memory_space<vmem>>) semaphore(%run_scoped3A : memref<!tpu.dma_semaphore, #tpu.memory_space<semaphore_mem>>) {add = true}
        %dma_wait3A_139 = arith.constant 0 : i32
        %dma_wait3A_140 = arith.constant 0 : i32
        %dma_wait3A_141 = tpu.memref_slice %arg12[%dma_wait3A_139, %dma_wait3A_140] : memref<5064x128xf32, #tpu.memory_space<vmem_shared>> -> memref<5064x128xf32, #tpu.memory_space<vmem_shared>>
        tpu.wait_indirect_dma semaphore(%run_scoped3A : memref<!tpu.dma_semaphore, #tpu.memory_space<semaphore_mem>>) src(%arg11 : memref<128x128xf32, #tpu.memory_space<vmem>>) dst(%dma_wait3A_141 : memref<5064x128xf32, #tpu.memory_space<vmem_shared>>)
        tpu.yield
      }) : () -> ()
    }
    %scan3A_26 = arith.constant 80 : i32
    %dma_wait3A = arith.constant 0 : i32
    %dma_wait3A_27 = arith.constant 0 : i32
    %dma_wait3A_28 = tpu.memref_slice %arg2[%dma_wait3A, %dma_wait3A_27] : memref<20000x128xf32, #tpu.memory_space<hbm>> -> memref<128x128xf32, #tpu.memory_space<hbm>>
    %dma_wait3A_29 = arith.constant 0 : i32
    %dma_wait3A_30 = arith.constant 0 : i32
    %dma_wait3A_31 = tpu.memref_slice %arg2[%dma_wait3A_29, %dma_wait3A_30] : memref<20000x128xf32, #tpu.memory_space<hbm>> -> memref<128x128xf32, #tpu.memory_space<hbm>>
    tpu.wait_dma2 semaphore(%arg13 : memref<!tpu.dma_semaphore, #tpu.memory_space<semaphore_mem>>) src(%dma_wait3A_31 : memref<128x128xf32, #tpu.memory_space<hbm>>) dst(%arg10 : memref<128x128xf32, #tpu.memory_space<vmem>>)
    %barrier3A_32 = arith.constant 0 : index
    tpu.barrier barrier_id(%barrier3A_32)
    %mul3A_33 = arith.constant 10000 : i32
    %mul3A_34 = arith.muli %arg0, %mul3A_33 : i32
    %add3A_35 = arith.constant 0 : i32
    %add3A_36 = arith.addi %mul3A_34, %add3A_35 : i32
    %add3A_37 = arith.addi %add3A_36, %mul3A_10 : i32
    "tpu.region"() ({
      %run_scoped3A = tpu.sem_alloc : memref<!tpu.dma_semaphore, #tpu.memory_space<semaphore_mem>>
      %dma_start3A_85 = arith.constant 0 : i32
      %dma_start3A_86 = tpu.memref_slice %arg5[%add3A_37, %dma_start3A_85] : memref<20000x128xf32, #tpu.memory_space<hbm>> -> memref<312x128xf32, #tpu.memory_space<hbm>>
      %dma_start3A_87 = arith.constant 0 : i32
      %dma_start3A_88 = tpu.memref_slice %arg12[%mul3A_10, %dma_start3A_87] : memref<5064x128xf32, #tpu.memory_space<vmem_shared>> -> memref<312x128xf32, #tpu.memory_space<vmem_shared>>
      tpu.enqueue_dma source(%dma_start3A_88 : memref<312x128xf32, #tpu.memory_space<vmem_shared>>) target(%dma_start3A_86 : memref<312x128xf32, #tpu.memory_space<hbm>>) target_semaphore(%run_scoped3A : memref<!tpu.dma_semaphore, #tpu.memory_space<semaphore_mem>>)
      %dma_wait3A_89 = arith.constant 0 : i32
      %dma_wait3A_90 = tpu.memref_slice %arg5[%add3A_37, %dma_wait3A_89] : memref<20000x128xf32, #tpu.memory_space<hbm>> -> memref<312x128xf32, #tpu.memory_space<hbm>>
      %dma_wait3A_91 = arith.constant 0 : i32
      %dma_wait3A_92 = tpu.memref_slice %arg12[%mul3A_10, %dma_wait3A_91] : memref<5064x128xf32, #tpu.memory_space<vmem_shared>> -> memref<312x128xf32, #tpu.memory_space<vmem_shared>>
      tpu.wait_dma2 semaphore(%run_scoped3A : memref<!tpu.dma_semaphore, #tpu.memory_space<semaphore_mem>>) src(%dma_wait3A_92 : memref<312x128xf32, #tpu.memory_space<vmem_shared>>) dst(%dma_wait3A_90 : memref<312x128xf32, #tpu.memory_space<hbm>>)
      tpu.yield
    }) : () -> ()
    %eq3A_38 = arith.constant 15 : i32
    %eq3A_39 = arith.cmpi eq, %arg1, %eq3A_38 : i32
    %convert_element_type3A_40 = arith.extui %eq3A_39 : i1 to i32
    %cond3A_41 = arith.constant 0 : i32
    %cond3A_42 = arith.cmpi ne, %convert_element_type3A_40, %cond3A_41 : i32
    scf.if %cond3A_42 {
      %mul3A_85 = arith.constant 10000 : i32
      %mul3A_86 = arith.muli %arg0, %mul3A_85 : i32
      %add3A_87 = arith.constant 0 : i32
      %add3A_88 = arith.addi %mul3A_86, %add3A_87 : i32
      %add3A_89 = arith.constant 4992 : i32
      %add3A_90 = arith.addi %add3A_88, %add3A_89 : i32
      "tpu.region"() ({
        %run_scoped3A = tpu.sem_alloc : memref<!tpu.dma_semaphore, #tpu.memory_space<semaphore_mem>>
        %dma_start3A_91 = arith.constant 0 : i32
        %dma_start3A_92 = tpu.memref_slice %arg5[%add3A_90, %dma_start3A_91] : memref<20000x128xf32, #tpu.memory_space<hbm>> -> memref<8x128xf32, #tpu.memory_space<hbm>>
        %dma_start3A_93 = arith.constant 4992 : i32
        %dma_start3A_94 = arith.constant 0 : i32
        %dma_start3A_95 = tpu.memref_slice %arg12[%dma_start3A_93, %dma_start3A_94] : memref<5064x128xf32, #tpu.memory_space<vmem_shared>> -> memref<8x128xf32, #tpu.memory_space<vmem_shared>>
        tpu.enqueue_dma source(%dma_start3A_95 : memref<8x128xf32, #tpu.memory_space<vmem_shared>>) target(%dma_start3A_92 : memref<8x128xf32, #tpu.memory_space<hbm>>) target_semaphore(%run_scoped3A : memref<!tpu.dma_semaphore, #tpu.memory_space<semaphore_mem>>)
        %dma_wait3A_96 = arith.constant 0 : i32
        %dma_wait3A_97 = tpu.memref_slice %arg5[%add3A_90, %dma_wait3A_96] : memref<20000x128xf32, #tpu.memory_space<hbm>> -> memref<8x128xf32, #tpu.memory_space<hbm>>
        %dma_wait3A_98 = arith.constant 4992 : i32
        %dma_wait3A_99 = arith.constant 0 : i32
        %dma_wait3A_100 = tpu.memref_slice %arg12[%dma_wait3A_98, %dma_wait3A_99] : memref<5064x128xf32, #tpu.memory_space<vmem_shared>> -> memref<8x128xf32, #tpu.memory_space<vmem_shared>>
        tpu.wait_dma2 semaphore(%run_scoped3A : memref<!tpu.dma_semaphore, #tpu.memory_space<semaphore_mem>>) src(%dma_wait3A_100 : memref<8x128xf32, #tpu.memory_space<vmem_shared>>) dst(%dma_wait3A_97 : memref<8x128xf32, #tpu.memory_space<hbm>>)
        tpu.yield
      }) : () -> ()
    } else {
    }
    %barrier3A_43 = arith.constant 0 : index
    tpu.barrier barrier_id(%barrier3A_43)
    %mul3A_44 = arith.constant 312 : i32
    %mul3A_45 = arith.muli %arg1, %mul3A_44 : i32
    %mul3A_46 = arith.constant 10000 : i32
    %mul3A_47 = arith.muli %arg0, %mul3A_46 : i32
    %add3A_48 = arith.constant 5000 : i32
    %add3A_49 = arith.addi %mul3A_47, %add3A_48 : i32
    %add3A_50 = arith.addi %add3A_49, %mul3A_45 : i32
    "tpu.region"() ({
      %run_scoped3A = tpu.sem_alloc : memref<!tpu.dma_semaphore, #tpu.memory_space<semaphore_mem>>
      %dma_start3A_85 = arith.constant 0 : i32
      %dma_start3A_86 = tpu.memref_slice %arg12[%mul3A_45, %dma_start3A_85] : memref<5064x128xf32, #tpu.memory_space<vmem_shared>> -> memref<312x128xf32, #tpu.memory_space<vmem_shared>>
      %dma_start3A_87 = arith.constant 0 : i32
      %dma_start3A_88 = tpu.memref_slice %arg2[%add3A_50, %dma_start3A_87] : memref<20000x128xf32, #tpu.memory_space<hbm>> -> memref<312x128xf32, #tpu.memory_space<hbm>>
      tpu.enqueue_dma source(%dma_start3A_88 : memref<312x128xf32, #tpu.memory_space<hbm>>) target(%dma_start3A_86 : memref<312x128xf32, #tpu.memory_space<vmem_shared>>) target_semaphore(%run_scoped3A : memref<!tpu.dma_semaphore, #tpu.memory_space<semaphore_mem>>)
      %dma_wait3A_89 = arith.constant 0 : i32
      %dma_wait3A_90 = tpu.memref_slice %arg12[%mul3A_45, %dma_wait3A_89] : memref<5064x128xf32, #tpu.memory_space<vmem_shared>> -> memref<312x128xf32, #tpu.memory_space<vmem_shared>>
      %dma_wait3A_91 = arith.constant 0 : i32
      %dma_wait3A_92 = tpu.memref_slice %arg2[%add3A_50, %dma_wait3A_91] : memref<20000x128xf32, #tpu.memory_space<hbm>> -> memref<312x128xf32, #tpu.memory_space<hbm>>
      tpu.wait_dma2 semaphore(%run_scoped3A : memref<!tpu.dma_semaphore, #tpu.memory_space<semaphore_mem>>) src(%dma_wait3A_92 : memref<312x128xf32, #tpu.memory_space<hbm>>) dst(%dma_wait3A_90 : memref<312x128xf32, #tpu.memory_space<vmem_shared>>)
      tpu.yield
    }) : () -> ()
    %eq3A_51 = arith.constant 15 : i32
    %eq3A_52 = arith.cmpi eq, %arg1, %eq3A_51 : i32
    %convert_element_type3A_53 = arith.extui %eq3A_52 : i1 to i32
    %cond3A_54 = arith.constant 0 : i32
    %cond3A_55 = arith.cmpi ne, %convert_element_type3A_53, %cond3A_54 : i32
    scf.if %cond3A_55 {
      %mul3A_85 = arith.constant 10000 : i32
      %mul3A_86 = arith.muli %arg0, %mul3A_85 : i32
      %add3A_87 = arith.constant 5000 : i32
      %add3A_88 = arith.addi %mul3A_86, %add3A_87 : i32
      %add3A_89 = arith.constant 4992 : i32
      %add3A_90 = arith.addi %add3A_88, %add3A_89 : i32
      "tpu.region"() ({
        %run_scoped3A = tpu.sem_alloc : memref<!tpu.dma_semaphore, #tpu.memory_space<semaphore_mem>>
        %dma_start3A_91 = arith.constant 4992 : i32
        %dma_start3A_92 = arith.constant 0 : i32
        %dma_start3A_93 = tpu.memref_slice %arg12[%dma_start3A_91, %dma_start3A_92] : memref<5064x128xf32, #tpu.memory_space<vmem_shared>> -> memref<8x128xf32, #tpu.memory_space<vmem_shared>>
        %dma_start3A_94 = arith.constant 0 : i32
        %dma_start3A_95 = tpu.memref_slice %arg2[%add3A_90, %dma_start3A_94] : memref<20000x128xf32, #tpu.memory_space<hbm>> -> memref<8x128xf32, #tpu.memory_space<hbm>>
        tpu.enqueue_dma source(%dma_start3A_95 : memref<8x128xf32, #tpu.memory_space<hbm>>) target(%dma_start3A_93 : memref<8x128xf32, #tpu.memory_space<vmem_shared>>) target_semaphore(%run_scoped3A : memref<!tpu.dma_semaphore, #tpu.memory_space<semaphore_mem>>)
        %dma_wait3A_96 = arith.constant 4992 : i32
        %dma_wait3A_97 = arith.constant 0 : i32
        %dma_wait3A_98 = tpu.memref_slice %arg12[%dma_wait3A_96, %dma_wait3A_97] : memref<5064x128xf32, #tpu.memory_space<vmem_shared>> -> memref<8x128xf32, #tpu.memory_space<vmem_shared>>
        %dma_wait3A_99 = arith.constant 0 : i32
        %dma_wait3A_100 = tpu.memref_slice %arg2[%add3A_90, %dma_wait3A_99] : memref<20000x128xf32, #tpu.memory_space<hbm>> -> memref<8x128xf32, #tpu.memory_space<hbm>>
        tpu.wait_dma2 semaphore(%run_scoped3A : memref<!tpu.dma_semaphore, #tpu.memory_space<semaphore_mem>>) src(%dma_wait3A_100 : memref<8x128xf32, #tpu.memory_space<hbm>>) dst(%dma_wait3A_98 : memref<8x128xf32, #tpu.memory_space<vmem_shared>>)
        tpu.yield
      }) : () -> ()
    } else {
    }
    %barrier3A_56 = arith.constant 0 : index
    tpu.barrier barrier_id(%barrier3A_56)
    %dma_start3A_57 = arith.constant 0 : i32
    %dma_start3A_58 = tpu.memref_slice %arg6[%dma_start3A_57] : memref<20608xi32, #tpu.memory_space<vmem>> -> memref<128xi32, #tpu.memory_space<vmem>>
    %dma_start3A_59 = arith.constant 0 : i32
    %dma_start3A_60 = arith.constant 0 : i32
    %dma_start3A_61 = tpu.memref_slice %arg2[%dma_start3A_59, %dma_start3A_60] : memref<20000x128xf32, #tpu.memory_space<hbm>> -> memref<20000x128xf32, #tpu.memory_space<hbm>>
    tpu.enqueue_indirect_dma source(%dma_start3A_61 : memref<20000x128xf32, #tpu.memory_space<hbm>>) target(%arg10 : memref<128x128xf32, #tpu.memory_space<vmem>>) offsets(%dma_start3A_58 : memref<128xi32, #tpu.memory_space<vmem>>) semaphore(%arg13 : memref<!tpu.dma_semaphore, #tpu.memory_space<semaphore_mem>>)
    %scan3A_62 = arith.constant 0 : i32
    %scan3A_63 = arith.constant 80 : i32
    %scan3A_64 = arith.addi %scan3A_62, %scan3A_63 : i32
    %scan3A_65 = arith.constant 1 : i32
    scf.for %scan3A_85 = %scan3A_62 to %scan3A_64 step %scan3A_65  : i32 {
      %mul3A_86 = arith.constant 1 : i32
      %mul3A_87 = arith.muli %scan3A_85, %mul3A_86 : i32
      %add3A_88 = arith.constant 0 : i32
      %add3A_89 = arith.addi %add3A_88, %mul3A_87 : i32
      %mul3A_90 = arith.constant 2 : i32
      %mul3A_91 = arith.muli %add3A_89, %mul3A_90 : i32
      %add3A_92 = arith.constant 1 : i32
      %add3A_93 = arith.addi %mul3A_91, %add3A_92 : i32
      %mul3A_94 = arith.constant 128 : i32
      %mul3A_95 = arith.muli %add3A_93, %mul3A_94 : i32
      %dma_start3A_96 = tpu.memref_slice %arg6[%mul3A_95] : memref<20608xi32, #tpu.memory_space<vmem>> -> memref<128xi32, #tpu.memory_space<vmem>>
      %dma_start3A_97 = arith.constant 0 : i32
      %dma_start3A_98 = arith.constant 0 : i32
      %dma_start3A_99 = tpu.memref_slice %arg2[%dma_start3A_97, %dma_start3A_98] : memref<20000x128xf32, #tpu.memory_space<hbm>> -> memref<20000x128xf32, #tpu.memory_space<hbm>>
      tpu.enqueue_indirect_dma source(%dma_start3A_99 : memref<20000x128xf32, #tpu.memory_space<hbm>>) target(%arg11 : memref<128x128xf32, #tpu.memory_space<vmem>>) offsets(%dma_start3A_96 : memref<128xi32, #tpu.memory_space<vmem>>) semaphore(%arg14 : memref<!tpu.dma_semaphore, #tpu.memory_space<semaphore_mem>>)
      %mul3A_100 = arith.constant 128 : i32
      %mul3A_101 = arith.muli %mul3A_91, %mul3A_100 : i32
      %scan3A_102 = arith.constant 0 : i32
      %scan3A_103 = arith.constant 8 : i32
      %scan3A_104 = arith.addi %scan3A_102, %scan3A_103 : i32
      %scan3A_105 = arith.constant 1 : i32
      scf.for %scan3A_136 = %scan3A_102 to %scan3A_104 step %scan3A_105  : i32 {
        %mul3A_137 = arith.constant 1 : i32
        %mul3A_138 = arith.muli %scan3A_136, %mul3A_137 : i32
        %add3A_139 = arith.constant 0 : i32
        %add3A_140 = arith.addi %add3A_139, %mul3A_138 : i32
        %mul3A_141 = arith.constant 16 : i32
        %mul3A_142 = arith.muli %add3A_140, %mul3A_141 : i32
        %get3A = tpu.memref_slice %arg7[%mul3A_101] : memref<20480xi32, #tpu.memory_space<vmem>> -> memref<128xi32, #tpu.memory_space<vmem>>
        %get3A_143 = arith.index_cast %mul3A_142 : i32 to index
        %get3A_144 = tpu.vector_load %get3A[%get3A_143] {strides = array<i32>} : memref<128xi32, #tpu.memory_space<vmem>>, vector<16xi32>,
        %get3A_145 = vector.shape_cast %get3A_144 : vector<16xi32> to vector<16xi32>
        %and3A = arith.constant 63 : i32
        %and3A_146 = vector.broadcast %and3A : i32 to vector<16xi32>
        %and3A_147 = arith.andi %get3A_145, %and3A_146 : vector<16xi32>
        %add3A_148 = arith.constant 5000 : i32
        %add3A_149 = vector.broadcast %add3A_148 : i32 to vector<16xi32>
        %add3A_150 = arith.addi %add3A_149, %and3A_147 : vector<16xi32>
        %ge3A = arith.constant 5000 : i32
        %ge3A_151 = vector.broadcast %ge3A : i32 to vector<16xi32>
        %ge3A_152 = arith.cmpi sge, %get3A_145, %ge3A_151 : vector<16xi32>
        %lt3A = arith.constant 10000 : i32
        %lt3A_153 = vector.broadcast %lt3A : i32 to vector<16xi32>
        %lt3A_154 = arith.cmpi slt, %get3A_145, %lt3A_153 : vector<16xi32>
        %and3A_155 = arith.andi %ge3A_152, %lt3A_154 : vector<16xi1>
        %sub3A = arith.constant 5000 : i32
        %sub3A_156 = vector.broadcast %sub3A : i32 to vector<16xi32>
        %sub3A_157 = arith.subi %get3A_145, %sub3A_156 : vector<16xi32>
        %select_n3A = arith.select %and3A_155, %sub3A_157, %add3A_150 : vector<16xi1>, vector<16xi32>
        %swap3A = arith.index_cast %mul3A_142 : i32 to index
        %swap3A_158 = tpu.vector_load %arg8[%swap3A] {strides = array<i32>} : memref<128xi32, #tpu.memory_space<vmem>>, vector<16xi32>,
        %swap3A_159 = vector.shape_cast %swap3A_158 : vector<16xi32> to vector<16xi32>
        %swap3A_160 = vector.shape_cast %select_n3A : vector<16xi32> to vector<16xi32>
        tpu.vector_store %arg8[%swap3A], %swap3A_160 {strides = array<i32>} : memref<128xi32, #tpu.memory_space<vmem>>, vector<16xi32>,
      }
      %scan3A_106 = arith.constant 8 : i32
      %dma_wait3A_107 = arith.constant 0 : i32
      %dma_wait3A_108 = arith.constant 0 : i32
      %dma_wait3A_109 = tpu.memref_slice %arg2[%dma_wait3A_107, %dma_wait3A_108] : memref<20000x128xf32, #tpu.memory_space<hbm>> -> memref<128x128xf32, #tpu.memory_space<hbm>>
      %dma_wait3A_110 = arith.constant 0 : i32
      %dma_wait3A_111 = arith.constant 0 : i32
      %dma_wait3A_112 = tpu.memref_slice %arg2[%dma_wait3A_110, %dma_wait3A_111] : memref<20000x128xf32, #tpu.memory_space<hbm>> -> memref<128x128xf32, #tpu.memory_space<hbm>>
      tpu.wait_dma2 semaphore(%arg13 : memref<!tpu.dma_semaphore, #tpu.memory_space<semaphore_mem>>) src(%dma_wait3A_112 : memref<128x128xf32, #tpu.memory_space<hbm>>) dst(%arg10 : memref<128x128xf32, #tpu.memory_space<vmem>>)
      "tpu.region"() ({
        %run_scoped3A = tpu.sem_alloc : memref<!tpu.dma_semaphore, #tpu.memory_space<semaphore_mem>>
        %dma_start3A_136 = arith.constant 0 : i32
        %dma_start3A_137 = arith.constant 0 : i32
        %dma_start3A_138 = tpu.memref_slice %arg12[%dma_start3A_136, %dma_start3A_137] : memref<5064x128xf32, #tpu.memory_space<vmem_shared>> -> memref<5064x128xf32, #tpu.memory_space<vmem_shared>>
        tpu.enqueue_indirect_dma source(%arg10 : memref<128x128xf32, #tpu.memory_space<vmem>>) target(%dma_start3A_138 : memref<5064x128xf32, #tpu.memory_space<vmem_shared>>) offsets(%arg8 : memref<128xi32, #tpu.memory_space<vmem>>) semaphore(%run_scoped3A : memref<!tpu.dma_semaphore, #tpu.memory_space<semaphore_mem>>) {add = true}
        %dma_wait3A_139 = arith.constant 0 : i32
        %dma_wait3A_140 = arith.constant 0 : i32
        %dma_wait3A_141 = tpu.memref_slice %arg12[%dma_wait3A_139, %dma_wait3A_140] : memref<5064x128xf32, #tpu.memory_space<vmem_shared>> -> memref<5064x128xf32, #tpu.memory_space<vmem_shared>>
        tpu.wait_indirect_dma semaphore(%run_scoped3A : memref<!tpu.dma_semaphore, #tpu.memory_space<semaphore_mem>>) src(%arg10 : memref<128x128xf32, #tpu.memory_space<vmem>>) dst(%dma_wait3A_141 : memref<5064x128xf32, #tpu.memory_space<vmem_shared>>)
        tpu.yield
      }) : () -> ()
      %add3A_113 = arith.constant 2 : i32
      %add3A_114 = arith.addi %mul3A_91, %add3A_113 : i32
      %mul3A_115 = arith.constant 128 : i32
      %mul3A_116 = arith.muli %add3A_114, %mul3A_115 : i32
      %dma_start3A_117 = tpu.memref_slice %arg6[%mul3A_116] : memref<20608xi32, #tpu.memory_space<vmem>> -> memref<128xi32, #tpu.memory_space<vmem>>
      %dma_start3A_118 = arith.constant 0 : i32
      %dma_start3A_119 = arith.constant 0 : i32
      %dma_start3A_120 = tpu.memref_slice %arg2[%dma_start3A_118, %dma_start3A_119] : memref<20000x128xf32, #tpu.memory_space<hbm>> -> memref<20000x128xf32, #tpu.memory_space<hbm>>
      tpu.enqueue_indirect_dma source(%dma_start3A_120 : memref<20000x128xf32, #tpu.memory_space<hbm>>) target(%arg10 : memref<128x128xf32, #tpu.memory_space<vmem>>) offsets(%dma_start3A_117 : memref<128xi32, #tpu.memory_space<vmem>>) semaphore(%arg13 : memref<!tpu.dma_semaphore, #tpu.memory_space<semaphore_mem>>)
      %mul3A_121 = arith.constant 128 : i32
      %mul3A_122 = arith.muli %mul3A_91, %mul3A_121 : i32
      %add3A_123 = arith.constant 128 : i32
      %add3A_124 = arith.addi %mul3A_122, %add3A_123 : i32
      %scan3A_125 = arith.constant 0 : i32
      %scan3A_126 = arith.constant 8 : i32
      %scan3A_127 = arith.addi %scan3A_125, %scan3A_126 : i32
      %scan3A_128 = arith.constant 1 : i32
      scf.for %scan3A_136 = %scan3A_125 to %scan3A_127 step %scan3A_128  : i32 {
        %mul3A_137 = arith.constant 1 : i32
        %mul3A_138 = arith.muli %scan3A_136, %mul3A_137 : i32
        %add3A_139 = arith.constant 0 : i32
        %add3A_140 = arith.addi %add3A_139, %mul3A_138 : i32
        %mul3A_141 = arith.constant 16 : i32
        %mul3A_142 = arith.muli %add3A_140, %mul3A_141 : i32
        %get3A = tpu.memref_slice %arg7[%add3A_124] : memref<20480xi32, #tpu.memory_space<vmem>> -> memref<128xi32, #tpu.memory_space<vmem>>
        %get3A_143 = arith.index_cast %mul3A_142 : i32 to index
        %get3A_144 = tpu.vector_load %get3A[%get3A_143] {strides = array<i32>} : memref<128xi32, #tpu.memory_space<vmem>>, vector<16xi32>,
        %get3A_145 = vector.shape_cast %get3A_144 : vector<16xi32> to vector<16xi32>
        %and3A = arith.constant 63 : i32
        %and3A_146 = vector.broadcast %and3A : i32 to vector<16xi32>
        %and3A_147 = arith.andi %get3A_145, %and3A_146 : vector<16xi32>
        %add3A_148 = arith.constant 5000 : i32
        %add3A_149 = vector.broadcast %add3A_148 : i32 to vector<16xi32>
        %add3A_150 = arith.addi %add3A_149, %and3A_147 : vector<16xi32>
        %ge3A = arith.constant 5000 : i32
        %ge3A_151 = vector.broadcast %ge3A : i32 to vector<16xi32>
        %ge3A_152 = arith.cmpi sge, %get3A_145, %ge3A_151 : vector<16xi32>
        %lt3A = arith.constant 10000 : i32
        %lt3A_153 = vector.broadcast %lt3A : i32 to vector<16xi32>
        %lt3A_154 = arith.cmpi slt, %get3A_145, %lt3A_153 : vector<16xi32>
        %and3A_155 = arith.andi %ge3A_152, %lt3A_154 : vector<16xi1>
        %sub3A = arith.constant 5000 : i32
        %sub3A_156 = vector.broadcast %sub3A : i32 to vector<16xi32>
        %sub3A_157 = arith.subi %get3A_145, %sub3A_156 : vector<16xi32>
        %select_n3A = arith.select %and3A_155, %sub3A_157, %add3A_150 : vector<16xi1>, vector<16xi32>
        %swap3A = arith.index_cast %mul3A_142 : i32 to index
        %swap3A_158 = tpu.vector_load %arg9[%swap3A] {strides = array<i32>} : memref<128xi32, #tpu.memory_space<vmem>>, vector<16xi32>,
        %swap3A_159 = vector.shape_cast %swap3A_158 : vector<16xi32> to vector<16xi32>
        %swap3A_160 = vector.shape_cast %select_n3A : vector<16xi32> to vector<16xi32>
        tpu.vector_store %arg9[%swap3A], %swap3A_160 {strides = array<i32>} : memref<128xi32, #tpu.memory_space<vmem>>, vector<16xi32>,
      }
      %scan3A_129 = arith.constant 8 : i32
      %dma_wait3A_130 = arith.constant 0 : i32
      %dma_wait3A_131 = arith.constant 0 : i32
      %dma_wait3A_132 = tpu.memref_slice %arg2[%dma_wait3A_130, %dma_wait3A_131] : memref<20000x128xf32, #tpu.memory_space<hbm>> -> memref<128x128xf32, #tpu.memory_space<hbm>>
      %dma_wait3A_133 = arith.constant 0 : i32
      %dma_wait3A_134 = arith.constant 0 : i32
      %dma_wait3A_135 = tpu.memref_slice %arg2[%dma_wait3A_133, %dma_wait3A_134] : memref<20000x128xf32, #tpu.memory_space<hbm>> -> memref<128x128xf32, #tpu.memory_space<hbm>>
      tpu.wait_dma2 semaphore(%arg14 : memref<!tpu.dma_semaphore, #tpu.memory_space<semaphore_mem>>) src(%dma_wait3A_135 : memref<128x128xf32, #tpu.memory_space<hbm>>) dst(%arg11 : memref<128x128xf32, #tpu.memory_space<vmem>>)
      "tpu.region"() ({
        %run_scoped3A = tpu.sem_alloc : memref<!tpu.dma_semaphore, #tpu.memory_space<semaphore_mem>>
        %dma_start3A_136 = arith.constant 0 : i32
        %dma_start3A_137 = arith.constant 0 : i32
        %dma_start3A_138 = tpu.memref_slice %arg12[%dma_start3A_136, %dma_start3A_137] : memref<5064x128xf32, #tpu.memory_space<vmem_shared>> -> memref<5064x128xf32, #tpu.memory_space<vmem_shared>>
        tpu.enqueue_indirect_dma source(%arg11 : memref<128x128xf32, #tpu.memory_space<vmem>>) target(%dma_start3A_138 : memref<5064x128xf32, #tpu.memory_space<vmem_shared>>) offsets(%arg9 : memref<128xi32, #tpu.memory_space<vmem>>) semaphore(%run_scoped3A : memref<!tpu.dma_semaphore, #tpu.memory_space<semaphore_mem>>) {add = true}
        %dma_wait3A_139 = arith.constant 0 : i32
        %dma_wait3A_140 = arith.constant 0 : i32
        %dma_wait3A_141 = tpu.memref_slice %arg12[%dma_wait3A_139, %dma_wait3A_140] : memref<5064x128xf32, #tpu.memory_space<vmem_shared>> -> memref<5064x128xf32, #tpu.memory_space<vmem_shared>>
        tpu.wait_indirect_dma semaphore(%run_scoped3A : memref<!tpu.dma_semaphore, #tpu.memory_space<semaphore_mem>>) src(%arg11 : memref<128x128xf32, #tpu.memory_space<vmem>>) dst(%dma_wait3A_141 : memref<5064x128xf32, #tpu.memory_space<vmem_shared>>)
        tpu.yield
      }) : () -> ()
    }
    %scan3A_66 = arith.constant 80 : i32
    %dma_wait3A_67 = arith.constant 0 : i32
    %dma_wait3A_68 = arith.constant 0 : i32
    %dma_wait3A_69 = tpu.memref_slice %arg2[%dma_wait3A_67, %dma_wait3A_68] : memref<20000x128xf32, #tpu.memory_space<hbm>> -> memref<128x128xf32, #tpu.memory_space<hbm>>
    %dma_wait3A_70 = arith.constant 0 : i32
    %dma_wait3A_71 = arith.constant 0 : i32
    %dma_wait3A_72 = tpu.memref_slice %arg2[%dma_wait3A_70, %dma_wait3A_71] : memref<20000x128xf32, #tpu.memory_space<hbm>> -> memref<128x128xf32, #tpu.memory_space<hbm>>
    tpu.wait_dma2 semaphore(%arg13 : memref<!tpu.dma_semaphore, #tpu.memory_space<semaphore_mem>>) src(%dma_wait3A_72 : memref<128x128xf32, #tpu.memory_space<hbm>>) dst(%arg10 : memref<128x128xf32, #tpu.memory_space<vmem>>)
    %barrier3A_73 = arith.constant 0 : index
    tpu.barrier barrier_id(%barrier3A_73)
    %mul3A_74 = arith.constant 10000 : i32
    %mul3A_75 = arith.muli %arg0, %mul3A_74 : i32
    %add3A_76 = arith.constant 5000 : i32
    %add3A_77 = arith.addi %mul3A_75, %add3A_76 : i32
    %add3A_78 = arith.addi %add3A_77, %mul3A_45 : i32
    "tpu.region"() ({
      %run_scoped3A = tpu.sem_alloc : memref<!tpu.dma_semaphore, #tpu.memory_space<semaphore_mem>>
      %dma_start3A_85 = arith.constant 0 : i32
      %dma_start3A_86 = tpu.memref_slice %arg5[%add3A_78, %dma_start3A_85] : memref<20000x128xf32, #tpu.memory_space<hbm>> -> memref<312x128xf32, #tpu.memory_space<hbm>>
      %dma_start3A_87 = arith.constant 0 : i32
      %dma_start3A_88 = tpu.memref_slice %arg12[%mul3A_45, %dma_start3A_87] : memref<5064x128xf32, #tpu.memory_space<vmem_shared>> -> memref<312x128xf32, #tpu.memory_space<vmem_shared>>
      tpu.enqueue_dma source(%dma_start3A_88 : memref<312x128xf32, #tpu.memory_space<vmem_shared>>) target(%dma_start3A_86 : memref<312x128xf32, #tpu.memory_space<hbm>>) target_semaphore(%run_scoped3A : memref<!tpu.dma_semaphore, #tpu.memory_space<semaphore_mem>>)
      %dma_wait3A_89 = arith.constant 0 : i32
      %dma_wait3A_90 = tpu.memref_slice %arg5[%add3A_78, %dma_wait3A_89] : memref<20000x128xf32, #tpu.memory_space<hbm>> -> memref<312x128xf32, #tpu.memory_space<hbm>>
      %dma_wait3A_91 = arith.constant 0 : i32
      %dma_wait3A_92 = tpu.memref_slice %arg12[%mul3A_45, %dma_wait3A_91] : memref<5064x128xf32, #tpu.memory_space<vmem_shared>> -> memref<312x128xf32, #tpu.memory_space<vmem_shared>>
      tpu.wait_dma2 semaphore(%run_scoped3A : memref<!tpu.dma_semaphore, #tpu.memory_space<semaphore_mem>>) src(%dma_wait3A_92 : memref<312x128xf32, #tpu.memory_space<vmem_shared>>) dst(%dma_wait3A_90 : memref<312x128xf32, #tpu.memory_space<hbm>>)
      tpu.yield
    }) : () -> ()
    %eq3A_79 = arith.constant 15 : i32
    %eq3A_80 = arith.cmpi eq, %arg1, %eq3A_79 : i32
    %convert_element_type3A_81 = arith.extui %eq3A_80 : i1 to i32
    %cond3A_82 = arith.constant 0 : i32
    %cond3A_83 = arith.cmpi ne, %convert_element_type3A_81, %cond3A_82 : i32
    scf.if %cond3A_83 {
      %mul3A_85 = arith.constant 10000 : i32
      %mul3A_86 = arith.muli %arg0, %mul3A_85 : i32
      %add3A_87 = arith.constant 5000 : i32
      %add3A_88 = arith.addi %mul3A_86, %add3A_87 : i32
      %add3A_89 = arith.constant 4992 : i32
      %add3A_90 = arith.addi %add3A_88, %add3A_89 : i32
      "tpu.region"() ({
        %run_scoped3A = tpu.sem_alloc : memref<!tpu.dma_semaphore, #tpu.memory_space<semaphore_mem>>
        %dma_start3A_91 = arith.constant 0 : i32
        %dma_start3A_92 = tpu.memref_slice %arg5[%add3A_90, %dma_start3A_91] : memref<20000x128xf32, #tpu.memory_space<hbm>> -> memref<8x128xf32, #tpu.memory_space<hbm>>
        %dma_start3A_93 = arith.constant 4992 : i32
        %dma_start3A_94 = arith.constant 0 : i32
        %dma_start3A_95 = tpu.memref_slice %arg12[%dma_start3A_93, %dma_start3A_94] : memref<5064x128xf32, #tpu.memory_space<vmem_shared>> -> memref<8x128xf32, #tpu.memory_space<vmem_shared>>
        tpu.enqueue_dma source(%dma_start3A_95 : memref<8x128xf32, #tpu.memory_space<vmem_shared>>) target(%dma_start3A_92 : memref<8x128xf32, #tpu.memory_space<hbm>>) target_semaphore(%run_scoped3A : memref<!tpu.dma_semaphore, #tpu.memory_space<semaphore_mem>>)
        %dma_wait3A_96 = arith.constant 0 : i32
        %dma_wait3A_97 = tpu.memref_slice %arg5[%add3A_90, %dma_wait3A_96] : memref<20000x128xf32, #tpu.memory_space<hbm>> -> memref<8x128xf32, #tpu.memory_space<hbm>>
        %dma_wait3A_98 = arith.constant 4992 : i32
        %dma_wait3A_99 = arith.constant 0 : i32
        %dma_wait3A_100 = tpu.memref_slice %arg12[%dma_wait3A_98, %dma_wait3A_99] : memref<5064x128xf32, #tpu.memory_space<vmem_shared>> -> memref<8x128xf32, #tpu.memory_space<vmem_shared>>
        tpu.wait_dma2 semaphore(%run_scoped3A : memref<!tpu.dma_semaphore, #tpu.memory_space<semaphore_mem>>) src(%dma_wait3A_100 : memref<8x128xf32, #tpu.memory_space<vmem_shared>>) dst(%dma_wait3A_97 : memref<8x128xf32, #tpu.memory_space<hbm>>)
        tpu.yield
      }) : () -> ()
    } else {
    }
    %barrier3A_84 = arith.constant 0 : index
    tpu.barrier barrier_id(%barrier3A_84)
    return
  }
}

#map = affine_map<(d0, d1) -> (0, 0)>
#map1 = affine_map<(d0, d1) -> (0)>
module attributes {stable_mosaic.version = 14 : i64} {
  func.func @_sc_agg_body(%arg0: i32, %arg1: i32, %arg2: memref<20000x128xf32, #tpu.memory_space<hbm>>, %arg3: memref<655360xi32, #tpu.memory_space<hbm>>, %arg4: memref<327680xi32, #tpu.memory_space<hbm>>, %arg5: memref<20000x128xf32, #tpu.memory_space<hbm>>, %arg6: memref<20608xi32, #tpu.memory_space<vmem>>, %arg7: memref<20480xi32, #tpu.memory_space<vmem>>, %arg8: memref<128xi32, #tpu.memory_space<vmem>>, %arg9: memref<128xi32, #tpu.memory_space<vmem>>, %arg10: memref<128x128xf32, #tpu.memory_space<vmem>>, %arg11: memref<128x128xf32, #tpu.memory_space<vmem>>, %arg12: memref<5064x128xf32, #tpu.memory_space<vmem_shared>>, %arg13: memref<!tpu.dma_semaphore, #tpu.memory_space<semaphore_mem>>, %arg14: memref<!tpu.dma_semaphore, #tpu.memory_space<semaphore_mem>>) attributes {dimension_semantics = [#tpu.dimension_semantics<core_parallel>, #tpu.dimension_semantics<subcore_parallel>], iteration_bounds = array<i64: 2, 16>, scalar_prefetch = 0 : i64, scratch_operands = 9 : i64, tpu.core_type = #tpu.core_type<sc_vector_subcore>, window_params = [{transform_indices = #map}, {transform_indices = #map1}, {transform_indices = #map1}, {transform_indices = #map}]} {
    %mul3A = arith.constant 160 : i32
    %mul3A_0 = arith.muli %arg1, %mul3A : i32
    %mul3A_1 = arith.constant 128 : i32
    %mul3A_2 = arith.muli %mul3A_0, %mul3A_1 : i32
    %mul3A_3 = arith.constant 327680 : i32
    %mul3A_4 = arith.muli %arg0, %mul3A_3 : i32
    %add3A = arith.addi %mul3A_4, %mul3A_2 : i32
    "tpu.region"() ({
      %run_scoped3A = tpu.sem_alloc : memref<!tpu.dma_semaphore, #tpu.memory_space<semaphore_mem>>
      %dma_start3A_85 = arith.constant 0 : i32
      %dma_start3A_86 = tpu.memref_slice %arg6[%dma_start3A_85] : memref<20608xi32, #tpu.memory_space<vmem>> -> memref<20480xi32, #tpu.memory_space<vmem>>
      %dma_start3A_87 = tpu.memref_slice %arg3[%add3A] : memref<655360xi32, #tpu.memory_space<hbm>> -> memref<20480xi32, #tpu.memory_space<hbm>>
      %dma_start3A_88 = arith.constant 0 : i32
      %dma_start3A_89 = tpu.memref_slice %arg6[%dma_start3A_88] : memref<20608xi32, #tpu.memory_space<vmem>> -> memref<20480xi32, #tpu.memory_space<vmem>>
      %dma_start3A_90 = tpu.memref_slice %arg3[%add3A] : memref<655360xi32, #tpu.memory_space<hbm>> -> memref<20480xi32, #tpu.memory_space<hbm>>
      tpu.enqueue_dma source(%dma_start3A_90 : memref<20480xi32, #tpu.memory_space<hbm>>) target(%dma_start3A_89 : memref<20480xi32, #tpu.memory_space<vmem>>) target_semaphore(%run_scoped3A : memref<!tpu.dma_semaphore, #tpu.memory_space<semaphore_mem>>)
      %dma_wait3A_91 = arith.constant 0 : i32
      %dma_wait3A_92 = tpu.memref_slice %arg6[%dma_wait3A_91] : memref<20608xi32, #tpu.memory_space<vmem>> -> memref<20480xi32, #tpu.memory_space<vmem>>
      %dma_wait3A_93 = tpu.memref_slice %arg3[%add3A] : memref<655360xi32, #tpu.memory_space<hbm>> -> memref<20480xi32, #tpu.memory_space<hbm>>
      %dma_wait3A_94 = arith.constant 0 : i32
      %dma_wait3A_95 = tpu.memref_slice %arg6[%dma_wait3A_94] : memref<20608xi32, #tpu.memory_space<vmem>> -> memref<20480xi32, #tpu.memory_space<vmem>>
      %dma_wait3A_96 = tpu.memref_slice %arg3[%add3A] : memref<655360xi32, #tpu.memory_space<hbm>> -> memref<20480xi32, #tpu.memory_space<hbm>>
      tpu.wait_dma2 semaphore(%run_scoped3A : memref<!tpu.dma_semaphore, #tpu.memory_space<semaphore_mem>>) src(%dma_wait3A_96 : memref<20480xi32, #tpu.memory_space<hbm>>) dst(%dma_wait3A_95 : memref<20480xi32, #tpu.memory_space<vmem>>)
      tpu.yield
    }) : () -> ()
    "tpu.region"() ({
      %run_scoped3A = tpu.sem_alloc : memref<!tpu.dma_semaphore, #tpu.memory_space<semaphore_mem>>
      %dma_start3A_85 = tpu.memref_slice %arg4[%mul3A_2] : memref<327680xi32, #tpu.memory_space<hbm>> -> memref<20480xi32, #tpu.memory_space<hbm>>
      %dma_start3A_86 = tpu.memref_slice %arg4[%mul3A_2] : memref<327680xi32, #tpu.memory_space<hbm>> -> memref<20480xi32, #tpu.memory_space<hbm>>
      tpu.enqueue_dma source(%dma_start3A_86 : memref<20480xi32, #tpu.memory_space<hbm>>) target(%arg7 : memref<20480xi32, #tpu.memory_space<vmem>>) target_semaphore(%run_scoped3A : memref<!tpu.dma_semaphore, #tpu.memory_space<semaphore_mem>>)
      %dma_wait3A_87 = tpu.memref_slice %arg4[%mul3A_2] : memref<327680xi32, #tpu.memory_space<hbm>> -> memref<20480xi32, #tpu.memory_space<hbm>>
      %dma_wait3A_88 = tpu.memref_slice %arg4[%mul3A_2] : memref<327680xi32, #tpu.memory_space<hbm>> -> memref<20480xi32, #tpu.memory_space<hbm>>
      tpu.wait_dma2 semaphore(%run_scoped3A : memref<!tpu.dma_semaphore, #tpu.memory_space<semaphore_mem>>) src(%dma_wait3A_88 : memref<20480xi32, #tpu.memory_space<hbm>>) dst(%arg7 : memref<20480xi32, #tpu.memory_space<vmem>>)
      tpu.yield
    }) : () -> ()
    %scan3A = arith.constant 0 : i32
    %scan3A_5 = arith.constant 8 : i32
    %scan3A_6 = arith.addi %scan3A, %scan3A_5 : i32
    %scan3A_7 = arith.constant 1 : i32
    scf.for %scan3A_85 = %scan3A to %scan3A_6 step %scan3A_7  : i32 {
      %mul3A_86 = arith.constant 1 : i32
      %mul3A_87 = arith.muli %scan3A_85, %mul3A_86 : i32
      %add3A_88 = arith.constant 0 : i32
      %add3A_89 = arith.addi %add3A_88, %mul3A_87 : i32
      %broadcast_in_dim3A = arith.constant 0 : i32
      %broadcast_in_dim3A_90 = vector.broadcast %broadcast_in_dim3A : i32 to vector<16xi32>
      %mul3A_91 = arith.constant 16 : i32
      %mul3A_92 = arith.muli %add3A_89, %mul3A_91 : i32
      %add3A_93 = arith.constant 20480 : i32
      %add3A_94 = arith.addi %add3A_93, %mul3A_92 : i32
      %swap3A = arith.index_cast %add3A_94 : i32 to index
      %swap3A_95 = tpu.vector_load %arg6[%swap3A] {strides = array<i32>} : memref<20608xi32, #tpu.memory_space<vmem>>, vector<16xi32>,
      %swap3A_96 = vector.shape_cast %swap3A_95 : vector<16xi32> to vector<16xi32>
      %swap3A_97 = vector.shape_cast %broadcast_in_dim3A_90 : vector<16xi32> to vector<16xi32>
      tpu.vector_store %arg6[%swap3A], %swap3A_97 {strides = array<i32>} : memref<20608xi32, #tpu.memory_space<vmem>>, vector<16xi32>,
    }
    %scan3A_8 = arith.constant 8 : i32
    %mul3A_9 = arith.constant 312 : i32
    %mul3A_10 = arith.muli %arg1, %mul3A_9 : i32
    %mul3A_11 = arith.constant 10000 : i32
    %mul3A_12 = arith.muli %arg0, %mul3A_11 : i32
    %add3A_13 = arith.constant 0 : i32
    %add3A_14 = arith.addi %mul3A_12, %add3A_13 : i32
    %add3A_15 = arith.addi %add3A_14, %mul3A_10 : i32
    "tpu.region"() ({
      %run_scoped3A = tpu.sem_alloc : memref<!tpu.dma_semaphore, #tpu.memory_space<semaphore_mem>>
      %dma_start3A_85 = arith.constant 0 : i32
      %dma_start3A_86 = tpu.memref_slice %arg12[%mul3A_10, %dma_start3A_85] : memref<5064x128xf32, #tpu.memory_space<vmem_shared>> -> memref<312x128xf32, #tpu.memory_space<vmem_shared>>
      %dma_start3A_87 = arith.constant 0 : i32
      %dma_start3A_88 = tpu.memref_slice %arg2[%add3A_15, %dma_start3A_87] : memref<20000x128xf32, #tpu.memory_space<hbm>> -> memref<312x128xf32, #tpu.memory_space<hbm>>
      tpu.enqueue_dma source(%dma_start3A_88 : memref<312x128xf32, #tpu.memory_space<hbm>>) target(%dma_start3A_86 : memref<312x128xf32, #tpu.memory_space<vmem_shared>>) target_semaphore(%run_scoped3A : memref<!tpu.dma_semaphore, #tpu.memory_space<semaphore_mem>>)
      %dma_wait3A_89 = arith.constant 0 : i32
      %dma_wait3A_90 = tpu.memref_slice %arg12[%mul3A_10, %dma_wait3A_89] : memref<5064x128xf32, #tpu.memory_space<vmem_shared>> -> memref<312x128xf32, #tpu.memory_space<vmem_shared>>
      %dma_wait3A_91 = arith.constant 0 : i32
      %dma_wait3A_92 = tpu.memref_slice %arg2[%add3A_15, %dma_wait3A_91] : memref<20000x128xf32, #tpu.memory_space<hbm>> -> memref<312x128xf32, #tpu.memory_space<hbm>>
      tpu.wait_dma2 semaphore(%run_scoped3A : memref<!tpu.dma_semaphore, #tpu.memory_space<semaphore_mem>>) src(%dma_wait3A_92 : memref<312x128xf32, #tpu.memory_space<hbm>>) dst(%dma_wait3A_90 : memref<312x128xf32, #tpu.memory_space<vmem_shared>>)
      tpu.yield
    }) : () -> ()
    %eq3A = arith.constant 15 : i32
    %eq3A_16 = arith.cmpi eq, %arg1, %eq3A : i32
    %convert_element_type3A = arith.extui %eq3A_16 : i1 to i32
    %cond3A = arith.constant 0 : i32
    %cond3A_17 = arith.cmpi ne, %convert_element_type3A, %cond3A : i32
    scf.if %cond3A_17 {
      %mul3A_85 = arith.constant 10000 : i32
      %mul3A_86 = arith.muli %arg0, %mul3A_85 : i32
      %add3A_87 = arith.constant 0 : i32
      %add3A_88 = arith.addi %mul3A_86, %add3A_87 : i32
      %add3A_89 = arith.constant 4992 : i32
      %add3A_90 = arith.addi %add3A_88, %add3A_89 : i32
      "tpu.region"() ({
        %run_scoped3A = tpu.sem_alloc : memref<!tpu.dma_semaphore, #tpu.memory_space<semaphore_mem>>
        %dma_start3A_91 = arith.constant 4992 : i32
        %dma_start3A_92 = arith.constant 0 : i32
        %dma_start3A_93 = tpu.memref_slice %arg12[%dma_start3A_91, %dma_start3A_92] : memref<5064x128xf32, #tpu.memory_space<vmem_shared>> -> memref<8x128xf32, #tpu.memory_space<vmem_shared>>
        %dma_start3A_94 = arith.constant 0 : i32
        %dma_start3A_95 = tpu.memref_slice %arg2[%add3A_90, %dma_start3A_94] : memref<20000x128xf32, #tpu.memory_space<hbm>> -> memref<8x128xf32, #tpu.memory_space<hbm>>
        tpu.enqueue_dma source(%dma_start3A_95 : memref<8x128xf32, #tpu.memory_space<hbm>>) target(%dma_start3A_93 : memref<8x128xf32, #tpu.memory_space<vmem_shared>>) target_semaphore(%run_scoped3A : memref<!tpu.dma_semaphore, #tpu.memory_space<semaphore_mem>>)
        %dma_wait3A_96 = arith.constant 4992 : i32
        %dma_wait3A_97 = arith.constant 0 : i32
        %dma_wait3A_98 = tpu.memref_slice %arg12[%dma_wait3A_96, %dma_wait3A_97] : memref<5064x128xf32, #tpu.memory_space<vmem_shared>> -> memref<8x128xf32, #tpu.memory_space<vmem_shared>>
        %dma_wait3A_99 = arith.constant 0 : i32
        %dma_wait3A_100 = tpu.memref_slice %arg2[%add3A_90, %dma_wait3A_99] : memref<20000x128xf32, #tpu.memory_space<hbm>> -> memref<8x128xf32, #tpu.memory_space<hbm>>
        tpu.wait_dma2 semaphore(%run_scoped3A : memref<!tpu.dma_semaphore, #tpu.memory_space<semaphore_mem>>) src(%dma_wait3A_100 : memref<8x128xf32, #tpu.memory_space<hbm>>) dst(%dma_wait3A_98 : memref<8x128xf32, #tpu.memory_space<vmem_shared>>)
        tpu.yield
      }) : () -> ()
    } else {
    }
    %barrier3A = arith.constant 0 : index
    tpu.barrier barrier_id(%barrier3A)
    %dma_start3A = arith.constant 0 : i32
    %dma_start3A_18 = tpu.memref_slice %arg6[%dma_start3A] : memref<20608xi32, #tpu.memory_space<vmem>> -> memref<128xi32, #tpu.memory_space<vmem>>
    %dma_start3A_19 = arith.constant 0 : i32
    %dma_start3A_20 = arith.constant 0 : i32
    %dma_start3A_21 = tpu.memref_slice %arg2[%dma_start3A_19, %dma_start3A_20] : memref<20000x128xf32, #tpu.memory_space<hbm>> -> memref<20000x128xf32, #tpu.memory_space<hbm>>
    tpu.enqueue_indirect_dma source(%dma_start3A_21 : memref<20000x128xf32, #tpu.memory_space<hbm>>) target(%arg10 : memref<128x128xf32, #tpu.memory_space<vmem>>) offsets(%dma_start3A_18 : memref<128xi32, #tpu.memory_space<vmem>>) semaphore(%arg13 : memref<!tpu.dma_semaphore, #tpu.memory_space<semaphore_mem>>)
    %scan3A_22 = arith.constant 0 : i32
    %scan3A_23 = arith.constant 80 : i32
    %scan3A_24 = arith.addi %scan3A_22, %scan3A_23 : i32
    %scan3A_25 = arith.constant 1 : i32
    scf.for %scan3A_85 = %scan3A_22 to %scan3A_24 step %scan3A_25  : i32 {
      %mul3A_86 = arith.constant 1 : i32
      %mul3A_87 = arith.muli %scan3A_85, %mul3A_86 : i32
      %add3A_88 = arith.constant 0 : i32
      %add3A_89 = arith.addi %add3A_88, %mul3A_87 : i32
      %mul3A_90 = arith.constant 2 : i32
      %mul3A_91 = arith.muli %add3A_89, %mul3A_90 : i32
      %add3A_92 = arith.constant 1 : i32
      %add3A_93 = arith.addi %mul3A_91, %add3A_92 : i32
      %mul3A_94 = arith.constant 128 : i32
      %mul3A_95 = arith.muli %add3A_93, %mul3A_94 : i32
      %dma_start3A_96 = tpu.memref_slice %arg6[%mul3A_95] : memref<20608xi32, #tpu.memory_space<vmem>> -> memref<128xi32, #tpu.memory_space<vmem>>
      %dma_start3A_97 = arith.constant 0 : i32
      %dma_start3A_98 = arith.constant 0 : i32
      %dma_start3A_99 = tpu.memref_slice %arg2[%dma_start3A_97, %dma_start3A_98] : memref<20000x128xf32, #tpu.memory_space<hbm>> -> memref<20000x128xf32, #tpu.memory_space<hbm>>
      tpu.enqueue_indirect_dma source(%dma_start3A_99 : memref<20000x128xf32, #tpu.memory_space<hbm>>) target(%arg11 : memref<128x128xf32, #tpu.memory_space<vmem>>) offsets(%dma_start3A_96 : memref<128xi32, #tpu.memory_space<vmem>>) semaphore(%arg14 : memref<!tpu.dma_semaphore, #tpu.memory_space<semaphore_mem>>)
      %mul3A_100 = arith.constant 128 : i32
      %mul3A_101 = arith.muli %mul3A_91, %mul3A_100 : i32
      %scan3A_102 = arith.constant 0 : i32
      %scan3A_103 = arith.constant 8 : i32
      %scan3A_104 = arith.addi %scan3A_102, %scan3A_103 : i32
      %scan3A_105 = arith.constant 1 : i32
      scf.for %scan3A_136 = %scan3A_102 to %scan3A_104 step %scan3A_105  : i32 {
        %mul3A_137 = arith.constant 1 : i32
        %mul3A_138 = arith.muli %scan3A_136, %mul3A_137 : i32
        %add3A_139 = arith.constant 0 : i32
        %add3A_140 = arith.addi %add3A_139, %mul3A_138 : i32
        %mul3A_141 = arith.constant 16 : i32
        %mul3A_142 = arith.muli %add3A_140, %mul3A_141 : i32
        %get3A = tpu.memref_slice %arg7[%mul3A_101] : memref<20480xi32, #tpu.memory_space<vmem>> -> memref<128xi32, #tpu.memory_space<vmem>>
        %get3A_143 = arith.index_cast %mul3A_142 : i32 to index
        %get3A_144 = tpu.vector_load %get3A[%get3A_143] {strides = array<i32>} : memref<128xi32, #tpu.memory_space<vmem>>, vector<16xi32>,
        %get3A_145 = vector.shape_cast %get3A_144 : vector<16xi32> to vector<16xi32>
        %and3A = arith.constant 63 : i32
        %and3A_146 = vector.broadcast %and3A : i32 to vector<16xi32>
        %and3A_147 = arith.andi %get3A_145, %and3A_146 : vector<16xi32>
        %add3A_148 = arith.constant 5000 : i32
        %add3A_149 = vector.broadcast %add3A_148 : i32 to vector<16xi32>
        %add3A_150 = arith.addi %add3A_149, %and3A_147 : vector<16xi32>
        %lt3A = arith.constant 5000 : i32
        %lt3A_151 = vector.broadcast %lt3A : i32 to vector<16xi32>
        %lt3A_152 = arith.cmpi slt, %get3A_145, %lt3A_151 : vector<16xi32>
        %select_n3A = arith.select %lt3A_152, %get3A_145, %add3A_150 : vector<16xi1>, vector<16xi32>
        %swap3A = arith.index_cast %mul3A_142 : i32 to index
        %swap3A_153 = tpu.vector_load %arg8[%swap3A] {strides = array<i32>} : memref<128xi32, #tpu.memory_space<vmem>>, vector<16xi32>,
        %swap3A_154 = vector.shape_cast %swap3A_153 : vector<16xi32> to vector<16xi32>
        %swap3A_155 = vector.shape_cast %select_n3A : vector<16xi32> to vector<16xi32>
        tpu.vector_store %arg8[%swap3A], %swap3A_155 {strides = array<i32>} : memref<128xi32, #tpu.memory_space<vmem>>, vector<16xi32>,
      }
      %scan3A_106 = arith.constant 8 : i32
      %dma_wait3A_107 = arith.constant 0 : i32
      %dma_wait3A_108 = arith.constant 0 : i32
      %dma_wait3A_109 = tpu.memref_slice %arg2[%dma_wait3A_107, %dma_wait3A_108] : memref<20000x128xf32, #tpu.memory_space<hbm>> -> memref<128x128xf32, #tpu.memory_space<hbm>>
      %dma_wait3A_110 = arith.constant 0 : i32
      %dma_wait3A_111 = arith.constant 0 : i32
      %dma_wait3A_112 = tpu.memref_slice %arg2[%dma_wait3A_110, %dma_wait3A_111] : memref<20000x128xf32, #tpu.memory_space<hbm>> -> memref<128x128xf32, #tpu.memory_space<hbm>>
      tpu.wait_dma2 semaphore(%arg13 : memref<!tpu.dma_semaphore, #tpu.memory_space<semaphore_mem>>) src(%dma_wait3A_112 : memref<128x128xf32, #tpu.memory_space<hbm>>) dst(%arg10 : memref<128x128xf32, #tpu.memory_space<vmem>>)
      "tpu.region"() ({
        %run_scoped3A = tpu.sem_alloc : memref<!tpu.dma_semaphore, #tpu.memory_space<semaphore_mem>>
        %dma_start3A_136 = arith.constant 0 : i32
        %dma_start3A_137 = arith.constant 0 : i32
        %dma_start3A_138 = tpu.memref_slice %arg12[%dma_start3A_136, %dma_start3A_137] : memref<5064x128xf32, #tpu.memory_space<vmem_shared>> -> memref<5064x128xf32, #tpu.memory_space<vmem_shared>>
        tpu.enqueue_indirect_dma source(%arg10 : memref<128x128xf32, #tpu.memory_space<vmem>>) target(%dma_start3A_138 : memref<5064x128xf32, #tpu.memory_space<vmem_shared>>) offsets(%arg8 : memref<128xi32, #tpu.memory_space<vmem>>) semaphore(%run_scoped3A : memref<!tpu.dma_semaphore, #tpu.memory_space<semaphore_mem>>) {add = true}
        %dma_wait3A_139 = arith.constant 0 : i32
        %dma_wait3A_140 = arith.constant 0 : i32
        %dma_wait3A_141 = tpu.memref_slice %arg12[%dma_wait3A_139, %dma_wait3A_140] : memref<5064x128xf32, #tpu.memory_space<vmem_shared>> -> memref<5064x128xf32, #tpu.memory_space<vmem_shared>>
        tpu.wait_indirect_dma semaphore(%run_scoped3A : memref<!tpu.dma_semaphore, #tpu.memory_space<semaphore_mem>>) src(%arg10 : memref<128x128xf32, #tpu.memory_space<vmem>>) dst(%dma_wait3A_141 : memref<5064x128xf32, #tpu.memory_space<vmem_shared>>)
        tpu.yield
      }) : () -> ()
      %add3A_113 = arith.constant 2 : i32
      %add3A_114 = arith.addi %mul3A_91, %add3A_113 : i32
      %mul3A_115 = arith.constant 128 : i32
      %mul3A_116 = arith.muli %add3A_114, %mul3A_115 : i32
      %dma_start3A_117 = tpu.memref_slice %arg6[%mul3A_116] : memref<20608xi32, #tpu.memory_space<vmem>> -> memref<128xi32, #tpu.memory_space<vmem>>
      %dma_start3A_118 = arith.constant 0 : i32
      %dma_start3A_119 = arith.constant 0 : i32
      %dma_start3A_120 = tpu.memref_slice %arg2[%dma_start3A_118, %dma_start3A_119] : memref<20000x128xf32, #tpu.memory_space<hbm>> -> memref<20000x128xf32, #tpu.memory_space<hbm>>
      tpu.enqueue_indirect_dma source(%dma_start3A_120 : memref<20000x128xf32, #tpu.memory_space<hbm>>) target(%arg10 : memref<128x128xf32, #tpu.memory_space<vmem>>) offsets(%dma_start3A_117 : memref<128xi32, #tpu.memory_space<vmem>>) semaphore(%arg13 : memref<!tpu.dma_semaphore, #tpu.memory_space<semaphore_mem>>)
      %mul3A_121 = arith.constant 128 : i32
      %mul3A_122 = arith.muli %mul3A_91, %mul3A_121 : i32
      %add3A_123 = arith.constant 128 : i32
      %add3A_124 = arith.addi %mul3A_122, %add3A_123 : i32
      %scan3A_125 = arith.constant 0 : i32
      %scan3A_126 = arith.constant 8 : i32
      %scan3A_127 = arith.addi %scan3A_125, %scan3A_126 : i32
      %scan3A_128 = arith.constant 1 : i32
      scf.for %scan3A_136 = %scan3A_125 to %scan3A_127 step %scan3A_128  : i32 {
        %mul3A_137 = arith.constant 1 : i32
        %mul3A_138 = arith.muli %scan3A_136, %mul3A_137 : i32
        %add3A_139 = arith.constant 0 : i32
        %add3A_140 = arith.addi %add3A_139, %mul3A_138 : i32
        %mul3A_141 = arith.constant 16 : i32
        %mul3A_142 = arith.muli %add3A_140, %mul3A_141 : i32
        %get3A = tpu.memref_slice %arg7[%add3A_124] : memref<20480xi32, #tpu.memory_space<vmem>> -> memref<128xi32, #tpu.memory_space<vmem>>
        %get3A_143 = arith.index_cast %mul3A_142 : i32 to index
        %get3A_144 = tpu.vector_load %get3A[%get3A_143] {strides = array<i32>} : memref<128xi32, #tpu.memory_space<vmem>>, vector<16xi32>,
        %get3A_145 = vector.shape_cast %get3A_144 : vector<16xi32> to vector<16xi32>
        %and3A = arith.constant 63 : i32
        %and3A_146 = vector.broadcast %and3A : i32 to vector<16xi32>
        %and3A_147 = arith.andi %get3A_145, %and3A_146 : vector<16xi32>
        %add3A_148 = arith.constant 5000 : i32
        %add3A_149 = vector.broadcast %add3A_148 : i32 to vector<16xi32>
        %add3A_150 = arith.addi %add3A_149, %and3A_147 : vector<16xi32>
        %lt3A = arith.constant 5000 : i32
        %lt3A_151 = vector.broadcast %lt3A : i32 to vector<16xi32>
        %lt3A_152 = arith.cmpi slt, %get3A_145, %lt3A_151 : vector<16xi32>
        %select_n3A = arith.select %lt3A_152, %get3A_145, %add3A_150 : vector<16xi1>, vector<16xi32>
        %swap3A = arith.index_cast %mul3A_142 : i32 to index
        %swap3A_153 = tpu.vector_load %arg9[%swap3A] {strides = array<i32>} : memref<128xi32, #tpu.memory_space<vmem>>, vector<16xi32>,
        %swap3A_154 = vector.shape_cast %swap3A_153 : vector<16xi32> to vector<16xi32>
        %swap3A_155 = vector.shape_cast %select_n3A : vector<16xi32> to vector<16xi32>
        tpu.vector_store %arg9[%swap3A], %swap3A_155 {strides = array<i32>} : memref<128xi32, #tpu.memory_space<vmem>>, vector<16xi32>,
      }
      %scan3A_129 = arith.constant 8 : i32
      %dma_wait3A_130 = arith.constant 0 : i32
      %dma_wait3A_131 = arith.constant 0 : i32
      %dma_wait3A_132 = tpu.memref_slice %arg2[%dma_wait3A_130, %dma_wait3A_131] : memref<20000x128xf32, #tpu.memory_space<hbm>> -> memref<128x128xf32, #tpu.memory_space<hbm>>
      %dma_wait3A_133 = arith.constant 0 : i32
      %dma_wait3A_134 = arith.constant 0 : i32
      %dma_wait3A_135 = tpu.memref_slice %arg2[%dma_wait3A_133, %dma_wait3A_134] : memref<20000x128xf32, #tpu.memory_space<hbm>> -> memref<128x128xf32, #tpu.memory_space<hbm>>
      tpu.wait_dma2 semaphore(%arg14 : memref<!tpu.dma_semaphore, #tpu.memory_space<semaphore_mem>>) src(%dma_wait3A_135 : memref<128x128xf32, #tpu.memory_space<hbm>>) dst(%arg11 : memref<128x128xf32, #tpu.memory_space<vmem>>)
      "tpu.region"() ({
        %run_scoped3A = tpu.sem_alloc : memref<!tpu.dma_semaphore, #tpu.memory_space<semaphore_mem>>
        %dma_start3A_136 = arith.constant 0 : i32
        %dma_start3A_137 = arith.constant 0 : i32
        %dma_start3A_138 = tpu.memref_slice %arg12[%dma_start3A_136, %dma_start3A_137] : memref<5064x128xf32, #tpu.memory_space<vmem_shared>> -> memref<5064x128xf32, #tpu.memory_space<vmem_shared>>
        tpu.enqueue_indirect_dma source(%arg11 : memref<128x128xf32, #tpu.memory_space<vmem>>) target(%dma_start3A_138 : memref<5064x128xf32, #tpu.memory_space<vmem_shared>>) offsets(%arg9 : memref<128xi32, #tpu.memory_space<vmem>>) semaphore(%run_scoped3A : memref<!tpu.dma_semaphore, #tpu.memory_space<semaphore_mem>>) {add = true}
        %dma_wait3A_139 = arith.constant 0 : i32
        %dma_wait3A_140 = arith.constant 0 : i32
        %dma_wait3A_141 = tpu.memref_slice %arg12[%dma_wait3A_139, %dma_wait3A_140] : memref<5064x128xf32, #tpu.memory_space<vmem_shared>> -> memref<5064x128xf32, #tpu.memory_space<vmem_shared>>
        tpu.wait_indirect_dma semaphore(%run_scoped3A : memref<!tpu.dma_semaphore, #tpu.memory_space<semaphore_mem>>) src(%arg11 : memref<128x128xf32, #tpu.memory_space<vmem>>) dst(%dma_wait3A_141 : memref<5064x128xf32, #tpu.memory_space<vmem_shared>>)
        tpu.yield
      }) : () -> ()
    }
    %scan3A_26 = arith.constant 80 : i32
    %dma_wait3A = arith.constant 0 : i32
    %dma_wait3A_27 = arith.constant 0 : i32
    %dma_wait3A_28 = tpu.memref_slice %arg2[%dma_wait3A, %dma_wait3A_27] : memref<20000x128xf32, #tpu.memory_space<hbm>> -> memref<128x128xf32, #tpu.memory_space<hbm>>
    %dma_wait3A_29 = arith.constant 0 : i32
    %dma_wait3A_30 = arith.constant 0 : i32
    %dma_wait3A_31 = tpu.memref_slice %arg2[%dma_wait3A_29, %dma_wait3A_30] : memref<20000x128xf32, #tpu.memory_space<hbm>> -> memref<128x128xf32, #tpu.memory_space<hbm>>
    tpu.wait_dma2 semaphore(%arg13 : memref<!tpu.dma_semaphore, #tpu.memory_space<semaphore_mem>>) src(%dma_wait3A_31 : memref<128x128xf32, #tpu.memory_space<hbm>>) dst(%arg10 : memref<128x128xf32, #tpu.memory_space<vmem>>)
    %barrier3A_32 = arith.constant 0 : index
    tpu.barrier barrier_id(%barrier3A_32)
    %mul3A_33 = arith.constant 10000 : i32
    %mul3A_34 = arith.muli %arg0, %mul3A_33 : i32
    %add3A_35 = arith.constant 0 : i32
    %add3A_36 = arith.addi %mul3A_34, %add3A_35 : i32
    %add3A_37 = arith.addi %add3A_36, %mul3A_10 : i32
    "tpu.region"() ({
      %run_scoped3A = tpu.sem_alloc : memref<!tpu.dma_semaphore, #tpu.memory_space<semaphore_mem>>
      %dma_start3A_85 = arith.constant 0 : i32
      %dma_start3A_86 = tpu.memref_slice %arg5[%add3A_37, %dma_start3A_85] : memref<20000x128xf32, #tpu.memory_space<hbm>> -> memref<312x128xf32, #tpu.memory_space<hbm>>
      %dma_start3A_87 = arith.constant 0 : i32
      %dma_start3A_88 = tpu.memref_slice %arg12[%mul3A_10, %dma_start3A_87] : memref<5064x128xf32, #tpu.memory_space<vmem_shared>> -> memref<312x128xf32, #tpu.memory_space<vmem_shared>>
      tpu.enqueue_dma source(%dma_start3A_88 : memref<312x128xf32, #tpu.memory_space<vmem_shared>>) target(%dma_start3A_86 : memref<312x128xf32, #tpu.memory_space<hbm>>) target_semaphore(%run_scoped3A : memref<!tpu.dma_semaphore, #tpu.memory_space<semaphore_mem>>)
      %dma_wait3A_89 = arith.constant 0 : i32
      %dma_wait3A_90 = tpu.memref_slice %arg5[%add3A_37, %dma_wait3A_89] : memref<20000x128xf32, #tpu.memory_space<hbm>> -> memref<312x128xf32, #tpu.memory_space<hbm>>
      %dma_wait3A_91 = arith.constant 0 : i32
      %dma_wait3A_92 = tpu.memref_slice %arg12[%mul3A_10, %dma_wait3A_91] : memref<5064x128xf32, #tpu.memory_space<vmem_shared>> -> memref<312x128xf32, #tpu.memory_space<vmem_shared>>
      tpu.wait_dma2 semaphore(%run_scoped3A : memref<!tpu.dma_semaphore, #tpu.memory_space<semaphore_mem>>) src(%dma_wait3A_92 : memref<312x128xf32, #tpu.memory_space<vmem_shared>>) dst(%dma_wait3A_90 : memref<312x128xf32, #tpu.memory_space<hbm>>)
      tpu.yield
    }) : () -> ()
    %eq3A_38 = arith.constant 15 : i32
    %eq3A_39 = arith.cmpi eq, %arg1, %eq3A_38 : i32
    %convert_element_type3A_40 = arith.extui %eq3A_39 : i1 to i32
    %cond3A_41 = arith.constant 0 : i32
    %cond3A_42 = arith.cmpi ne, %convert_element_type3A_40, %cond3A_41 : i32
    scf.if %cond3A_42 {
      %mul3A_85 = arith.constant 10000 : i32
      %mul3A_86 = arith.muli %arg0, %mul3A_85 : i32
      %add3A_87 = arith.constant 0 : i32
      %add3A_88 = arith.addi %mul3A_86, %add3A_87 : i32
      %add3A_89 = arith.constant 4992 : i32
      %add3A_90 = arith.addi %add3A_88, %add3A_89 : i32
      "tpu.region"() ({
        %run_scoped3A = tpu.sem_alloc : memref<!tpu.dma_semaphore, #tpu.memory_space<semaphore_mem>>
        %dma_start3A_91 = arith.constant 0 : i32
        %dma_start3A_92 = tpu.memref_slice %arg5[%add3A_90, %dma_start3A_91] : memref<20000x128xf32, #tpu.memory_space<hbm>> -> memref<8x128xf32, #tpu.memory_space<hbm>>
        %dma_start3A_93 = arith.constant 4992 : i32
        %dma_start3A_94 = arith.constant 0 : i32
        %dma_start3A_95 = tpu.memref_slice %arg12[%dma_start3A_93, %dma_start3A_94] : memref<5064x128xf32, #tpu.memory_space<vmem_shared>> -> memref<8x128xf32, #tpu.memory_space<vmem_shared>>
        tpu.enqueue_dma source(%dma_start3A_95 : memref<8x128xf32, #tpu.memory_space<vmem_shared>>) target(%dma_start3A_92 : memref<8x128xf32, #tpu.memory_space<hbm>>) target_semaphore(%run_scoped3A : memref<!tpu.dma_semaphore, #tpu.memory_space<semaphore_mem>>)
        %dma_wait3A_96 = arith.constant 0 : i32
        %dma_wait3A_97 = tpu.memref_slice %arg5[%add3A_90, %dma_wait3A_96] : memref<20000x128xf32, #tpu.memory_space<hbm>> -> memref<8x128xf32, #tpu.memory_space<hbm>>
        %dma_wait3A_98 = arith.constant 4992 : i32
        %dma_wait3A_99 = arith.constant 0 : i32
        %dma_wait3A_100 = tpu.memref_slice %arg12[%dma_wait3A_98, %dma_wait3A_99] : memref<5064x128xf32, #tpu.memory_space<vmem_shared>> -> memref<8x128xf32, #tpu.memory_space<vmem_shared>>
        tpu.wait_dma2 semaphore(%run_scoped3A : memref<!tpu.dma_semaphore, #tpu.memory_space<semaphore_mem>>) src(%dma_wait3A_100 : memref<8x128xf32, #tpu.memory_space<vmem_shared>>) dst(%dma_wait3A_97 : memref<8x128xf32, #tpu.memory_space<hbm>>)
        tpu.yield
      }) : () -> ()
    } else {
    }
    %barrier3A_43 = arith.constant 0 : index
    tpu.barrier barrier_id(%barrier3A_43)
    %mul3A_44 = arith.constant 312 : i32
    %mul3A_45 = arith.muli %arg1, %mul3A_44 : i32
    %mul3A_46 = arith.constant 10000 : i32
    %mul3A_47 = arith.muli %arg0, %mul3A_46 : i32
    %add3A_48 = arith.constant 5000 : i32
    %add3A_49 = arith.addi %mul3A_47, %add3A_48 : i32
    %add3A_50 = arith.addi %add3A_49, %mul3A_45 : i32
    "tpu.region"() ({
      %run_scoped3A = tpu.sem_alloc : memref<!tpu.dma_semaphore, #tpu.memory_space<semaphore_mem>>
      %dma_start3A_85 = arith.constant 0 : i32
      %dma_start3A_86 = tpu.memref_slice %arg12[%mul3A_45, %dma_start3A_85] : memref<5064x128xf32, #tpu.memory_space<vmem_shared>> -> memref<312x128xf32, #tpu.memory_space<vmem_shared>>
      %dma_start3A_87 = arith.constant 0 : i32
      %dma_start3A_88 = tpu.memref_slice %arg2[%add3A_50, %dma_start3A_87] : memref<20000x128xf32, #tpu.memory_space<hbm>> -> memref<312x128xf32, #tpu.memory_space<hbm>>
      tpu.enqueue_dma source(%dma_start3A_88 : memref<312x128xf32, #tpu.memory_space<hbm>>) target(%dma_start3A_86 : memref<312x128xf32, #tpu.memory_space<vmem_shared>>) target_semaphore(%run_scoped3A : memref<!tpu.dma_semaphore, #tpu.memory_space<semaphore_mem>>)
      %dma_wait3A_89 = arith.constant 0 : i32
      %dma_wait3A_90 = tpu.memref_slice %arg12[%mul3A_45, %dma_wait3A_89] : memref<5064x128xf32, #tpu.memory_space<vmem_shared>> -> memref<312x128xf32, #tpu.memory_space<vmem_shared>>
      %dma_wait3A_91 = arith.constant 0 : i32
      %dma_wait3A_92 = tpu.memref_slice %arg2[%add3A_50, %dma_wait3A_91] : memref<20000x128xf32, #tpu.memory_space<hbm>> -> memref<312x128xf32, #tpu.memory_space<hbm>>
      tpu.wait_dma2 semaphore(%run_scoped3A : memref<!tpu.dma_semaphore, #tpu.memory_space<semaphore_mem>>) src(%dma_wait3A_92 : memref<312x128xf32, #tpu.memory_space<hbm>>) dst(%dma_wait3A_90 : memref<312x128xf32, #tpu.memory_space<vmem_shared>>)
      tpu.yield
    }) : () -> ()
    %eq3A_51 = arith.constant 15 : i32
    %eq3A_52 = arith.cmpi eq, %arg1, %eq3A_51 : i32
    %convert_element_type3A_53 = arith.extui %eq3A_52 : i1 to i32
    %cond3A_54 = arith.constant 0 : i32
    %cond3A_55 = arith.cmpi ne, %convert_element_type3A_53, %cond3A_54 : i32
    scf.if %cond3A_55 {
      %mul3A_85 = arith.constant 10000 : i32
      %mul3A_86 = arith.muli %arg0, %mul3A_85 : i32
      %add3A_87 = arith.constant 5000 : i32
      %add3A_88 = arith.addi %mul3A_86, %add3A_87 : i32
      %add3A_89 = arith.constant 4992 : i32
      %add3A_90 = arith.addi %add3A_88, %add3A_89 : i32
      "tpu.region"() ({
        %run_scoped3A = tpu.sem_alloc : memref<!tpu.dma_semaphore, #tpu.memory_space<semaphore_mem>>
        %dma_start3A_91 = arith.constant 4992 : i32
        %dma_start3A_92 = arith.constant 0 : i32
        %dma_start3A_93 = tpu.memref_slice %arg12[%dma_start3A_91, %dma_start3A_92] : memref<5064x128xf32, #tpu.memory_space<vmem_shared>> -> memref<8x128xf32, #tpu.memory_space<vmem_shared>>
        %dma_start3A_94 = arith.constant 0 : i32
        %dma_start3A_95 = tpu.memref_slice %arg2[%add3A_90, %dma_start3A_94] : memref<20000x128xf32, #tpu.memory_space<hbm>> -> memref<8x128xf32, #tpu.memory_space<hbm>>
        tpu.enqueue_dma source(%dma_start3A_95 : memref<8x128xf32, #tpu.memory_space<hbm>>) target(%dma_start3A_93 : memref<8x128xf32, #tpu.memory_space<vmem_shared>>) target_semaphore(%run_scoped3A : memref<!tpu.dma_semaphore, #tpu.memory_space<semaphore_mem>>)
        %dma_wait3A_96 = arith.constant 4992 : i32
        %dma_wait3A_97 = arith.constant 0 : i32
        %dma_wait3A_98 = tpu.memref_slice %arg12[%dma_wait3A_96, %dma_wait3A_97] : memref<5064x128xf32, #tpu.memory_space<vmem_shared>> -> memref<8x128xf32, #tpu.memory_space<vmem_shared>>
        %dma_wait3A_99 = arith.constant 0 : i32
        %dma_wait3A_100 = tpu.memref_slice %arg2[%add3A_90, %dma_wait3A_99] : memref<20000x128xf32, #tpu.memory_space<hbm>> -> memref<8x128xf32, #tpu.memory_space<hbm>>
        tpu.wait_dma2 semaphore(%run_scoped3A : memref<!tpu.dma_semaphore, #tpu.memory_space<semaphore_mem>>) src(%dma_wait3A_100 : memref<8x128xf32, #tpu.memory_space<hbm>>) dst(%dma_wait3A_98 : memref<8x128xf32, #tpu.memory_space<vmem_shared>>)
        tpu.yield
      }) : () -> ()
    } else {
    }
    %barrier3A_56 = arith.constant 0 : index
    tpu.barrier barrier_id(%barrier3A_56)
    %dma_start3A_57 = arith.constant 0 : i32
    %dma_start3A_58 = tpu.memref_slice %arg6[%dma_start3A_57] : memref<20608xi32, #tpu.memory_space<vmem>> -> memref<128xi32, #tpu.memory_space<vmem>>
    %dma_start3A_59 = arith.constant 0 : i32
    %dma_start3A_60 = arith.constant 0 : i32
    %dma_start3A_61 = tpu.memref_slice %arg2[%dma_start3A_59, %dma_start3A_60] : memref<20000x128xf32, #tpu.memory_space<hbm>> -> memref<20000x128xf32, #tpu.memory_space<hbm>>
    tpu.enqueue_indirect_dma source(%dma_start3A_61 : memref<20000x128xf32, #tpu.memory_space<hbm>>) target(%arg10 : memref<128x128xf32, #tpu.memory_space<vmem>>) offsets(%dma_start3A_58 : memref<128xi32, #tpu.memory_space<vmem>>) semaphore(%arg13 : memref<!tpu.dma_semaphore, #tpu.memory_space<semaphore_mem>>)
    %scan3A_62 = arith.constant 0 : i32
    %scan3A_63 = arith.constant 80 : i32
    %scan3A_64 = arith.addi %scan3A_62, %scan3A_63 : i32
    %scan3A_65 = arith.constant 1 : i32
    scf.for %scan3A_85 = %scan3A_62 to %scan3A_64 step %scan3A_65  : i32 {
      %mul3A_86 = arith.constant 1 : i32
      %mul3A_87 = arith.muli %scan3A_85, %mul3A_86 : i32
      %add3A_88 = arith.constant 0 : i32
      %add3A_89 = arith.addi %add3A_88, %mul3A_87 : i32
      %mul3A_90 = arith.constant 2 : i32
      %mul3A_91 = arith.muli %add3A_89, %mul3A_90 : i32
      %add3A_92 = arith.constant 1 : i32
      %add3A_93 = arith.addi %mul3A_91, %add3A_92 : i32
      %mul3A_94 = arith.constant 128 : i32
      %mul3A_95 = arith.muli %add3A_93, %mul3A_94 : i32
      %dma_start3A_96 = tpu.memref_slice %arg6[%mul3A_95] : memref<20608xi32, #tpu.memory_space<vmem>> -> memref<128xi32, #tpu.memory_space<vmem>>
      %dma_start3A_97 = arith.constant 0 : i32
      %dma_start3A_98 = arith.constant 0 : i32
      %dma_start3A_99 = tpu.memref_slice %arg2[%dma_start3A_97, %dma_start3A_98] : memref<20000x128xf32, #tpu.memory_space<hbm>> -> memref<20000x128xf32, #tpu.memory_space<hbm>>
      tpu.enqueue_indirect_dma source(%dma_start3A_99 : memref<20000x128xf32, #tpu.memory_space<hbm>>) target(%arg11 : memref<128x128xf32, #tpu.memory_space<vmem>>) offsets(%dma_start3A_96 : memref<128xi32, #tpu.memory_space<vmem>>) semaphore(%arg14 : memref<!tpu.dma_semaphore, #tpu.memory_space<semaphore_mem>>)
      %mul3A_100 = arith.constant 128 : i32
      %mul3A_101 = arith.muli %mul3A_91, %mul3A_100 : i32
      %scan3A_102 = arith.constant 0 : i32
      %scan3A_103 = arith.constant 8 : i32
      %scan3A_104 = arith.addi %scan3A_102, %scan3A_103 : i32
      %scan3A_105 = arith.constant 1 : i32
      scf.for %scan3A_136 = %scan3A_102 to %scan3A_104 step %scan3A_105  : i32 {
        %mul3A_137 = arith.constant 1 : i32
        %mul3A_138 = arith.muli %scan3A_136, %mul3A_137 : i32
        %add3A_139 = arith.constant 0 : i32
        %add3A_140 = arith.addi %add3A_139, %mul3A_138 : i32
        %mul3A_141 = arith.constant 16 : i32
        %mul3A_142 = arith.muli %add3A_140, %mul3A_141 : i32
        %get3A = tpu.memref_slice %arg7[%mul3A_101] : memref<20480xi32, #tpu.memory_space<vmem>> -> memref<128xi32, #tpu.memory_space<vmem>>
        %get3A_143 = arith.index_cast %mul3A_142 : i32 to index
        %get3A_144 = tpu.vector_load %get3A[%get3A_143] {strides = array<i32>} : memref<128xi32, #tpu.memory_space<vmem>>, vector<16xi32>,
        %get3A_145 = vector.shape_cast %get3A_144 : vector<16xi32> to vector<16xi32>
        %and3A = arith.constant 63 : i32
        %and3A_146 = vector.broadcast %and3A : i32 to vector<16xi32>
        %and3A_147 = arith.andi %get3A_145, %and3A_146 : vector<16xi32>
        %add3A_148 = arith.constant 5000 : i32
        %add3A_149 = vector.broadcast %add3A_148 : i32 to vector<16xi32>
        %add3A_150 = arith.addi %add3A_149, %and3A_147 : vector<16xi32>
        %ge3A = arith.constant 5000 : i32
        %ge3A_151 = vector.broadcast %ge3A : i32 to vector<16xi32>
        %ge3A_152 = arith.cmpi sge, %get3A_145, %ge3A_151 : vector<16xi32>
        %lt3A = arith.constant 10000 : i32
        %lt3A_153 = vector.broadcast %lt3A : i32 to vector<16xi32>
        %lt3A_154 = arith.cmpi slt, %get3A_145, %lt3A_153 : vector<16xi32>
        %and3A_155 = arith.andi %ge3A_152, %lt3A_154 : vector<16xi1>
        %sub3A = arith.constant 5000 : i32
        %sub3A_156 = vector.broadcast %sub3A : i32 to vector<16xi32>
        %sub3A_157 = arith.subi %get3A_145, %sub3A_156 : vector<16xi32>
        %select_n3A = arith.select %and3A_155, %sub3A_157, %add3A_150 : vector<16xi1>, vector<16xi32>
        %swap3A = arith.index_cast %mul3A_142 : i32 to index
        %swap3A_158 = tpu.vector_load %arg8[%swap3A] {strides = array<i32>} : memref<128xi32, #tpu.memory_space<vmem>>, vector<16xi32>,
        %swap3A_159 = vector.shape_cast %swap3A_158 : vector<16xi32> to vector<16xi32>
        %swap3A_160 = vector.shape_cast %select_n3A : vector<16xi32> to vector<16xi32>
        tpu.vector_store %arg8[%swap3A], %swap3A_160 {strides = array<i32>} : memref<128xi32, #tpu.memory_space<vmem>>, vector<16xi32>,
      }
      %scan3A_106 = arith.constant 8 : i32
      %dma_wait3A_107 = arith.constant 0 : i32
      %dma_wait3A_108 = arith.constant 0 : i32
      %dma_wait3A_109 = tpu.memref_slice %arg2[%dma_wait3A_107, %dma_wait3A_108] : memref<20000x128xf32, #tpu.memory_space<hbm>> -> memref<128x128xf32, #tpu.memory_space<hbm>>
      %dma_wait3A_110 = arith.constant 0 : i32
      %dma_wait3A_111 = arith.constant 0 : i32
      %dma_wait3A_112 = tpu.memref_slice %arg2[%dma_wait3A_110, %dma_wait3A_111] : memref<20000x128xf32, #tpu.memory_space<hbm>> -> memref<128x128xf32, #tpu.memory_space<hbm>>
      tpu.wait_dma2 semaphore(%arg13 : memref<!tpu.dma_semaphore, #tpu.memory_space<semaphore_mem>>) src(%dma_wait3A_112 : memref<128x128xf32, #tpu.memory_space<hbm>>) dst(%arg10 : memref<128x128xf32, #tpu.memory_space<vmem>>)
      "tpu.region"() ({
        %run_scoped3A = tpu.sem_alloc : memref<!tpu.dma_semaphore, #tpu.memory_space<semaphore_mem>>
        %dma_start3A_136 = arith.constant 0 : i32
        %dma_start3A_137 = arith.constant 0 : i32
        %dma_start3A_138 = tpu.memref_slice %arg12[%dma_start3A_136, %dma_start3A_137] : memref<5064x128xf32, #tpu.memory_space<vmem_shared>> -> memref<5064x128xf32, #tpu.memory_space<vmem_shared>>
        tpu.enqueue_indirect_dma source(%arg10 : memref<128x128xf32, #tpu.memory_space<vmem>>) target(%dma_start3A_138 : memref<5064x128xf32, #tpu.memory_space<vmem_shared>>) offsets(%arg8 : memref<128xi32, #tpu.memory_space<vmem>>) semaphore(%run_scoped3A : memref<!tpu.dma_semaphore, #tpu.memory_space<semaphore_mem>>) {add = true}
        %dma_wait3A_139 = arith.constant 0 : i32
        %dma_wait3A_140 = arith.constant 0 : i32
        %dma_wait3A_141 = tpu.memref_slice %arg12[%dma_wait3A_139, %dma_wait3A_140] : memref<5064x128xf32, #tpu.memory_space<vmem_shared>> -> memref<5064x128xf32, #tpu.memory_space<vmem_shared>>
        tpu.wait_indirect_dma semaphore(%run_scoped3A : memref<!tpu.dma_semaphore, #tpu.memory_space<semaphore_mem>>) src(%arg10 : memref<128x128xf32, #tpu.memory_space<vmem>>) dst(%dma_wait3A_141 : memref<5064x128xf32, #tpu.memory_space<vmem_shared>>)
        tpu.yield
      }) : () -> ()
      %add3A_113 = arith.constant 2 : i32
      %add3A_114 = arith.addi %mul3A_91, %add3A_113 : i32
      %mul3A_115 = arith.constant 128 : i32
      %mul3A_116 = arith.muli %add3A_114, %mul3A_115 : i32
      %dma_start3A_117 = tpu.memref_slice %arg6[%mul3A_116] : memref<20608xi32, #tpu.memory_space<vmem>> -> memref<128xi32, #tpu.memory_space<vmem>>
      %dma_start3A_118 = arith.constant 0 : i32
      %dma_start3A_119 = arith.constant 0 : i32
      %dma_start3A_120 = tpu.memref_slice %arg2[%dma_start3A_118, %dma_start3A_119] : memref<20000x128xf32, #tpu.memory_space<hbm>> -> memref<20000x128xf32, #tpu.memory_space<hbm>>
      tpu.enqueue_indirect_dma source(%dma_start3A_120 : memref<20000x128xf32, #tpu.memory_space<hbm>>) target(%arg10 : memref<128x128xf32, #tpu.memory_space<vmem>>) offsets(%dma_start3A_117 : memref<128xi32, #tpu.memory_space<vmem>>) semaphore(%arg13 : memref<!tpu.dma_semaphore, #tpu.memory_space<semaphore_mem>>)
      %mul3A_121 = arith.constant 128 : i32
      %mul3A_122 = arith.muli %mul3A_91, %mul3A_121 : i32
      %add3A_123 = arith.constant 128 : i32
      %add3A_124 = arith.addi %mul3A_122, %add3A_123 : i32
      %scan3A_125 = arith.constant 0 : i32
      %scan3A_126 = arith.constant 8 : i32
      %scan3A_127 = arith.addi %scan3A_125, %scan3A_126 : i32
      %scan3A_128 = arith.constant 1 : i32
      scf.for %scan3A_136 = %scan3A_125 to %scan3A_127 step %scan3A_128  : i32 {
        %mul3A_137 = arith.constant 1 : i32
        %mul3A_138 = arith.muli %scan3A_136, %mul3A_137 : i32
        %add3A_139 = arith.constant 0 : i32
        %add3A_140 = arith.addi %add3A_139, %mul3A_138 : i32
        %mul3A_141 = arith.constant 16 : i32
        %mul3A_142 = arith.muli %add3A_140, %mul3A_141 : i32
        %get3A = tpu.memref_slice %arg7[%add3A_124] : memref<20480xi32, #tpu.memory_space<vmem>> -> memref<128xi32, #tpu.memory_space<vmem>>
        %get3A_143 = arith.index_cast %mul3A_142 : i32 to index
        %get3A_144 = tpu.vector_load %get3A[%get3A_143] {strides = array<i32>} : memref<128xi32, #tpu.memory_space<vmem>>, vector<16xi32>,
        %get3A_145 = vector.shape_cast %get3A_144 : vector<16xi32> to vector<16xi32>
        %and3A = arith.constant 63 : i32
        %and3A_146 = vector.broadcast %and3A : i32 to vector<16xi32>
        %and3A_147 = arith.andi %get3A_145, %and3A_146 : vector<16xi32>
        %add3A_148 = arith.constant 5000 : i32
        %add3A_149 = vector.broadcast %add3A_148 : i32 to vector<16xi32>
        %add3A_150 = arith.addi %add3A_149, %and3A_147 : vector<16xi32>
        %ge3A = arith.constant 5000 : i32
        %ge3A_151 = vector.broadcast %ge3A : i32 to vector<16xi32>
        %ge3A_152 = arith.cmpi sge, %get3A_145, %ge3A_151 : vector<16xi32>
        %lt3A = arith.constant 10000 : i32
        %lt3A_153 = vector.broadcast %lt3A : i32 to vector<16xi32>
        %lt3A_154 = arith.cmpi slt, %get3A_145, %lt3A_153 : vector<16xi32>
        %and3A_155 = arith.andi %ge3A_152, %lt3A_154 : vector<16xi1>
        %sub3A = arith.constant 5000 : i32
        %sub3A_156 = vector.broadcast %sub3A : i32 to vector<16xi32>
        %sub3A_157 = arith.subi %get3A_145, %sub3A_156 : vector<16xi32>
        %select_n3A = arith.select %and3A_155, %sub3A_157, %add3A_150 : vector<16xi1>, vector<16xi32>
        %swap3A = arith.index_cast %mul3A_142 : i32 to index
        %swap3A_158 = tpu.vector_load %arg9[%swap3A] {strides = array<i32>} : memref<128xi32, #tpu.memory_space<vmem>>, vector<16xi32>,
        %swap3A_159 = vector.shape_cast %swap3A_158 : vector<16xi32> to vector<16xi32>
        %swap3A_160 = vector.shape_cast %select_n3A : vector<16xi32> to vector<16xi32>
        tpu.vector_store %arg9[%swap3A], %swap3A_160 {strides = array<i32>} : memref<128xi32, #tpu.memory_space<vmem>>, vector<16xi32>,
      }
      %scan3A_129 = arith.constant 8 : i32
      %dma_wait3A_130 = arith.constant 0 : i32
      %dma_wait3A_131 = arith.constant 0 : i32
      %dma_wait3A_132 = tpu.memref_slice %arg2[%dma_wait3A_130, %dma_wait3A_131] : memref<20000x128xf32, #tpu.memory_space<hbm>> -> memref<128x128xf32, #tpu.memory_space<hbm>>
      %dma_wait3A_133 = arith.constant 0 : i32
      %dma_wait3A_134 = arith.constant 0 : i32
      %dma_wait3A_135 = tpu.memref_slice %arg2[%dma_wait3A_133, %dma_wait3A_134] : memref<20000x128xf32, #tpu.memory_space<hbm>> -> memref<128x128xf32, #tpu.memory_space<hbm>>
      tpu.wait_dma2 semaphore(%arg14 : memref<!tpu.dma_semaphore, #tpu.memory_space<semaphore_mem>>) src(%dma_wait3A_135 : memref<128x128xf32, #tpu.memory_space<hbm>>) dst(%arg11 : memref<128x128xf32, #tpu.memory_space<vmem>>)
      "tpu.region"() ({
        %run_scoped3A = tpu.sem_alloc : memref<!tpu.dma_semaphore, #tpu.memory_space<semaphore_mem>>
        %dma_start3A_136 = arith.constant 0 : i32
        %dma_start3A_137 = arith.constant 0 : i32
        %dma_start3A_138 = tpu.memref_slice %arg12[%dma_start3A_136, %dma_start3A_137] : memref<5064x128xf32, #tpu.memory_space<vmem_shared>> -> memref<5064x128xf32, #tpu.memory_space<vmem_shared>>
        tpu.enqueue_indirect_dma source(%arg11 : memref<128x128xf32, #tpu.memory_space<vmem>>) target(%dma_start3A_138 : memref<5064x128xf32, #tpu.memory_space<vmem_shared>>) offsets(%arg9 : memref<128xi32, #tpu.memory_space<vmem>>) semaphore(%run_scoped3A : memref<!tpu.dma_semaphore, #tpu.memory_space<semaphore_mem>>) {add = true}
        %dma_wait3A_139 = arith.constant 0 : i32
        %dma_wait3A_140 = arith.constant 0 : i32
        %dma_wait3A_141 = tpu.memref_slice %arg12[%dma_wait3A_139, %dma_wait3A_140] : memref<5064x128xf32, #tpu.memory_space<vmem_shared>> -> memref<5064x128xf32, #tpu.memory_space<vmem_shared>>
        tpu.wait_indirect_dma semaphore(%run_scoped3A : memref<!tpu.dma_semaphore, #tpu.memory_space<semaphore_mem>>) src(%arg11 : memref<128x128xf32, #tpu.memory_space<vmem>>) dst(%dma_wait3A_141 : memref<5064x128xf32, #tpu.memory_space<vmem_shared>>)
        tpu.yield
      }) : () -> ()
    }
    %scan3A_66 = arith.constant 80 : i32
    %dma_wait3A_67 = arith.constant 0 : i32
    %dma_wait3A_68 = arith.constant 0 : i32
    %dma_wait3A_69 = tpu.memref_slice %arg2[%dma_wait3A_67, %dma_wait3A_68] : memref<20000x128xf32, #tpu.memory_space<hbm>> -> memref<128x128xf32, #tpu.memory_space<hbm>>
    %dma_wait3A_70 = arith.constant 0 : i32
    %dma_wait3A_71 = arith.constant 0 : i32
    %dma_wait3A_72 = tpu.memref_slice %arg2[%dma_wait3A_70, %dma_wait3A_71] : memref<20000x128xf32, #tpu.memory_space<hbm>> -> memref<128x128xf32, #tpu.memory_space<hbm>>
    tpu.wait_dma2 semaphore(%arg13 : memref<!tpu.dma_semaphore, #tpu.memory_space<semaphore_mem>>) src(%dma_wait3A_72 : memref<128x128xf32, #tpu.memory_space<hbm>>) dst(%arg10 : memref<128x128xf32, #tpu.memory_space<vmem>>)
    %barrier3A_73 = arith.constant 0 : index
    tpu.barrier barrier_id(%barrier3A_73)
    %mul3A_74 = arith.constant 10000 : i32
    %mul3A_75 = arith.muli %arg0, %mul3A_74 : i32
    %add3A_76 = arith.constant 5000 : i32
    %add3A_77 = arith.addi %mul3A_75, %add3A_76 : i32
    %add3A_78 = arith.addi %add3A_77, %mul3A_45 : i32
    "tpu.region"() ({
      %run_scoped3A = tpu.sem_alloc : memref<!tpu.dma_semaphore, #tpu.memory_space<semaphore_mem>>
      %dma_start3A_85 = arith.constant 0 : i32
      %dma_start3A_86 = tpu.memref_slice %arg5[%add3A_78, %dma_start3A_85] : memref<20000x128xf32, #tpu.memory_space<hbm>> -> memref<312x128xf32, #tpu.memory_space<hbm>>
      %dma_start3A_87 = arith.constant 0 : i32
      %dma_start3A_88 = tpu.memref_slice %arg12[%mul3A_45, %dma_start3A_87] : memref<5064x128xf32, #tpu.memory_space<vmem_shared>> -> memref<312x128xf32, #tpu.memory_space<vmem_shared>>
      tpu.enqueue_dma source(%dma_start3A_88 : memref<312x128xf32, #tpu.memory_space<vmem_shared>>) target(%dma_start3A_86 : memref<312x128xf32, #tpu.memory_space<hbm>>) target_semaphore(%run_scoped3A : memref<!tpu.dma_semaphore, #tpu.memory_space<semaphore_mem>>)
      %dma_wait3A_89 = arith.constant 0 : i32
      %dma_wait3A_90 = tpu.memref_slice %arg5[%add3A_78, %dma_wait3A_89] : memref<20000x128xf32, #tpu.memory_space<hbm>> -> memref<312x128xf32, #tpu.memory_space<hbm>>
      %dma_wait3A_91 = arith.constant 0 : i32
      %dma_wait3A_92 = tpu.memref_slice %arg12[%mul3A_45, %dma_wait3A_91] : memref<5064x128xf32, #tpu.memory_space<vmem_shared>> -> memref<312x128xf32, #tpu.memory_space<vmem_shared>>
      tpu.wait_dma2 semaphore(%run_scoped3A : memref<!tpu.dma_semaphore, #tpu.memory_space<semaphore_mem>>) src(%dma_wait3A_92 : memref<312x128xf32, #tpu.memory_space<vmem_shared>>) dst(%dma_wait3A_90 : memref<312x128xf32, #tpu.memory_space<hbm>>)
      tpu.yield
    }) : () -> ()
    %eq3A_79 = arith.constant 15 : i32
    %eq3A_80 = arith.cmpi eq, %arg1, %eq3A_79 : i32
    %convert_element_type3A_81 = arith.extui %eq3A_80 : i1 to i32
    %cond3A_82 = arith.constant 0 : i32
    %cond3A_83 = arith.cmpi ne, %convert_element_type3A_81, %cond3A_82 : i32
    scf.if %cond3A_83 {
      %mul3A_85 = arith.constant 10000 : i32
      %mul3A_86 = arith.muli %arg0, %mul3A_85 : i32
      %add3A_87 = arith.constant 5000 : i32
      %add3A_88 = arith.addi %mul3A_86, %add3A_87 : i32
      %add3A_89 = arith.constant 4992 : i32
      %add3A_90 = arith.addi %add3A_88, %add3A_89 : i32
      "tpu.region"() ({
        %run_scoped3A = tpu.sem_alloc : memref<!tpu.dma_semaphore, #tpu.memory_space<semaphore_mem>>
        %dma_start3A_91 = arith.constant 0 : i32
        %dma_start3A_92 = tpu.memref_slice %arg5[%add3A_90, %dma_start3A_91] : memref<20000x128xf32, #tpu.memory_space<hbm>> -> memref<8x128xf32, #tpu.memory_space<hbm>>
        %dma_start3A_93 = arith.constant 4992 : i32
        %dma_start3A_94 = arith.constant 0 : i32
        %dma_start3A_95 = tpu.memref_slice %arg12[%dma_start3A_93, %dma_start3A_94] : memref<5064x128xf32, #tpu.memory_space<vmem_shared>> -> memref<8x128xf32, #tpu.memory_space<vmem_shared>>
        tpu.enqueue_dma source(%dma_start3A_95 : memref<8x128xf32, #tpu.memory_space<vmem_shared>>) target(%dma_start3A_92 : memref<8x128xf32, #tpu.memory_space<hbm>>) target_semaphore(%run_scoped3A : memref<!tpu.dma_semaphore, #tpu.memory_space<semaphore_mem>>)
        %dma_wait3A_96 = arith.constant 0 : i32
        %dma_wait3A_97 = tpu.memref_slice %arg5[%add3A_90, %dma_wait3A_96] : memref<20000x128xf32, #tpu.memory_space<hbm>> -> memref<8x128xf32, #tpu.memory_space<hbm>>
        %dma_wait3A_98 = arith.constant 4992 : i32
        %dma_wait3A_99 = arith.constant 0 : i32
        %dma_wait3A_100 = tpu.memref_slice %arg12[%dma_wait3A_98, %dma_wait3A_99] : memref<5064x128xf32, #tpu.memory_space<vmem_shared>> -> memref<8x128xf32, #tpu.memory_space<vmem_shared>>
        tpu.wait_dma2 semaphore(%run_scoped3A : memref<!tpu.dma_semaphore, #tpu.memory_space<semaphore_mem>>) src(%dma_wait3A_100 : memref<8x128xf32, #tpu.memory_space<vmem_shared>>) dst(%dma_wait3A_97 : memref<8x128xf32, #tpu.memory_space<hbm>>)
        tpu.yield
      }) : () -> ()
    } else {
    }
    %barrier3A_84 = arith.constant 0 : index
    tpu.barrier barrier_id(%barrier3A_84)
    return
  }
}

#map = affine_map<(d0, d1) -> (0, 0)>
#map1 = affine_map<(d0, d1) -> (0)>
module attributes {stable_mosaic.version = 14 : i64} {
  func.func @_sc_agg_body(%arg0: i32, %arg1: i32, %arg2: memref<20000x128xf32, #tpu.memory_space<hbm>>, %arg3: memref<655360xi32, #tpu.memory_space<hbm>>, %arg4: memref<327680xi32, #tpu.memory_space<hbm>>, %arg5: memref<20000x128xf32, #tpu.memory_space<hbm>>, %arg6: memref<20608xi32, #tpu.memory_space<vmem>>, %arg7: memref<20480xi32, #tpu.memory_space<vmem>>, %arg8: memref<128xi32, #tpu.memory_space<vmem>>, %arg9: memref<128xi32, #tpu.memory_space<vmem>>, %arg10: memref<128x128xf32, #tpu.memory_space<vmem>>, %arg11: memref<128x128xf32, #tpu.memory_space<vmem>>, %arg12: memref<5064x128xf32, #tpu.memory_space<vmem_shared>>, %arg13: memref<!tpu.dma_semaphore, #tpu.memory_space<semaphore_mem>>, %arg14: memref<!tpu.dma_semaphore, #tpu.memory_space<semaphore_mem>>) attributes {dimension_semantics = [#tpu.dimension_semantics<core_parallel>, #tpu.dimension_semantics<subcore_parallel>], iteration_bounds = array<i64: 2, 16>, scalar_prefetch = 0 : i64, scratch_operands = 9 : i64, tpu.core_type = #tpu.core_type<sc_vector_subcore>, window_params = [{transform_indices = #map}, {transform_indices = #map1}, {transform_indices = #map1}, {transform_indices = #map}]} {
    %mul3A = arith.constant 160 : i32
    %mul3A_0 = arith.muli %arg1, %mul3A : i32
    %mul3A_1 = arith.constant 128 : i32
    %mul3A_2 = arith.muli %mul3A_0, %mul3A_1 : i32
    %mul3A_3 = arith.constant 327680 : i32
    %mul3A_4 = arith.muli %arg0, %mul3A_3 : i32
    %add3A = arith.addi %mul3A_4, %mul3A_2 : i32
    "tpu.region"() ({
      %run_scoped3A = tpu.sem_alloc : memref<!tpu.dma_semaphore, #tpu.memory_space<semaphore_mem>>
      %dma_start3A_85 = arith.constant 0 : i32
      %dma_start3A_86 = tpu.memref_slice %arg6[%dma_start3A_85] : memref<20608xi32, #tpu.memory_space<vmem>> -> memref<20480xi32, #tpu.memory_space<vmem>>
      %dma_start3A_87 = tpu.memref_slice %arg3[%add3A] : memref<655360xi32, #tpu.memory_space<hbm>> -> memref<20480xi32, #tpu.memory_space<hbm>>
      %dma_start3A_88 = arith.constant 0 : i32
      %dma_start3A_89 = tpu.memref_slice %arg6[%dma_start3A_88] : memref<20608xi32, #tpu.memory_space<vmem>> -> memref<20480xi32, #tpu.memory_space<vmem>>
      %dma_start3A_90 = tpu.memref_slice %arg3[%add3A] : memref<655360xi32, #tpu.memory_space<hbm>> -> memref<20480xi32, #tpu.memory_space<hbm>>
      tpu.enqueue_dma source(%dma_start3A_90 : memref<20480xi32, #tpu.memory_space<hbm>>) target(%dma_start3A_89 : memref<20480xi32, #tpu.memory_space<vmem>>) target_semaphore(%run_scoped3A : memref<!tpu.dma_semaphore, #tpu.memory_space<semaphore_mem>>)
      %dma_wait3A_91 = arith.constant 0 : i32
      %dma_wait3A_92 = tpu.memref_slice %arg6[%dma_wait3A_91] : memref<20608xi32, #tpu.memory_space<vmem>> -> memref<20480xi32, #tpu.memory_space<vmem>>
      %dma_wait3A_93 = tpu.memref_slice %arg3[%add3A] : memref<655360xi32, #tpu.memory_space<hbm>> -> memref<20480xi32, #tpu.memory_space<hbm>>
      %dma_wait3A_94 = arith.constant 0 : i32
      %dma_wait3A_95 = tpu.memref_slice %arg6[%dma_wait3A_94] : memref<20608xi32, #tpu.memory_space<vmem>> -> memref<20480xi32, #tpu.memory_space<vmem>>
      %dma_wait3A_96 = tpu.memref_slice %arg3[%add3A] : memref<655360xi32, #tpu.memory_space<hbm>> -> memref<20480xi32, #tpu.memory_space<hbm>>
      tpu.wait_dma2 semaphore(%run_scoped3A : memref<!tpu.dma_semaphore, #tpu.memory_space<semaphore_mem>>) src(%dma_wait3A_96 : memref<20480xi32, #tpu.memory_space<hbm>>) dst(%dma_wait3A_95 : memref<20480xi32, #tpu.memory_space<vmem>>)
      tpu.yield
    }) : () -> ()
    "tpu.region"() ({
      %run_scoped3A = tpu.sem_alloc : memref<!tpu.dma_semaphore, #tpu.memory_space<semaphore_mem>>
      %dma_start3A_85 = tpu.memref_slice %arg4[%mul3A_2] : memref<327680xi32, #tpu.memory_space<hbm>> -> memref<20480xi32, #tpu.memory_space<hbm>>
      %dma_start3A_86 = tpu.memref_slice %arg4[%mul3A_2] : memref<327680xi32, #tpu.memory_space<hbm>> -> memref<20480xi32, #tpu.memory_space<hbm>>
      tpu.enqueue_dma source(%dma_start3A_86 : memref<20480xi32, #tpu.memory_space<hbm>>) target(%arg7 : memref<20480xi32, #tpu.memory_space<vmem>>) target_semaphore(%run_scoped3A : memref<!tpu.dma_semaphore, #tpu.memory_space<semaphore_mem>>)
      %dma_wait3A_87 = tpu.memref_slice %arg4[%mul3A_2] : memref<327680xi32, #tpu.memory_space<hbm>> -> memref<20480xi32, #tpu.memory_space<hbm>>
      %dma_wait3A_88 = tpu.memref_slice %arg4[%mul3A_2] : memref<327680xi32, #tpu.memory_space<hbm>> -> memref<20480xi32, #tpu.memory_space<hbm>>
      tpu.wait_dma2 semaphore(%run_scoped3A : memref<!tpu.dma_semaphore, #tpu.memory_space<semaphore_mem>>) src(%dma_wait3A_88 : memref<20480xi32, #tpu.memory_space<hbm>>) dst(%arg7 : memref<20480xi32, #tpu.memory_space<vmem>>)
      tpu.yield
    }) : () -> ()
    %scan3A = arith.constant 0 : i32
    %scan3A_5 = arith.constant 8 : i32
    %scan3A_6 = arith.addi %scan3A, %scan3A_5 : i32
    %scan3A_7 = arith.constant 1 : i32
    scf.for %scan3A_85 = %scan3A to %scan3A_6 step %scan3A_7  : i32 {
      %mul3A_86 = arith.constant 1 : i32
      %mul3A_87 = arith.muli %scan3A_85, %mul3A_86 : i32
      %add3A_88 = arith.constant 0 : i32
      %add3A_89 = arith.addi %add3A_88, %mul3A_87 : i32
      %broadcast_in_dim3A = arith.constant 0 : i32
      %broadcast_in_dim3A_90 = vector.broadcast %broadcast_in_dim3A : i32 to vector<16xi32>
      %mul3A_91 = arith.constant 16 : i32
      %mul3A_92 = arith.muli %add3A_89, %mul3A_91 : i32
      %add3A_93 = arith.constant 20480 : i32
      %add3A_94 = arith.addi %add3A_93, %mul3A_92 : i32
      %swap3A = arith.index_cast %add3A_94 : i32 to index
      %swap3A_95 = tpu.vector_load %arg6[%swap3A] {strides = array<i32>} : memref<20608xi32, #tpu.memory_space<vmem>>, vector<16xi32>,
      %swap3A_96 = vector.shape_cast %swap3A_95 : vector<16xi32> to vector<16xi32>
      %swap3A_97 = vector.shape_cast %broadcast_in_dim3A_90 : vector<16xi32> to vector<16xi32>
      tpu.vector_store %arg6[%swap3A], %swap3A_97 {strides = array<i32>} : memref<20608xi32, #tpu.memory_space<vmem>>, vector<16xi32>,
    }
    %scan3A_8 = arith.constant 8 : i32
    %mul3A_9 = arith.constant 312 : i32
    %mul3A_10 = arith.muli %arg1, %mul3A_9 : i32
    %mul3A_11 = arith.constant 10000 : i32
    %mul3A_12 = arith.muli %arg0, %mul3A_11 : i32
    %add3A_13 = arith.constant 0 : i32
    %add3A_14 = arith.addi %mul3A_12, %add3A_13 : i32
    %add3A_15 = arith.addi %add3A_14, %mul3A_10 : i32
    "tpu.region"() ({
      %run_scoped3A = tpu.sem_alloc : memref<!tpu.dma_semaphore, #tpu.memory_space<semaphore_mem>>
      %dma_start3A_85 = arith.constant 0 : i32
      %dma_start3A_86 = tpu.memref_slice %arg12[%mul3A_10, %dma_start3A_85] : memref<5064x128xf32, #tpu.memory_space<vmem_shared>> -> memref<312x128xf32, #tpu.memory_space<vmem_shared>>
      %dma_start3A_87 = arith.constant 0 : i32
      %dma_start3A_88 = tpu.memref_slice %arg2[%add3A_15, %dma_start3A_87] : memref<20000x128xf32, #tpu.memory_space<hbm>> -> memref<312x128xf32, #tpu.memory_space<hbm>>
      tpu.enqueue_dma source(%dma_start3A_88 : memref<312x128xf32, #tpu.memory_space<hbm>>) target(%dma_start3A_86 : memref<312x128xf32, #tpu.memory_space<vmem_shared>>) target_semaphore(%run_scoped3A : memref<!tpu.dma_semaphore, #tpu.memory_space<semaphore_mem>>)
      %dma_wait3A_89 = arith.constant 0 : i32
      %dma_wait3A_90 = tpu.memref_slice %arg12[%mul3A_10, %dma_wait3A_89] : memref<5064x128xf32, #tpu.memory_space<vmem_shared>> -> memref<312x128xf32, #tpu.memory_space<vmem_shared>>
      %dma_wait3A_91 = arith.constant 0 : i32
      %dma_wait3A_92 = tpu.memref_slice %arg2[%add3A_15, %dma_wait3A_91] : memref<20000x128xf32, #tpu.memory_space<hbm>> -> memref<312x128xf32, #tpu.memory_space<hbm>>
      tpu.wait_dma2 semaphore(%run_scoped3A : memref<!tpu.dma_semaphore, #tpu.memory_space<semaphore_mem>>) src(%dma_wait3A_92 : memref<312x128xf32, #tpu.memory_space<hbm>>) dst(%dma_wait3A_90 : memref<312x128xf32, #tpu.memory_space<vmem_shared>>)
      tpu.yield
    }) : () -> ()
    %eq3A = arith.constant 15 : i32
    %eq3A_16 = arith.cmpi eq, %arg1, %eq3A : i32
    %convert_element_type3A = arith.extui %eq3A_16 : i1 to i32
    %cond3A = arith.constant 0 : i32
    %cond3A_17 = arith.cmpi ne, %convert_element_type3A, %cond3A : i32
    scf.if %cond3A_17 {
      %mul3A_85 = arith.constant 10000 : i32
      %mul3A_86 = arith.muli %arg0, %mul3A_85 : i32
      %add3A_87 = arith.constant 0 : i32
      %add3A_88 = arith.addi %mul3A_86, %add3A_87 : i32
      %add3A_89 = arith.constant 4992 : i32
      %add3A_90 = arith.addi %add3A_88, %add3A_89 : i32
      "tpu.region"() ({
        %run_scoped3A = tpu.sem_alloc : memref<!tpu.dma_semaphore, #tpu.memory_space<semaphore_mem>>
        %dma_start3A_91 = arith.constant 4992 : i32
        %dma_start3A_92 = arith.constant 0 : i32
        %dma_start3A_93 = tpu.memref_slice %arg12[%dma_start3A_91, %dma_start3A_92] : memref<5064x128xf32, #tpu.memory_space<vmem_shared>> -> memref<8x128xf32, #tpu.memory_space<vmem_shared>>
        %dma_start3A_94 = arith.constant 0 : i32
        %dma_start3A_95 = tpu.memref_slice %arg2[%add3A_90, %dma_start3A_94] : memref<20000x128xf32, #tpu.memory_space<hbm>> -> memref<8x128xf32, #tpu.memory_space<hbm>>
        tpu.enqueue_dma source(%dma_start3A_95 : memref<8x128xf32, #tpu.memory_space<hbm>>) target(%dma_start3A_93 : memref<8x128xf32, #tpu.memory_space<vmem_shared>>) target_semaphore(%run_scoped3A : memref<!tpu.dma_semaphore, #tpu.memory_space<semaphore_mem>>)
        %dma_wait3A_96 = arith.constant 4992 : i32
        %dma_wait3A_97 = arith.constant 0 : i32
        %dma_wait3A_98 = tpu.memref_slice %arg12[%dma_wait3A_96, %dma_wait3A_97] : memref<5064x128xf32, #tpu.memory_space<vmem_shared>> -> memref<8x128xf32, #tpu.memory_space<vmem_shared>>
        %dma_wait3A_99 = arith.constant 0 : i32
        %dma_wait3A_100 = tpu.memref_slice %arg2[%add3A_90, %dma_wait3A_99] : memref<20000x128xf32, #tpu.memory_space<hbm>> -> memref<8x128xf32, #tpu.memory_space<hbm>>
        tpu.wait_dma2 semaphore(%run_scoped3A : memref<!tpu.dma_semaphore, #tpu.memory_space<semaphore_mem>>) src(%dma_wait3A_100 : memref<8x128xf32, #tpu.memory_space<hbm>>) dst(%dma_wait3A_98 : memref<8x128xf32, #tpu.memory_space<vmem_shared>>)
        tpu.yield
      }) : () -> ()
    } else {
    }
    %barrier3A = arith.constant 0 : index
    tpu.barrier barrier_id(%barrier3A)
    %dma_start3A = arith.constant 0 : i32
    %dma_start3A_18 = tpu.memref_slice %arg6[%dma_start3A] : memref<20608xi32, #tpu.memory_space<vmem>> -> memref<128xi32, #tpu.memory_space<vmem>>
    %dma_start3A_19 = arith.constant 0 : i32
    %dma_start3A_20 = arith.constant 0 : i32
    %dma_start3A_21 = tpu.memref_slice %arg2[%dma_start3A_19, %dma_start3A_20] : memref<20000x128xf32, #tpu.memory_space<hbm>> -> memref<20000x128xf32, #tpu.memory_space<hbm>>
    tpu.enqueue_indirect_dma source(%dma_start3A_21 : memref<20000x128xf32, #tpu.memory_space<hbm>>) target(%arg10 : memref<128x128xf32, #tpu.memory_space<vmem>>) offsets(%dma_start3A_18 : memref<128xi32, #tpu.memory_space<vmem>>) semaphore(%arg13 : memref<!tpu.dma_semaphore, #tpu.memory_space<semaphore_mem>>)
    %scan3A_22 = arith.constant 0 : i32
    %scan3A_23 = arith.constant 80 : i32
    %scan3A_24 = arith.addi %scan3A_22, %scan3A_23 : i32
    %scan3A_25 = arith.constant 1 : i32
    scf.for %scan3A_85 = %scan3A_22 to %scan3A_24 step %scan3A_25  : i32 {
      %mul3A_86 = arith.constant 1 : i32
      %mul3A_87 = arith.muli %scan3A_85, %mul3A_86 : i32
      %add3A_88 = arith.constant 0 : i32
      %add3A_89 = arith.addi %add3A_88, %mul3A_87 : i32
      %mul3A_90 = arith.constant 2 : i32
      %mul3A_91 = arith.muli %add3A_89, %mul3A_90 : i32
      %add3A_92 = arith.constant 1 : i32
      %add3A_93 = arith.addi %mul3A_91, %add3A_92 : i32
      %mul3A_94 = arith.constant 128 : i32
      %mul3A_95 = arith.muli %add3A_93, %mul3A_94 : i32
      %dma_start3A_96 = tpu.memref_slice %arg6[%mul3A_95] : memref<20608xi32, #tpu.memory_space<vmem>> -> memref<128xi32, #tpu.memory_space<vmem>>
      %dma_start3A_97 = arith.constant 0 : i32
      %dma_start3A_98 = arith.constant 0 : i32
      %dma_start3A_99 = tpu.memref_slice %arg2[%dma_start3A_97, %dma_start3A_98] : memref<20000x128xf32, #tpu.memory_space<hbm>> -> memref<20000x128xf32, #tpu.memory_space<hbm>>
      tpu.enqueue_indirect_dma source(%dma_start3A_99 : memref<20000x128xf32, #tpu.memory_space<hbm>>) target(%arg11 : memref<128x128xf32, #tpu.memory_space<vmem>>) offsets(%dma_start3A_96 : memref<128xi32, #tpu.memory_space<vmem>>) semaphore(%arg14 : memref<!tpu.dma_semaphore, #tpu.memory_space<semaphore_mem>>)
      %mul3A_100 = arith.constant 128 : i32
      %mul3A_101 = arith.muli %mul3A_91, %mul3A_100 : i32
      %scan3A_102 = arith.constant 0 : i32
      %scan3A_103 = arith.constant 8 : i32
      %scan3A_104 = arith.addi %scan3A_102, %scan3A_103 : i32
      %scan3A_105 = arith.constant 1 : i32
      scf.for %scan3A_136 = %scan3A_102 to %scan3A_104 step %scan3A_105  : i32 {
        %mul3A_137 = arith.constant 1 : i32
        %mul3A_138 = arith.muli %scan3A_136, %mul3A_137 : i32
        %add3A_139 = arith.constant 0 : i32
        %add3A_140 = arith.addi %add3A_139, %mul3A_138 : i32
        %mul3A_141 = arith.constant 16 : i32
        %mul3A_142 = arith.muli %add3A_140, %mul3A_141 : i32
        %get3A = tpu.memref_slice %arg7[%mul3A_101] : memref<20480xi32, #tpu.memory_space<vmem>> -> memref<128xi32, #tpu.memory_space<vmem>>
        %get3A_143 = arith.index_cast %mul3A_142 : i32 to index
        %get3A_144 = tpu.vector_load %get3A[%get3A_143] {strides = array<i32>} : memref<128xi32, #tpu.memory_space<vmem>>, vector<16xi32>,
        %get3A_145 = vector.shape_cast %get3A_144 : vector<16xi32> to vector<16xi32>
        %and3A = arith.constant 63 : i32
        %and3A_146 = vector.broadcast %and3A : i32 to vector<16xi32>
        %and3A_147 = arith.andi %get3A_145, %and3A_146 : vector<16xi32>
        %add3A_148 = arith.constant 5000 : i32
        %add3A_149 = vector.broadcast %add3A_148 : i32 to vector<16xi32>
        %add3A_150 = arith.addi %add3A_149, %and3A_147 : vector<16xi32>
        %lt3A = arith.constant 5000 : i32
        %lt3A_151 = vector.broadcast %lt3A : i32 to vector<16xi32>
        %lt3A_152 = arith.cmpi slt, %get3A_145, %lt3A_151 : vector<16xi32>
        %select_n3A = arith.select %lt3A_152, %get3A_145, %add3A_150 : vector<16xi1>, vector<16xi32>
        %swap3A = arith.index_cast %mul3A_142 : i32 to index
        %swap3A_153 = tpu.vector_load %arg8[%swap3A] {strides = array<i32>} : memref<128xi32, #tpu.memory_space<vmem>>, vector<16xi32>,
        %swap3A_154 = vector.shape_cast %swap3A_153 : vector<16xi32> to vector<16xi32>
        %swap3A_155 = vector.shape_cast %select_n3A : vector<16xi32> to vector<16xi32>
        tpu.vector_store %arg8[%swap3A], %swap3A_155 {strides = array<i32>} : memref<128xi32, #tpu.memory_space<vmem>>, vector<16xi32>,
      }
      %scan3A_106 = arith.constant 8 : i32
      %dma_wait3A_107 = arith.constant 0 : i32
      %dma_wait3A_108 = arith.constant 0 : i32
      %dma_wait3A_109 = tpu.memref_slice %arg2[%dma_wait3A_107, %dma_wait3A_108] : memref<20000x128xf32, #tpu.memory_space<hbm>> -> memref<128x128xf32, #tpu.memory_space<hbm>>
      %dma_wait3A_110 = arith.constant 0 : i32
      %dma_wait3A_111 = arith.constant 0 : i32
      %dma_wait3A_112 = tpu.memref_slice %arg2[%dma_wait3A_110, %dma_wait3A_111] : memref<20000x128xf32, #tpu.memory_space<hbm>> -> memref<128x128xf32, #tpu.memory_space<hbm>>
      tpu.wait_dma2 semaphore(%arg13 : memref<!tpu.dma_semaphore, #tpu.memory_space<semaphore_mem>>) src(%dma_wait3A_112 : memref<128x128xf32, #tpu.memory_space<hbm>>) dst(%arg10 : memref<128x128xf32, #tpu.memory_space<vmem>>)
      "tpu.region"() ({
        %run_scoped3A = tpu.sem_alloc : memref<!tpu.dma_semaphore, #tpu.memory_space<semaphore_mem>>
        %dma_start3A_136 = arith.constant 0 : i32
        %dma_start3A_137 = arith.constant 0 : i32
        %dma_start3A_138 = tpu.memref_slice %arg12[%dma_start3A_136, %dma_start3A_137] : memref<5064x128xf32, #tpu.memory_space<vmem_shared>> -> memref<5064x128xf32, #tpu.memory_space<vmem_shared>>
        tpu.enqueue_indirect_dma source(%arg10 : memref<128x128xf32, #tpu.memory_space<vmem>>) target(%dma_start3A_138 : memref<5064x128xf32, #tpu.memory_space<vmem_shared>>) offsets(%arg8 : memref<128xi32, #tpu.memory_space<vmem>>) semaphore(%run_scoped3A : memref<!tpu.dma_semaphore, #tpu.memory_space<semaphore_mem>>) {add = true}
        %dma_wait3A_139 = arith.constant 0 : i32
        %dma_wait3A_140 = arith.constant 0 : i32
        %dma_wait3A_141 = tpu.memref_slice %arg12[%dma_wait3A_139, %dma_wait3A_140] : memref<5064x128xf32, #tpu.memory_space<vmem_shared>> -> memref<5064x128xf32, #tpu.memory_space<vmem_shared>>
        tpu.wait_indirect_dma semaphore(%run_scoped3A : memref<!tpu.dma_semaphore, #tpu.memory_space<semaphore_mem>>) src(%arg10 : memref<128x128xf32, #tpu.memory_space<vmem>>) dst(%dma_wait3A_141 : memref<5064x128xf32, #tpu.memory_space<vmem_shared>>)
        tpu.yield
      }) : () -> ()
      %add3A_113 = arith.constant 2 : i32
      %add3A_114 = arith.addi %mul3A_91, %add3A_113 : i32
      %mul3A_115 = arith.constant 128 : i32
      %mul3A_116 = arith.muli %add3A_114, %mul3A_115 : i32
      %dma_start3A_117 = tpu.memref_slice %arg6[%mul3A_116] : memref<20608xi32, #tpu.memory_space<vmem>> -> memref<128xi32, #tpu.memory_space<vmem>>
      %dma_start3A_118 = arith.constant 0 : i32
      %dma_start3A_119 = arith.constant 0 : i32
      %dma_start3A_120 = tpu.memref_slice %arg2[%dma_start3A_118, %dma_start3A_119] : memref<20000x128xf32, #tpu.memory_space<hbm>> -> memref<20000x128xf32, #tpu.memory_space<hbm>>
      tpu.enqueue_indirect_dma source(%dma_start3A_120 : memref<20000x128xf32, #tpu.memory_space<hbm>>) target(%arg10 : memref<128x128xf32, #tpu.memory_space<vmem>>) offsets(%dma_start3A_117 : memref<128xi32, #tpu.memory_space<vmem>>) semaphore(%arg13 : memref<!tpu.dma_semaphore, #tpu.memory_space<semaphore_mem>>)
      %mul3A_121 = arith.constant 128 : i32
      %mul3A_122 = arith.muli %mul3A_91, %mul3A_121 : i32
      %add3A_123 = arith.constant 128 : i32
      %add3A_124 = arith.addi %mul3A_122, %add3A_123 : i32
      %scan3A_125 = arith.constant 0 : i32
      %scan3A_126 = arith.constant 8 : i32
      %scan3A_127 = arith.addi %scan3A_125, %scan3A_126 : i32
      %scan3A_128 = arith.constant 1 : i32
      scf.for %scan3A_136 = %scan3A_125 to %scan3A_127 step %scan3A_128  : i32 {
        %mul3A_137 = arith.constant 1 : i32
        %mul3A_138 = arith.muli %scan3A_136, %mul3A_137 : i32
        %add3A_139 = arith.constant 0 : i32
        %add3A_140 = arith.addi %add3A_139, %mul3A_138 : i32
        %mul3A_141 = arith.constant 16 : i32
        %mul3A_142 = arith.muli %add3A_140, %mul3A_141 : i32
        %get3A = tpu.memref_slice %arg7[%add3A_124] : memref<20480xi32, #tpu.memory_space<vmem>> -> memref<128xi32, #tpu.memory_space<vmem>>
        %get3A_143 = arith.index_cast %mul3A_142 : i32 to index
        %get3A_144 = tpu.vector_load %get3A[%get3A_143] {strides = array<i32>} : memref<128xi32, #tpu.memory_space<vmem>>, vector<16xi32>,
        %get3A_145 = vector.shape_cast %get3A_144 : vector<16xi32> to vector<16xi32>
        %and3A = arith.constant 63 : i32
        %and3A_146 = vector.broadcast %and3A : i32 to vector<16xi32>
        %and3A_147 = arith.andi %get3A_145, %and3A_146 : vector<16xi32>
        %add3A_148 = arith.constant 5000 : i32
        %add3A_149 = vector.broadcast %add3A_148 : i32 to vector<16xi32>
        %add3A_150 = arith.addi %add3A_149, %and3A_147 : vector<16xi32>
        %lt3A = arith.constant 5000 : i32
        %lt3A_151 = vector.broadcast %lt3A : i32 to vector<16xi32>
        %lt3A_152 = arith.cmpi slt, %get3A_145, %lt3A_151 : vector<16xi32>
        %select_n3A = arith.select %lt3A_152, %get3A_145, %add3A_150 : vector<16xi1>, vector<16xi32>
        %swap3A = arith.index_cast %mul3A_142 : i32 to index
        %swap3A_153 = tpu.vector_load %arg9[%swap3A] {strides = array<i32>} : memref<128xi32, #tpu.memory_space<vmem>>, vector<16xi32>,
        %swap3A_154 = vector.shape_cast %swap3A_153 : vector<16xi32> to vector<16xi32>
        %swap3A_155 = vector.shape_cast %select_n3A : vector<16xi32> to vector<16xi32>
        tpu.vector_store %arg9[%swap3A], %swap3A_155 {strides = array<i32>} : memref<128xi32, #tpu.memory_space<vmem>>, vector<16xi32>,
      }
      %scan3A_129 = arith.constant 8 : i32
      %dma_wait3A_130 = arith.constant 0 : i32
      %dma_wait3A_131 = arith.constant 0 : i32
      %dma_wait3A_132 = tpu.memref_slice %arg2[%dma_wait3A_130, %dma_wait3A_131] : memref<20000x128xf32, #tpu.memory_space<hbm>> -> memref<128x128xf32, #tpu.memory_space<hbm>>
      %dma_wait3A_133 = arith.constant 0 : i32
      %dma_wait3A_134 = arith.constant 0 : i32
      %dma_wait3A_135 = tpu.memref_slice %arg2[%dma_wait3A_133, %dma_wait3A_134] : memref<20000x128xf32, #tpu.memory_space<hbm>> -> memref<128x128xf32, #tpu.memory_space<hbm>>
      tpu.wait_dma2 semaphore(%arg14 : memref<!tpu.dma_semaphore, #tpu.memory_space<semaphore_mem>>) src(%dma_wait3A_135 : memref<128x128xf32, #tpu.memory_space<hbm>>) dst(%arg11 : memref<128x128xf32, #tpu.memory_space<vmem>>)
      "tpu.region"() ({
        %run_scoped3A = tpu.sem_alloc : memref<!tpu.dma_semaphore, #tpu.memory_space<semaphore_mem>>
        %dma_start3A_136 = arith.constant 0 : i32
        %dma_start3A_137 = arith.constant 0 : i32
        %dma_start3A_138 = tpu.memref_slice %arg12[%dma_start3A_136, %dma_start3A_137] : memref<5064x128xf32, #tpu.memory_space<vmem_shared>> -> memref<5064x128xf32, #tpu.memory_space<vmem_shared>>
        tpu.enqueue_indirect_dma source(%arg11 : memref<128x128xf32, #tpu.memory_space<vmem>>) target(%dma_start3A_138 : memref<5064x128xf32, #tpu.memory_space<vmem_shared>>) offsets(%arg9 : memref<128xi32, #tpu.memory_space<vmem>>) semaphore(%run_scoped3A : memref<!tpu.dma_semaphore, #tpu.memory_space<semaphore_mem>>) {add = true}
        %dma_wait3A_139 = arith.constant 0 : i32
        %dma_wait3A_140 = arith.constant 0 : i32
        %dma_wait3A_141 = tpu.memref_slice %arg12[%dma_wait3A_139, %dma_wait3A_140] : memref<5064x128xf32, #tpu.memory_space<vmem_shared>> -> memref<5064x128xf32, #tpu.memory_space<vmem_shared>>
        tpu.wait_indirect_dma semaphore(%run_scoped3A : memref<!tpu.dma_semaphore, #tpu.memory_space<semaphore_mem>>) src(%arg11 : memref<128x128xf32, #tpu.memory_space<vmem>>) dst(%dma_wait3A_141 : memref<5064x128xf32, #tpu.memory_space<vmem_shared>>)
        tpu.yield
      }) : () -> ()
    }
    %scan3A_26 = arith.constant 80 : i32
    %dma_wait3A = arith.constant 0 : i32
    %dma_wait3A_27 = arith.constant 0 : i32
    %dma_wait3A_28 = tpu.memref_slice %arg2[%dma_wait3A, %dma_wait3A_27] : memref<20000x128xf32, #tpu.memory_space<hbm>> -> memref<128x128xf32, #tpu.memory_space<hbm>>
    %dma_wait3A_29 = arith.constant 0 : i32
    %dma_wait3A_30 = arith.constant 0 : i32
    %dma_wait3A_31 = tpu.memref_slice %arg2[%dma_wait3A_29, %dma_wait3A_30] : memref<20000x128xf32, #tpu.memory_space<hbm>> -> memref<128x128xf32, #tpu.memory_space<hbm>>
    tpu.wait_dma2 semaphore(%arg13 : memref<!tpu.dma_semaphore, #tpu.memory_space<semaphore_mem>>) src(%dma_wait3A_31 : memref<128x128xf32, #tpu.memory_space<hbm>>) dst(%arg10 : memref<128x128xf32, #tpu.memory_space<vmem>>)
    %barrier3A_32 = arith.constant 0 : index
    tpu.barrier barrier_id(%barrier3A_32)
    %mul3A_33 = arith.constant 10000 : i32
    %mul3A_34 = arith.muli %arg0, %mul3A_33 : i32
    %add3A_35 = arith.constant 0 : i32
    %add3A_36 = arith.addi %mul3A_34, %add3A_35 : i32
    %add3A_37 = arith.addi %add3A_36, %mul3A_10 : i32
    "tpu.region"() ({
      %run_scoped3A = tpu.sem_alloc : memref<!tpu.dma_semaphore, #tpu.memory_space<semaphore_mem>>
      %dma_start3A_85 = arith.constant 0 : i32
      %dma_start3A_86 = tpu.memref_slice %arg5[%add3A_37, %dma_start3A_85] : memref<20000x128xf32, #tpu.memory_space<hbm>> -> memref<312x128xf32, #tpu.memory_space<hbm>>
      %dma_start3A_87 = arith.constant 0 : i32
      %dma_start3A_88 = tpu.memref_slice %arg12[%mul3A_10, %dma_start3A_87] : memref<5064x128xf32, #tpu.memory_space<vmem_shared>> -> memref<312x128xf32, #tpu.memory_space<vmem_shared>>
      tpu.enqueue_dma source(%dma_start3A_88 : memref<312x128xf32, #tpu.memory_space<vmem_shared>>) target(%dma_start3A_86 : memref<312x128xf32, #tpu.memory_space<hbm>>) target_semaphore(%run_scoped3A : memref<!tpu.dma_semaphore, #tpu.memory_space<semaphore_mem>>)
      %dma_wait3A_89 = arith.constant 0 : i32
      %dma_wait3A_90 = tpu.memref_slice %arg5[%add3A_37, %dma_wait3A_89] : memref<20000x128xf32, #tpu.memory_space<hbm>> -> memref<312x128xf32, #tpu.memory_space<hbm>>
      %dma_wait3A_91 = arith.constant 0 : i32
      %dma_wait3A_92 = tpu.memref_slice %arg12[%mul3A_10, %dma_wait3A_91] : memref<5064x128xf32, #tpu.memory_space<vmem_shared>> -> memref<312x128xf32, #tpu.memory_space<vmem_shared>>
      tpu.wait_dma2 semaphore(%run_scoped3A : memref<!tpu.dma_semaphore, #tpu.memory_space<semaphore_mem>>) src(%dma_wait3A_92 : memref<312x128xf32, #tpu.memory_space<vmem_shared>>) dst(%dma_wait3A_90 : memref<312x128xf32, #tpu.memory_space<hbm>>)
      tpu.yield
    }) : () -> ()
    %eq3A_38 = arith.constant 15 : i32
    %eq3A_39 = arith.cmpi eq, %arg1, %eq3A_38 : i32
    %convert_element_type3A_40 = arith.extui %eq3A_39 : i1 to i32
    %cond3A_41 = arith.constant 0 : i32
    %cond3A_42 = arith.cmpi ne, %convert_element_type3A_40, %cond3A_41 : i32
    scf.if %cond3A_42 {
      %mul3A_85 = arith.constant 10000 : i32
      %mul3A_86 = arith.muli %arg0, %mul3A_85 : i32
      %add3A_87 = arith.constant 0 : i32
      %add3A_88 = arith.addi %mul3A_86, %add3A_87 : i32
      %add3A_89 = arith.constant 4992 : i32
      %add3A_90 = arith.addi %add3A_88, %add3A_89 : i32
      "tpu.region"() ({
        %run_scoped3A = tpu.sem_alloc : memref<!tpu.dma_semaphore, #tpu.memory_space<semaphore_mem>>
        %dma_start3A_91 = arith.constant 0 : i32
        %dma_start3A_92 = tpu.memref_slice %arg5[%add3A_90, %dma_start3A_91] : memref<20000x128xf32, #tpu.memory_space<hbm>> -> memref<8x128xf32, #tpu.memory_space<hbm>>
        %dma_start3A_93 = arith.constant 4992 : i32
        %dma_start3A_94 = arith.constant 0 : i32
        %dma_start3A_95 = tpu.memref_slice %arg12[%dma_start3A_93, %dma_start3A_94] : memref<5064x128xf32, #tpu.memory_space<vmem_shared>> -> memref<8x128xf32, #tpu.memory_space<vmem_shared>>
        tpu.enqueue_dma source(%dma_start3A_95 : memref<8x128xf32, #tpu.memory_space<vmem_shared>>) target(%dma_start3A_92 : memref<8x128xf32, #tpu.memory_space<hbm>>) target_semaphore(%run_scoped3A : memref<!tpu.dma_semaphore, #tpu.memory_space<semaphore_mem>>)
        %dma_wait3A_96 = arith.constant 0 : i32
        %dma_wait3A_97 = tpu.memref_slice %arg5[%add3A_90, %dma_wait3A_96] : memref<20000x128xf32, #tpu.memory_space<hbm>> -> memref<8x128xf32, #tpu.memory_space<hbm>>
        %dma_wait3A_98 = arith.constant 4992 : i32
        %dma_wait3A_99 = arith.constant 0 : i32
        %dma_wait3A_100 = tpu.memref_slice %arg12[%dma_wait3A_98, %dma_wait3A_99] : memref<5064x128xf32, #tpu.memory_space<vmem_shared>> -> memref<8x128xf32, #tpu.memory_space<vmem_shared>>
        tpu.wait_dma2 semaphore(%run_scoped3A : memref<!tpu.dma_semaphore, #tpu.memory_space<semaphore_mem>>) src(%dma_wait3A_100 : memref<8x128xf32, #tpu.memory_space<vmem_shared>>) dst(%dma_wait3A_97 : memref<8x128xf32, #tpu.memory_space<hbm>>)
        tpu.yield
      }) : () -> ()
    } else {
    }
    %barrier3A_43 = arith.constant 0 : index
    tpu.barrier barrier_id(%barrier3A_43)
    %mul3A_44 = arith.constant 312 : i32
    %mul3A_45 = arith.muli %arg1, %mul3A_44 : i32
    %mul3A_46 = arith.constant 10000 : i32
    %mul3A_47 = arith.muli %arg0, %mul3A_46 : i32
    %add3A_48 = arith.constant 5000 : i32
    %add3A_49 = arith.addi %mul3A_47, %add3A_48 : i32
    %add3A_50 = arith.addi %add3A_49, %mul3A_45 : i32
    "tpu.region"() ({
      %run_scoped3A = tpu.sem_alloc : memref<!tpu.dma_semaphore, #tpu.memory_space<semaphore_mem>>
      %dma_start3A_85 = arith.constant 0 : i32
      %dma_start3A_86 = tpu.memref_slice %arg12[%mul3A_45, %dma_start3A_85] : memref<5064x128xf32, #tpu.memory_space<vmem_shared>> -> memref<312x128xf32, #tpu.memory_space<vmem_shared>>
      %dma_start3A_87 = arith.constant 0 : i32
      %dma_start3A_88 = tpu.memref_slice %arg2[%add3A_50, %dma_start3A_87] : memref<20000x128xf32, #tpu.memory_space<hbm>> -> memref<312x128xf32, #tpu.memory_space<hbm>>
      tpu.enqueue_dma source(%dma_start3A_88 : memref<312x128xf32, #tpu.memory_space<hbm>>) target(%dma_start3A_86 : memref<312x128xf32, #tpu.memory_space<vmem_shared>>) target_semaphore(%run_scoped3A : memref<!tpu.dma_semaphore, #tpu.memory_space<semaphore_mem>>)
      %dma_wait3A_89 = arith.constant 0 : i32
      %dma_wait3A_90 = tpu.memref_slice %arg12[%mul3A_45, %dma_wait3A_89] : memref<5064x128xf32, #tpu.memory_space<vmem_shared>> -> memref<312x128xf32, #tpu.memory_space<vmem_shared>>
      %dma_wait3A_91 = arith.constant 0 : i32
      %dma_wait3A_92 = tpu.memref_slice %arg2[%add3A_50, %dma_wait3A_91] : memref<20000x128xf32, #tpu.memory_space<hbm>> -> memref<312x128xf32, #tpu.memory_space<hbm>>
      tpu.wait_dma2 semaphore(%run_scoped3A : memref<!tpu.dma_semaphore, #tpu.memory_space<semaphore_mem>>) src(%dma_wait3A_92 : memref<312x128xf32, #tpu.memory_space<hbm>>) dst(%dma_wait3A_90 : memref<312x128xf32, #tpu.memory_space<vmem_shared>>)
      tpu.yield
    }) : () -> ()
    %eq3A_51 = arith.constant 15 : i32
    %eq3A_52 = arith.cmpi eq, %arg1, %eq3A_51 : i32
    %convert_element_type3A_53 = arith.extui %eq3A_52 : i1 to i32
    %cond3A_54 = arith.constant 0 : i32
    %cond3A_55 = arith.cmpi ne, %convert_element_type3A_53, %cond3A_54 : i32
    scf.if %cond3A_55 {
      %mul3A_85 = arith.constant 10000 : i32
      %mul3A_86 = arith.muli %arg0, %mul3A_85 : i32
      %add3A_87 = arith.constant 5000 : i32
      %add3A_88 = arith.addi %mul3A_86, %add3A_87 : i32
      %add3A_89 = arith.constant 4992 : i32
      %add3A_90 = arith.addi %add3A_88, %add3A_89 : i32
      "tpu.region"() ({
        %run_scoped3A = tpu.sem_alloc : memref<!tpu.dma_semaphore, #tpu.memory_space<semaphore_mem>>
        %dma_start3A_91 = arith.constant 4992 : i32
        %dma_start3A_92 = arith.constant 0 : i32
        %dma_start3A_93 = tpu.memref_slice %arg12[%dma_start3A_91, %dma_start3A_92] : memref<5064x128xf32, #tpu.memory_space<vmem_shared>> -> memref<8x128xf32, #tpu.memory_space<vmem_shared>>
        %dma_start3A_94 = arith.constant 0 : i32
        %dma_start3A_95 = tpu.memref_slice %arg2[%add3A_90, %dma_start3A_94] : memref<20000x128xf32, #tpu.memory_space<hbm>> -> memref<8x128xf32, #tpu.memory_space<hbm>>
        tpu.enqueue_dma source(%dma_start3A_95 : memref<8x128xf32, #tpu.memory_space<hbm>>) target(%dma_start3A_93 : memref<8x128xf32, #tpu.memory_space<vmem_shared>>) target_semaphore(%run_scoped3A : memref<!tpu.dma_semaphore, #tpu.memory_space<semaphore_mem>>)
        %dma_wait3A_96 = arith.constant 4992 : i32
        %dma_wait3A_97 = arith.constant 0 : i32
        %dma_wait3A_98 = tpu.memref_slice %arg12[%dma_wait3A_96, %dma_wait3A_97] : memref<5064x128xf32, #tpu.memory_space<vmem_shared>> -> memref<8x128xf32, #tpu.memory_space<vmem_shared>>
        %dma_wait3A_99 = arith.constant 0 : i32
        %dma_wait3A_100 = tpu.memref_slice %arg2[%add3A_90, %dma_wait3A_99] : memref<20000x128xf32, #tpu.memory_space<hbm>> -> memref<8x128xf32, #tpu.memory_space<hbm>>
        tpu.wait_dma2 semaphore(%run_scoped3A : memref<!tpu.dma_semaphore, #tpu.memory_space<semaphore_mem>>) src(%dma_wait3A_100 : memref<8x128xf32, #tpu.memory_space<hbm>>) dst(%dma_wait3A_98 : memref<8x128xf32, #tpu.memory_space<vmem_shared>>)
        tpu.yield
      }) : () -> ()
    } else {
    }
    %barrier3A_56 = arith.constant 0 : index
    tpu.barrier barrier_id(%barrier3A_56)
    %dma_start3A_57 = arith.constant 0 : i32
    %dma_start3A_58 = tpu.memref_slice %arg6[%dma_start3A_57] : memref<20608xi32, #tpu.memory_space<vmem>> -> memref<128xi32, #tpu.memory_space<vmem>>
    %dma_start3A_59 = arith.constant 0 : i32
    %dma_start3A_60 = arith.constant 0 : i32
    %dma_start3A_61 = tpu.memref_slice %arg2[%dma_start3A_59, %dma_start3A_60] : memref<20000x128xf32, #tpu.memory_space<hbm>> -> memref<20000x128xf32, #tpu.memory_space<hbm>>
    tpu.enqueue_indirect_dma source(%dma_start3A_61 : memref<20000x128xf32, #tpu.memory_space<hbm>>) target(%arg10 : memref<128x128xf32, #tpu.memory_space<vmem>>) offsets(%dma_start3A_58 : memref<128xi32, #tpu.memory_space<vmem>>) semaphore(%arg13 : memref<!tpu.dma_semaphore, #tpu.memory_space<semaphore_mem>>)
    %scan3A_62 = arith.constant 0 : i32
    %scan3A_63 = arith.constant 80 : i32
    %scan3A_64 = arith.addi %scan3A_62, %scan3A_63 : i32
    %scan3A_65 = arith.constant 1 : i32
    scf.for %scan3A_85 = %scan3A_62 to %scan3A_64 step %scan3A_65  : i32 {
      %mul3A_86 = arith.constant 1 : i32
      %mul3A_87 = arith.muli %scan3A_85, %mul3A_86 : i32
      %add3A_88 = arith.constant 0 : i32
      %add3A_89 = arith.addi %add3A_88, %mul3A_87 : i32
      %mul3A_90 = arith.constant 2 : i32
      %mul3A_91 = arith.muli %add3A_89, %mul3A_90 : i32
      %add3A_92 = arith.constant 1 : i32
      %add3A_93 = arith.addi %mul3A_91, %add3A_92 : i32
      %mul3A_94 = arith.constant 128 : i32
      %mul3A_95 = arith.muli %add3A_93, %mul3A_94 : i32
      %dma_start3A_96 = tpu.memref_slice %arg6[%mul3A_95] : memref<20608xi32, #tpu.memory_space<vmem>> -> memref<128xi32, #tpu.memory_space<vmem>>
      %dma_start3A_97 = arith.constant 0 : i32
      %dma_start3A_98 = arith.constant 0 : i32
      %dma_start3A_99 = tpu.memref_slice %arg2[%dma_start3A_97, %dma_start3A_98] : memref<20000x128xf32, #tpu.memory_space<hbm>> -> memref<20000x128xf32, #tpu.memory_space<hbm>>
      tpu.enqueue_indirect_dma source(%dma_start3A_99 : memref<20000x128xf32, #tpu.memory_space<hbm>>) target(%arg11 : memref<128x128xf32, #tpu.memory_space<vmem>>) offsets(%dma_start3A_96 : memref<128xi32, #tpu.memory_space<vmem>>) semaphore(%arg14 : memref<!tpu.dma_semaphore, #tpu.memory_space<semaphore_mem>>)
      %mul3A_100 = arith.constant 128 : i32
      %mul3A_101 = arith.muli %mul3A_91, %mul3A_100 : i32
      %scan3A_102 = arith.constant 0 : i32
      %scan3A_103 = arith.constant 8 : i32
      %scan3A_104 = arith.addi %scan3A_102, %scan3A_103 : i32
      %scan3A_105 = arith.constant 1 : i32
      scf.for %scan3A_136 = %scan3A_102 to %scan3A_104 step %scan3A_105  : i32 {
        %mul3A_137 = arith.constant 1 : i32
        %mul3A_138 = arith.muli %scan3A_136, %mul3A_137 : i32
        %add3A_139 = arith.constant 0 : i32
        %add3A_140 = arith.addi %add3A_139, %mul3A_138 : i32
        %mul3A_141 = arith.constant 16 : i32
        %mul3A_142 = arith.muli %add3A_140, %mul3A_141 : i32
        %get3A = tpu.memref_slice %arg7[%mul3A_101] : memref<20480xi32, #tpu.memory_space<vmem>> -> memref<128xi32, #tpu.memory_space<vmem>>
        %get3A_143 = arith.index_cast %mul3A_142 : i32 to index
        %get3A_144 = tpu.vector_load %get3A[%get3A_143] {strides = array<i32>} : memref<128xi32, #tpu.memory_space<vmem>>, vector<16xi32>,
        %get3A_145 = vector.shape_cast %get3A_144 : vector<16xi32> to vector<16xi32>
        %and3A = arith.constant 63 : i32
        %and3A_146 = vector.broadcast %and3A : i32 to vector<16xi32>
        %and3A_147 = arith.andi %get3A_145, %and3A_146 : vector<16xi32>
        %add3A_148 = arith.constant 5000 : i32
        %add3A_149 = vector.broadcast %add3A_148 : i32 to vector<16xi32>
        %add3A_150 = arith.addi %add3A_149, %and3A_147 : vector<16xi32>
        %ge3A = arith.constant 5000 : i32
        %ge3A_151 = vector.broadcast %ge3A : i32 to vector<16xi32>
        %ge3A_152 = arith.cmpi sge, %get3A_145, %ge3A_151 : vector<16xi32>
        %lt3A = arith.constant 10000 : i32
        %lt3A_153 = vector.broadcast %lt3A : i32 to vector<16xi32>
        %lt3A_154 = arith.cmpi slt, %get3A_145, %lt3A_153 : vector<16xi32>
        %and3A_155 = arith.andi %ge3A_152, %lt3A_154 : vector<16xi1>
        %sub3A = arith.constant 5000 : i32
        %sub3A_156 = vector.broadcast %sub3A : i32 to vector<16xi32>
        %sub3A_157 = arith.subi %get3A_145, %sub3A_156 : vector<16xi32>
        %select_n3A = arith.select %and3A_155, %sub3A_157, %add3A_150 : vector<16xi1>, vector<16xi32>
        %swap3A = arith.index_cast %mul3A_142 : i32 to index
        %swap3A_158 = tpu.vector_load %arg8[%swap3A] {strides = array<i32>} : memref<128xi32, #tpu.memory_space<vmem>>, vector<16xi32>,
        %swap3A_159 = vector.shape_cast %swap3A_158 : vector<16xi32> to vector<16xi32>
        %swap3A_160 = vector.shape_cast %select_n3A : vector<16xi32> to vector<16xi32>
        tpu.vector_store %arg8[%swap3A], %swap3A_160 {strides = array<i32>} : memref<128xi32, #tpu.memory_space<vmem>>, vector<16xi32>,
      }
      %scan3A_106 = arith.constant 8 : i32
      %dma_wait3A_107 = arith.constant 0 : i32
      %dma_wait3A_108 = arith.constant 0 : i32
      %dma_wait3A_109 = tpu.memref_slice %arg2[%dma_wait3A_107, %dma_wait3A_108] : memref<20000x128xf32, #tpu.memory_space<hbm>> -> memref<128x128xf32, #tpu.memory_space<hbm>>
      %dma_wait3A_110 = arith.constant 0 : i32
      %dma_wait3A_111 = arith.constant 0 : i32
      %dma_wait3A_112 = tpu.memref_slice %arg2[%dma_wait3A_110, %dma_wait3A_111] : memref<20000x128xf32, #tpu.memory_space<hbm>> -> memref<128x128xf32, #tpu.memory_space<hbm>>
      tpu.wait_dma2 semaphore(%arg13 : memref<!tpu.dma_semaphore, #tpu.memory_space<semaphore_mem>>) src(%dma_wait3A_112 : memref<128x128xf32, #tpu.memory_space<hbm>>) dst(%arg10 : memref<128x128xf32, #tpu.memory_space<vmem>>)
      "tpu.region"() ({
        %run_scoped3A = tpu.sem_alloc : memref<!tpu.dma_semaphore, #tpu.memory_space<semaphore_mem>>
        %dma_start3A_136 = arith.constant 0 : i32
        %dma_start3A_137 = arith.constant 0 : i32
        %dma_start3A_138 = tpu.memref_slice %arg12[%dma_start3A_136, %dma_start3A_137] : memref<5064x128xf32, #tpu.memory_space<vmem_shared>> -> memref<5064x128xf32, #tpu.memory_space<vmem_shared>>
        tpu.enqueue_indirect_dma source(%arg10 : memref<128x128xf32, #tpu.memory_space<vmem>>) target(%dma_start3A_138 : memref<5064x128xf32, #tpu.memory_space<vmem_shared>>) offsets(%arg8 : memref<128xi32, #tpu.memory_space<vmem>>) semaphore(%run_scoped3A : memref<!tpu.dma_semaphore, #tpu.memory_space<semaphore_mem>>) {add = true}
        %dma_wait3A_139 = arith.constant 0 : i32
        %dma_wait3A_140 = arith.constant 0 : i32
        %dma_wait3A_141 = tpu.memref_slice %arg12[%dma_wait3A_139, %dma_wait3A_140] : memref<5064x128xf32, #tpu.memory_space<vmem_shared>> -> memref<5064x128xf32, #tpu.memory_space<vmem_shared>>
        tpu.wait_indirect_dma semaphore(%run_scoped3A : memref<!tpu.dma_semaphore, #tpu.memory_space<semaphore_mem>>) src(%arg10 : memref<128x128xf32, #tpu.memory_space<vmem>>) dst(%dma_wait3A_141 : memref<5064x128xf32, #tpu.memory_space<vmem_shared>>)
        tpu.yield
      }) : () -> ()
      %add3A_113 = arith.constant 2 : i32
      %add3A_114 = arith.addi %mul3A_91, %add3A_113 : i32
      %mul3A_115 = arith.constant 128 : i32
      %mul3A_116 = arith.muli %add3A_114, %mul3A_115 : i32
      %dma_start3A_117 = tpu.memref_slice %arg6[%mul3A_116] : memref<20608xi32, #tpu.memory_space<vmem>> -> memref<128xi32, #tpu.memory_space<vmem>>
      %dma_start3A_118 = arith.constant 0 : i32
      %dma_start3A_119 = arith.constant 0 : i32
      %dma_start3A_120 = tpu.memref_slice %arg2[%dma_start3A_118, %dma_start3A_119] : memref<20000x128xf32, #tpu.memory_space<hbm>> -> memref<20000x128xf32, #tpu.memory_space<hbm>>
      tpu.enqueue_indirect_dma source(%dma_start3A_120 : memref<20000x128xf32, #tpu.memory_space<hbm>>) target(%arg10 : memref<128x128xf32, #tpu.memory_space<vmem>>) offsets(%dma_start3A_117 : memref<128xi32, #tpu.memory_space<vmem>>) semaphore(%arg13 : memref<!tpu.dma_semaphore, #tpu.memory_space<semaphore_mem>>)
      %mul3A_121 = arith.constant 128 : i32
      %mul3A_122 = arith.muli %mul3A_91, %mul3A_121 : i32
      %add3A_123 = arith.constant 128 : i32
      %add3A_124 = arith.addi %mul3A_122, %add3A_123 : i32
      %scan3A_125 = arith.constant 0 : i32
      %scan3A_126 = arith.constant 8 : i32
      %scan3A_127 = arith.addi %scan3A_125, %scan3A_126 : i32
      %scan3A_128 = arith.constant 1 : i32
      scf.for %scan3A_136 = %scan3A_125 to %scan3A_127 step %scan3A_128  : i32 {
        %mul3A_137 = arith.constant 1 : i32
        %mul3A_138 = arith.muli %scan3A_136, %mul3A_137 : i32
        %add3A_139 = arith.constant 0 : i32
        %add3A_140 = arith.addi %add3A_139, %mul3A_138 : i32
        %mul3A_141 = arith.constant 16 : i32
        %mul3A_142 = arith.muli %add3A_140, %mul3A_141 : i32
        %get3A = tpu.memref_slice %arg7[%add3A_124] : memref<20480xi32, #tpu.memory_space<vmem>> -> memref<128xi32, #tpu.memory_space<vmem>>
        %get3A_143 = arith.index_cast %mul3A_142 : i32 to index
        %get3A_144 = tpu.vector_load %get3A[%get3A_143] {strides = array<i32>} : memref<128xi32, #tpu.memory_space<vmem>>, vector<16xi32>,
        %get3A_145 = vector.shape_cast %get3A_144 : vector<16xi32> to vector<16xi32>
        %and3A = arith.constant 63 : i32
        %and3A_146 = vector.broadcast %and3A : i32 to vector<16xi32>
        %and3A_147 = arith.andi %get3A_145, %and3A_146 : vector<16xi32>
        %add3A_148 = arith.constant 5000 : i32
        %add3A_149 = vector.broadcast %add3A_148 : i32 to vector<16xi32>
        %add3A_150 = arith.addi %add3A_149, %and3A_147 : vector<16xi32>
        %ge3A = arith.constant 5000 : i32
        %ge3A_151 = vector.broadcast %ge3A : i32 to vector<16xi32>
        %ge3A_152 = arith.cmpi sge, %get3A_145, %ge3A_151 : vector<16xi32>
        %lt3A = arith.constant 10000 : i32
        %lt3A_153 = vector.broadcast %lt3A : i32 to vector<16xi32>
        %lt3A_154 = arith.cmpi slt, %get3A_145, %lt3A_153 : vector<16xi32>
        %and3A_155 = arith.andi %ge3A_152, %lt3A_154 : vector<16xi1>
        %sub3A = arith.constant 5000 : i32
        %sub3A_156 = vector.broadcast %sub3A : i32 to vector<16xi32>
        %sub3A_157 = arith.subi %get3A_145, %sub3A_156 : vector<16xi32>
        %select_n3A = arith.select %and3A_155, %sub3A_157, %add3A_150 : vector<16xi1>, vector<16xi32>
        %swap3A = arith.index_cast %mul3A_142 : i32 to index
        %swap3A_158 = tpu.vector_load %arg9[%swap3A] {strides = array<i32>} : memref<128xi32, #tpu.memory_space<vmem>>, vector<16xi32>,
        %swap3A_159 = vector.shape_cast %swap3A_158 : vector<16xi32> to vector<16xi32>
        %swap3A_160 = vector.shape_cast %select_n3A : vector<16xi32> to vector<16xi32>
        tpu.vector_store %arg9[%swap3A], %swap3A_160 {strides = array<i32>} : memref<128xi32, #tpu.memory_space<vmem>>, vector<16xi32>,
      }
      %scan3A_129 = arith.constant 8 : i32
      %dma_wait3A_130 = arith.constant 0 : i32
      %dma_wait3A_131 = arith.constant 0 : i32
      %dma_wait3A_132 = tpu.memref_slice %arg2[%dma_wait3A_130, %dma_wait3A_131] : memref<20000x128xf32, #tpu.memory_space<hbm>> -> memref<128x128xf32, #tpu.memory_space<hbm>>
      %dma_wait3A_133 = arith.constant 0 : i32
      %dma_wait3A_134 = arith.constant 0 : i32
      %dma_wait3A_135 = tpu.memref_slice %arg2[%dma_wait3A_133, %dma_wait3A_134] : memref<20000x128xf32, #tpu.memory_space<hbm>> -> memref<128x128xf32, #tpu.memory_space<hbm>>
      tpu.wait_dma2 semaphore(%arg14 : memref<!tpu.dma_semaphore, #tpu.memory_space<semaphore_mem>>) src(%dma_wait3A_135 : memref<128x128xf32, #tpu.memory_space<hbm>>) dst(%arg11 : memref<128x128xf32, #tpu.memory_space<vmem>>)
      "tpu.region"() ({
        %run_scoped3A = tpu.sem_alloc : memref<!tpu.dma_semaphore, #tpu.memory_space<semaphore_mem>>
        %dma_start3A_136 = arith.constant 0 : i32
        %dma_start3A_137 = arith.constant 0 : i32
        %dma_start3A_138 = tpu.memref_slice %arg12[%dma_start3A_136, %dma_start3A_137] : memref<5064x128xf32, #tpu.memory_space<vmem_shared>> -> memref<5064x128xf32, #tpu.memory_space<vmem_shared>>
        tpu.enqueue_indirect_dma source(%arg11 : memref<128x128xf32, #tpu.memory_space<vmem>>) target(%dma_start3A_138 : memref<5064x128xf32, #tpu.memory_space<vmem_shared>>) offsets(%arg9 : memref<128xi32, #tpu.memory_space<vmem>>) semaphore(%run_scoped3A : memref<!tpu.dma_semaphore, #tpu.memory_space<semaphore_mem>>) {add = true}
        %dma_wait3A_139 = arith.constant 0 : i32
        %dma_wait3A_140 = arith.constant 0 : i32
        %dma_wait3A_141 = tpu.memref_slice %arg12[%dma_wait3A_139, %dma_wait3A_140] : memref<5064x128xf32, #tpu.memory_space<vmem_shared>> -> memref<5064x128xf32, #tpu.memory_space<vmem_shared>>
        tpu.wait_indirect_dma semaphore(%run_scoped3A : memref<!tpu.dma_semaphore, #tpu.memory_space<semaphore_mem>>) src(%arg11 : memref<128x128xf32, #tpu.memory_space<vmem>>) dst(%dma_wait3A_141 : memref<5064x128xf32, #tpu.memory_space<vmem_shared>>)
        tpu.yield
      }) : () -> ()
    }
    %scan3A_66 = arith.constant 80 : i32
    %dma_wait3A_67 = arith.constant 0 : i32
    %dma_wait3A_68 = arith.constant 0 : i32
    %dma_wait3A_69 = tpu.memref_slice %arg2[%dma_wait3A_67, %dma_wait3A_68] : memref<20000x128xf32, #tpu.memory_space<hbm>> -> memref<128x128xf32, #tpu.memory_space<hbm>>
    %dma_wait3A_70 = arith.constant 0 : i32
    %dma_wait3A_71 = arith.constant 0 : i32
    %dma_wait3A_72 = tpu.memref_slice %arg2[%dma_wait3A_70, %dma_wait3A_71] : memref<20000x128xf32, #tpu.memory_space<hbm>> -> memref<128x128xf32, #tpu.memory_space<hbm>>
    tpu.wait_dma2 semaphore(%arg13 : memref<!tpu.dma_semaphore, #tpu.memory_space<semaphore_mem>>) src(%dma_wait3A_72 : memref<128x128xf32, #tpu.memory_space<hbm>>) dst(%arg10 : memref<128x128xf32, #tpu.memory_space<vmem>>)
    %barrier3A_73 = arith.constant 0 : index
    tpu.barrier barrier_id(%barrier3A_73)
    %mul3A_74 = arith.constant 10000 : i32
    %mul3A_75 = arith.muli %arg0, %mul3A_74 : i32
    %add3A_76 = arith.constant 5000 : i32
    %add3A_77 = arith.addi %mul3A_75, %add3A_76 : i32
    %add3A_78 = arith.addi %add3A_77, %mul3A_45 : i32
    "tpu.region"() ({
      %run_scoped3A = tpu.sem_alloc : memref<!tpu.dma_semaphore, #tpu.memory_space<semaphore_mem>>
      %dma_start3A_85 = arith.constant 0 : i32
      %dma_start3A_86 = tpu.memref_slice %arg5[%add3A_78, %dma_start3A_85] : memref<20000x128xf32, #tpu.memory_space<hbm>> -> memref<312x128xf32, #tpu.memory_space<hbm>>
      %dma_start3A_87 = arith.constant 0 : i32
      %dma_start3A_88 = tpu.memref_slice %arg12[%mul3A_45, %dma_start3A_87] : memref<5064x128xf32, #tpu.memory_space<vmem_shared>> -> memref<312x128xf32, #tpu.memory_space<vmem_shared>>
      tpu.enqueue_dma source(%dma_start3A_88 : memref<312x128xf32, #tpu.memory_space<vmem_shared>>) target(%dma_start3A_86 : memref<312x128xf32, #tpu.memory_space<hbm>>) target_semaphore(%run_scoped3A : memref<!tpu.dma_semaphore, #tpu.memory_space<semaphore_mem>>)
      %dma_wait3A_89 = arith.constant 0 : i32
      %dma_wait3A_90 = tpu.memref_slice %arg5[%add3A_78, %dma_wait3A_89] : memref<20000x128xf32, #tpu.memory_space<hbm>> -> memref<312x128xf32, #tpu.memory_space<hbm>>
      %dma_wait3A_91 = arith.constant 0 : i32
      %dma_wait3A_92 = tpu.memref_slice %arg12[%mul3A_45, %dma_wait3A_91] : memref<5064x128xf32, #tpu.memory_space<vmem_shared>> -> memref<312x128xf32, #tpu.memory_space<vmem_shared>>
      tpu.wait_dma2 semaphore(%run_scoped3A : memref<!tpu.dma_semaphore, #tpu.memory_space<semaphore_mem>>) src(%dma_wait3A_92 : memref<312x128xf32, #tpu.memory_space<vmem_shared>>) dst(%dma_wait3A_90 : memref<312x128xf32, #tpu.memory_space<hbm>>)
      tpu.yield
    }) : () -> ()
    %eq3A_79 = arith.constant 15 : i32
    %eq3A_80 = arith.cmpi eq, %arg1, %eq3A_79 : i32
    %convert_element_type3A_81 = arith.extui %eq3A_80 : i1 to i32
    %cond3A_82 = arith.constant 0 : i32
    %cond3A_83 = arith.cmpi ne, %convert_element_type3A_81, %cond3A_82 : i32
    scf.if %cond3A_83 {
      %mul3A_85 = arith.constant 10000 : i32
      %mul3A_86 = arith.muli %arg0, %mul3A_85 : i32
      %add3A_87 = arith.constant 5000 : i32
      %add3A_88 = arith.addi %mul3A_86, %add3A_87 : i32
      %add3A_89 = arith.constant 4992 : i32
      %add3A_90 = arith.addi %add3A_88, %add3A_89 : i32
      "tpu.region"() ({
        %run_scoped3A = tpu.sem_alloc : memref<!tpu.dma_semaphore, #tpu.memory_space<semaphore_mem>>
        %dma_start3A_91 = arith.constant 0 : i32
        %dma_start3A_92 = tpu.memref_slice %arg5[%add3A_90, %dma_start3A_91] : memref<20000x128xf32, #tpu.memory_space<hbm>> -> memref<8x128xf32, #tpu.memory_space<hbm>>
        %dma_start3A_93 = arith.constant 4992 : i32
        %dma_start3A_94 = arith.constant 0 : i32
        %dma_start3A_95 = tpu.memref_slice %arg12[%dma_start3A_93, %dma_start3A_94] : memref<5064x128xf32, #tpu.memory_space<vmem_shared>> -> memref<8x128xf32, #tpu.memory_space<vmem_shared>>
        tpu.enqueue_dma source(%dma_start3A_95 : memref<8x128xf32, #tpu.memory_space<vmem_shared>>) target(%dma_start3A_92 : memref<8x128xf32, #tpu.memory_space<hbm>>) target_semaphore(%run_scoped3A : memref<!tpu.dma_semaphore, #tpu.memory_space<semaphore_mem>>)
        %dma_wait3A_96 = arith.constant 0 : i32
        %dma_wait3A_97 = tpu.memref_slice %arg5[%add3A_90, %dma_wait3A_96] : memref<20000x128xf32, #tpu.memory_space<hbm>> -> memref<8x128xf32, #tpu.memory_space<hbm>>
        %dma_wait3A_98 = arith.constant 4992 : i32
        %dma_wait3A_99 = arith.constant 0 : i32
        %dma_wait3A_100 = tpu.memref_slice %arg12[%dma_wait3A_98, %dma_wait3A_99] : memref<5064x128xf32, #tpu.memory_space<vmem_shared>> -> memref<8x128xf32, #tpu.memory_space<vmem_shared>>
        tpu.wait_dma2 semaphore(%run_scoped3A : memref<!tpu.dma_semaphore, #tpu.memory_space<semaphore_mem>>) src(%dma_wait3A_100 : memref<8x128xf32, #tpu.memory_space<vmem_shared>>) dst(%dma_wait3A_97 : memref<8x128xf32, #tpu.memory_space<hbm>>)
        tpu.yield
      }) : () -> ()
    } else {
    }
    %barrier3A_84 = arith.constant 0 : index
    tpu.barrier barrier_id(%barrier3A_84)
    return
  }
}

module attributes {stable_mosaic.version = 14 : i64} {
  func.func @_t1_body(%arg0: i32, %arg1: memref<2x1000x128xf32, #tpu.memory_space<vmem>>, %arg2: memref<1000x128xf32, #tpu.memory_space<vmem>>, %arg3: memref<128x256xf32, #tpu.memory_space<vmem>>, %arg4: memref<2x1000x128xf32, #tpu.memory_space<vmem>>) attributes {dimension_semantics = [#tpu.dimension_semantics<arbitrary>], iteration_bounds = array<i64: 10>, scalar_prefetch = 0 : i64, scratch_operands = 0 : i64, tpu.core_type = #tpu.core_type<tc>, window_params = [{transform_indices = @transform_0, window_bounds = array<i64: 2, 1000, 128>}, {transform_indices = @transform_1, window_bounds = array<i64: 1000, 128>}, {pipeline_mode = #tpu.pipeline_mode<synchronous>, transform_indices = @transform_2, window_bounds = array<i64: 128, 256>}, {transform_indices = @transform_3, window_bounds = array<i64: 2, 1000, 128>}]} {
    %get3A = arith.constant 0 : index
    %get3A_0 = arith.constant 0 : index
    %get3A_1 = arith.constant 0 : index
    %get3A_2 = vector.load %arg1[%get3A, %get3A_0, %get3A_1] : memref<2x1000x128xf32, #tpu.memory_space<vmem>>, vector<1x1000x1xf32>
    %get3A_3 = vector.shape_cast %get3A_2 : vector<1x1000x1xf32> to vector<1000x1xf32>
    %get3A_4 = arith.constant 1 : index
    %get3A_5 = arith.constant 0 : index
    %get3A_6 = arith.constant 0 : index
    %get3A_7 = vector.load %arg1[%get3A_4, %get3A_5, %get3A_6] : memref<2x1000x128xf32, #tpu.memory_space<vmem>>, vector<1x1000x1xf32>
    %get3A_8 = vector.shape_cast %get3A_7 : vector<1x1000x1xf32> to vector<1000x1xf32>
    %add3A = arith.addf %get3A_3, %get3A_8 : vector<1000x1xf32>
    %add3A_9 = arith.constant 1.000000e+00 : f32
    %add3A_10 = vector.broadcast %add3A_9 : f32 to vector<1000x1xf32>
    %add3A_11 = arith.addf %add3A, %add3A_10 : vector<1000x1xf32>
    %rsqrt3A = math.rsqrt %add3A_11 : vector<1000x1xf32>
    %get3A_12 = arith.constant 0 : index
    %get3A_13 = arith.constant 0 : index
    %get3A_14 = vector.load %arg2[%get3A_12, %get3A_13] : memref<1000x128xf32, #tpu.memory_space<vmem>>, vector<1000x128xf32>
    %get3A_15 = arith.constant 0 : index
    %get3A_16 = arith.constant 0 : index
    %get3A_17 = vector.load %arg3[%get3A_15, %get3A_16] : memref<128x256xf32, #tpu.memory_space<vmem>>, vector<128x256xf32>
    %dot_general3A = arith.constant dense<0.000000e+00> : vector<1000x256xf32>
    %dot_general3A_18 = tpu.matmul %get3A_14, %get3A_17, %dot_general3A {dimension_numbers = #tpu.dot_dimension_numbers<[1], [0], [0], [1], [0, 0, 1, 1], [], []>, precision = #tpu.contract_precision<fp32>, transpose_lhs_hint = false} : vector<1000x128xf32>, vector<128x256xf32>, vector<1000x256xf32> -> vector<1000x256xf32>
    %mul3A = vector.broadcast %rsqrt3A : vector<1000x1xf32> to vector<1000x256xf32>
    %mul3A_19 = arith.mulf %dot_general3A_18, %mul3A : vector<1000x256xf32>
    %slice3A = vector.extract_strided_slice %mul3A_19 {offsets = [0, 0], sizes = [1000, 128], strides = [1, 1]} : vector<1000x256xf32> to vector<1000x128xf32>
    %swap3A = arith.constant 0 : index
    %swap3A_20 = arith.constant 0 : index
    %swap3A_21 = arith.constant 0 : index
    %swap3A_22 = vector.load %arg4[%swap3A, %swap3A_20, %swap3A_21] : memref<2x1000x128xf32, #tpu.memory_space<vmem>>, vector<1x1000x128xf32>
    %swap3A_23 = vector.shape_cast %swap3A_22 : vector<1x1000x128xf32> to vector<1000x128xf32>
    %swap3A_24 = vector.shape_cast %slice3A : vector<1000x128xf32> to vector<1x1000x128xf32>
    tpu.vector_store %arg4[%swap3A, %swap3A_20, %swap3A_21], %swap3A_24 {strides = array<i32>} : memref<2x1000x128xf32, #tpu.memory_space<vmem>>, vector<1x1000x128xf32>,
    %slice3A_25 = vector.extract_strided_slice %mul3A_19 {offsets = [0, 128], sizes = [1000, 128], strides = [1, 1]} : vector<1000x256xf32> to vector<1000x128xf32>
    %swap3A_26 = arith.constant 1 : index
    %swap3A_27 = arith.constant 0 : index
    %swap3A_28 = arith.constant 0 : index
    %swap3A_29 = vector.load %arg4[%swap3A_26, %swap3A_27, %swap3A_28] : memref<2x1000x128xf32, #tpu.memory_space<vmem>>, vector<1x1000x128xf32>
    %swap3A_30 = vector.shape_cast %swap3A_29 : vector<1x1000x128xf32> to vector<1000x128xf32>
    %swap3A_31 = vector.shape_cast %slice3A_25 : vector<1000x128xf32> to vector<1x1000x128xf32>
    tpu.vector_store %arg4[%swap3A_26, %swap3A_27, %swap3A_28], %swap3A_31 {strides = array<i32>} : memref<2x1000x128xf32, #tpu.memory_space<vmem>>, vector<1x1000x128xf32>,
    return
  }
  func.func @transform_0(%arg0: i32) -> (i32, i32, i32) {
    %c0_i32 = arith.constant 0 : i32
    %c0_i32_0 = arith.constant 0 : i32
    %c0_i32_1 = arith.constant 0 : i32
    return %c0_i32, %arg0, %c0_i32_0 : i32, i32, i32
  }
  func.func @transform_1(%arg0: i32) -> (i32, i32) {
    %c0_i32 = arith.constant 0 : i32
    %c0_i32_0 = arith.constant 0 : i32
    return %arg0, %c0_i32 : i32, i32
  }
  func.func @transform_2(%arg0: i32) -> (i32, i32) {
    %c0_i32 = arith.constant 0 : i32
    %c0_i32_0 = arith.constant 0 : i32
    %c0_i32_1 = arith.constant 0 : i32
    return %c0_i32, %c0_i32_0 : i32, i32
  }
  func.func @transform_3(%arg0: i32) -> (i32, i32, i32) {
    %c0_i32 = arith.constant 0 : i32
    %c0_i32_0 = arith.constant 0 : i32
    %c0_i32_1 = arith.constant 0 : i32
    return %c0_i32, %arg0, %c0_i32_0 : i32, i32, i32
  }
}

module attributes {stable_mosaic.version = 14 : i64} {
  func.func @_t2_body(%arg0: i32, %arg1: memref<2x1000x128xf32, #tpu.memory_space<vmem>>, %arg2: memref<2x1000x128xf32, #tpu.memory_space<vmem>>, %arg3: memref<1x256xf32, #tpu.memory_space<vmem>>, %arg4: memref<256x256xf32, #tpu.memory_space<vmem>>, %arg5: memref<2x1000x128xf32, #tpu.memory_space<vmem>>) attributes {dimension_semantics = [#tpu.dimension_semantics<arbitrary>], iteration_bounds = array<i64: 10>, scalar_prefetch = 0 : i64, scratch_operands = 0 : i64, tpu.core_type = #tpu.core_type<tc>, window_params = [{transform_indices = @transform_0, window_bounds = array<i64: 2, 1000, 128>}, {transform_indices = @transform_1, window_bounds = array<i64: 2, 1000, 128>}, {pipeline_mode = #tpu.pipeline_mode<synchronous>, transform_indices = @transform_2, window_bounds = array<i64: 1, 256>}, {pipeline_mode = #tpu.pipeline_mode<synchronous>, transform_indices = @transform_3, window_bounds = array<i64: 256, 256>}, {transform_indices = @transform_4, window_bounds = array<i64: 2, 1000, 128>}]} {
    %get3A = arith.constant 0 : index
    %get3A_0 = arith.constant 0 : index
    %get3A_1 = arith.constant 0 : index
    %get3A_2 = vector.load %arg2[%get3A, %get3A_0, %get3A_1] : memref<2x1000x128xf32, #tpu.memory_space<vmem>>, vector<1x1000x1xf32>
    %get3A_3 = vector.shape_cast %get3A_2 : vector<1x1000x1xf32> to vector<1000x1xf32>
    %get3A_4 = arith.constant 1 : index
    %get3A_5 = arith.constant 0 : index
    %get3A_6 = arith.constant 0 : index
    %get3A_7 = vector.load %arg2[%get3A_4, %get3A_5, %get3A_6] : memref<2x1000x128xf32, #tpu.memory_space<vmem>>, vector<1x1000x1xf32>
    %get3A_8 = vector.shape_cast %get3A_7 : vector<1x1000x1xf32> to vector<1000x1xf32>
    %add3A = arith.addf %get3A_3, %get3A_8 : vector<1000x1xf32>
    %add3A_9 = arith.constant 1.000000e+00 : f32
    %add3A_10 = vector.broadcast %add3A_9 : f32 to vector<1000x1xf32>
    %add3A_11 = arith.addf %add3A, %add3A_10 : vector<1000x1xf32>
    %rsqrt3A = math.rsqrt %add3A_11 : vector<1000x1xf32>
    %get3A_12 = arith.constant 0 : index
    %get3A_13 = arith.constant 0 : index
    %get3A_14 = arith.constant 0 : index
    %get3A_15 = vector.load %arg1[%get3A_12, %get3A_13, %get3A_14] : memref<2x1000x128xf32, #tpu.memory_space<vmem>>, vector<1x1000x128xf32>
    %get3A_16 = vector.shape_cast %get3A_15 : vector<1x1000x128xf32> to vector<1000x128xf32>
    %get3A_17 = arith.constant 1 : index
    %get3A_18 = arith.constant 0 : index
    %get3A_19 = arith.constant 0 : index
    %get3A_20 = vector.load %arg1[%get3A_17, %get3A_18, %get3A_19] : memref<2x1000x128xf32, #tpu.memory_space<vmem>>, vector<1x1000x128xf32>
    %get3A_21 = vector.shape_cast %get3A_20 : vector<1x1000x128xf32> to vector<1000x128xf32>
    %concatenate3A = tpu.concatenate %get3A_16, %get3A_21 in 1 : vector<1000x128xf32>, vector<1000x128xf32> -> vector<1000x256xf32>
    %mul3A = vector.broadcast %rsqrt3A : vector<1000x1xf32> to vector<1000x256xf32>
    %mul3A_22 = arith.mulf %concatenate3A, %mul3A : vector<1000x256xf32>
    %get3A_23 = arith.constant 0 : index
    %get3A_24 = arith.constant 0 : index
    %get3A_25 = vector.load %arg3[%get3A_23, %get3A_24] : memref<1x256xf32, #tpu.memory_space<vmem>>, vector<1x256xf32>
    %add3A_26 = vector.broadcast %get3A_25 : vector<1x256xf32> to vector<1000x256xf32>
    %add3A_27 = arith.addf %mul3A_22, %add3A_26 : vector<1000x256xf32>
    %max3A = arith.constant 0.000000e+00 : f32
    %max3A_28 = vector.broadcast %max3A : f32 to vector<1000x256xf32>
    %max3A_29 = arith.maximumf %add3A_27, %max3A_28 : vector<1000x256xf32>
    %get3A_30 = arith.constant 0 : index
    %get3A_31 = arith.constant 0 : index
    %get3A_32 = vector.load %arg4[%get3A_30, %get3A_31] : memref<256x256xf32, #tpu.memory_space<vmem>>, vector<256x256xf32>
    %dot_general3A = arith.constant dense<0.000000e+00> : vector<1000x256xf32>
    %dot_general3A_33 = tpu.matmul %max3A_29, %get3A_32, %dot_general3A {dimension_numbers = #tpu.dot_dimension_numbers<[1], [0], [0], [1], [0, 0, 1, 1], [], []>, precision = #tpu.contract_precision<fp32>, transpose_lhs_hint = false} : vector<1000x256xf32>, vector<256x256xf32>, vector<1000x256xf32> -> vector<1000x256xf32>
    %mul3A_34 = vector.broadcast %rsqrt3A : vector<1000x1xf32> to vector<1000x256xf32>
    %mul3A_35 = arith.mulf %dot_general3A_33, %mul3A_34 : vector<1000x256xf32>
    %slice3A = vector.extract_strided_slice %mul3A_35 {offsets = [0, 0], sizes = [1000, 128], strides = [1, 1]} : vector<1000x256xf32> to vector<1000x128xf32>
    %swap3A = arith.constant 0 : index
    %swap3A_36 = arith.constant 0 : index
    %swap3A_37 = arith.constant 0 : index
    %swap3A_38 = vector.load %arg5[%swap3A, %swap3A_36, %swap3A_37] : memref<2x1000x128xf32, #tpu.memory_space<vmem>>, vector<1x1000x128xf32>
    %swap3A_39 = vector.shape_cast %swap3A_38 : vector<1x1000x128xf32> to vector<1000x128xf32>
    %swap3A_40 = vector.shape_cast %slice3A : vector<1000x128xf32> to vector<1x1000x128xf32>
    tpu.vector_store %arg5[%swap3A, %swap3A_36, %swap3A_37], %swap3A_40 {strides = array<i32>} : memref<2x1000x128xf32, #tpu.memory_space<vmem>>, vector<1x1000x128xf32>,
    %slice3A_41 = vector.extract_strided_slice %mul3A_35 {offsets = [0, 128], sizes = [1000, 128], strides = [1, 1]} : vector<1000x256xf32> to vector<1000x128xf32>
    %swap3A_42 = arith.constant 1 : index
    %swap3A_43 = arith.constant 0 : index
    %swap3A_44 = arith.constant 0 : index
    %swap3A_45 = vector.load %arg5[%swap3A_42, %swap3A_43, %swap3A_44] : memref<2x1000x128xf32, #tpu.memory_space<vmem>>, vector<1x1000x128xf32>
    %swap3A_46 = vector.shape_cast %swap3A_45 : vector<1x1000x128xf32> to vector<1000x128xf32>
    %swap3A_47 = vector.shape_cast %slice3A_41 : vector<1000x128xf32> to vector<1x1000x128xf32>
    tpu.vector_store %arg5[%swap3A_42, %swap3A_43, %swap3A_44], %swap3A_47 {strides = array<i32>} : memref<2x1000x128xf32, #tpu.memory_space<vmem>>, vector<1x1000x128xf32>,
    return
  }
  func.func @transform_0(%arg0: i32) -> (i32, i32, i32) {
    %c0_i32 = arith.constant 0 : i32
    %c0_i32_0 = arith.constant 0 : i32
    %c0_i32_1 = arith.constant 0 : i32
    return %c0_i32, %arg0, %c0_i32_0 : i32, i32, i32
  }
  func.func @transform_1(%arg0: i32) -> (i32, i32, i32) {
    %c0_i32 = arith.constant 0 : i32
    %c0_i32_0 = arith.constant 0 : i32
    %c0_i32_1 = arith.constant 0 : i32
    return %c0_i32, %arg0, %c0_i32_0 : i32, i32, i32
  }
  func.func @transform_2(%arg0: i32) -> (i32, i32) {
    %c0_i32 = arith.constant 0 : i32
    %c0_i32_0 = arith.constant 0 : i32
    %c0_i32_1 = arith.constant 0 : i32
    return %c0_i32, %c0_i32_0 : i32, i32
  }
  func.func @transform_3(%arg0: i32) -> (i32, i32) {
    %c0_i32 = arith.constant 0 : i32
    %c0_i32_0 = arith.constant 0 : i32
    %c0_i32_1 = arith.constant 0 : i32
    return %c0_i32, %c0_i32_0 : i32, i32
  }
  func.func @transform_4(%arg0: i32) -> (i32, i32, i32) {
    %c0_i32 = arith.constant 0 : i32
    %c0_i32_0 = arith.constant 0 : i32
    %c0_i32_1 = arith.constant 0 : i32
    return %c0_i32, %arg0, %c0_i32_0 : i32, i32, i32
  }
}

module attributes {stable_mosaic.version = 14 : i64} {
  func.func @_t4_body(%arg0: i32, %arg1: memref<2x1000x128xf32, #tpu.memory_space<vmem>>, %arg2: memref<2x1000x128xf32, #tpu.memory_space<vmem>>, %arg3: memref<1x256xf32, #tpu.memory_space<vmem>>, %arg4: memref<1x1000x1xi32, #tpu.memory_space<vmem>>, %arg5: memref<256x256xf32, #tpu.memory_space<vmem>>, %arg6: memref<1x256xf32, #tpu.memory_space<vmem>>, %arg7: memref<256x78xf32, #tpu.memory_space<vmem>>, %arg8: memref<1x78xf32, #tpu.memory_space<vmem>>, %arg9: memref<256x78xf32, #tpu.memory_space<vmem>>, %arg10: memref<256x256xf32, #tpu.memory_space<vmem>>, %arg11: memref<256x128xf32, #tpu.memory_space<vmem>>) attributes {dimension_semantics = [#tpu.dimension_semantics<arbitrary>], iteration_bounds = array<i64: 10>, scalar_prefetch = 0 : i64, scratch_operands = 2 : i64, tpu.core_type = #tpu.core_type<tc>, window_params = [{transform_indices = @transform_0, window_bounds = array<i64: 2, 1000, 128>}, {transform_indices = @transform_1, window_bounds = array<i64: 2, 1000, 128>}, {pipeline_mode = #tpu.pipeline_mode<synchronous>, transform_indices = @transform_2, window_bounds = array<i64: 1, 256>}, {transform_indices = @transform_3, window_bounds = array<i64: 1, 1000, 1>}, {pipeline_mode = #tpu.pipeline_mode<synchronous>, transform_indices = @transform_4, window_bounds = array<i64: 256, 256>}, {pipeline_mode = #tpu.pipeline_mode<synchronous>, transform_indices = @transform_5, window_bounds = array<i64: 1, 256>}, {pipeline_mode = #tpu.pipeline_mode<synchronous>, transform_indices = @transform_6, window_bounds = array<i64: 256, 78>}, {pipeline_mode = #tpu.pipeline_mode<synchronous>, transform_indices = @transform_7, window_bounds = array<i64: 1, 78>}, {pipeline_mode = #tpu.pipeline_mode<synchronous>, transform_indices = @transform_8, window_bounds = array<i64: 256, 78>}]} {
    %eq3A = arith.constant 0 : i32
    %eq3A_0 = arith.cmpi eq, %arg0, %eq3A : i32
    %convert_element_type3A = arith.extui %eq3A_0 : i1 to i32
    %cond3A = arith.constant 0 : i32
    %cond3A_1 = arith.cmpi ne, %convert_element_type3A, %cond3A : i32
    scf.if %cond3A_1 {
      %broadcast_in_dim3A_63 = arith.constant 0.000000e+00 : f32
      %broadcast_in_dim3A_64 = vector.broadcast %broadcast_in_dim3A_63 : f32 to vector<256x256xf32>
      %swap3A_65 = arith.constant 0 : index
      %swap3A_66 = arith.constant 0 : index
      %swap3A_67 = vector.load %arg10[%swap3A_65, %swap3A_66] : memref<256x256xf32, #tpu.memory_space<vmem>>, vector<256x256xf32>
      tpu.vector_store %arg10[%swap3A_65, %swap3A_66], %broadcast_in_dim3A_64 {strides = array<i32>} : memref<256x256xf32, #tpu.memory_space<vmem>>, vector<256x256xf32>,
      %broadcast_in_dim3A_68 = arith.constant 0.000000e+00 : f32
      %broadcast_in_dim3A_69 = vector.broadcast %broadcast_in_dim3A_68 : f32 to vector<256x128xf32>
      %swap3A_70 = arith.constant 0 : index
      %swap3A_71 = arith.constant 0 : index
      %swap3A_72 = vector.load %arg11[%swap3A_70, %swap3A_71] : memref<256x128xf32, #tpu.memory_space<vmem>>, vector<256x128xf32>
      tpu.vector_store %arg11[%swap3A_70, %swap3A_71], %broadcast_in_dim3A_69 {strides = array<i32>} : memref<256x128xf32, #tpu.memory_space<vmem>>, vector<256x128xf32>,
    } else {
    }
    %get3A = arith.constant 0 : index
    %get3A_2 = arith.constant 0 : index
    %get3A_3 = arith.constant 0 : index
    %get3A_4 = vector.load %arg2[%get3A, %get3A_2, %get3A_3] : memref<2x1000x128xf32, #tpu.memory_space<vmem>>, vector<1x1000x1xf32>
    %get3A_5 = vector.shape_cast %get3A_4 : vector<1x1000x1xf32> to vector<1000x1xf32>
    %get3A_6 = arith.constant 1 : index
    %get3A_7 = arith.constant 0 : index
    %get3A_8 = arith.constant 0 : index
    %get3A_9 = vector.load %arg2[%get3A_6, %get3A_7, %get3A_8] : memref<2x1000x128xf32, #tpu.memory_space<vmem>>, vector<1x1000x1xf32>
    %get3A_10 = vector.shape_cast %get3A_9 : vector<1x1000x1xf32> to vector<1000x1xf32>
    %add3A = arith.addf %get3A_5, %get3A_10 : vector<1000x1xf32>
    %add3A_11 = arith.constant 1.000000e+00 : f32
    %add3A_12 = vector.broadcast %add3A_11 : f32 to vector<1000x1xf32>
    %add3A_13 = arith.addf %add3A, %add3A_12 : vector<1000x1xf32>
    %rsqrt3A = math.rsqrt %add3A_13 : vector<1000x1xf32>
    %get3A_14 = arith.constant 0 : index
    %get3A_15 = arith.constant 0 : index
    %get3A_16 = arith.constant 0 : index
    %get3A_17 = vector.load %arg1[%get3A_14, %get3A_15, %get3A_16] : memref<2x1000x128xf32, #tpu.memory_space<vmem>>, vector<1x1000x128xf32>
    %get3A_18 = vector.shape_cast %get3A_17 : vector<1x1000x128xf32> to vector<1000x128xf32>
    %get3A_19 = arith.constant 1 : index
    %get3A_20 = arith.constant 0 : index
    %get3A_21 = arith.constant 0 : index
    %get3A_22 = vector.load %arg1[%get3A_19, %get3A_20, %get3A_21] : memref<2x1000x128xf32, #tpu.memory_space<vmem>>, vector<1x1000x128xf32>
    %get3A_23 = vector.shape_cast %get3A_22 : vector<1x1000x128xf32> to vector<1000x128xf32>
    %concatenate3A = tpu.concatenate %get3A_18, %get3A_23 in 1 : vector<1000x128xf32>, vector<1000x128xf32> -> vector<1000x256xf32>
    %mul3A = vector.broadcast %rsqrt3A : vector<1000x1xf32> to vector<1000x256xf32>
    %mul3A_24 = arith.mulf %concatenate3A, %mul3A : vector<1000x256xf32>
    %get3A_25 = arith.constant 0 : index
    %get3A_26 = arith.constant 0 : index
    %get3A_27 = vector.load %arg3[%get3A_25, %get3A_26] : memref<1x256xf32, #tpu.memory_space<vmem>>, vector<1x256xf32>
    %add3A_28 = vector.broadcast %get3A_27 : vector<1x256xf32> to vector<1000x256xf32>
    %add3A_29 = arith.addf %mul3A_24, %add3A_28 : vector<1000x256xf32>
    %max3A = arith.constant 0.000000e+00 : f32
    %max3A_30 = vector.broadcast %max3A : f32 to vector<1000x256xf32>
    %max3A_31 = arith.maximumf %add3A_29, %max3A_30 : vector<1000x256xf32>
    %iota3A = tpu.iota {dimensions = array<i32: 1>} : vector<1000x256xi32>
    %get3A_32 = arith.constant 0 : index
    %get3A_33 = arith.constant 0 : index
    %get3A_34 = arith.constant 0 : index
    %get3A_35 = vector.load %arg4[%get3A_32, %get3A_33, %get3A_34] : memref<1x1000x1xi32, #tpu.memory_space<vmem>>, vector<1x1000x1xi32>
    %get3A_36 = vector.shape_cast %get3A_35 : vector<1x1000x1xi32> to vector<1000x1xi32>
    %eq3A_37 = vector.broadcast %get3A_36 : vector<1000x1xi32> to vector<1000x256xi32>
    %eq3A_38 = arith.cmpi eq, %eq3A_37, %iota3A : vector<1000x256xi32>
    %convert_element_type3A_39 = arith.extui %eq3A_38 : vector<1000x256xi1> to vector<1000x256xi32>
    %convert_element_type3A_40 = arith.sitofp %convert_element_type3A_39 : vector<1000x256xi32> to vector<1000x256xf32>
    %get3A_41 = arith.constant 0 : index
    %get3A_42 = arith.constant 0 : index
    %get3A_43 = vector.load %arg10[%get3A_41, %get3A_42] : memref<256x256xf32, #tpu.memory_space<vmem>>, vector<256x256xf32>
    %dot_general3A = arith.constant dense<0.000000e+00> : vector<256x256xf32>
    %dot_general3A_44 = tpu.matmul %convert_element_type3A_40, %max3A_31, %dot_general3A {dimension_numbers = #tpu.dot_dimension_numbers<[0], [0], [1], [1], [0, 1, 1, 1], [], []>, precision = #tpu.contract_precision<fp32>, transpose_lhs_hint = false} : vector<1000x256xf32>, vector<1000x256xf32>, vector<256x256xf32> -> vector<256x256xf32>
    %add3A_45 = arith.addf %get3A_43, %dot_general3A_44 : vector<256x256xf32>
    %swap3A = arith.constant 0 : index
    %swap3A_46 = arith.constant 0 : index
    %swap3A_47 = vector.load %arg10[%swap3A, %swap3A_46] : memref<256x256xf32, #tpu.memory_space<vmem>>, vector<256x256xf32>
    tpu.vector_store %arg10[%swap3A, %swap3A_46], %add3A_45 {strides = array<i32>} : memref<256x256xf32, #tpu.memory_space<vmem>>, vector<256x256xf32>,
    %get3A_48 = arith.constant 0 : index
    %get3A_49 = arith.constant 0 : index
    %get3A_50 = vector.load %arg11[%get3A_48, %get3A_49] : memref<256x128xf32, #tpu.memory_space<vmem>>, vector<256x128xf32>
    %broadcast_in_dim3A = arith.constant 1.000000e+00 : f32
    %broadcast_in_dim3A_51 = vector.broadcast %broadcast_in_dim3A : f32 to vector<1000x128xf32>
    %dot_general3A_52 = arith.constant dense<0.000000e+00> : vector<256x128xf32>
    %dot_general3A_53 = tpu.matmul %convert_element_type3A_40, %broadcast_in_dim3A_51, %dot_general3A_52 {dimension_numbers = #tpu.dot_dimension_numbers<[0], [0], [1], [1], [0, 1, 1, 1], [], []>, precision = #tpu.contract_precision<fp32>, transpose_lhs_hint = false} : vector<1000x256xf32>, vector<1000x128xf32>, vector<256x128xf32> -> vector<256x128xf32>
    %add3A_54 = arith.addf %get3A_50, %dot_general3A_53 : vector<256x128xf32>
    %swap3A_55 = arith.constant 0 : index
    %swap3A_56 = arith.constant 0 : index
    %swap3A_57 = vector.load %arg11[%swap3A_55, %swap3A_56] : memref<256x128xf32, #tpu.memory_space<vmem>>, vector<256x128xf32>
    tpu.vector_store %arg11[%swap3A_55, %swap3A_56], %add3A_54 {strides = array<i32>} : memref<256x128xf32, #tpu.memory_space<vmem>>, vector<256x128xf32>,
    %eq3A_58 = arith.constant 9 : i32
    %eq3A_59 = arith.cmpi eq, %arg0, %eq3A_58 : i32
    %convert_element_type3A_60 = arith.extui %eq3A_59 : i1 to i32
    %cond3A_61 = arith.constant 0 : i32
    %cond3A_62 = arith.cmpi ne, %convert_element_type3A_60, %cond3A_61 : i32
    scf.if %cond3A_62 {
      %get3A_63 = arith.constant 0 : index
      %get3A_64 = arith.constant 0 : index
      %get3A_65 = vector.load %arg10[%get3A_63, %get3A_64] : memref<256x256xf32, #tpu.memory_space<vmem>>, vector<256x256xf32>
      %get3A_66 = arith.constant 0 : index
      %get3A_67 = arith.constant 0 : index
      %get3A_68 = vector.load %arg11[%get3A_66, %get3A_67] : memref<256x128xf32, #tpu.memory_space<vmem>>, vector<256x1xf32>
      %max3A_69 = arith.constant 1.000000e+00 : f32
      %max3A_70 = vector.broadcast %max3A_69 : f32 to vector<256x1xf32>
      %max3A_71 = arith.maximumf %get3A_68, %max3A_70 : vector<256x1xf32>
      %div3A = vector.broadcast %max3A_71 : vector<256x1xf32> to vector<256x256xf32>
      %div3A_72 = arith.divf %get3A_65, %div3A : vector<256x256xf32>
      %get3A_73 = arith.constant 0 : index
      %get3A_74 = arith.constant 0 : index
      %get3A_75 = vector.load %arg5[%get3A_73, %get3A_74] : memref<256x256xf32, #tpu.memory_space<vmem>>, vector<256x256xf32>
      %dot_general3A_76 = arith.constant dense<0.000000e+00> : vector<256x256xf32>
      %dot_general3A_77 = tpu.matmul %div3A_72, %get3A_75, %dot_general3A_76 {dimension_numbers = #tpu.dot_dimension_numbers<[1], [0], [0], [1], [0, 0, 1, 1], [], []>, precision = #tpu.contract_precision<fp32>, transpose_lhs_hint = false} : vector<256x256xf32>, vector<256x256xf32>, vector<256x256xf32> -> vector<256x256xf32>
      %get3A_78 = arith.constant 0 : index
      %get3A_79 = arith.constant 0 : index
      %get3A_80 = vector.load %arg6[%get3A_78, %get3A_79] : memref<1x256xf32, #tpu.memory_space<vmem>>, vector<1x256xf32>
      %add3A_81 = vector.broadcast %get3A_80 : vector<1x256xf32> to vector<256x256xf32>
      %add3A_82 = arith.addf %dot_general3A_77, %add3A_81 : vector<256x256xf32>
      %max3A_83 = arith.constant 0.000000e+00 : f32
      %max3A_84 = vector.broadcast %max3A_83 : f32 to vector<256x256xf32>
      %max3A_85 = arith.maximumf %add3A_82, %max3A_84 : vector<256x256xf32>
      %get3A_86 = arith.constant 0 : index
      %get3A_87 = arith.constant 0 : index
      %get3A_88 = vector.load %arg7[%get3A_86, %get3A_87] : memref<256x78xf32, #tpu.memory_space<vmem>>, vector<256x78xf32>
      %dot_general3A_89 = arith.constant dense<0.000000e+00> : vector<256x78xf32>
      %dot_general3A_90 = tpu.matmul %max3A_85, %get3A_88, %dot_general3A_89 {dimension_numbers = #tpu.dot_dimension_numbers<[1], [0], [0], [1], [0, 0, 1, 1], [], []>, precision = #tpu.contract_precision<fp32>, transpose_lhs_hint = false} : vector<256x256xf32>, vector<256x78xf32>, vector<256x78xf32> -> vector<256x78xf32>
      %get3A_91 = arith.constant 0 : index
      %get3A_92 = arith.constant 0 : index
      %get3A_93 = vector.load %arg8[%get3A_91, %get3A_92] : memref<1x78xf32, #tpu.memory_space<vmem>>, vector<1x78xf32>
      %add3A_94 = vector.broadcast %get3A_93 : vector<1x78xf32> to vector<256x78xf32>
      %add3A_95 = arith.addf %dot_general3A_90, %add3A_94 : vector<256x78xf32>
      %logistic3A = arith.negf %add3A_95 : vector<256x78xf32>
      %logistic3A_96 = math.exp %logistic3A : vector<256x78xf32>
      %logistic3A_97 = arith.constant 1.000000e+00 : f32
      %logistic3A_98 = vector.broadcast %logistic3A_97 : f32 to vector<256x78xf32>
      %logistic3A_99 = arith.addf %logistic3A_98, %logistic3A_96 : vector<256x78xf32>
      %logistic3A_100 = arith.divf %logistic3A_98, %logistic3A_99 : vector<256x78xf32>
      %swap3A_101 = arith.constant 0 : index
      %swap3A_102 = arith.constant 0 : index
      %swap3A_103 = vector.load %arg9[%swap3A_101, %swap3A_102] : memref<256x78xf32, #tpu.memory_space<vmem>>, vector<256x78xf32>
      tpu.vector_store %arg9[%swap3A_101, %swap3A_102], %logistic3A_100 {strides = array<i32>} : memref<256x78xf32, #tpu.memory_space<vmem>>, vector<256x78xf32>,
    } else {
    }
    return
  }
  func.func @transform_0(%arg0: i32) -> (i32, i32, i32) {
    %c0_i32 = arith.constant 0 : i32
    %c0_i32_0 = arith.constant 0 : i32
    %c0_i32_1 = arith.constant 0 : i32
    return %c0_i32, %arg0, %c0_i32_0 : i32, i32, i32
  }
  func.func @transform_1(%arg0: i32) -> (i32, i32, i32) {
    %c0_i32 = arith.constant 0 : i32
    %c0_i32_0 = arith.constant 0 : i32
    %c0_i32_1 = arith.constant 0 : i32
    return %c0_i32, %arg0, %c0_i32_0 : i32, i32, i32
  }
  func.func @transform_2(%arg0: i32) -> (i32, i32) {
    %c0_i32 = arith.constant 0 : i32
    %c0_i32_0 = arith.constant 0 : i32
    %c0_i32_1 = arith.constant 0 : i32
    return %c0_i32, %c0_i32_0 : i32, i32
  }
  func.func @transform_3(%arg0: i32) -> (i32, i32, i32) {
    %c0_i32 = arith.constant 0 : i32
    %c0_i32_0 = arith.constant 0 : i32
    %c0_i32_1 = arith.constant 0 : i32
    return %arg0, %c0_i32, %c0_i32_0 : i32, i32, i32
  }
  func.func @transform_4(%arg0: i32) -> (i32, i32) {
    %c0_i32 = arith.constant 0 : i32
    %c0_i32_0 = arith.constant 0 : i32
    %c0_i32_1 = arith.constant 0 : i32
    return %c0_i32, %c0_i32_0 : i32, i32
  }
  func.func @transform_5(%arg0: i32) -> (i32, i32) {
    %c0_i32 = arith.constant 0 : i32
    %c0_i32_0 = arith.constant 0 : i32
    %c0_i32_1 = arith.constant 0 : i32
    return %c0_i32, %c0_i32_0 : i32, i32
  }
  func.func @transform_6(%arg0: i32) -> (i32, i32) {
    %c0_i32 = arith.constant 0 : i32
    %c0_i32_0 = arith.constant 0 : i32
    %c0_i32_1 = arith.constant 0 : i32
    return %c0_i32, %c0_i32_0 : i32, i32
  }
  func.func @transform_7(%arg0: i32) -> (i32, i32) {
    %c0_i32 = arith.constant 0 : i32
    %c0_i32_0 = arith.constant 0 : i32
    %c0_i32_1 = arith.constant 0 : i32
    return %c0_i32, %c0_i32_0 : i32, i32
  }
  func.func @transform_8(%arg0: i32) -> (i32, i32) {
    %c0_i32 = arith.constant 0 : i32
    %c0_i32_0 = arith.constant 0 : i32
    %c0_i32_1 = arith.constant 0 : i32
    return %c0_i32, %c0_i32_0 : i32, i32
  }
}

</mosaic_0001>

<sc_bundles>
// kernel: kernel.10.cloned.1.call-start
scs
__scs_entry_jumppad:
0x0: {  	(pc) =	sbr.rel $0x88, $3  }
0x1: {  	(tag) =	ssettag $0x0;
	lr =	simm.s32 $0x1  }
0x2: {  	[smem:$0x3F94] =	sst lr;
	_ =	strace $0xD0000000  }
0x3: {  	_ = 	snop  }
0x4: {  	_ = 	snop  }
0x5: {  	_ = 	snop  }
0x6: {  	_ = 	snop  }
0x7: {  	_ = 	snop  }
__scs_overlays_trampoline_lowered:
0x8: {  	[smem:$0x3FA3] =	sst s0  }
0x9: {  	[smem:$0x3FA4] =	sst s1  }
0xa: {  	[smem:$0x3FA5] =	sst s2  }
0xb: {  	[smem:$0x3FA6] =	sst s3  }
0xc: {  	[smem:$0x3FA7] =	sst s4  }
0xd: {  	[smem:$0x3FA8] =	sst s5  }
0xe: {  	[smem:$0x3FA9] =	sst s6  }
0xf: {  	[smem:$0x3FAA] =	sst s7  }
0x10: {  	[smem:$0x3FAB] =	sst s8  }
0x11: {  	[smem:$0x3FAC] =	sst s9;
	s0 =	simm.s32 @!p0 $0x0  }
0x12: {  	s1 =	sld [smem:$0x3F92];
	s0 =	simm.s32 @p0 $0x1  }
0x13: {  	[smem:$0x3FAD] =	sst s0;
	s0 =	simm.s32 @!p1 $0x0  }
0x14: {  	s2 =	sld [smem:$0x3F91];
	s0 =	simm.s32 @p1 $0x1  }
0x15: {  	[smem:$0x3FAE] =	sst s0;
	s0 =	simm.s32 @!p2 $0x0  }
0x16: {  	s3 =	sld [smem:$0x3FDB];
	s0 =	simm.s32 @p2 $0x1  }
0x17: {  	s4 =	simm.s32 $0x1BF5;
	[smem:$0x3FB0] =	sst s0  }
0x18: {  	s0 =	sld [smem:$0x3F93];
	_ =	swait.ge [sflag:s4], $0x0  }
0x19: {  	s7 =	sld [smem:$0x3F94]  }
0x1a: {  	s8 =	sadd.s32 $0xFFFFE003, lr  }
0x1b: {  	s9 =	sadd.s32 $0xFFFFFEF7, lr;
	s5 =	simm.s32 $0xFFFFFFFF;
	p2 =	slt.u32 s8, $0xFFFFF086  }
0x1c: {  	p1 =	slt.u32 s9, $0xF7A;
	s5 =	simm.s32 @!p2 $0x0  }
0x1d: {  	s5 =	simm.s32 @p1 $0x1;
	p0 =	seq.s32 s7, s2  }
0x1e: {  	s7 =	smul.u32 @!p0 $0xF7A, s2;
	p2 =	seq.s32 @!p0 s5, $0x0  }
0x1f: {  	s9 =	smul.u32 $0xF7A, s1;
	s8 =	simm.s32 @!p0 $0x1BF5;
	p2 =	por !p2, p0  }
0x20: {  	[sflag:s8] =	ssyncset.s32 @!p0 $0xFFFFF086;
	s6 =	sadd.s32 @!p0 s3, s7;
	s7 =	simm.s32 @!p0 $0x108  }
0x21: {  	s3 =	sadd.s32 s3, s9;
	s6 =	sadd.s32 @!p0 $0x88, s6;
	s7 =	simm.s32 @p2 $0x1082  }
0x22: {  	[simem:s7], [sflag:s8] =	dma.local @!p0 [hbm:s6], $0xF7A  }
0x23: {  	s9 =	sor.u32 $0xD0000000, s2;
	s6 =	simm.s32 $0x108;
	_ =	swait.ge @!p0 [sflag:s8], $0x0  }
0x24: {  	s3 =	sadd.s32 $0x88, s3;
	s6 =	simm.s32 @!p1 $0x1082;
	[sflag:s4] =	ssyncset.s32 $0xFFFFF086  }
0x25: {  	[simem:s6], [sflag:s4] =	dma.local [hbm:s3], $0xF7A  }
0x26: {  	[smem:$0x3F94] =	sst s1;
	(tag) =	ssettag s2;
	_ =	strace s9  }
0x27: {  	s1 =	sld [smem:$0x3FA4]  }
0x28: {  	s2 =	sld [smem:$0x3FA5]  }
0x29: {  	s4 =	sld [smem:$0x3FA7]  }
0x2a: {  	p0 =	seq.s32 s5, $0x0;
	s5 =	sld [smem:$0x3FA8]  }
0x2b: {  	s6 =	sld [smem:$0x3FA9]  }
0x2c: {  	s7 =	sld [smem:$0x3FAA]  }
0x2d: {  	s3 =	simm.s32 $0x108;
	s8 =	sld [smem:$0x3FAB]  }
0x2e: {  	s3 =	simm.s32 @!p0 $0x1082;
	s9 =	sld [smem:$0x3FAC]  }
0x2f: {  	lr =	sadd.s32 s0, s3;
	s0 =	sld [smem:$0x3FA3]  }
0x30: {  	s3 =	sld [smem:$0x3FA6]  }
0x31: {  	[smem:$0x3FAF] =	sst s10  }
0x32: {  	s10 =	sld [smem:$0x3FAD];
	_ =	sdelay $0x3  }
0x33: {  	p0 =	seq.s32 s10, $0x1;
	s10 =	sld [smem:$0x3FAF];
	_ =	sdelay $0x3  }
0x34: {  	[smem:$0x3FAF] =	sst s10  }
0x35: {  	s10 =	sld [smem:$0x3FAE];
	_ =	sdelay $0x3  }
0x36: {  	p1 =	seq.s32 s10, $0x1;
	s10 =	sld [smem:$0x3FAF];
	_ =	sdelay $0x3  }
0x37: {  	[smem:$0x3FAF] =	sst s10  }
0x38: {  	s10 =	sld [smem:$0x3FB0]  }
0x39: {  	_ = 	snop;
	(pc) =	sbr.ind lr, $3  }
0x3a: {  	_ = 	snop  }
0x3b: {  	_ = 	snop  }
0x3c: {  	p2 =	seq.s32 s10, $0x1;
	s10 =	sld [smem:$0x3FAF]  }
0x3d: {  	_ =	shalt  }
0x3e: {  	_ =	shalt  }
0x3f: {  	_ =	shalt  }
0x40: {  	_ =	shalt  }
0x41: {  	_ =	shalt  }
0x42: {  	_ =	shalt  }
0x43: {  	_ =	shalt  }
0x44: {  	_ =	shalt  }
0x45: {  	_ =	shalt  }
0x46: {  	_ =	shalt  }
0x47: {  	_ =	shalt  }
0x48: {  	_ =	shalt  }
0x49: {  	_ =	shalt  }
0x4a: {  	_ =	shalt  }
0x4b: {  	_ =	shalt  }
0x4c: {  	_ =	shalt  }
0x4d: {  	_ =	shalt  }
0x4e: {  	_ =	shalt  }
0x4f: {  	_ =	shalt  }
0x50: {  	_ =	shalt  }
0x51: {  	_ =	shalt  }
0x52: {  	_ =	shalt  }
0x53: {  	_ =	shalt  }
0x54: {  	_ =	shalt  }
0x55: {  	_ =	shalt  }
0x56: {  	_ =	shalt  }
0x57: {  	_ =	shalt  }
0x58: {  	_ =	shalt  }
0x59: {  	_ =	shalt  }
0x5a: {  	_ =	shalt  }
0x5b: {  	_ =	shalt  }
0x5c: {  	_ =	shalt  }
0x5d: {  	_ =	shalt  }
0x5e: {  	_ =	shalt  }
0x5f: {  	_ =	shalt  }
0x60: {  	_ =	shalt  }
0x61: {  	_ =	shalt  }
0x62: {  	_ =	shalt  }
0x63: {  	_ =	shalt  }
0x64: {  	_ =	shalt  }
0x65: {  	_ =	shalt  }
0x66: {  	_ =	shalt  }
0x67: {  	_ =	shalt  }
0x68: {  	_ =	shalt  }
0x69: {  	_ =	shalt  }
0x6a: {  	_ =	shalt  }
0x6b: {  	_ =	shalt  }
0x6c: {  	_ =	shalt  }
0x6d: {  	_ =	shalt  }
0x6e: {  	_ =	shalt  }
0x6f: {  	_ =	shalt  }
0x70: {  	_ =	shalt  }
0x71: {  	_ =	shalt  }
0x72: {  	_ =	shalt  }
0x73: {  	_ =	shalt  }
0x74: {  	_ =	shalt  }
0x75: {  	_ =	shalt  }
0x76: {  	_ =	shalt  }
0x77: {  	_ =	shalt  }
0x78: {  	_ =	shalt  }
0x79: {  	_ =	shalt  }
0x7a: {  	_ =	shalt  }
0x7b: {  	_ =	shalt  }
0x7c: {  	_ =	shalt  }
0x7d: {  	_ =	shalt  }
0x7e: {  	_ =	shalt  }
0x7f: {  	_ =	shalt  }
0x80: {  	_ =	shalt  }
0x81: {  	_ =	shalt  }
0x82: {  	_ =	shalt  }
0x83: {  	_ =	shalt  }
0x84: {  	_ =	shalt  }
0x85: {  	_ =	shalt  }
0x86: {  	_ =	shalt  }
0x87: {  	_ =	shalt  }
.Lfunc_end0:
.L_simem_size_0:
called_computation_lowered:
.L_overlay_start_0:
0x88: {  	s2 =	sld [smem:$0x3FD9]  }
0x89: {  	s3 =	sld [smem:$0x3FFE];
	_ =	sdelay $0x1  }
0x8a: {  	s1 =	srdreg.scid  }
0x8b: {  	s0 =	sand.u32 $0x1, s1  }
0x8c: {  	s16 =	sshll.u32 s0, $0xA;
	s2 =	sadd.s32 s3, s2  }
0x8d: {  	s2 =	sadd.s32 s2, s16  }
0x8e: {  	[smem:$0x3FBB] =	sst s2  }
0x8f: {  	_ = 	snop  }
0x90: {  	(tm) =	ssettm $0x1  }
0x91: {  	s17 =	sld [smem:$0x3FFB];
	_ =	sdelay $0x3  }
0x92: {  	_ =	strace s17  }
0x93: {  	s2 =	sld [smem:$0x3FFC];
	_ =	sdelay $0x3  }
0x94: {  	_ =	strace s2  }
0x95: {  	s2 =	sld [smem:$0x3FFD];
	_ =	sdelay $0x3  }
0x96: {  	_ =	strace s2  }
0x97: {  	_ =	strace $0x8FFFFFFF  }
0x98: {  	s18 =	sld [smem:$0x3FDB];
	_ =	sdelay $0x1  }
0x99: {  	s19 =	simm.s32 $_scs_section_size  }
0x9a: {  	s4 =	simm.s32 $_size__tile_overlayer_lowered;
	s5 =	simm.s32 $_tile_overlayer_lowered  }
0x9b: {  	s22 =	simm.s32 $0x1BFF;
	s21 =	sshll.u32 s5, $0x1;
	s2 =	sadd.s32 s19, s18  }
0x9c: {  	s6 =	simm.s32 $0x0;
	s20 =	sshll.u32 s4, $0x1;
	s4 =	sadd.s32 s21, s2  }
0x9d: {  	[timem:s6], [sflag:s22] =	dma.local [hbm:s4], s20  }
0x9e: {  	_ =	swait.ge [sflag:s22], s20  }
0x9f: {  	s3 =	ssub.s32 $0x0, s20;
	[sflag:s22] =	ssyncset.done $0x0  }
0xa0: {  	[sflag:s22] =	ssyncadd.s32 s3;
	_ =	sdelay $0x1  }
0xa1: {  	s23 =	simm.s32 $0x1B8B  }
0xa2: {  	_ =	swait.ge [sflag:s23], $0x1  }
0xa3: {  	[sflag:s23] =	ssyncset.done $0x0  }
0xa4: {  	s25 =	simm.s32 $0x1B8E;
	s24 =	sld [smem:$0x3FFE];
	[sflag:s23] =	ssyncadd.s32 $0xFFFFFFFF  }
0xa5: {  	s26 =	simm.s32 $execute0_lowered;
	[smem:$0x3FD2] =	sst s25  }
0xa6: {  	s4 =	sshll.u32 s26, $0x1;
	_ =	strace $0x80000046;
	[dreg:$0x1] =	wrdreg $0xFFFFFFFF  }
0xa7: {  	s28 =	simm.s32 $_size_execute0_lowered;
	s2 =	sadd.s32 s2, s4;
	[dreg:$0x0] =	wrdreg $0x0  }
0xa8: {  	s4 =	sshll.u32 s28, $0x1;
	[dreg:$0x2] =	wrdreg s2  }
0xa9: {  	[dreg:$0x3] =	wrdreg s4  }
0xaa: {  	[dreg:$0x4] =	wrdreg $0xC0  }
0xab: {  	_ =	task [dreg:s6], $0x5FFFF  }
0xac: {  	[dreg:$0x1] =	wrdreg $0xFFFFFFFF  }
0xad: {  	[dreg:$0x0] =	wrdreg $0x60  }
0xae: {  	[dreg:$0x2] =	wrdreg s24  }
0xaf: {  	[dreg:$0x3] =	wrdreg $0x104800  }
0xb0: {  	[dreg:$0x4] =	wrdreg $0x9  }
0xb1: {  	_ =	task.clear_ibuf [dreg:s6], $0x5FFFF;
	_ =	strace $0x90000046  }
0xb2: {  	s29 =	simm.s32 $0x9;
	_ =	strace $0x80000048  }
0xb3: {  	_ =	swait.ge [sflag:s29], $0x1  }
0xb4: {  	[sflag:s29] =	ssyncadd.s32 $0xFFFFFFFF  }
0xb5: {  	_ =	strace $0x90000048  }
0xb6: {  	_ =	sfence  }
0xb7: {  	s30 =	sld [smem:$0x0];
	_ =	sdelay $0x2  }
0xb8: {  	s31 =	sshll.u32 s1, $0xD;
	s1 =	sshrl.u32 s1, $0x2  }
0xb9: {  	s3 =	sand.u32 $0x4000, s31;
	s1 =	sadd.s32 s1, s30  }
0xba: {  	s0 =	sor.u32 s3, s0;
	s1 =	sshll.u32 s1, $0x11  }
0xbb: {  	s0 =	sor.u32 s1, s0  }
0xbc: {  	s0 =	sadd.s32 $0x8F2B, s0  }
0xbd: {  	[sflag:s0] =	ssyncadd.remote.s32 $0x1  }
0xbe: {  	_ =	sfence.sel $0xFFFF  }
0xbf: {  	[dreg:$0x0] =	wrdreg $0xFFFFFFFF;
	(pc) =	sbr.abs _section_cstart, $3  }
0xc0: {  	[dreg:$0x1] =	wrdreg $0xFFFFFFFF  }
0xc1: {  	_ =	task.clear_ibuf [dreg:s6], $0x2FFFF;
	_ =	strace $0x9FFFFFFF  }
0xc2: {  	(tm) =	ssettm $0x7FFFFFFF  }
0xc3: {  	_ =	shalt  }
tec
execute0_lowered:
.L_overlay_start_1:
0x0: {  	(tag) =	ssettag $0x1  }
0x1: {  	s4 =	rddreg [dreg:$0x0];
	s0 =	srdreg.scid  }
0x2: {  	s2 =	rddreg [dreg:$0x1];
	s1 =	stileid.u32;
	s3 =	simm.s32 $0x0  }
0x3: {  	s13 =	simm.s32 $0x6880;
	s14 =	simm.s32 $0x80;
	s7 =	smul.u32 $0x500, s1  }
0x4: {  	s15 =	simm.s32 $0x2800;
	s16 =	simm.s32 $0x2880;
	s8 =	smul.u32 $0x138, s1  }
0x5: {  	s5 =	sand.u32 $0x1, s0;
	s0 =	rddreg [dreg:$0x2];
	s26 =	smul.u32 $0x27000, s1  }
0x6: {  	s17 =	simm.s32 $0x0;
	[smem:$0x7FF] =	sst s3;
	s6 =	smul.u32 $0x5000, s5  }
0x7: {  	s11 =	sadd.s32 $0xD200, s4;
	s9 =	ssub.s32 $0x2, s5;
	s10 =	smul.u32 $0x2710, s5  }
0x8: {  	p0 =	sne.s32 s1, $0xF;
	s5 =	smul.u32 $0x138800, s5;
	s28 =	sshrl.u32 s9, $0x1  }
0x9: {  	_ =	strace $0x80000047;
	s6 =	sadd.s32 s7, s6;
	s12 =	ssub.s32 s9, s28  }
0xa: {  	s29 =	sadd.s32 s8, s10;
	s7 =	sshrl.u32 s26, $0x2;
	s30 =	sshrl.u32 s5, $0x3  }
0xb: {  	s6 =	sadd.s32 s6, s4;
	s5 =	sadd.s32 s7, s2;
	s31 =	sadd.s32 s11, s30  }
0xc: {  	s7 =	sadd.s32 $0x9C000, s2;
	s4 =	sadd.s32 $0x3200, s6;
	s6 =	sshll.u32 s29, $0x4  }
0xd: {  	s8 =	sadd.s32 $0x13800, s31;
	s10 =	sadd.s32 $0x27080, s31;
	s6 =	sadd.s32 s11, s6  }
0xe: {  	v0 =	vimm.f32 $1.000000000e+00;
	v1 =	vimm.f32 $0.0e+00;
	s11 =	smax.u32 s12, $0x1;
	s12 =	simm.s32 $0x1;
	s9 =	sadd.s32 $0x13880, s6  }
.LBB2_1:
0xf: {  	s18 =	simm.s32 $0x0;
	s19 =	simm.s32 $0x200  }
.LBB2_2:
0x10: {  	p1 =	sne.s32 s19, $0xFE00;
	[tilespmem:s18+$0x28F0] =	vst v0  }
0x11: {  	[tilespmem:s18+$0x2880] =	vst v0  }
0x12: {  	[tilespmem:s18+$0x2890] =	vst v0  }
.Ltmp0:
0x13: {  	[tilespmem:s18+$0x28A0] =	vst v0;
	(pc) =	sbr.rel @p1 .LBB2_2-.Ltmp0, $4  }
0x14: {  	[tilespmem:s18+$0x28B0] =	vst v0  }
0x15: {  	[tilespmem:s18+$0x28C0] =	vst v0  }
0x16: {  	[tilespmem:s18+$0x28D0] =	vst v0  }
0x17: {  	[tilespmem:s18+$0x28E0] =	vst v0;
	s18 =	sshra.s32 s19, $0x2;
	s19 =	sadd.s32 $0x200, s19  }
0x18: {  	[tilespmem:s18+$0x28F0] =	vst v0  }
0x19: {  	[tilespmem:s18+$0x2880] =	vst v0  }
0x1a: {  	[tilespmem:s18+$0x2890] =	vst v0  }
0x1b: {  	[tilespmem:s18+$0x28A0] =	vst v0  }
0x1c: {  	[tilespmem:s18+$0x28B0] =	vst v0  }
0x1d: {  	[tilespmem:s18+$0x28C0] =	vst v0  }
0x1e: {  	[tilespmem:s18+$0x28D0] =	vst v0  }
0x1f: {  	[tilespmem:s18+$0x28E0] =	vst v0;
	s18 =	simm.s32 $0x70;
	s19 =	simm.s32 $0x3C0  }
.LBB2_4:
0x20: {  	p1 =	sne.s32 s19, $0x26FC0;
	[tilespmem:s18+$0x6880] =	vst v1  }
0x21: {  	[tilespmem:s18+$0x6810] =	vst v1  }
0x22: {  	[tilespmem:s18+$0x6820] =	vst v1  }
.Ltmp1:
0x23: {  	[tilespmem:s18+$0x6830] =	vst v1;
	(pc) =	sbr.rel @p1 .LBB2_4-.Ltmp1, $4  }
0x24: {  	[tilespmem:s18+$0x6840] =	vst v1  }
0x25: {  	[tilespmem:s18+$0x6850] =	vst v1  }
0x26: {  	[tilespmem:s18+$0x6860] =	vst v1  }
0x27: {  	[tilespmem:s18+$0x6870] =	vst v1;
	s18 =	sshra.s32 s19, $0x2;
	s19 =	sadd.s32 $0x200, s19  }
0x28: {  	[tilespmem:s18+$0x6880] =	vst v1  }
0x29: {  	[tilespmem:s18+$0x6810] =	vst v1  }
0x2a: {  	[tilespmem:s18+$0x6820] =	vst v1  }
0x2b: {  	[tilespmem:s18+$0x6830] =	vst v1  }
0x2c: {  	[tilespmem:s18+$0x6840] =	vst v1  }
0x2d: {  	[tilespmem:s18+$0x6850] =	vst v1  }
0x2e: {  	[tilespmem:s18+$0x6860] =	vst v1  }
0x2f: {  	[tilespmem:s18+$0x6870] =	vst v1  }
0x30: {  	[tilespmem:s3], [sflag:$0x1] =	stream.linear.gather [hbm4b:s4+s3], $0x2800, $0x38;
	[tilespmem:$0x1A2C0] =	vst v63  }
0x31: {  	_ =	swait.ge [sflag:s12], $0x2800  }
0x32: {  	[sflag:s12] =	ssyncset.done $0x0  }
0x33: {  	[sflag:s12] =	ssyncadd.s32 $0xFFFFD800  }
0x34: {  	[spmem:s5] =	stream.linear.scatter [tilespmem:s13], [sflag:$0x1], $0x9C00, $0x38;
	[tilespmem:$0x1A2C0] =	vst v63  }
0x35: {  	_ =	swait.ge [sflag:s12], $0x9C00  }
0x36: {  	[sflag:s12] =	ssyncset.done $0x0  }
0x37: {  	s18 =	simm.s32 @!p0 $0x6880;
	[sflag:s12] =	ssyncadd.s32 $0xFFFF6400  }
0x38: {  	[spmem:s7] =	stream.linear.scatter @!p0 [tilespmem:s18], [sflag:$0x1], $0x400, $0x38;
	[tilespmem:$0x1A2C0] =	vst v63  }
0x39: {  	s18 =	simm.s32 @!p0 $0x1  }
0x3a: {  	_ =	swait.ge @!p0 [sflag:s18], $0x400  }
0x3b: {  	[sflag:s18] =	ssyncset.done @!p0 $0x0  }
0x3c: {  	[sflag:s18] =	ssyncadd.s32 @!p0 $0xFFFFFC00  }
0x3d: {  	s31 =	simm.s32 $0x0;
	[bflag:$0x0] =	sbarrier.arrive $0xFFFF  }
0x3e: {  	v2 =	vld [tilespmem:s31+$0x0];
	_ =	sdelay $0x4  }
0x3f: {  	v3 =	vand.u32 $0x3F, v2  }
0x40: {  	vm0 =	vlt.s32 v2, $0x1388;
	v3 =	vadd.s32 $0x1388, v3  }
0x41: {  	v2 =	vsel vm0, v2, v3  }
0x42: {  	[tilespmem:$0x2800] =	vst v2  }
0x43: {  	v2 =	vld [tilespmem:s31+$0x10];
	_ =	sdelay $0x4  }
0x44: {  	v3 =	vand.u32 $0x3F, v2  }
0x45: {  	vm9 =	vlt.s32 v2, $0x1388;
	v3 =	vadd.s32 $0x1388, v3  }
0x46: {  	v2 =	vsel vm9, v2, v3  }
0x47: {  	[tilespmem:$0x2810] =	vst v2  }
0x48: {  	v2 =	vld [tilespmem:s31+$0x20];
	_ =	sdelay $0x4  }
0x49: {  	v3 =	vand.u32 $0x3F, v2  }
0x4a: {  	vm10 =	vlt.s32 v2, $0x1388;
	v3 =	vadd.s32 $0x1388, v3  }
0x4b: {  	v2 =	vsel vm10, v2, v3  }
0x4c: {  	[tilespmem:$0x2820] =	vst v2  }
0x4d: {  	v2 =	vld [tilespmem:s31+$0x30];
	_ =	sdelay $0x4  }
0x4e: {  	v3 =	vand.u32 $0x3F, v2  }
0x4f: {  	vm11 =	vlt.s32 v2, $0x1388;
	v3 =	vadd.s32 $0x1388, v3  }
0x50: {  	v2 =	vsel vm11, v2, v3  }
0x51: {  	[tilespmem:$0x2830] =	vst v2  }
0x52: {  	v2 =	vld [tilespmem:s31+$0x40];
	_ =	sdelay $0x4  }
0x53: {  	v3 =	vand.u32 $0x3F, v2  }
0x54: {  	vm12 =	vlt.s32 v2, $0x1388;
	v3 =	vadd.s32 $0x1388, v3  }
0x55: {  	v2 =	vsel vm12, v2, v3  }
0x56: {  	[tilespmem:$0x2840] =	vst v2  }
0x57: {  	v2 =	vld [tilespmem:s31+$0x50];
	_ =	sdelay $0x4  }
0x58: {  	v3 =	vand.u32 $0x3F, v2  }
0x59: {  	vm13 =	vlt.s32 v2, $0x1388;
	v3 =	vadd.s32 $0x1388, v3  }
0x5a: {  	v2 =	vsel vm13, v2, v3  }
0x5b: {  	[tilespmem:$0x2850] =	vst v2  }
0x5c: {  	v2 =	vld [tilespmem:s31+$0x60];
	_ =	sdelay $0x4  }
0x5d: {  	v3 =	vand.u32 $0x3F, v2  }
0x5e: {  	vm14 =	vlt.s32 v2, $0x1388;
	v3 =	vadd.s32 $0x1388, v3  }
0x5f: {  	v2 =	vsel vm14, v2, v3  }
0x60: {  	[tilespmem:$0x2860] =	vst v2  }
0x61: {  	v2 =	vld [tilespmem:s31+$0x70];
	_ =	sdelay $0x4  }
0x62: {  	v3 =	vand.u32 $0x3F, v2  }
0x63: {  	vm15 =	vlt.s32 v2, $0x1388;
	v3 =	vadd.s32 $0x1388, v3  }
0x64: {  	v2 =	vsel vm15, v2, v3  }
0x65: {  	[tilespmem:$0x2870] =	vst v2  }
0x66: {  	[spmem:s2] =	stream.indirect.scatter.add.f32 [tilespmem:s16], [sflag:$0x1], $0x80, s15, s14, $0xb8;
	[tilespmem:$0x1A2C0] =	vst v63  }
0x67: {  	_ =	swait.ge [sflag:s12], $0x4000  }
0x68: {  	s21 =	simm.s32 $0x400;
	s18 =	simm.s32 $0x200;
	[sflag:s12] =	ssyncset.done $0x0  }
.LBB2_6:
0x69: {  	s20 =	sshra.s32 s18, $0x2  }
0x6a: {  	[sflag:s12] =	ssyncadd.s32 $0xFFFFC000;
	s18 =	smov.u32 s21;
	s19 =	sadd.s32 $0x200, s21  }
0x6b: {  	p1 =	sne.s32 s21, $0x9E00;
	v2 =	vld [tilespmem:s20+$0x0];
	_ =	sdelay $0x4  }
0x6c: {  	v3 =	vand.u32 $0x3F, v2  }
0x6d: {  	vm0 =	vlt.s32 v2, $0x1388;
	v3 =	vadd.s32 $0x1388, v3  }
0x6e: {  	v2 =	vsel vm0, v2, v3  }
0x6f: {  	[tilespmem:$0x2800] =	vst v2  }
0x70: {  	v2 =	vld [tilespmem:s20+$0x10];
	_ =	sdelay $0x4  }
0x71: {  	v3 =	vand.u32 $0x3F, v2  }
0x72: {  	vm0 =	vlt.s32 v2, $0x1388;
	v3 =	vadd.s32 $0x1388, v3  }
0x73: {  	v2 =	vsel vm0, v2, v3  }
0x74: {  	[tilespmem:$0x2810] =	vst v2  }
0x75: {  	v2 =	vld [tilespmem:s20+$0x20];
	_ =	sdelay $0x4  }
0x76: {  	v3 =	vand.u32 $0x3F, v2  }
0x77: {  	vm0 =	vlt.s32 v2, $0x1388;
	v3 =	vadd.s32 $0x1388, v3  }
0x78: {  	v2 =	vsel vm0, v2, v3  }
0x79: {  	[tilespmem:$0x2820] =	vst v2  }
0x7a: {  	v2 =	vld [tilespmem:s20+$0x30];
	_ =	sdelay $0x4  }
0x7b: {  	v3 =	vand.u32 $0x3F, v2  }
0x7c: {  	vm0 =	vlt.s32 v2, $0x1388;
	v3 =	vadd.s32 $0x1388, v3  }
0x7d: {  	v2 =	vsel vm0, v2, v3  }
0x7e: {  	[tilespmem:$0x2830] =	vst v2  }
0x7f: {  	v2 =	vld [tilespmem:s20+$0x40];
	_ =	sdelay $0x4  }
0x80: {  	v3 =	vand.u32 $0x3F, v2  }
0x81: {  	vm0 =	vlt.s32 v2, $0x1388;
	v3 =	vadd.s32 $0x1388, v3  }
0x82: {  	v2 =	vsel vm0, v2, v3  }
0x83: {  	[tilespmem:$0x2840] =	vst v2  }
0x84: {  	v2 =	vld [tilespmem:s20+$0x50];
	_ =	sdelay $0x4  }
0x85: {  	v3 =	vand.u32 $0x3F, v2  }
0x86: {  	vm0 =	vlt.s32 v2, $0x1388;
	v3 =	vadd.s32 $0x1388, v3  }
0x87: {  	v2 =	vsel vm0, v2, v3  }
0x88: {  	[tilespmem:$0x2850] =	vst v2  }
0x89: {  	v2 =	vld [tilespmem:s20+$0x60];
	_ =	sdelay $0x4  }
0x8a: {  	v3 =	vand.u32 $0x3F, v2  }
0x8b: {  	vm0 =	vlt.s32 v2, $0x1388;
	v3 =	vadd.s32 $0x1388, v3  }
0x8c: {  	v2 =	vsel vm0, v2, v3  }
0x8d: {  	[tilespmem:$0x2860] =	vst v2  }
0x8e: {  	v2 =	vld [tilespmem:s20+$0x70];
	_ =	sdelay $0x4  }
0x8f: {  	v3 =	vand.u32 $0x3F, v2  }
0x90: {  	vm0 =	vlt.s32 v2, $0x1388;
	v3 =	vadd.s32 $0x1388, v3  }
.Ltmp2:
0x91: {  	v2 =	vsel vm0, v2, v3;
	(pc) =	sbr.rel @p1 .LBB2_6-.Ltmp2, $4  }
0x92: {  	[tilespmem:$0x2870] =	vst v2  }
0x93: {  	[spmem:s2] =	stream.indirect.scatter.add.f32 [tilespmem:s16], [sflag:$0x1], $0x80, s15, s14, $0xb8;
	[tilespmem:$0x1A2C0] =	vst v63  }
0x94: {  	_ =	swait.ge [sflag:s12], $0x4000  }
0x95: {  	s21 =	smov.u32 s19;
	[sflag:s12] =	ssyncset.done $0x0  }
0x96: {  	s18 =	sshra.s32 s18, $0x2;
	[sflag:s12] =	ssyncadd.s32 $0xFFFFC000  }
0x97: {  	v2 =	vld [tilespmem:s18+$0x0];
	_ =	sdelay $0x4  }
0x98: {  	v3 =	vand.u32 $0x3F, v2  }
0x99: {  	vm0 =	vlt.s32 v2, $0x1388;
	v3 =	vadd.s32 $0x1388, v3  }
0x9a: {  	v2 =	vsel vm0, v2, v3  }
0x9b: {  	[tilespmem:$0x2800] =	vst v2  }
0x9c: {  	v2 =	vld [tilespmem:s18+$0x10];
	_ =	sdelay $0x4  }
0x9d: {  	v3 =	vand.u32 $0x3F, v2  }
0x9e: {  	vm13 =	vlt.s32 v2, $0x1388;
	v3 =	vadd.s32 $0x1388, v3  }
0x9f: {  	v2 =	vsel vm13, v2, v3  }
0xa0: {  	[tilespmem:$0x2810] =	vst v2  }
0xa1: {  	v2 =	vld [tilespmem:s18+$0x20];
	_ =	sdelay $0x4  }
0xa2: {  	v3 =	vand.u32 $0x3F, v2  }
0xa3: {  	vm14 =	vlt.s32 v2, $0x1388;
	v3 =	vadd.s32 $0x1388, v3  }
0xa4: {  	v2 =	vsel vm14, v2, v3  }
0xa5: {  	[tilespmem:$0x2820] =	vst v2  }
0xa6: {  	v2 =	vld [tilespmem:s18+$0x30];
	_ =	sdelay $0x4  }
0xa7: {  	v3 =	vand.u32 $0x3F, v2  }
0xa8: {  	vm15 =	vlt.s32 v2, $0x1388;
	v3 =	vadd.s32 $0x1388, v3  }
0xa9: {  	v2 =	vsel vm15, v2, v3  }
0xaa: {  	[tilespmem:$0x2830] =	vst v2  }
0xab: {  	v2 =	vld [tilespmem:s18+$0x40];
	_ =	sdelay $0x4  }
0xac: {  	v3 =	vand.u32 $0x3F, v2  }
0xad: {  	vm4 =	vlt.s32 v2, $0x1388;
	v3 =	vadd.s32 $0x1388, v3  }
0xae: {  	v2 =	vsel vm4, v2, v3  }
0xaf: {  	[tilespmem:$0x2840] =	vst v2  }
0xb0: {  	v2 =	vld [tilespmem:s18+$0x50];
	_ =	sdelay $0x4  }
0xb1: {  	v3 =	vand.u32 $0x3F, v2  }
0xb2: {  	vm5 =	vlt.s32 v2, $0x1388;
	v3 =	vadd.s32 $0x1388, v3  }
0xb3: {  	v2 =	vsel vm5, v2, v3  }
0xb4: {  	[tilespmem:$0x2850] =	vst v2  }
0xb5: {  	v2 =	vld [tilespmem:s18+$0x60];
	_ =	sdelay $0x4  }
0xb6: {  	v3 =	vand.u32 $0x3F, v2  }
0xb7: {  	vm6 =	vlt.s32 v2, $0x1388;
	v3 =	vadd.s32 $0x1388, v3  }
0xb8: {  	v2 =	vsel vm6, v2, v3  }
0xb9: {  	[tilespmem:$0x2860] =	vst v2  }
0xba: {  	v2 =	vld [tilespmem:s18+$0x70];
	_ =	sdelay $0x4  }
0xbb: {  	v3 =	vand.u32 $0x3F, v2  }
0xbc: {  	vm7 =	vlt.s32 v2, $0x1388;
	v3 =	vadd.s32 $0x1388, v3  }
0xbd: {  	v2 =	vsel vm7, v2, v3  }
0xbe: {  	[tilespmem:$0x2870] =	vst v2  }
0xbf: {  	[spmem:s2] =	stream.indirect.scatter.add.f32 [tilespmem:s16], [sflag:$0x1], $0x80, s15, s14, $0xb8;
	[tilespmem:$0x1A2C0] =	vst v63  }
0xc0: {  	_ =	swait.ge [sflag:s12], $0x4000  }
0xc1: {  	[sflag:s12] =	ssyncset.done $0x0  }
0xc2: {  	s30 =	sshll.u32 s1, $0x6;
	[sflag:s12] =	ssyncadd.s32 $0xFFFFC000  }
0xc3: {  	s19 =	sshrl.u32 s5, $0x3;
	s18 =	sor.u32 $0x1C01, s30;
	[bflag:$0x0] =	sbarrier.arrive $0xFFFF  }
0xc4: {  	[hbm:s6], [sflag:s18] =	dma.local [spmem:s19], $0x1380  }
0xc5: {  	_ =	swait.ge [sflag:s12], $0x1380  }
0xc6: {  	[sflag:s12] =	ssyncset.done $0x0  }
0xc7: {  	[sflag:s12] =	ssyncadd.s32 $0xFFFFEC80  }
0xc8: {  	s20 =	simm.s32 @p0 $0x6880;
	[bflag:$0x0] =	sbarrier.arrive @p0 $0xFFFF  }
0xc9: {  	[spmem:s5] =	stream.linear.scatter @p0 [tilespmem:s20], [sflag:$0x1], $0x9C00, $0x38;
	[tilespmem:$0x1A2C0] =	vst v63  }
0xca: {  	s20 =	simm.s32 @p0 $0x1  }
0xcb: {  	_ =	swait.ge @p0 [sflag:s20], $0x9C00  }
0xcc: {  	[sflag:s20] =	ssyncset.done @p0 $0x0  }
0xcd: {  	s21 =	simm.s32 @!p0 $0x1;
	[sflag:s20] =	ssyncadd.s32 @p0 $0xFFFF6400;
	s20 =	sshrl.u32 @!p0 s7, $0x3  }
0xce: {  	[hbm:s8], [sflag:s18] =	dma.local @!p0 [spmem:s20], $0x80  }
0xcf: {  	_ =	swait.ge @!p0 [sflag:s21], $0x80  }
0xd0: {  	[sflag:s21] =	ssyncset.done @!p0 $0x0  }
0xd1: {  	[sflag:s21] =	ssyncadd.s32 @!p0 $0xFFFFFF80  }
0xd2: {  	s22 =	simm.s32 @!p0 $0x6880;
	[bflag:$0x0] =	sbarrier.arrive @!p0 $0xFFFF  }
0xd3: {  	[spmem:s5] =	stream.linear.scatter @!p0 [tilespmem:s22], [sflag:$0x1], $0x9C00, $0x38;
	[tilespmem:$0x1A2C0] =	vst v63  }
0xd4: {  	_ =	swait.ge @!p0 [sflag:s21], $0x9C00  }
0xd5: {  	[sflag:s21] =	ssyncset.done @!p0 $0x0  }
0xd6: {  	[sflag:s21] =	ssyncadd.s32 @!p0 $0xFFFF6400  }
0xd7: {  	[spmem:s7] =	stream.linear.scatter @!p0 [tilespmem:s22], [sflag:$0x1], $0x400, $0x38;
	[tilespmem:$0x1A2C0] =	vst v63  }
0xd8: {  	_ =	swait.ge @!p0 [sflag:s21], $0x400  }
0xd9: {  	[sflag:s21] =	ssyncset.done @!p0 $0x0  }
0xda: {  	[sflag:s21] =	ssyncadd.s32 @!p0 $0xFFFFFC00  }
0xdb: {  	s31 =	simm.s32 $0x0;
	[bflag:$0x0] =	sbarrier.arrive $0xFFFF  }
0xdc: {  	v2 =	vld [tilespmem:s31+$0x0];
	_ =	sdelay $0x4  }
0xdd: {  	v3 =	vand.u32 $0x3F, v2;
	v2 =	vadd.s32 $0xFFFFEC78, v2  }
0xde: {  	v3 =	vadd.s32 $0x1388, v3;
	vm8 =	vlt.u32 v2, $0x1388  }
0xdf: {  	v2 =	vsel vm8, v2, v3  }
0xe0: {  	[tilespmem:$0x2800] =	vst v2  }
0xe1: {  	v2 =	vld [tilespmem:s31+$0x10];
	_ =	sdelay $0x4  }
0xe2: {  	v3 =	vand.u32 $0x3F, v2;
	v2 =	vadd.s32 $0xFFFFEC78, v2  }
0xe3: {  	v3 =	vadd.s32 $0x1388, v3;
	vm9 =	vlt.u32 v2, $0x1388  }
0xe4: {  	v2 =	vsel vm9, v2, v3  }
0xe5: {  	[tilespmem:$0x2810] =	vst v2  }
0xe6: {  	v2 =	vld [tilespmem:s31+$0x20];
	_ =	sdelay $0x4  }
0xe7: {  	v3 =	vand.u32 $0x3F, v2;
	v2 =	vadd.s32 $0xFFFFEC78, v2  }
0xe8: {  	v3 =	vadd.s32 $0x1388, v3;
	vm10 =	vlt.u32 v2, $0x1388  }
0xe9: {  	v2 =	vsel vm10, v2, v3  }
0xea: {  	[tilespmem:$0x2820] =	vst v2  }
0xeb: {  	v2 =	vld [tilespmem:s31+$0x30];
	_ =	sdelay $0x4  }
0xec: {  	v3 =	vand.u32 $0x3F, v2;
	v2 =	vadd.s32 $0xFFFFEC78, v2  }
0xed: {  	v3 =	vadd.s32 $0x1388, v3;
	vm11 =	vlt.u32 v2, $0x1388  }
0xee: {  	v2 =	vsel vm11, v2, v3  }
0xef: {  	[tilespmem:$0x2830] =	vst v2  }
0xf0: {  	v2 =	vld [tilespmem:s31+$0x40];
	_ =	sdelay $0x4  }
0xf1: {  	v3 =	vand.u32 $0x3F, v2;
	v2 =	vadd.s32 $0xFFFFEC78, v2  }
0xf2: {  	v3 =	vadd.s32 $0x1388, v3;
	vm12 =	vlt.u32 v2, $0x1388  }
0xf3: {  	v2 =	vsel vm12, v2, v3  }
0xf4: {  	[tilespmem:$0x2840] =	vst v2  }
0xf5: {  	v2 =	vld [tilespmem:s31+$0x50];
	_ =	sdelay $0x4  }
0xf6: {  	v3 =	vand.u32 $0x3F, v2;
	v2 =	vadd.s32 $0xFFFFEC78, v2  }
0xf7: {  	v3 =	vadd.s32 $0x1388, v3;
	vm13 =	vlt.u32 v2, $0x1388  }
0xf8: {  	v2 =	vsel vm13, v2, v3  }
0xf9: {  	[tilespmem:$0x2850] =	vst v2  }
0xfa: {  	v2 =	vld [tilespmem:s31+$0x60];
	_ =	sdelay $0x4  }
0xfb: {  	v3 =	vand.u32 $0x3F, v2;
	v2 =	vadd.s32 $0xFFFFEC78, v2  }
0xfc: {  	v3 =	vadd.s32 $0x1388, v3;
	vm14 =	vlt.u32 v2, $0x1388  }
0xfd: {  	v2 =	vsel vm14, v2, v3  }
0xfe: {  	[tilespmem:$0x2860] =	vst v2  }
0xff: {  	v2 =	vld [tilespmem:s31+$0x70];
	_ =	sdelay $0x4  }
0x100: {  	v3 =	vand.u32 $0x3F, v2;
	v2 =	vadd.s32 $0xFFFFEC78, v2  }
0x101: {  	v3 =	vadd.s32 $0x1388, v3;
	vm15 =	vlt.u32 v2, $0x1388  }
0x102: {  	v2 =	vsel vm15, v2, v3  }
0x103: {  	[tilespmem:$0x2870] =	vst v2  }
0x104: {  	[spmem:s2] =	stream.indirect.scatter.add.f32 [tilespmem:s16], [sflag:$0x1], $0x80, s15, s14, $0xb8;
	[tilespmem:$0x1A2C0] =	vst v63  }
0x105: {  	_ =	swait.ge [sflag:s12], $0x4000  }
0x106: {  	s24 =	simm.s32 $0x400;
	s21 =	simm.s32 $0x200;
	[sflag:s12] =	ssyncset.done $0x0  }
.LBB2_8:
0x107: {  	s23 =	sshra.s32 s21, $0x2  }
0x108: {  	[sflag:s12] =	ssyncadd.s32 $0xFFFFC000;
	s21 =	smov.u32 s24;
	s22 =	sadd.s32 $0x200, s24  }
0x109: {  	p1 =	sne.s32 s24, $0x9E00;
	v2 =	vld [tilespmem:s23+$0x0];
	_ =	sdelay $0x4  }
0x10a: {  	v3 =	vand.u32 $0x3F, v2;
	v2 =	vadd.s32 $0xFFFFEC78, v2  }
0x10b: {  	v3 =	vadd.s32 $0x1388, v3;
	vm0 =	vlt.u32 v2, $0x1388  }
0x10c: {  	v2 =	vsel vm0, v2, v3  }
0x10d: {  	[tilespmem:$0x2800] =	vst v2  }
0x10e: {  	v2 =	vld [tilespmem:s23+$0x10];
	_ =	sdelay $0x4  }
0x10f: {  	v3 =	vand.u32 $0x3F, v2;
	v2 =	vadd.s32 $0xFFFFEC78, v2  }
0x110: {  	v3 =	vadd.s32 $0x1388, v3;
	vm0 =	vlt.u32 v2, $0x1388  }
0x111: {  	v2 =	vsel vm0, v2, v3  }
0x112: {  	[tilespmem:$0x2810] =	vst v2  }
0x113: {  	v2 =	vld [tilespmem:s23+$0x20];
	_ =	sdelay $0x4  }
0x114: {  	v3 =	vand.u32 $0x3F, v2;
	v2 =	vadd.s32 $0xFFFFEC78, v2  }
0x115: {  	v3 =	vadd.s32 $0x1388, v3;
	vm0 =	vlt.u32 v2, $0x1388  }
0x116: {  	v2 =	vsel vm0, v2, v3  }
0x117: {  	[tilespmem:$0x2820] =	vst v2  }
0x118: {  	v2 =	vld [tilespmem:s23+$0x30];
	_ =	sdelay $0x4  }
0x119: {  	v3 =	vand.u32 $0x3F, v2;
	v2 =	vadd.s32 $0xFFFFEC78, v2  }
0x11a: {  	v3 =	vadd.s32 $0x1388, v3;
	vm0 =	vlt.u32 v2, $0x1388  }
0x11b: {  	v2 =	vsel vm0, v2, v3  }
0x11c: {  	[tilespmem:$0x2830] =	vst v2  }
0x11d: {  	v2 =	vld [tilespmem:s23+$0x40];
	_ =	sdelay $0x4  }
0x11e: {  	v3 =	vand.u32 $0x3F, v2;
	v2 =	vadd.s32 $0xFFFFEC78, v2  }
0x11f: {  	v3 =	vadd.s32 $0x1388, v3;
	vm0 =	vlt.u32 v2, $0x1388  }
0x120: {  	v2 =	vsel vm0, v2, v3  }
0x121: {  	[tilespmem:$0x2840] =	vst v2  }
0x122: {  	v2 =	vld [tilespmem:s23+$0x50];
	_ =	sdelay $0x4  }
0x123: {  	v3 =	vand.u32 $0x3F, v2;
	v2 =	vadd.s32 $0xFFFFEC78, v2  }
0x124: {  	v3 =	vadd.s32 $0x1388, v3;
	vm0 =	vlt.u32 v2, $0x1388  }
0x125: {  	v2 =	vsel vm0, v2, v3  }
0x126: {  	[tilespmem:$0x2850] =	vst v2  }
0x127: {  	v2 =	vld [tilespmem:s23+$0x60];
	_ =	sdelay $0x4  }
0x128: {  	v3 =	vand.u32 $0x3F, v2;
	v2 =	vadd.s32 $0xFFFFEC78, v2  }
0x129: {  	v3 =	vadd.s32 $0x1388, v3;
	vm0 =	vlt.u32 v2, $0x1388  }
0x12a: {  	v2 =	vsel vm0, v2, v3  }
0x12b: {  	[tilespmem:$0x2860] =	vst v2  }
0x12c: {  	v2 =	vld [tilespmem:s23+$0x70];
	_ =	sdelay $0x4  }
0x12d: {  	v3 =	vand.u32 $0x3F, v2;
	v2 =	vadd.s32 $0xFFFFEC78, v2  }
0x12e: {  	v3 =	vadd.s32 $0x1388, v3;
	vm0 =	vlt.u32 v2, $0x1388  }
.Ltmp3:
0x12f: {  	v2 =	vsel vm0, v2, v3;
	(pc) =	sbr.rel @p1 .LBB2_8-.Ltmp3, $4  }
0x130: {  	[tilespmem:$0x2870] =	vst v2  }
0x131: {  	[spmem:s2] =	stream.indirect.scatter.add.f32 [tilespmem:s16], [sflag:$0x1], $0x80, s15, s14, $0xb8;
	[tilespmem:$0x1A2C0] =	vst v63  }
0x132: {  	_ =	swait.ge [sflag:s12], $0x4000  }
0x133: {  	s24 =	smov.u32 s22;
	[sflag:s12] =	ssyncset.done $0x0  }
0x134: {  	s21 =	sshra.s32 s21, $0x2;
	[sflag:s12] =	ssyncadd.s32 $0xFFFFC000  }
0x135: {  	v2 =	vld [tilespmem:s21+$0x0];
	_ =	sdelay $0x4  }
0x136: {  	v3 =	vand.u32 $0x3F, v2;
	v2 =	vadd.s32 $0xFFFFEC78, v2  }
0x137: {  	v3 =	vadd.s32 $0x1388, v3;
	vm0 =	vlt.u32 v2, $0x1388  }
0x138: {  	v2 =	vsel vm0, v2, v3  }
0x139: {  	[tilespmem:$0x2800] =	vst v2  }
0x13a: {  	v2 =	vld [tilespmem:s21+$0x10];
	_ =	sdelay $0x4  }
0x13b: {  	v3 =	vand.u32 $0x3F, v2;
	v2 =	vadd.s32 $0xFFFFEC78, v2  }
0x13c: {  	v3 =	vadd.s32 $0x1388, v3;
	vm9 =	vlt.u32 v2, $0x1388  }
0x13d: {  	v2 =	vsel vm9, v2, v3  }
0x13e: {  	[tilespmem:$0x2810] =	vst v2  }
0x13f: {  	v2 =	vld [tilespmem:s21+$0x20];
	_ =	sdelay $0x4  }
0x140: {  	v3 =	vand.u32 $0x3F, v2;
	v2 =	vadd.s32 $0xFFFFEC78, v2  }
0x141: {  	v3 =	vadd.s32 $0x1388, v3;
	vm10 =	vlt.u32 v2, $0x1388  }
0x142: {  	v2 =	vsel vm10, v2, v3  }
0x143: {  	[tilespmem:$0x2820] =	vst v2  }
0x144: {  	v2 =	vld [tilespmem:s21+$0x30];
	_ =	sdelay $0x4  }
0x145: {  	v3 =	vand.u32 $0x3F, v2;
	v2 =	vadd.s32 $0xFFFFEC78, v2  }
0x146: {  	v3 =	vadd.s32 $0x1388, v3;
	vm11 =	vlt.u32 v2, $0x1388  }
0x147: {  	v2 =	vsel vm11, v2, v3  }
0x148: {  	[tilespmem:$0x2830] =	vst v2  }
0x149: {  	v2 =	vld [tilespmem:s21+$0x40];
	_ =	sdelay $0x4  }
0x14a: {  	v3 =	vand.u32 $0x3F, v2;
	v2 =	vadd.s32 $0xFFFFEC78, v2  }
0x14b: {  	v3 =	vadd.s32 $0x1388, v3;
	vm12 =	vlt.u32 v2, $0x1388  }
0x14c: {  	v2 =	vsel vm12, v2, v3  }
0x14d: {  	[tilespmem:$0x2840] =	vst v2  }
0x14e: {  	v2 =	vld [tilespmem:s21+$0x50];
	_ =	sdelay $0x4  }
0x14f: {  	v3 =	vand.u32 $0x3F, v2;
	v2 =	vadd.s32 $0xFFFFEC78, v2  }
0x150: {  	v3 =	vadd.s32 $0x1388, v3;
	vm13 =	vlt.u32 v2, $0x1388  }
0x151: {  	v2 =	vsel vm13, v2, v3  }
0x152: {  	[tilespmem:$0x2850] =	vst v2  }
0x153: {  	v2 =	vld [tilespmem:s21+$0x60];
	_ =	sdelay $0x4  }
0x154: {  	v3 =	vand.u32 $0x3F, v2;
	v2 =	vadd.s32 $0xFFFFEC78, v2  }
0x155: {  	v3 =	vadd.s32 $0x1388, v3;
	vm14 =	vlt.u32 v2, $0x1388  }
0x156: {  	v2 =	vsel vm14, v2, v3  }
0x157: {  	[tilespmem:$0x2860] =	vst v2  }
0x158: {  	v2 =	vld [tilespmem:s21+$0x70];
	_ =	sdelay $0x4  }
0x159: {  	v3 =	vand.u32 $0x3F, v2;
	v2 =	vadd.s32 $0xFFFFEC78, v2  }
0x15a: {  	v3 =	vadd.s32 $0x1388, v3;
	vm15 =	vlt.u32 v2, $0x1388  }
0x15b: {  	v2 =	vsel vm15, v2, v3  }
0x15c: {  	[tilespmem:$0x2870] =	vst v2  }
0x15d: {  	[spmem:s2] =	stream.indirect.scatter.add.f32 [tilespmem:s16], [sflag:$0x1], $0x80, s15, s14, $0xb8;
	[tilespmem:$0x1A2C0] =	vst v63  }
0x15e: {  	_ =	swait.ge [sflag:s12], $0x4000  }
0x15f: {  	[sflag:s12] =	ssyncset.done $0x0  }
0x160: {  	[sflag:s12] =	ssyncadd.s32 $0xFFFFC000  }
0x161: {  	[bflag:$0x0] =	sbarrier.arrive $0xFFFF  }
0x162: {  	[hbm:s9], [sflag:s18] =	dma.local [spmem:s19], $0x1380  }
0x163: {  	_ =	swait.ge [sflag:s12], $0x1380  }
0x164: {  	[sflag:s12] =	ssyncset.done $0x0  }
0x165: {  	s17 =	sadd.s32 $0x1, s17;
	[sflag:s12] =	ssyncadd.s32 $0xFFFFEC80  }
0x166: {  	[hbm:s10], [sflag:s18] =	dma.local @!p0 [spmem:s20], $0x80  }
0x167: {  	p1 =	sne.s32 s17, s11;
	s18 =	simm.s32 @!p0 $0x1  }
.Ltmp4:
0x168: {  	_ =	swait.ge @!p0 [sflag:s18], $0x80;
	(pc) =	sbr.rel @p1 .LBB2_1-.Ltmp4, $3  }
0x169: {  	[sflag:s18] =	ssyncset.done @!p0 $0x0  }
0x16a: {  	[sflag:s18] =	ssyncadd.s32 @!p0 $0xFFFFFF80  }
0x16b: {  	[bflag:$0x0] =	sbarrier.arrive $0xFFFF;
	_ =	sdelay $0x1  }
0x16c: {  	_ =	sfence.sel $0x180000  }
0x16d: {  	[bflag:$0x0] =	sbarrier.arrive $0xFFFF  }
0x16e: {  	p0 =	sne.s32 s1, $0x0;
	_ =	strace $0x90000047  }
0x16f: {  	s0 =	sadd.s32 @!p0 $0x100000, s0;
	[bflag:$0x2] =	sbarrier.arrive $0xFFFF  }
0x170: {  	[sflag:s0] =	ssyncadd.tile.s32 @!p0 $0x1;
	_ =	shalt  }
.Lfunc_end2:
_tile_overlayer_lowered:
.L_overlay_start_2:
0x171: {  	(tag) =	ssettag $0x2  }
0x172: {  	s0 =	rddreg [dreg:$0x0];
	s2 =	stileid.u32  }
0x173: {  	s1 =	rddreg [dreg:$0x1];
	p0 =	sne.s32 s2, $0x0  }
0x174: {  	s3 =	rddreg [dreg:$0x2];
	[bflag:$0x3] =	sbarrier.arrive $0xFFFF;
	s2 =	simm.s32 @!p0 $0x1C01  }
0x175: {  	[timem:s3], [sflag:s2] =	dma.local @!p0 [hbm:s0], s1  }
0x176: {  	s0 =	simm.s32 @!p0 $0x1  }
0x177: {  	_ =	swait.ge @!p0 [sflag:s0], s1  }
0x178: {  	s1 =	ssub.s32 @!p0 $0x0, s1;
	[sflag:s0] =	ssyncset.done @!p0 $0x0  }
0x179: {  	[sflag:s0] =	ssyncadd.s32 @!p0 s1  }
0x17a: {  	[bflag:$0x3] =	sbarrier.arrive $0xFFFF  }
0x17b: {  	_ =	shalt  }

// kernel: kernel.13.cloned.1.call-start
scs
__scs_entry_jumppad:
0x0: {  	(pc) =	sbr.rel $0x88, $3  }
0x1: {  	(tag) =	ssettag $0x0;
	lr =	simm.s32 $0x1  }
0x2: {  	[smem:$0x3F94] =	sst lr;
	_ =	strace $0xD0000000  }
0x3: {  	_ = 	snop  }
0x4: {  	_ = 	snop  }
0x5: {  	_ = 	snop  }
0x6: {  	_ = 	snop  }
0x7: {  	_ = 	snop  }
__scs_overlays_trampoline_lowered:
0x8: {  	[smem:$0x3FA3] =	sst s0  }
0x9: {  	[smem:$0x3FA4] =	sst s1  }
0xa: {  	[smem:$0x3FA5] =	sst s2  }
0xb: {  	[smem:$0x3FA6] =	sst s3  }
0xc: {  	[smem:$0x3FA7] =	sst s4  }
0xd: {  	[smem:$0x3FA8] =	sst s5  }
0xe: {  	[smem:$0x3FA9] =	sst s6  }
0xf: {  	[smem:$0x3FAA] =	sst s7  }
0x10: {  	[smem:$0x3FAB] =	sst s8  }
0x11: {  	[smem:$0x3FAC] =	sst s9;
	s0 =	simm.s32 @!p0 $0x0  }
0x12: {  	s1 =	sld [smem:$0x3F92];
	s0 =	simm.s32 @p0 $0x1  }
0x13: {  	[smem:$0x3FAD] =	sst s0;
	s0 =	simm.s32 @!p1 $0x0  }
0x14: {  	s2 =	sld [smem:$0x3F91];
	s0 =	simm.s32 @p1 $0x1  }
0x15: {  	[smem:$0x3FAE] =	sst s0;
	s0 =	simm.s32 @!p2 $0x0  }
0x16: {  	s3 =	sld [smem:$0x3FDB];
	s0 =	simm.s32 @p2 $0x1  }
0x17: {  	s4 =	simm.s32 $0x1BF5;
	[smem:$0x3FB0] =	sst s0  }
0x18: {  	s0 =	sld [smem:$0x3F93];
	_ =	swait.ge [sflag:s4], $0x0  }
0x19: {  	s7 =	sld [smem:$0x3F94]  }
0x1a: {  	s8 =	sadd.s32 $0xFFFFE003, lr  }
0x1b: {  	s9 =	sadd.s32 $0xFFFFFEF7, lr;
	s5 =	simm.s32 $0xFFFFFFFF;
	p2 =	slt.u32 s8, $0xFFFFF086  }
0x1c: {  	p1 =	slt.u32 s9, $0xF7A;
	s5 =	simm.s32 @!p2 $0x0  }
0x1d: {  	s5 =	simm.s32 @p1 $0x1;
	p0 =	seq.s32 s7, s2  }
0x1e: {  	s7 =	smul.u32 @!p0 $0xF7A, s2;
	p2 =	seq.s32 @!p0 s5, $0x0  }
0x1f: {  	s9 =	smul.u32 $0xF7A, s1;
	s8 =	simm.s32 @!p0 $0x1BF5;
	p2 =	por !p2, p0  }
0x20: {  	[sflag:s8] =	ssyncset.s32 @!p0 $0xFFFFF086;
	s6 =	sadd.s32 @!p0 s3, s7;
	s7 =	simm.s32 @!p0 $0x108  }
0x21: {  	s3 =	sadd.s32 s3, s9;
	s6 =	sadd.s32 @!p0 $0x88, s6;
	s7 =	simm.s32 @p2 $0x1082  }
0x22: {  	[simem:s7], [sflag:s8] =	dma.local @!p0 [hbm:s6], $0xF7A  }
0x23: {  	s9 =	sor.u32 $0xD0000000, s2;
	s6 =	simm.s32 $0x108;
	_ =	swait.ge @!p0 [sflag:s8], $0x0  }
0x24: {  	s3 =	sadd.s32 $0x88, s3;
	s6 =	simm.s32 @!p1 $0x1082;
	[sflag:s4] =	ssyncset.s32 $0xFFFFF086  }
0x25: {  	[simem:s6], [sflag:s4] =	dma.local [hbm:s3], $0xF7A  }
0x26: {  	[smem:$0x3F94] =	sst s1;
	(tag) =	ssettag s2;
	_ =	strace s9  }
0x27: {  	s1 =	sld [smem:$0x3FA4]  }
0x28: {  	s2 =	sld [smem:$0x3FA5]  }
0x29: {  	s4 =	sld [smem:$0x3FA7]  }
0x2a: {  	p0 =	seq.s32 s5, $0x0;
	s5 =	sld [smem:$0x3FA8]  }
0x2b: {  	s6 =	sld [smem:$0x3FA9]  }
0x2c: {  	s7 =	sld [smem:$0x3FAA]  }
0x2d: {  	s3 =	simm.s32 $0x108;
	s8 =	sld [smem:$0x3FAB]  }
0x2e: {  	s3 =	simm.s32 @!p0 $0x1082;
	s9 =	sld [smem:$0x3FAC]  }
0x2f: {  	lr =	sadd.s32 s0, s3;
	s0 =	sld [smem:$0x3FA3]  }
0x30: {  	s3 =	sld [smem:$0x3FA6]  }
0x31: {  	[smem:$0x3FAF] =	sst s10  }
0x32: {  	s10 =	sld [smem:$0x3FAD];
	_ =	sdelay $0x3  }
0x33: {  	p0 =	seq.s32 s10, $0x1;
	s10 =	sld [smem:$0x3FAF];
	_ =	sdelay $0x3  }
0x34: {  	[smem:$0x3FAF] =	sst s10  }
0x35: {  	s10 =	sld [smem:$0x3FAE];
	_ =	sdelay $0x3  }
0x36: {  	p1 =	seq.s32 s10, $0x1;
	s10 =	sld [smem:$0x3FAF];
	_ =	sdelay $0x3  }
0x37: {  	[smem:$0x3FAF] =	sst s10  }
0x38: {  	s10 =	sld [smem:$0x3FB0]  }
0x39: {  	_ = 	snop;
	(pc) =	sbr.ind lr, $3  }
0x3a: {  	_ = 	snop  }
0x3b: {  	_ = 	snop  }
0x3c: {  	p2 =	seq.s32 s10, $0x1;
	s10 =	sld [smem:$0x3FAF]  }
0x3d: {  	_ =	shalt  }
0x3e: {  	_ =	shalt  }
0x3f: {  	_ =	shalt  }
0x40: {  	_ =	shalt  }
0x41: {  	_ =	shalt  }
0x42: {  	_ =	shalt  }
0x43: {  	_ =	shalt  }
0x44: {  	_ =	shalt  }
0x45: {  	_ =	shalt  }
0x46: {  	_ =	shalt  }
0x47: {  	_ =	shalt  }
0x48: {  	_ =	shalt  }
0x49: {  	_ =	shalt  }
0x4a: {  	_ =	shalt  }
0x4b: {  	_ =	shalt  }
0x4c: {  	_ =	shalt  }
0x4d: {  	_ =	shalt  }
0x4e: {  	_ =	shalt  }
0x4f: {  	_ =	shalt  }
0x50: {  	_ =	shalt  }
0x51: {  	_ =	shalt  }
0x52: {  	_ =	shalt  }
0x53: {  	_ =	shalt  }
0x54: {  	_ =	shalt  }
0x55: {  	_ =	shalt  }
0x56: {  	_ =	shalt  }
0x57: {  	_ =	shalt  }
0x58: {  	_ =	shalt  }
0x59: {  	_ =	shalt  }
0x5a: {  	_ =	shalt  }
0x5b: {  	_ =	shalt  }
0x5c: {  	_ =	shalt  }
0x5d: {  	_ =	shalt  }
0x5e: {  	_ =	shalt  }
0x5f: {  	_ =	shalt  }
0x60: {  	_ =	shalt  }
0x61: {  	_ =	shalt  }
0x62: {  	_ =	shalt  }
0x63: {  	_ =	shalt  }
0x64: {  	_ =	shalt  }
0x65: {  	_ =	shalt  }
0x66: {  	_ =	shalt  }
0x67: {  	_ =	shalt  }
0x68: {  	_ =	shalt  }
0x69: {  	_ =	shalt  }
0x6a: {  	_ =	shalt  }
0x6b: {  	_ =	shalt  }
0x6c: {  	_ =	shalt  }
0x6d: {  	_ =	shalt  }
0x6e: {  	_ =	shalt  }
0x6f: {  	_ =	shalt  }
0x70: {  	_ =	shalt  }
0x71: {  	_ =	shalt  }
0x72: {  	_ =	shalt  }
0x73: {  	_ =	shalt  }
0x74: {  	_ =	shalt  }
0x75: {  	_ =	shalt  }
0x76: {  	_ =	shalt  }
0x77: {  	_ =	shalt  }
0x78: {  	_ =	shalt  }
0x79: {  	_ =	shalt  }
0x7a: {  	_ =	shalt  }
0x7b: {  	_ =	shalt  }
0x7c: {  	_ =	shalt  }
0x7d: {  	_ =	shalt  }
0x7e: {  	_ =	shalt  }
0x7f: {  	_ =	shalt  }
0x80: {  	_ =	shalt  }
0x81: {  	_ =	shalt  }
0x82: {  	_ =	shalt  }
0x83: {  	_ =	shalt  }
0x84: {  	_ =	shalt  }
0x85: {  	_ =	shalt  }
0x86: {  	_ =	shalt  }
0x87: {  	_ =	shalt  }
.Lfunc_end0:
.L_simem_size_0:
called_computation.1_lowered:
.L_overlay_start_0:
0x88: {  	s2 =	sld [smem:$0x3FD9]  }
0x89: {  	s3 =	sld [smem:$0x3FFE];
	_ =	sdelay $0x1  }
0x8a: {  	s1 =	srdreg.scid  }
0x8b: {  	s0 =	sand.u32 $0x1, s1  }
0x8c: {  	s16 =	sshll.u32 s0, $0xA;
	s2 =	sadd.s32 s3, s2  }
0x8d: {  	s2 =	sadd.s32 s2, s16  }
0x8e: {  	[smem:$0x3FBB] =	sst s2  }
0x8f: {  	_ = 	snop  }
0x90: {  	(tm) =	ssettm $0x1  }
0x91: {  	s17 =	sld [smem:$0x3FFB];
	_ =	sdelay $0x3  }
0x92: {  	_ =	strace s17  }
0x93: {  	s2 =	sld [smem:$0x3FFC];
	_ =	sdelay $0x3  }
0x94: {  	_ =	strace s2  }
0x95: {  	s2 =	sld [smem:$0x3FFD];
	_ =	sdelay $0x3  }
0x96: {  	_ =	strace s2  }
0x97: {  	_ =	strace $0x8FFFFFFF  }
0x98: {  	s18 =	sld [smem:$0x3FDB];
	_ =	sdelay $0x1  }
0x99: {  	s19 =	simm.s32 $_scs_section_size  }
0x9a: {  	s4 =	simm.s32 $_size__tile_overlayer_lowered;
	s5 =	simm.s32 $_tile_overlayer_lowered  }
0x9b: {  	s22 =	simm.s32 $0x1BFF;
	s21 =	sshll.u32 s5, $0x1;
	s2 =	sadd.s32 s19, s18  }
0x9c: {  	s6 =	simm.s32 $0x0;
	s20 =	sshll.u32 s4, $0x1;
	s4 =	sadd.s32 s21, s2  }
0x9d: {  	[timem:s6], [sflag:s22] =	dma.local [hbm:s4], s20  }
0x9e: {  	_ =	swait.ge [sflag:s22], s20  }
0x9f: {  	s3 =	ssub.s32 $0x0, s20;
	[sflag:s22] =	ssyncset.done $0x0  }
0xa0: {  	[sflag:s22] =	ssyncadd.s32 s3;
	_ =	sdelay $0x1  }
0xa1: {  	s23 =	simm.s32 $0x1B8B  }
0xa2: {  	_ =	swait.ge [sflag:s23], $0x1  }
0xa3: {  	[sflag:s23] =	ssyncset.done $0x0  }
0xa4: {  	s25 =	simm.s32 $0x1B8E;
	s24 =	sld [smem:$0x3FFE];
	[sflag:s23] =	ssyncadd.s32 $0xFFFFFFFF  }
0xa5: {  	s26 =	simm.s32 $execute0_lowered;
	[smem:$0x3FD2] =	sst s25  }
0xa6: {  	s4 =	sshll.u32 s26, $0x1;
	_ =	strace $0x80000049;
	[dreg:$0x1] =	wrdreg $0xFFFFFFFF  }
0xa7: {  	s28 =	simm.s32 $_size_execute0_lowered;
	s2 =	sadd.s32 s2, s4;
	[dreg:$0x0] =	wrdreg $0x0  }
0xa8: {  	s4 =	sshll.u32 s28, $0x1;
	[dreg:$0x2] =	wrdreg s2  }
0xa9: {  	[dreg:$0x3] =	wrdreg s4  }
0xaa: {  	[dreg:$0x4] =	wrdreg $0xC0  }
0xab: {  	_ =	task [dreg:s6], $0x5FFFF  }
0xac: {  	[dreg:$0x1] =	wrdreg $0xFFFFFFFF  }
0xad: {  	[dreg:$0x0] =	wrdreg $0x60  }
0xae: {  	[dreg:$0x2] =	wrdreg s24  }
0xaf: {  	[dreg:$0x3] =	wrdreg $0x121800  }
0xb0: {  	[dreg:$0x4] =	wrdreg $0x9  }
0xb1: {  	_ =	task.clear_ibuf [dreg:s6], $0x5FFFF;
	_ =	strace $0x90000049  }
0xb2: {  	s29 =	simm.s32 $0x9;
	_ =	strace $0x8000004B  }
0xb3: {  	_ =	swait.ge [sflag:s29], $0x1  }
0xb4: {  	[sflag:s29] =	ssyncadd.s32 $0xFFFFFFFF  }
0xb5: {  	_ =	strace $0x9000004B  }
0xb6: {  	_ =	sfence  }
0xb7: {  	s30 =	sld [smem:$0x0];
	_ =	sdelay $0x2  }
0xb8: {  	s31 =	sshll.u32 s1, $0xD;
	s1 =	sshrl.u32 s1, $0x2  }
0xb9: {  	s3 =	sand.u32 $0x4000, s31;
	s1 =	sadd.s32 s1, s30  }
0xba: {  	s0 =	sor.u32 s3, s0;
	s1 =	sshll.u32 s1, $0x11  }
0xbb: {  	s0 =	sor.u32 s1, s0  }
0xbc: {  	s0 =	sadd.s32 $0x8F2B, s0  }
0xbd: {  	[sflag:s0] =	ssyncadd.remote.s32 $0x1  }
0xbe: {  	_ =	sfence.sel $0xFFFF  }
0xbf: {  	[dreg:$0x0] =	wrdreg $0xFFFFFFFF;
	(pc) =	sbr.abs _section_cstart, $3  }
0xc0: {  	[dreg:$0x1] =	wrdreg $0xFFFFFFFF  }
0xc1: {  	_ =	task.clear_ibuf [dreg:s6], $0x2FFFF;
	_ =	strace $0x9FFFFFFF  }
0xc2: {  	(tm) =	ssettm $0x7FFFFFFF  }
0xc3: {  	_ =	shalt  }
tec
execute0_lowered:
.L_overlay_start_1:
0x0: {  	(tag) =	ssettag $0x1  }
0x1: {  	s0 =	srdreg.scid;
	s1 =	rddreg [dreg:$0x0]  }
0x2: {  	s19 =	stileid.u32;
	s2 =	rddreg [dreg:$0x1]  }
0x3: {  	s3 =	simm.s32 $0x0;
	s18 =	simm.s32 $0x3;
	s21 =	simm.s32 $0x80  }
0x4: {  	s22 =	simm.s32 $0xA180;
	s23 =	simm.s32 $0xE180;
	s5 =	smul.u32 $0x5000, s19  }
0x5: {  	s24 =	simm.s32 $0x1;
	s25 =	simm.s32 $0xA080;
	s7 =	smul.u32 $0x138, s19  }
0x6: {  	s28 =	simm.s32 $0xA100;
	s0 =	sand.u32 $0x1, s0;
	s11 =	smul.u32 $0x27000, s19  }
0x7: {  	s29 =	simm.s32 $0x0;
	[smem:$0x7FF] =	sst s3;
	s4 =	smul.u32 $0x50000, s0  }
0x8: {  	p0 =	sne.s32 s19, $0xF;
	s31 =	sshll.u32 s19, $0x6;
	s9 =	smul.u32 $0x2710, s0  }
0x9: {  	_ =	strace $0x8000004A;
	s8 =	ssub.s32 $0x2, s0;
	s0 =	smul.u32 $0x138800, s0  }
0xa: {  	s20 =	sor.u32 $0x1C03, s31;
	s10 =	sshrl.u32 s8, $0x1;
	s30 =	sshrl.u32 s11, $0x2  }
0xb: {  	s4 =	sadd.s32 s5, s4;
	s5 =	sshrl.u32 s5, $0x3;
	s17 =	ssub.s32 s8, s10  }
0xc: {  	s26 =	sadd.s32 s7, s9;
	s0 =	sshrl.u32 s0, $0x3;
	s7 =	sadd.s32 s30, s2  }
0xd: {  	s9 =	sadd.s32 $0x9C000, s2;
	s6 =	sshrl.u32 s4, $0x3;
	s4 =	sadd.s32 $0x6F400, s1  }
0xe: {  	s5 =	sadd.s32 s5, s1;
	s12 =	sadd.s32 $0x13800, s0;
	s0 =	sadd.s32 $0x27080, s0  }
0xf: {  	s17 =	smax.u32 s17, $0x1;
	s6 =	sadd.s32 s6, s1;
	s1 =	sadd.s32 $0xBD600, s1  }
0x10: {  	s5 =	sadd.s32 $0x3200, s5;
	s10 =	sadd.s32 s4, s12;
	s14 =	sadd.s32 s4, s0  }
0x11: {  	s6 =	sadd.s32 $0x5B400, s6;
	[dreg:$0x4] =	wrdreg s5;
	s5 =	sshll.u32 s26, $0x4  }
0x12: {  	s12 =	sadd.s32 s1, s12;
	s16 =	sadd.s32 s1, s0;
	s26 =	simm.s32 $0x2  }
0x13: {  	s8 =	sadd.s32 s4, s5;
	s11 =	sadd.s32 s1, s5;
	s5 =	sadd.s32 $0x13880, s5  }
0x14: {  	v0 =	vimm.s32 $0x0;
	[dreg:$0x3] =	wrdreg s6;
	s13 =	sadd.s32 s4, s5;
	s15 =	sadd.s32 s1, s5  }
.LBB2_1:
0x15: {  	s0 =	rddreg [dreg:$0x3]  }
0x16: {  	[tilespmem:s3], [sflag:$0x3] =	stream.linear.gather [hbm4b:s0+s3], $0x5000, $0x38;
	[tilespmem:$0x1BFC0] =	vst v63  }
0x17: {  	_ =	swait.ge [sflag:s18], $0x5000  }
0x18: {  	[sflag:s18] =	ssyncset.done $0x0  }
0x19: {  	s1 =	simm.s32 $0x5080;
	s19 =	rddreg [dreg:$0x4];
	[sflag:s18] =	ssyncadd.s32 $0xFFFFB000  }
0x1a: {  	[tilespmem:s1], [sflag:$0x3] =	stream.linear.gather [hbm4b:s19+s3], $0x5000, $0x38;
	[tilespmem:$0x1BFC0] =	vst v63  }
0x1b: {  	_ =	swait.ge [sflag:s18], $0x5000  }
0x1c: {  	[sflag:s18] =	ssyncset.done $0x0  }
0x1d: {  	[sflag:s18] =	ssyncadd.s32 $0xFFFFB000  }
0x1e: {  	[tilespmem:$0x5000] =	vst v0  }
0x1f: {  	[tilespmem:$0x5010] =	vst v0  }
0x20: {  	[tilespmem:$0x5020] =	vst v0  }
0x21: {  	[tilespmem:$0x5030] =	vst v0  }
0x22: {  	[tilespmem:$0x5040] =	vst v0  }
0x23: {  	[tilespmem:$0x5050] =	vst v0  }
0x24: {  	[tilespmem:$0x5060] =	vst v0  }
0x25: {  	s30 =	sshrl.u32 s7, $0x3;
	[tilespmem:$0x5070] =	vst v0  }
0x26: {  	[spmem:s30], [sflag:s20] =	dma.local [hbm:s8], $0x1380  }
0x27: {  	_ =	swait.ge [sflag:s18], $0x1380  }
0x28: {  	[sflag:s18] =	ssyncset.done $0x0  }
0x29: {  	s31 =	sshrl.u32 @!p0 s9, $0x3;
	s0 =	simm.s32 @!p0 $0x3;
	[sflag:s18] =	ssyncadd.s32 $0xFFFFEC80  }
0x2a: {  	[spmem:s31], [sflag:s20] =	dma.local @!p0 [hbm:s10], $0x80  }
0x2b: {  	_ =	swait.ge @!p0 [sflag:s0], $0x80  }
0x2c: {  	[sflag:s0] =	ssyncset.done @!p0 $0x0  }
0x2d: {  	[sflag:s0] =	ssyncadd.s32 @!p0 $0xFFFFFF80  }
0x2e: {  	[bflag:$0x0] =	sbarrier.arrive $0xFFFF  }
0x2f: {  	[tilespmem:s22], [sflag:$0x1] =	stream.indirect.gather [hbm4b:s4+s21], $0x80, s3, s21, $0xb8;
	[tilespmem:$0x1BFC0] =	vst v63  }
0x30: {  	s5 =	simm.s32 $0x0;
	s6 =	simm.s32 $0x80  }
0x31: {  	[tilespmem:s23], [sflag:$0x2] =	stream.indirect.gather [hbm4b:s4+s21], $0x80, s6, s21, $0xb8;
	[tilespmem:$0x1BFC0] =	vst v63  }
0x32: {  	v1 =	vld [tilespmem:s5+$0x5080];
	_ =	sdelay $0x4  }
0x33: {  	v2 =	vand.u32 $0x3F, v1  }
0x34: {  	vm0 =	vlt.s32 v1, $0x1388;
	v2 =	vadd.s32 $0x1388, v2  }
0x35: {  	v1 =	vsel vm0, v1, v2  }
0x36: {  	[tilespmem:$0xA080] =	vst v1  }
0x37: {  	v1 =	vld [tilespmem:s5+$0x5090];
	_ =	sdelay $0x4  }
0x38: {  	v2 =	vand.u32 $0x3F, v1  }
0x39: {  	vm13 =	vlt.s32 v1, $0x1388;
	v2 =	vadd.s32 $0x1388, v2  }
0x3a: {  	v1 =	vsel vm13, v1, v2  }
0x3b: {  	[tilespmem:$0xA090] =	vst v1  }
0x3c: {  	v1 =	vld [tilespmem:s5+$0x50A0];
	_ =	sdelay $0x4  }
0x3d: {  	v2 =	vand.u32 $0x3F, v1  }
0x3e: {  	vm14 =	vlt.s32 v1, $0x1388;
	v2 =	vadd.s32 $0x1388, v2  }
0x3f: {  	v1 =	vsel vm14, v1, v2  }
0x40: {  	[tilespmem:$0xA0A0] =	vst v1  }
0x41: {  	v1 =	vld [tilespmem:s5+$0x50B0];
	_ =	sdelay $0x4  }
0x42: {  	v2 =	vand.u32 $0x3F, v1  }
0x43: {  	vm15 =	vlt.s32 v1, $0x1388;
	v2 =	vadd.s32 $0x1388, v2  }
0x44: {  	v1 =	vsel vm15, v1, v2  }
0x45: {  	[tilespmem:$0xA0B0] =	vst v1  }
0x46: {  	v1 =	vld [tilespmem:s5+$0x50C0];
	_ =	sdelay $0x4  }
0x47: {  	v2 =	vand.u32 $0x3F, v1  }
0x48: {  	vm4 =	vlt.s32 v1, $0x1388;
	v2 =	vadd.s32 $0x1388, v2  }
0x49: {  	v1 =	vsel vm4, v1, v2  }
0x4a: {  	[tilespmem:$0xA0C0] =	vst v1  }
0x4b: {  	v1 =	vld [tilespmem:s5+$0x50D0];
	_ =	sdelay $0x4  }
0x4c: {  	v2 =	vand.u32 $0x3F, v1  }
0x4d: {  	vm5 =	vlt.s32 v1, $0x1388;
	v2 =	vadd.s32 $0x1388, v2  }
0x4e: {  	v1 =	vsel vm5, v1, v2  }
0x4f: {  	[tilespmem:$0xA0D0] =	vst v1  }
0x50: {  	v1 =	vld [tilespmem:s5+$0x50E0];
	_ =	sdelay $0x4  }
0x51: {  	v2 =	vand.u32 $0x3F, v1  }
0x52: {  	vm6 =	vlt.s32 v1, $0x1388;
	v2 =	vadd.s32 $0x1388, v2  }
0x53: {  	v1 =	vsel vm6, v1, v2  }
0x54: {  	[tilespmem:$0xA0E0] =	vst v1  }
0x55: {  	v1 =	vld [tilespmem:s5+$0x50F0];
	_ =	sdelay $0x4  }
0x56: {  	v2 =	vand.u32 $0x3F, v1  }
0x57: {  	vm7 =	vlt.s32 v1, $0x1388;
	v2 =	vadd.s32 $0x1388, v2  }
0x58: {  	v1 =	vsel vm7, v1, v2  }
0x59: {  	[tilespmem:$0xA0F0] =	vst v1  }
0x5a: {  	_ =	swait.ge [sflag:s24], $0x4000  }
0x5b: {  	[sflag:s24] =	ssyncset.done $0x0  }
0x5c: {  	[sflag:s24] =	ssyncadd.s32 $0xFFFFC000  }
0x5d: {  	[spmem:s2] =	stream.indirect.scatter.add.f32 [tilespmem:s22], [sflag:$0x3], $0x80, s25, s21, $0xb8;
	[tilespmem:$0x1BFC0] =	vst v63  }
0x5e: {  	_ =	swait.ge [sflag:s18], $0x4000  }
0x5f: {  	[sflag:s18] =	ssyncset.done $0x0  }
0x60: {  	s19 =	simm.s32 $0x100;
	[sflag:s18] =	ssyncadd.s32 $0xFFFFC000  }
0x61: {  	[tilespmem:s22], [sflag:$0x1] =	stream.indirect.gather [hbm4b:s4+s21], $0x80, s19, s21, $0xb8;
	[tilespmem:$0x1BFC0] =	vst v63  }
0x62: {  	v1 =	vld [tilespmem:s5+$0x5100];
	_ =	sdelay $0x4  }
0x63: {  	v2 =	vand.u32 $0x3F, v1  }
0x64: {  	vm8 =	vlt.s32 v1, $0x1388;
	v2 =	vadd.s32 $0x1388, v2  }
0x65: {  	v1 =	vsel vm8, v1, v2  }
0x66: {  	[tilespmem:$0xA100] =	vst v1  }
0x67: {  	v1 =	vld [tilespmem:s5+$0x5110];
	_ =	sdelay $0x4  }
0x68: {  	v2 =	vand.u32 $0x3F, v1  }
0x69: {  	vm9 =	vlt.s32 v1, $0x1388;
	v2 =	vadd.s32 $0x1388, v2  }
0x6a: {  	v1 =	vsel vm9, v1, v2  }
0x6b: {  	[tilespmem:$0xA110] =	vst v1  }
0x6c: {  	v1 =	vld [tilespmem:s5+$0x5120];
	_ =	sdelay $0x4  }
0x6d: {  	v2 =	vand.u32 $0x3F, v1  }
0x6e: {  	vm10 =	vlt.s32 v1, $0x1388;
	v2 =	vadd.s32 $0x1388, v2  }
0x6f: {  	v1 =	vsel vm10, v1, v2  }
0x70: {  	[tilespmem:$0xA120] =	vst v1  }
0x71: {  	v1 =	vld [tilespmem:s5+$0x5130];
	_ =	sdelay $0x4  }
0x72: {  	v2 =	vand.u32 $0x3F, v1  }
0x73: {  	vm11 =	vlt.s32 v1, $0x1388;
	v2 =	vadd.s32 $0x1388, v2  }
0x74: {  	v1 =	vsel vm11, v1, v2  }
0x75: {  	[tilespmem:$0xA130] =	vst v1  }
0x76: {  	v1 =	vld [tilespmem:s5+$0x5140];
	_ =	sdelay $0x4  }
0x77: {  	v2 =	vand.u32 $0x3F, v1  }
0x78: {  	vm12 =	vlt.s32 v1, $0x1388;
	v2 =	vadd.s32 $0x1388, v2  }
0x79: {  	v1 =	vsel vm12, v1, v2  }
0x7a: {  	[tilespmem:$0xA140] =	vst v1  }
0x7b: {  	v1 =	vld [tilespmem:s5+$0x5150];
	_ =	sdelay $0x4  }
0x7c: {  	v2 =	vand.u32 $0x3F, v1  }
0x7d: {  	vm13 =	vlt.s32 v1, $0x1388;
	v2 =	vadd.s32 $0x1388, v2  }
0x7e: {  	v1 =	vsel vm13, v1, v2  }
0x7f: {  	[tilespmem:$0xA150] =	vst v1  }
0x80: {  	v1 =	vld [tilespmem:s5+$0x5160];
	_ =	sdelay $0x4  }
0x81: {  	v2 =	vand.u32 $0x3F, v1  }
0x82: {  	vm14 =	vlt.s32 v1, $0x1388;
	v2 =	vadd.s32 $0x1388, v2  }
0x83: {  	v1 =	vsel vm14, v1, v2  }
0x84: {  	[tilespmem:$0xA160] =	vst v1  }
0x85: {  	v1 =	vld [tilespmem:s5+$0x5170];
	_ =	sdelay $0x4  }
0x86: {  	v2 =	vand.u32 $0x3F, v1  }
0x87: {  	vm15 =	vlt.s32 v1, $0x1388;
	v2 =	vadd.s32 $0x1388, v2  }
0x88: {  	v1 =	vsel vm15, v1, v2  }
0x89: {  	[tilespmem:$0xA170] =	vst v1  }
0x8a: {  	_ =	swait.ge [sflag:s26], $0x4000  }
0x8b: {  	[sflag:s26] =	ssyncset.done $0x0  }
0x8c: {  	[sflag:s26] =	ssyncadd.s32 $0xFFFFC000  }
0x8d: {  	[spmem:s2] =	stream.indirect.scatter.add.f32 [tilespmem:s23], [sflag:$0x3], $0x80, s28, s21, $0xb8;
	[tilespmem:$0x1BFC0] =	vst v63  }
0x8e: {  	_ =	swait.ge [sflag:s18], $0x4000  }
0x8f: {  	s1 =	simm.s32 $0x100;
	s0 =	simm.s32 $0x800;
	[sflag:s18] =	ssyncset.done $0x0  }
.LBB2_2:
0x90: {  	s6 =	sadd.s32 $0x80, s1  }
0x91: {  	[sflag:s18] =	ssyncadd.s32 $0xFFFFC000;
	s19 =	smov.u32 s0;
	s5 =	sadd.s32 $0x400, s0  }
0x92: {  	[tilespmem:s23], [sflag:$0x2] =	stream.indirect.gather [hbm4b:s4+s21], $0x80, s6, s21, $0xb8;
	[tilespmem:$0x1BFC0] =	vst v63  }
0x93: {  	p1 =	sne.s32 s0, $0x13C00;
	v1 =	vld [tilespmem:s1+$0x5080];
	_ =	sdelay $0x4  }
0x94: {  	v2 =	vand.u32 $0x3F, v1  }
0x95: {  	vm0 =	vlt.s32 v1, $0x1388;
	v2 =	vadd.s32 $0x1388, v2  }
0x96: {  	v1 =	vsel vm0, v1, v2  }
0x97: {  	[tilespmem:$0xA080] =	vst v1  }
0x98: {  	v1 =	vld [tilespmem:s1+$0x5090];
	_ =	sdelay $0x4  }
0x99: {  	v2 =	vand.u32 $0x3F, v1  }
0x9a: {  	vm0 =	vlt.s32 v1, $0x1388;
	v2 =	vadd.s32 $0x1388, v2  }
0x9b: {  	v1 =	vsel vm0, v1, v2  }
0x9c: {  	[tilespmem:$0xA090] =	vst v1  }
0x9d: {  	v1 =	vld [tilespmem:s1+$0x50A0];
	_ =	sdelay $0x4  }
0x9e: {  	v2 =	vand.u32 $0x3F, v1  }
0x9f: {  	vm0 =	vlt.s32 v1, $0x1388;
	v2 =	vadd.s32 $0x1388, v2  }
0xa0: {  	v1 =	vsel vm0, v1, v2  }
0xa1: {  	[tilespmem:$0xA0A0] =	vst v1  }
0xa2: {  	v1 =	vld [tilespmem:s1+$0x50B0];
	_ =	sdelay $0x4  }
0xa3: {  	v2 =	vand.u32 $0x3F, v1  }
0xa4: {  	vm0 =	vlt.s32 v1, $0x1388;
	v2 =	vadd.s32 $0x1388, v2  }
0xa5: {  	v1 =	vsel vm0, v1, v2  }
0xa6: {  	[tilespmem:$0xA0B0] =	vst v1  }
0xa7: {  	v1 =	vld [tilespmem:s1+$0x50C0];
	_ =	sdelay $0x4  }
0xa8: {  	v2 =	vand.u32 $0x3F, v1  }
0xa9: {  	vm0 =	vlt.s32 v1, $0x1388;
	v2 =	vadd.s32 $0x1388, v2  }
0xaa: {  	v1 =	vsel vm0, v1, v2  }
0xab: {  	[tilespmem:$0xA0C0] =	vst v1  }
0xac: {  	v1 =	vld [tilespmem:s1+$0x50D0];
	_ =	sdelay $0x4  }
0xad: {  	v2 =	vand.u32 $0x3F, v1  }
0xae: {  	vm0 =	vlt.s32 v1, $0x1388;
	v2 =	vadd.s32 $0x1388, v2  }
0xaf: {  	v1 =	vsel vm0, v1, v2  }
0xb0: {  	[tilespmem:$0xA0D0] =	vst v1  }
0xb1: {  	v1 =	vld [tilespmem:s1+$0x50E0];
	_ =	sdelay $0x4  }
0xb2: {  	v2 =	vand.u32 $0x3F, v1  }
0xb3: {  	vm0 =	vlt.s32 v1, $0x1388;
	v2 =	vadd.s32 $0x1388, v2  }
0xb4: {  	v1 =	vsel vm0, v1, v2  }
0xb5: {  	[tilespmem:$0xA0E0] =	vst v1  }
0xb6: {  	v1 =	vld [tilespmem:s1+$0x50F0];
	_ =	sdelay $0x4  }
0xb7: {  	v2 =	vand.u32 $0x3F, v1  }
0xb8: {  	vm0 =	vlt.s32 v1, $0x1388;
	v2 =	vadd.s32 $0x1388, v2  }
0xb9: {  	v1 =	vsel vm0, v1, v2  }
0xba: {  	[tilespmem:$0xA0F0] =	vst v1  }
0xbb: {  	_ =	swait.ge [sflag:s24], $0x4000  }
0xbc: {  	[sflag:s24] =	ssyncset.done $0x0  }
0xbd: {  	[sflag:s24] =	ssyncadd.s32 $0xFFFFC000  }
0xbe: {  	[spmem:s2] =	stream.indirect.scatter.add.f32 [tilespmem:s22], [sflag:$0x3], $0x80, s25, s21, $0xb8;
	[tilespmem:$0x1BFC0] =	vst v63  }
0xbf: {  	_ =	swait.ge [sflag:s18], $0x4000  }
0xc0: {  	[sflag:s18] =	ssyncset.done $0x0  }
0xc1: {  	s0 =	sadd.s32 $0x100, s1;
	[sflag:s18] =	ssyncadd.s32 $0xFFFFC000  }
0xc2: {  	[tilespmem:s22], [sflag:$0x1] =	stream.indirect.gather [hbm4b:s4+s21], $0x80, s0, s21, $0xb8;
	[tilespmem:$0x1BFC0] =	vst v63  }
0xc3: {  	v1 =	vld [tilespmem:s1+$0x5100];
	_ =	sdelay $0x4  }
0xc4: {  	v2 =	vand.u32 $0x3F, v1  }
0xc5: {  	vm0 =	vlt.s32 v1, $0x1388;
	v2 =	vadd.s32 $0x1388, v2  }
0xc6: {  	v1 =	vsel vm0, v1, v2  }
0xc7: {  	[tilespmem:$0xA100] =	vst v1  }
0xc8: {  	v1 =	vld [tilespmem:s1+$0x5110];
	_ =	sdelay $0x4  }
0xc9: {  	v2 =	vand.u32 $0x3F, v1  }
0xca: {  	vm0 =	vlt.s32 v1, $0x1388;
	v2 =	vadd.s32 $0x1388, v2  }
0xcb: {  	v1 =	vsel vm0, v1, v2  }
0xcc: {  	[tilespmem:$0xA110] =	vst v1  }
0xcd: {  	v1 =	vld [tilespmem:s1+$0x5120];
	_ =	sdelay $0x4  }
0xce: {  	v2 =	vand.u32 $0x3F, v1  }
0xcf: {  	vm0 =	vlt.s32 v1, $0x1388;
	v2 =	vadd.s32 $0x1388, v2  }
0xd0: {  	v1 =	vsel vm0, v1, v2  }
0xd1: {  	[tilespmem:$0xA120] =	vst v1  }
0xd2: {  	v1 =	vld [tilespmem:s1+$0x5130];
	_ =	sdelay $0x4  }
0xd3: {  	v2 =	vand.u32 $0x3F, v1  }
0xd4: {  	vm0 =	vlt.s32 v1, $0x1388;
	v2 =	vadd.s32 $0x1388, v2  }
0xd5: {  	v1 =	vsel vm0, v1, v2  }
0xd6: {  	[tilespmem:$0xA130] =	vst v1  }
0xd7: {  	v1 =	vld [tilespmem:s1+$0x5140];
	_ =	sdelay $0x4  }
0xd8: {  	v2 =	vand.u32 $0x3F, v1  }
0xd9: {  	vm0 =	vlt.s32 v1, $0x1388;
	v2 =	vadd.s32 $0x1388, v2  }
0xda: {  	v1 =	vsel vm0, v1, v2  }
0xdb: {  	[tilespmem:$0xA140] =	vst v1  }
0xdc: {  	v1 =	vld [tilespmem:s1+$0x5150];
	_ =	sdelay $0x4  }
0xdd: {  	v2 =	vand.u32 $0x3F, v1  }
0xde: {  	vm0 =	vlt.s32 v1, $0x1388;
	v2 =	vadd.s32 $0x1388, v2  }
0xdf: {  	v1 =	vsel vm0, v1, v2  }
0xe0: {  	[tilespmem:$0xA150] =	vst v1  }
0xe1: {  	v1 =	vld [tilespmem:s1+$0x5160];
	_ =	sdelay $0x4  }
0xe2: {  	v2 =	vand.u32 $0x3F, v1  }
0xe3: {  	vm0 =	vlt.s32 v1, $0x1388;
	v2 =	vadd.s32 $0x1388, v2  }
0xe4: {  	v1 =	vsel vm0, v1, v2  }
0xe5: {  	[tilespmem:$0xA160] =	vst v1  }
0xe6: {  	v1 =	vld [tilespmem:s1+$0x5170];
	_ =	sdelay $0x4  }
0xe7: {  	v2 =	vand.u32 $0x3F, v1  }
0xe8: {  	vm0 =	vlt.s32 v1, $0x1388;
	v2 =	vadd.s32 $0x1388, v2  }
0xe9: {  	v1 =	vsel vm0, v1, v2  }
0xea: {  	[tilespmem:$0xA170] =	vst v1  }
0xeb: {  	_ =	swait.ge [sflag:s26], $0x4000  }
.Ltmp0:
0xec: {  	[sflag:s26] =	ssyncset.done $0x0;
	(pc) =	sbr.rel @p1 .LBB2_2-.Ltmp0, $4  }
0xed: {  	[sflag:s26] =	ssyncadd.s32 $0xFFFFC000  }
0xee: {  	[spmem:s2] =	stream.indirect.scatter.add.f32 [tilespmem:s23], [sflag:$0x3], $0x80, s28, s21, $0xb8;
	[tilespmem:$0x1BFC0] =	vst v63  }
0xef: {  	_ =	swait.ge [sflag:s18], $0x4000  }
0xf0: {  	s0 =	smov.u32 s5;
	s1 =	sshra.s32 s19, $0x2;
	[sflag:s18] =	ssyncset.done $0x0  }
0xf1: {  	s0 =	sadd.s32 $0x80, s1;
	[sflag:s18] =	ssyncadd.s32 $0xFFFFC000  }
0xf2: {  	[tilespmem:s23], [sflag:$0x2] =	stream.indirect.gather [hbm4b:s4+s21], $0x80, s0, s21, $0xb8;
	[tilespmem:$0x1BFC0] =	vst v63  }
0xf3: {  	v1 =	vld [tilespmem:s1+$0x5080];
	_ =	sdelay $0x4  }
0xf4: {  	v2 =	vand.u32 $0x3F, v1  }
0xf5: {  	vm0 =	vlt.s32 v1, $0x1388;
	v2 =	vadd.s32 $0x1388, v2  }
0xf6: {  	v1 =	vsel vm0, v1, v2  }
0xf7: {  	[tilespmem:$0xA080] =	vst v1  }
0xf8: {  	v1 =	vld [tilespmem:s1+$0x5090];
	_ =	sdelay $0x4  }
0xf9: {  	v2 =	vand.u32 $0x3F, v1  }
0xfa: {  	vm9 =	vlt.s32 v1, $0x1388;
	v2 =	vadd.s32 $0x1388, v2  }
0xfb: {  	v1 =	vsel vm9, v1, v2  }
0xfc: {  	[tilespmem:$0xA090] =	vst v1  }
0xfd: {  	v1 =	vld [tilespmem:s1+$0x50A0];
	_ =	sdelay $0x4  }
0xfe: {  	v2 =	vand.u32 $0x3F, v1  }
0xff: {  	vm10 =	vlt.s32 v1, $0x1388;
	v2 =	vadd.s32 $0x1388, v2  }
0x100: {  	v1 =	vsel vm10, v1, v2  }
0x101: {  	[tilespmem:$0xA0A0] =	vst v1  }
0x102: {  	v1 =	vld [tilespmem:s1+$0x50B0];
	_ =	sdelay $0x4  }
0x103: {  	v2 =	vand.u32 $0x3F, v1  }
0x104: {  	vm11 =	vlt.s32 v1, $0x1388;
	v2 =	vadd.s32 $0x1388, v2  }
0x105: {  	v1 =	vsel vm11, v1, v2  }
0x106: {  	[tilespmem:$0xA0B0] =	vst v1  }
0x107: {  	v1 =	vld [tilespmem:s1+$0x50C0];
	_ =	sdelay $0x4  }
0x108: {  	v2 =	vand.u32 $0x3F, v1  }
0x109: {  	vm12 =	vlt.s32 v1, $0x1388;
	v2 =	vadd.s32 $0x1388, v2  }
0x10a: {  	v1 =	vsel vm12, v1, v2  }
0x10b: {  	[tilespmem:$0xA0C0] =	vst v1  }
0x10c: {  	v1 =	vld [tilespmem:s1+$0x50D0];
	_ =	sdelay $0x4  }
0x10d: {  	v2 =	vand.u32 $0x3F, v1  }
0x10e: {  	vm13 =	vlt.s32 v1, $0x1388;
	v2 =	vadd.s32 $0x1388, v2  }
0x10f: {  	v1 =	vsel vm13, v1, v2  }
0x110: {  	[tilespmem:$0xA0D0] =	vst v1  }
0x111: {  	v1 =	vld [tilespmem:s1+$0x50E0];
	_ =	sdelay $0x4  }
0x112: {  	v2 =	vand.u32 $0x3F, v1  }
0x113: {  	vm14 =	vlt.s32 v1, $0x1388;
	v2 =	vadd.s32 $0x1388, v2  }
0x114: {  	v1 =	vsel vm14, v1, v2  }
0x115: {  	[tilespmem:$0xA0E0] =	vst v1  }
0x116: {  	v1 =	vld [tilespmem:s1+$0x50F0];
	_ =	sdelay $0x4  }
0x117: {  	v2 =	vand.u32 $0x3F, v1  }
0x118: {  	vm15 =	vlt.s32 v1, $0x1388;
	v2 =	vadd.s32 $0x1388, v2  }
0x119: {  	v1 =	vsel vm15, v1, v2  }
0x11a: {  	[tilespmem:$0xA0F0] =	vst v1  }
0x11b: {  	_ =	swait.ge [sflag:s24], $0x4000  }
0x11c: {  	[sflag:s24] =	ssyncset.done $0x0  }
0x11d: {  	[sflag:s24] =	ssyncadd.s32 $0xFFFFC000  }
0x11e: {  	[spmem:s2] =	stream.indirect.scatter.add.f32 [tilespmem:s22], [sflag:$0x3], $0x80, s25, s21, $0xb8;
	[tilespmem:$0x1BFC0] =	vst v63  }
0x11f: {  	_ =	swait.ge [sflag:s18], $0x4000  }
0x120: {  	[sflag:s18] =	ssyncset.done $0x0  }
0x121: {  	s19 =	sadd.s32 $0x100, s1;
	[sflag:s18] =	ssyncadd.s32 $0xFFFFC000  }
0x122: {  	[tilespmem:s22], [sflag:$0x1] =	stream.indirect.gather [hbm4b:s4+s21], $0x80, s19, s21, $0xb8;
	[tilespmem:$0x1BFC0] =	vst v63  }
0x123: {  	v1 =	vld [tilespmem:s1+$0x5100];
	_ =	sdelay $0x4  }
0x124: {  	v2 =	vand.u32 $0x3F, v1  }
0x125: {  	vm4 =	vlt.s32 v1, $0x1388;
	v2 =	vadd.s32 $0x1388, v2  }
0x126: {  	v1 =	vsel vm4, v1, v2  }
0x127: {  	[tilespmem:$0xA100] =	vst v1  }
0x128: {  	v1 =	vld [tilespmem:s1+$0x5110];
	_ =	sdelay $0x4  }
0x129: {  	v2 =	vand.u32 $0x3F, v1  }
0x12a: {  	vm5 =	vlt.s32 v1, $0x1388;
	v2 =	vadd.s32 $0x1388, v2  }
0x12b: {  	v1 =	vsel vm5, v1, v2  }
0x12c: {  	[tilespmem:$0xA110] =	vst v1  }
0x12d: {  	v1 =	vld [tilespmem:s1+$0x5120];
	_ =	sdelay $0x4  }
0x12e: {  	v2 =	vand.u32 $0x3F, v1  }
0x12f: {  	vm6 =	vlt.s32 v1, $0x1388;
	v2 =	vadd.s32 $0x1388, v2  }
0x130: {  	v1 =	vsel vm6, v1, v2  }
0x131: {  	[tilespmem:$0xA120] =	vst v1  }
0x132: {  	v1 =	vld [tilespmem:s1+$0x5130];
	_ =	sdelay $0x4  }
0x133: {  	v2 =	vand.u32 $0x3F, v1  }
0x134: {  	vm7 =	vlt.s32 v1, $0x1388;
	v2 =	vadd.s32 $0x1388, v2  }
0x135: {  	v1 =	vsel vm7, v1, v2  }
0x136: {  	[tilespmem:$0xA130] =	vst v1  }
0x137: {  	v1 =	vld [tilespmem:s1+$0x5140];
	_ =	sdelay $0x4  }
0x138: {  	v2 =	vand.u32 $0x3F, v1  }
0x139: {  	vm8 =	vlt.s32 v1, $0x1388;
	v2 =	vadd.s32 $0x1388, v2  }
0x13a: {  	v1 =	vsel vm8, v1, v2  }
0x13b: {  	[tilespmem:$0xA140] =	vst v1  }
0x13c: {  	v1 =	vld [tilespmem:s1+$0x5150];
	_ =	sdelay $0x4  }
0x13d: {  	v2 =	vand.u32 $0x3F, v1  }
0x13e: {  	vm9 =	vlt.s32 v1, $0x1388;
	v2 =	vadd.s32 $0x1388, v2  }
0x13f: {  	v1 =	vsel vm9, v1, v2  }
0x140: {  	[tilespmem:$0xA150] =	vst v1  }
0x141: {  	v1 =	vld [tilespmem:s1+$0x5160];
	_ =	sdelay $0x4  }
0x142: {  	v2 =	vand.u32 $0x3F, v1  }
0x143: {  	vm10 =	vlt.s32 v1, $0x1388;
	v2 =	vadd.s32 $0x1388, v2  }
0x144: {  	v1 =	vsel vm10, v1, v2  }
0x145: {  	[tilespmem:$0xA160] =	vst v1  }
0x146: {  	v1 =	vld [tilespmem:s1+$0x5170];
	_ =	sdelay $0x4  }
0x147: {  	v2 =	vand.u32 $0x3F, v1  }
0x148: {  	vm11 =	vlt.s32 v1, $0x1388;
	v2 =	vadd.s32 $0x1388, v2  }
0x149: {  	v1 =	vsel vm11, v1, v2  }
0x14a: {  	[tilespmem:$0xA170] =	vst v1  }
0x14b: {  	_ =	swait.ge [sflag:s26], $0x4000  }
0x14c: {  	[sflag:s26] =	ssyncset.done $0x0  }
0x14d: {  	[sflag:s26] =	ssyncadd.s32 $0xFFFFC000  }
0x14e: {  	[spmem:s2] =	stream.indirect.scatter.add.f32 [tilespmem:s23], [sflag:$0x3], $0x80, s28, s21, $0xb8;
	[tilespmem:$0x1BFC0] =	vst v63  }
0x14f: {  	_ =	swait.ge [sflag:s18], $0x4000  }
0x150: {  	[sflag:s18] =	ssyncset.done $0x0  }
0x151: {  	[sflag:s18] =	ssyncadd.s32 $0xFFFFC000  }
0x152: {  	_ =	swait.ge [sflag:s24], $0x4000  }
0x153: {  	[sflag:s24] =	ssyncset.done $0x0  }
0x154: {  	[sflag:s24] =	ssyncadd.s32 $0xFFFFC000  }
0x155: {  	[bflag:$0x0] =	sbarrier.arrive $0xFFFF  }
0x156: {  	[hbm:s11], [sflag:s20] =	dma.local [spmem:s30], $0x1380  }
0x157: {  	_ =	swait.ge [sflag:s18], $0x1380  }
0x158: {  	[sflag:s18] =	ssyncset.done $0x0  }
0x159: {  	[sflag:s18] =	ssyncadd.s32 $0xFFFFEC80  }
0x15a: {  	s0 =	sshrl.u32 @p0 s7, $0x3;
	[bflag:$0x0] =	sbarrier.arrive @p0 $0xFFFF  }
0x15b: {  	[spmem:s0], [sflag:s20] =	dma.local @p0 [hbm:s13], $0x1380  }
0x15c: {  	s0 =	simm.s32 @p0 $0x3  }
0x15d: {  	_ =	swait.ge @p0 [sflag:s0], $0x1380  }
0x15e: {  	[sflag:s0] =	ssyncset.done @p0 $0x0  }
0x15f: {  	[sflag:s0] =	ssyncadd.s32 @p0 $0xFFFFEC80;
	s0 =	simm.s32 @!p0 $0x3  }
0x160: {  	[hbm:s12], [sflag:s20] =	dma.local @!p0 [spmem:s31], $0x80  }
0x161: {  	_ =	swait.ge @!p0 [sflag:s0], $0x80  }
0x162: {  	[sflag:s0] =	ssyncset.done @!p0 $0x0  }
0x163: {  	[sflag:s0] =	ssyncadd.s32 @!p0 $0xFFFFFF80  }
0x164: {  	s1 =	sshrl.u32 @!p0 s7, $0x3;
	[bflag:$0x0] =	sbarrier.arrive @!p0 $0xFFFF  }
0x165: {  	[spmem:s1], [sflag:s20] =	dma.local @!p0 [hbm:s13], $0x1380  }
0x166: {  	_ =	swait.ge @!p0 [sflag:s0], $0x1380  }
0x167: {  	[sflag:s0] =	ssyncset.done @!p0 $0x0  }
0x168: {  	[sflag:s0] =	ssyncadd.s32 @!p0 $0xFFFFEC80  }
0x169: {  	[spmem:s31], [sflag:s20] =	dma.local @!p0 [hbm:s14], $0x80  }
0x16a: {  	_ =	swait.ge @!p0 [sflag:s0], $0x80  }
0x16b: {  	[sflag:s0] =	ssyncset.done @!p0 $0x0  }
0x16c: {  	[sflag:s0] =	ssyncadd.s32 @!p0 $0xFFFFFF80  }
0x16d: {  	s1 =	simm.s32 $0x0;
	[bflag:$0x0] =	sbarrier.arrive $0xFFFF  }
0x16e: {  	[tilespmem:s22], [sflag:$0x1] =	stream.indirect.gather [hbm4b:s4+s21], $0x80, s1, s21, $0xb8;
	[tilespmem:$0x1BFC0] =	vst v63  }
0x16f: {  	s5 =	simm.s32 $0x0;
	s6 =	simm.s32 $0x80  }
0x170: {  	[tilespmem:s23], [sflag:$0x2] =	stream.indirect.gather [hbm4b:s4+s21], $0x80, s6, s21, $0xb8;
	[tilespmem:$0x1BFC0] =	vst v63  }
0x171: {  	v1 =	vld [tilespmem:s5+$0x5080];
	_ =	sdelay $0x4  }
0x172: {  	v2 =	vand.u32 $0x3F, v1;
	v1 =	vadd.s32 $0xFFFFEC78, v1  }
0x173: {  	v2 =	vadd.s32 $0x1388, v2;
	vm12 =	vlt.u32 v1, $0x1388  }
0x174: {  	v1 =	vsel vm12, v1, v2  }
0x175: {  	[tilespmem:$0xA080] =	vst v1  }
0x176: {  	v1 =	vld [tilespmem:s5+$0x5090];
	_ =	sdelay $0x4  }
0x177: {  	v2 =	vand.u32 $0x3F, v1;
	v1 =	vadd.s32 $0xFFFFEC78, v1  }
0x178: {  	v2 =	vadd.s32 $0x1388, v2;
	vm13 =	vlt.u32 v1, $0x1388  }
0x179: {  	v1 =	vsel vm13, v1, v2  }
0x17a: {  	[tilespmem:$0xA090] =	vst v1  }
0x17b: {  	v1 =	vld [tilespmem:s5+$0x50A0];
	_ =	sdelay $0x4  }
0x17c: {  	v2 =	vand.u32 $0x3F, v1;
	v1 =	vadd.s32 $0xFFFFEC78, v1  }
0x17d: {  	v2 =	vadd.s32 $0x1388, v2;
	vm14 =	vlt.u32 v1, $0x1388  }
0x17e: {  	v1 =	vsel vm14, v1, v2  }
0x17f: {  	[tilespmem:$0xA0A0] =	vst v1  }
0x180: {  	v1 =	vld [tilespmem:s5+$0x50B0];
	_ =	sdelay $0x4  }
0x181: {  	v2 =	vand.u32 $0x3F, v1;
	v1 =	vadd.s32 $0xFFFFEC78, v1  }
0x182: {  	v2 =	vadd.s32 $0x1388, v2;
	vm15 =	vlt.u32 v1, $0x1388  }
0x183: {  	v1 =	vsel vm15, v1, v2  }
0x184: {  	[tilespmem:$0xA0B0] =	vst v1  }
0x185: {  	v1 =	vld [tilespmem:s5+$0x50C0];
	_ =	sdelay $0x4  }
0x186: {  	v2 =	vand.u32 $0x3F, v1;
	v1 =	vadd.s32 $0xFFFFEC78, v1  }
0x187: {  	v2 =	vadd.s32 $0x1388, v2;
	vm4 =	vlt.u32 v1, $0x1388  }
0x188: {  	v1 =	vsel vm4, v1, v2  }
0x189: {  	[tilespmem:$0xA0C0] =	vst v1  }
0x18a: {  	v1 =	vld [tilespmem:s5+$0x50D0];
	_ =	sdelay $0x4  }
0x18b: {  	v2 =	vand.u32 $0x3F, v1;
	v1 =	vadd.s32 $0xFFFFEC78, v1  }
0x18c: {  	v2 =	vadd.s32 $0x1388, v2;
	vm5 =	vlt.u32 v1, $0x1388  }
0x18d: {  	v1 =	vsel vm5, v1, v2  }
0x18e: {  	[tilespmem:$0xA0D0] =	vst v1  }
0x18f: {  	v1 =	vld [tilespmem:s5+$0x50E0];
	_ =	sdelay $0x4  }
0x190: {  	v2 =	vand.u32 $0x3F, v1;
	v1 =	vadd.s32 $0xFFFFEC78, v1  }
0x191: {  	v2 =	vadd.s32 $0x1388, v2;
	vm6 =	vlt.u32 v1, $0x1388  }
0x192: {  	v1 =	vsel vm6, v1, v2  }
0x193: {  	[tilespmem:$0xA0E0] =	vst v1  }
0x194: {  	v1 =	vld [tilespmem:s5+$0x50F0];
	_ =	sdelay $0x4  }
0x195: {  	v2 =	vand.u32 $0x3F, v1;
	v1 =	vadd.s32 $0xFFFFEC78, v1  }
0x196: {  	v2 =	vadd.s32 $0x1388, v2;
	vm7 =	vlt.u32 v1, $0x1388  }
0x197: {  	v1 =	vsel vm7, v1, v2  }
0x198: {  	[tilespmem:$0xA0F0] =	vst v1  }
0x199: {  	_ =	swait.ge [sflag:s24], $0x4000  }
0x19a: {  	[sflag:s24] =	ssyncset.done $0x0  }
0x19b: {  	[sflag:s24] =	ssyncadd.s32 $0xFFFFC000  }
0x19c: {  	[spmem:s2] =	stream.indirect.scatter.add.f32 [tilespmem:s22], [sflag:$0x3], $0x80, s25, s21, $0xb8;
	[tilespmem:$0x1BFC0] =	vst v63  }
0x19d: {  	_ =	swait.ge [sflag:s18], $0x4000  }
0x19e: {  	[sflag:s18] =	ssyncset.done $0x0  }
0x19f: {  	s19 =	simm.s32 $0x100;
	[sflag:s18] =	ssyncadd.s32 $0xFFFFC000  }
0x1a0: {  	[tilespmem:s22], [sflag:$0x1] =	stream.indirect.gather [hbm4b:s4+s21], $0x80, s19, s21, $0xb8;
	[tilespmem:$0x1BFC0] =	vst v63  }
0x1a1: {  	v1 =	vld [tilespmem:s5+$0x5100];
	_ =	sdelay $0x4  }
0x1a2: {  	v2 =	vand.u32 $0x3F, v1;
	v1 =	vadd.s32 $0xFFFFEC78, v1  }
0x1a3: {  	v2 =	vadd.s32 $0x1388, v2;
	vm8 =	vlt.u32 v1, $0x1388  }
0x1a4: {  	v1 =	vsel vm8, v1, v2  }
0x1a5: {  	[tilespmem:$0xA100] =	vst v1  }
0x1a6: {  	v1 =	vld [tilespmem:s5+$0x5110];
	_ =	sdelay $0x4  }
0x1a7: {  	v2 =	vand.u32 $0x3F, v1;
	v1 =	vadd.s32 $0xFFFFEC78, v1  }
0x1a8: {  	v2 =	vadd.s32 $0x1388, v2;
	vm9 =	vlt.u32 v1, $0x1388  }
0x1a9: {  	v1 =	vsel vm9, v1, v2  }
0x1aa: {  	[tilespmem:$0xA110] =	vst v1  }
0x1ab: {  	v1 =	vld [tilespmem:s5+$0x5120];
	_ =	sdelay $0x4  }
0x1ac: {  	v2 =	vand.u32 $0x3F, v1;
	v1 =	vadd.s32 $0xFFFFEC78, v1  }
0x1ad: {  	v2 =	vadd.s32 $0x1388, v2;
	vm10 =	vlt.u32 v1, $0x1388  }
0x1ae: {  	v1 =	vsel vm10, v1, v2  }
0x1af: {  	[tilespmem:$0xA120] =	vst v1  }
0x1b0: {  	v1 =	vld [tilespmem:s5+$0x5130];
	_ =	sdelay $0x4  }
0x1b1: {  	v2 =	vand.u32 $0x3F, v1;
	v1 =	vadd.s32 $0xFFFFEC78, v1  }
0x1b2: {  	v2 =	vadd.s32 $0x1388, v2;
	vm11 =	vlt.u32 v1, $0x1388  }
0x1b3: {  	v1 =	vsel vm11, v1, v2  }
0x1b4: {  	[tilespmem:$0xA130] =	vst v1  }
0x1b5: {  	v1 =	vld [tilespmem:s5+$0x5140];
	_ =	sdelay $0x4  }
0x1b6: {  	v2 =	vand.u32 $0x3F, v1;
	v1 =	vadd.s32 $0xFFFFEC78, v1  }
0x1b7: {  	v2 =	vadd.s32 $0x1388, v2;
	vm12 =	vlt.u32 v1, $0x1388  }
0x1b8: {  	v1 =	vsel vm12, v1, v2  }
0x1b9: {  	[tilespmem:$0xA140] =	vst v1  }
0x1ba: {  	v1 =	vld [tilespmem:s5+$0x5150];
	_ =	sdelay $0x4  }
0x1bb: {  	v2 =	vand.u32 $0x3F, v1;
	v1 =	vadd.s32 $0xFFFFEC78, v1  }
0x1bc: {  	v2 =	vadd.s32 $0x1388, v2;
	vm13 =	vlt.u32 v1, $0x1388  }
0x1bd: {  	v1 =	vsel vm13, v1, v2  }
0x1be: {  	[tilespmem:$0xA150] =	vst v1  }
0x1bf: {  	v1 =	vld [tilespmem:s5+$0x5160];
	_ =	sdelay $0x4  }
0x1c0: {  	v2 =	vand.u32 $0x3F, v1;
	v1 =	vadd.s32 $0xFFFFEC78, v1  }
0x1c1: {  	v2 =	vadd.s32 $0x1388, v2;
	vm14 =	vlt.u32 v1, $0x1388  }
0x1c2: {  	v1 =	vsel vm14, v1, v2  }
0x1c3: {  	[tilespmem:$0xA160] =	vst v1  }
0x1c4: {  	v1 =	vld [tilespmem:s5+$0x5170];
	_ =	sdelay $0x4  }
0x1c5: {  	v2 =	vand.u32 $0x3F, v1;
	v1 =	vadd.s32 $0xFFFFEC78, v1  }
0x1c6: {  	v2 =	vadd.s32 $0x1388, v2;
	vm15 =	vlt.u32 v1, $0x1388  }
0x1c7: {  	v1 =	vsel vm15, v1, v2  }
0x1c8: {  	[tilespmem:$0xA170] =	vst v1  }
0x1c9: {  	_ =	swait.ge [sflag:s26], $0x4000  }
0x1ca: {  	[sflag:s26] =	ssyncset.done $0x0  }
0x1cb: {  	[sflag:s26] =	ssyncadd.s32 $0xFFFFC000  }
0x1cc: {  	[spmem:s2] =	stream.indirect.scatter.add.f32 [tilespmem:s23], [sflag:$0x3], $0x80, s28, s21, $0xb8;
	[tilespmem:$0x1BFC0] =	vst v63  }
0x1cd: {  	_ =	swait.ge [sflag:s18], $0x4000  }
0x1ce: {  	s1 =	simm.s32 $0x100;
	s5 =	simm.s32 $0x800;
	[sflag:s18] =	ssyncset.done $0x0  }
.LBB2_4:
0x1cf: {  	s6 =	sadd.s32 $0x80, s1  }
0x1d0: {  	[sflag:s18] =	ssyncadd.s32 $0xFFFFC000;
	s19 =	smov.u32 s5;
	s0 =	sadd.s32 $0x400, s5  }
0x1d1: {  	[tilespmem:s23], [sflag:$0x2] =	stream.indirect.gather [hbm4b:s4+s21], $0x80, s6, s21, $0xb8;
	[tilespmem:$0x1BFC0] =	vst v63  }
0x1d2: {  	p1 =	sne.s32 s5, $0x13C00;
	v1 =	vld [tilespmem:s1+$0x5080];
	_ =	sdelay $0x4  }
0x1d3: {  	v2 =	vand.u32 $0x3F, v1;
	v1 =	vadd.s32 $0xFFFFEC78, v1  }
0x1d4: {  	v2 =	vadd.s32 $0x1388, v2;
	vm0 =	vlt.u32 v1, $0x1388  }
0x1d5: {  	v1 =	vsel vm0, v1, v2  }
0x1d6: {  	[tilespmem:$0xA080] =	vst v1  }
0x1d7: {  	v1 =	vld [tilespmem:s1+$0x5090];
	_ =	sdelay $0x4  }
0x1d8: {  	v2 =	vand.u32 $0x3F, v1;
	v1 =	vadd.s32 $0xFFFFEC78, v1  }
0x1d9: {  	v2 =	vadd.s32 $0x1388, v2;
	vm0 =	vlt.u32 v1, $0x1388  }
0x1da: {  	v1 =	vsel vm0, v1, v2  }
0x1db: {  	[tilespmem:$0xA090] =	vst v1  }
0x1dc: {  	v1 =	vld [tilespmem:s1+$0x50A0];
	_ =	sdelay $0x4  }
0x1dd: {  	v2 =	vand.u32 $0x3F, v1;
	v1 =	vadd.s32 $0xFFFFEC78, v1  }
0x1de: {  	v2 =	vadd.s32 $0x1388, v2;
	vm0 =	vlt.u32 v1, $0x1388  }
0x1df: {  	v1 =	vsel vm0, v1, v2  }
0x1e0: {  	[tilespmem:$0xA0A0] =	vst v1  }
0x1e1: {  	v1 =	vld [tilespmem:s1+$0x50B0];
	_ =	sdelay $0x4  }
0x1e2: {  	v2 =	vand.u32 $0x3F, v1;
	v1 =	vadd.s32 $0xFFFFEC78, v1  }
0x1e3: {  	v2 =	vadd.s32 $0x1388, v2;
	vm0 =	vlt.u32 v1, $0x1388  }
0x1e4: {  	v1 =	vsel vm0, v1, v2  }
0x1e5: {  	[tilespmem:$0xA0B0] =	vst v1  }
0x1e6: {  	v1 =	vld [tilespmem:s1+$0x50C0];
	_ =	sdelay $0x4  }
0x1e7: {  	v2 =	vand.u32 $0x3F, v1;
	v1 =	vadd.s32 $0xFFFFEC78, v1  }
0x1e8: {  	v2 =	vadd.s32 $0x1388, v2;
	vm0 =	vlt.u32 v1, $0x1388  }
0x1e9: {  	v1 =	vsel vm0, v1, v2  }
0x1ea: {  	[tilespmem:$0xA0C0] =	vst v1  }
0x1eb: {  	v1 =	vld [tilespmem:s1+$0x50D0];
	_ =	sdelay $0x4  }
0x1ec: {  	v2 =	vand.u32 $0x3F, v1;
	v1 =	vadd.s32 $0xFFFFEC78, v1  }
0x1ed: {  	v2 =	vadd.s32 $0x1388, v2;
	vm0 =	vlt.u32 v1, $0x1388  }
0x1ee: {  	v1 =	vsel vm0, v1, v2  }
0x1ef: {  	[tilespmem:$0xA0D0] =	vst v1  }
0x1f0: {  	v1 =	vld [tilespmem:s1+$0x50E0];
	_ =	sdelay $0x4  }
0x1f1: {  	v2 =	vand.u32 $0x3F, v1;
	v1 =	vadd.s32 $0xFFFFEC78, v1  }
0x1f2: {  	v2 =	vadd.s32 $0x1388, v2;
	vm0 =	vlt.u32 v1, $0x1388  }
0x1f3: {  	v1 =	vsel vm0, v1, v2  }
0x1f4: {  	[tilespmem:$0xA0E0] =	vst v1  }
0x1f5: {  	v1 =	vld [tilespmem:s1+$0x50F0];
	_ =	sdelay $0x4  }
0x1f6: {  	v2 =	vand.u32 $0x3F, v1;
	v1 =	vadd.s32 $0xFFFFEC78, v1  }
0x1f7: {  	v2 =	vadd.s32 $0x1388, v2;
	vm0 =	vlt.u32 v1, $0x1388  }
0x1f8: {  	v1 =	vsel vm0, v1, v2  }
0x1f9: {  	[tilespmem:$0xA0F0] =	vst v1  }
0x1fa: {  	_ =	swait.ge [sflag:s24], $0x4000  }
0x1fb: {  	[sflag:s24] =	ssyncset.done $0x0  }
0x1fc: {  	[sflag:s24] =	ssyncadd.s32 $0xFFFFC000  }
0x1fd: {  	[spmem:s2] =	stream.indirect.scatter.add.f32 [tilespmem:s22], [sflag:$0x3], $0x80, s25, s21, $0xb8;
	[tilespmem:$0x1BFC0] =	vst v63  }
0x1fe: {  	_ =	swait.ge [sflag:s18], $0x4000  }
0x1ff: {  	[sflag:s18] =	ssyncset.done $0x0  }
0x200: {  	s5 =	sadd.s32 $0x100, s1;
	[sflag:s18] =	ssyncadd.s32 $0xFFFFC000  }
0x201: {  	[tilespmem:s22], [sflag:$0x1] =	stream.indirect.gather [hbm4b:s4+s21], $0x80, s5, s21, $0xb8;
	[tilespmem:$0x1BFC0] =	vst v63  }
0x202: {  	v1 =	vld [tilespmem:s1+$0x5100];
	_ =	sdelay $0x4  }
0x203: {  	v2 =	vand.u32 $0x3F, v1;
	v1 =	vadd.s32 $0xFFFFEC78, v1  }
0x204: {  	v2 =	vadd.s32 $0x1388, v2;
	vm0 =	vlt.u32 v1, $0x1388  }
0x205: {  	v1 =	vsel vm0, v1, v2  }
0x206: {  	[tilespmem:$0xA100] =	vst v1  }
0x207: {  	v1 =	vld [tilespmem:s1+$0x5110];
	_ =	sdelay $0x4  }
0x208: {  	v2 =	vand.u32 $0x3F, v1;
	v1 =	vadd.s32 $0xFFFFEC78, v1  }
0x209: {  	v2 =	vadd.s32 $0x1388, v2;
	vm0 =	vlt.u32 v1, $0x1388  }
0x20a: {  	v1 =	vsel vm0, v1, v2  }
0x20b: {  	[tilespmem:$0xA110] =	vst v1  }
0x20c: {  	v1 =	vld [tilespmem:s1+$0x5120];
	_ =	sdelay $0x4  }
0x20d: {  	v2 =	vand.u32 $0x3F, v1;
	v1 =	vadd.s32 $0xFFFFEC78, v1  }
0x20e: {  	v2 =	vadd.s32 $0x1388, v2;
	vm0 =	vlt.u32 v1, $0x1388  }
0x20f: {  	v1 =	vsel vm0, v1, v2  }
0x210: {  	[tilespmem:$0xA120] =	vst v1  }
0x211: {  	v1 =	vld [tilespmem:s1+$0x5130];
	_ =	sdelay $0x4  }
0x212: {  	v2 =	vand.u32 $0x3F, v1;
	v1 =	vadd.s32 $0xFFFFEC78, v1  }
0x213: {  	v2 =	vadd.s32 $0x1388, v2;
	vm0 =	vlt.u32 v1, $0x1388  }
0x214: {  	v1 =	vsel vm0, v1, v2  }
0x215: {  	[tilespmem:$0xA130] =	vst v1  }
0x216: {  	v1 =	vld [tilespmem:s1+$0x5140];
	_ =	sdelay $0x4  }
0x217: {  	v2 =	vand.u32 $0x3F, v1;
	v1 =	vadd.s32 $0xFFFFEC78, v1  }
0x218: {  	v2 =	vadd.s32 $0x1388, v2;
	vm0 =	vlt.u32 v1, $0x1388  }
0x219: {  	v1 =	vsel vm0, v1, v2  }
0x21a: {  	[tilespmem:$0xA140] =	vst v1  }
0x21b: {  	v1 =	vld [tilespmem:s1+$0x5150];
	_ =	sdelay $0x4  }
0x21c: {  	v2 =	vand.u32 $0x3F, v1;
	v1 =	vadd.s32 $0xFFFFEC78, v1  }
0x21d: {  	v2 =	vadd.s32 $0x1388, v2;
	vm0 =	vlt.u32 v1, $0x1388  }
0x21e: {  	v1 =	vsel vm0, v1, v2  }
0x21f: {  	[tilespmem:$0xA150] =	vst v1  }
0x220: {  	v1 =	vld [tilespmem:s1+$0x5160];
	_ =	sdelay $0x4  }
0x221: {  	v2 =	vand.u32 $0x3F, v1;
	v1 =	vadd.s32 $0xFFFFEC78, v1  }
0x222: {  	v2 =	vadd.s32 $0x1388, v2;
	vm0 =	vlt.u32 v1, $0x1388  }
0x223: {  	v1 =	vsel vm0, v1, v2  }
0x224: {  	[tilespmem:$0xA160] =	vst v1  }
0x225: {  	v1 =	vld [tilespmem:s1+$0x5170];
	_ =	sdelay $0x4  }
0x226: {  	v2 =	vand.u32 $0x3F, v1;
	v1 =	vadd.s32 $0xFFFFEC78, v1  }
0x227: {  	v2 =	vadd.s32 $0x1388, v2;
	vm0 =	vlt.u32 v1, $0x1388  }
0x228: {  	v1 =	vsel vm0, v1, v2  }
0x229: {  	[tilespmem:$0xA170] =	vst v1  }
0x22a: {  	_ =	swait.ge [sflag:s26], $0x4000  }
.Ltmp1:
0x22b: {  	[sflag:s26] =	ssyncset.done $0x0;
	(pc) =	sbr.rel @p1 .LBB2_4-.Ltmp1, $4  }
0x22c: {  	[sflag:s26] =	ssyncadd.s32 $0xFFFFC000  }
0x22d: {  	[spmem:s2] =	stream.indirect.scatter.add.f32 [tilespmem:s23], [sflag:$0x3], $0x80, s28, s21, $0xb8;
	[tilespmem:$0x1BFC0] =	vst v63  }
0x22e: {  	_ =	swait.ge [sflag:s18], $0x4000  }
0x22f: {  	s5 =	smov.u32 s0;
	s1 =	sshra.s32 s19, $0x2;
	[sflag:s18] =	ssyncset.done $0x0  }
0x230: {  	s0 =	sadd.s32 $0x80, s1;
	[sflag:s18] =	ssyncadd.s32 $0xFFFFC000  }
0x231: {  	[tilespmem:s23], [sflag:$0x2] =	stream.indirect.gather [hbm4b:s4+s21], $0x80, s0, s21, $0xb8;
	[tilespmem:$0x1BFC0] =	vst v63  }
0x232: {  	v1 =	vld [tilespmem:s1+$0x5080];
	_ =	sdelay $0x4  }
0x233: {  	v2 =	vand.u32 $0x3F, v1;
	v1 =	vadd.s32 $0xFFFFEC78, v1  }
0x234: {  	v2 =	vadd.s32 $0x1388, v2;
	vm0 =	vlt.u32 v1, $0x1388  }
0x235: {  	v1 =	vsel vm0, v1, v2  }
0x236: {  	[tilespmem:$0xA080] =	vst v1  }
0x237: {  	v1 =	vld [tilespmem:s1+$0x5090];
	_ =	sdelay $0x4  }
0x238: {  	v2 =	vand.u32 $0x3F, v1;
	v1 =	vadd.s32 $0xFFFFEC78, v1  }
0x239: {  	v2 =	vadd.s32 $0x1388, v2;
	vm13 =	vlt.u32 v1, $0x1388  }
0x23a: {  	v1 =	vsel vm13, v1, v2  }
0x23b: {  	[tilespmem:$0xA090] =	vst v1  }
0x23c: {  	v1 =	vld [tilespmem:s1+$0x50A0];
	_ =	sdelay $0x4  }
0x23d: {  	v2 =	vand.u32 $0x3F, v1;
	v1 =	vadd.s32 $0xFFFFEC78, v1  }
0x23e: {  	v2 =	vadd.s32 $0x1388, v2;
	vm14 =	vlt.u32 v1, $0x1388  }
0x23f: {  	v1 =	vsel vm14, v1, v2  }
0x240: {  	[tilespmem:$0xA0A0] =	vst v1  }
0x241: {  	v1 =	vld [tilespmem:s1+$0x50B0];
	_ =	sdelay $0x4  }
0x242: {  	v2 =	vand.u32 $0x3F, v1;
	v1 =	vadd.s32 $0xFFFFEC78, v1  }
0x243: {  	v2 =	vadd.s32 $0x1388, v2;
	vm15 =	vlt.u32 v1, $0x1388  }
0x244: {  	v1 =	vsel vm15, v1, v2  }
0x245: {  	[tilespmem:$0xA0B0] =	vst v1  }
0x246: {  	v1 =	vld [tilespmem:s1+$0x50C0];
	_ =	sdelay $0x4  }
0x247: {  	v2 =	vand.u32 $0x3F, v1;
	v1 =	vadd.s32 $0xFFFFEC78, v1  }
0x248: {  	v2 =	vadd.s32 $0x1388, v2;
	vm4 =	vlt.u32 v1, $0x1388  }
0x249: {  	v1 =	vsel vm4, v1, v2  }
0x24a: {  	[tilespmem:$0xA0C0] =	vst v1  }
0x24b: {  	v1 =	vld [tilespmem:s1+$0x50D0];
	_ =	sdelay $0x4  }
0x24c: {  	v2 =	vand.u32 $0x3F, v1;
	v1 =	vadd.s32 $0xFFFFEC78, v1  }
0x24d: {  	v2 =	vadd.s32 $0x1388, v2;
	vm5 =	vlt.u32 v1, $0x1388  }
0x24e: {  	v1 =	vsel vm5, v1, v2  }
0x24f: {  	[tilespmem:$0xA0D0] =	vst v1  }
0x250: {  	v1 =	vld [tilespmem:s1+$0x50E0];
	_ =	sdelay $0x4  }
0x251: {  	v2 =	vand.u32 $0x3F, v1;
	v1 =	vadd.s32 $0xFFFFEC78, v1  }
0x252: {  	v2 =	vadd.s32 $0x1388, v2;
	vm6 =	vlt.u32 v1, $0x1388  }
0x253: {  	v1 =	vsel vm6, v1, v2  }
0x254: {  	[tilespmem:$0xA0E0] =	vst v1  }
0x255: {  	v1 =	vld [tilespmem:s1+$0x50F0];
	_ =	sdelay $0x4  }
0x256: {  	v2 =	vand.u32 $0x3F, v1;
	v1 =	vadd.s32 $0xFFFFEC78, v1  }
0x257: {  	v2 =	vadd.s32 $0x1388, v2;
	vm7 =	vlt.u32 v1, $0x1388  }
0x258: {  	v1 =	vsel vm7, v1, v2  }
0x259: {  	[tilespmem:$0xA0F0] =	vst v1  }
0x25a: {  	_ =	swait.ge [sflag:s24], $0x4000  }
0x25b: {  	[sflag:s24] =	ssyncset.done $0x0  }
0x25c: {  	[sflag:s24] =	ssyncadd.s32 $0xFFFFC000  }
0x25d: {  	[spmem:s2] =	stream.indirect.scatter.add.f32 [tilespmem:s22], [sflag:$0x3], $0x80, s25, s21, $0xb8;
	[tilespmem:$0x1BFC0] =	vst v63  }
0x25e: {  	_ =	swait.ge [sflag:s18], $0x4000  }
0x25f: {  	[sflag:s18] =	ssyncset.done $0x0  }
0x260: {  	s19 =	sadd.s32 $0x100, s1;
	[sflag:s18] =	ssyncadd.s32 $0xFFFFC000  }
0x261: {  	[tilespmem:s22], [sflag:$0x1] =	stream.indirect.gather [hbm4b:s4+s21], $0x80, s19, s21, $0xb8;
	[tilespmem:$0x1BFC0] =	vst v63  }
0x262: {  	v1 =	vld [tilespmem:s1+$0x5100];
	_ =	sdelay $0x4  }
0x263: {  	v2 =	vand.u32 $0x3F, v1;
	v1 =	vadd.s32 $0xFFFFEC78, v1  }
0x264: {  	v2 =	vadd.s32 $0x1388, v2;
	vm8 =	vlt.u32 v1, $0x1388  }
0x265: {  	v1 =	vsel vm8, v1, v2  }
0x266: {  	[tilespmem:$0xA100] =	vst v1  }
0x267: {  	v1 =	vld [tilespmem:s1+$0x5110];
	_ =	sdelay $0x4  }
0x268: {  	v2 =	vand.u32 $0x3F, v1;
	v1 =	vadd.s32 $0xFFFFEC78, v1  }
0x269: {  	v2 =	vadd.s32 $0x1388, v2;
	vm9 =	vlt.u32 v1, $0x1388  }
0x26a: {  	v1 =	vsel vm9, v1, v2  }
0x26b: {  	[tilespmem:$0xA110] =	vst v1  }
0x26c: {  	v1 =	vld [tilespmem:s1+$0x5120];
	_ =	sdelay $0x4  }
0x26d: {  	v2 =	vand.u32 $0x3F, v1;
	v1 =	vadd.s32 $0xFFFFEC78, v1  }
0x26e: {  	v2 =	vadd.s32 $0x1388, v2;
	vm10 =	vlt.u32 v1, $0x1388  }
0x26f: {  	v1 =	vsel vm10, v1, v2  }
0x270: {  	[tilespmem:$0xA120] =	vst v1  }
0x271: {  	v1 =	vld [tilespmem:s1+$0x5130];
	_ =	sdelay $0x4  }
0x272: {  	v2 =	vand.u32 $0x3F, v1;
	v1 =	vadd.s32 $0xFFFFEC78, v1  }
0x273: {  	v2 =	vadd.s32 $0x1388, v2;
	vm11 =	vlt.u32 v1, $0x1388  }
0x274: {  	v1 =	vsel vm11, v1, v2  }
0x275: {  	[tilespmem:$0xA130] =	vst v1  }
0x276: {  	v1 =	vld [tilespmem:s1+$0x5140];
	_ =	sdelay $0x4  }
0x277: {  	v2 =	vand.u32 $0x3F, v1;
	v1 =	vadd.s32 $0xFFFFEC78, v1  }
0x278: {  	v2 =	vadd.s32 $0x1388, v2;
	vm12 =	vlt.u32 v1, $0x1388  }
0x279: {  	v1 =	vsel vm12, v1, v2  }
0x27a: {  	[tilespmem:$0xA140] =	vst v1  }
0x27b: {  	v1 =	vld [tilespmem:s1+$0x5150];
	_ =	sdelay $0x4  }
0x27c: {  	v2 =	vand.u32 $0x3F, v1;
	v1 =	vadd.s32 $0xFFFFEC78, v1  }
0x27d: {  	v2 =	vadd.s32 $0x1388, v2;
	vm13 =	vlt.u32 v1, $0x1388  }
0x27e: {  	v1 =	vsel vm13, v1, v2  }
0x27f: {  	[tilespmem:$0xA150] =	vst v1  }
0x280: {  	v1 =	vld [tilespmem:s1+$0x5160];
	_ =	sdelay $0x4  }
0x281: {  	v2 =	vand.u32 $0x3F, v1;
	v1 =	vadd.s32 $0xFFFFEC78, v1  }
0x282: {  	v2 =	vadd.s32 $0x1388, v2;
	vm14 =	vlt.u32 v1, $0x1388  }
0x283: {  	v1 =	vsel vm14, v1, v2  }
0x284: {  	[tilespmem:$0xA160] =	vst v1  }
0x285: {  	v1 =	vld [tilespmem:s1+$0x5170];
	_ =	sdelay $0x4  }
0x286: {  	v2 =	vand.u32 $0x3F, v1;
	v1 =	vadd.s32 $0xFFFFEC78, v1  }
0x287: {  	v2 =	vadd.s32 $0x1388, v2;
	vm15 =	vlt.u32 v1, $0x1388  }
0x288: {  	v1 =	vsel vm15, v1, v2  }
0x289: {  	[tilespmem:$0xA170] =	vst v1  }
0x28a: {  	_ =	swait.ge [sflag:s26], $0x4000  }
0x28b: {  	[sflag:s26] =	ssyncset.done $0x0  }
0x28c: {  	[sflag:s26] =	ssyncadd.s32 $0xFFFFC000  }
0x28d: {  	[spmem:s2] =	stream.indirect.scatter.add.f32 [tilespmem:s23], [sflag:$0x3], $0x80, s28, s21, $0xb8;
	[tilespmem:$0x1BFC0] =	vst v63  }
0x28e: {  	_ =	swait.ge [sflag:s18], $0x4000  }
0x28f: {  	[sflag:s18] =	ssyncset.done $0x0  }
0x290: {  	[sflag:s18] =	ssyncadd.s32 $0xFFFFC000  }
0x291: {  	_ =	swait.ge [sflag:s24], $0x4000  }
0x292: {  	[sflag:s24] =	ssyncset.done $0x0  }
0x293: {  	[sflag:s24] =	ssyncadd.s32 $0xFFFFC000  }
0x294: {  	[bflag:$0x0] =	sbarrier.arrive $0xFFFF  }
0x295: {  	[hbm:s15], [sflag:s20] =	dma.local [spmem:s30], $0x1380  }
0x296: {  	_ =	swait.ge [sflag:s18], $0x1380  }
0x297: {  	s29 =	sadd.s32 $0x1, s29;
	[sflag:s18] =	ssyncset.done $0x0  }
0x298: {  	s0 =	simm.s32 @!p0 $0x3;
	p1 =	sne.s32 s29, s17;
	[sflag:s18] =	ssyncadd.s32 $0xFFFFEC80  }
0x299: {  	[hbm:s16], [sflag:s20] =	dma.local @!p0 [spmem:s31], $0x80  }
.Ltmp2:
0x29a: {  	_ =	swait.ge @!p0 [sflag:s0], $0x80;
	(pc) =	sbr.rel @p1 .LBB2_1-.Ltmp2, $3  }
0x29b: {  	[sflag:s0] =	ssyncset.done @!p0 $0x0  }
0x29c: {  	[sflag:s0] =	ssyncadd.s32 @!p0 $0xFFFFFF80  }
0x29d: {  	[bflag:$0x0] =	sbarrier.arrive $0xFFFF;
	_ =	sdelay $0x1  }
0x29e: {  	_ =	sfence.sel $0x180000  }
0x29f: {  	[bflag:$0x0] =	sbarrier.arrive $0xFFFF  }
0x2a0: {  	_ =	strace $0x9000004A  }
0x2a1: {  	s0 =	stileid.u32;
	[bflag:$0x2] =	sbarrier.arrive $0xFFFF  }
0x2a2: {  	p0 =	sne.s32 s0, $0x0;
	s0 =	rddreg [dreg:$0x2]  }
0x2a3: {  	s0 =	sadd.s32 @!p0 $0x100000, s0  }
0x2a4: {  	[sflag:s0] =	ssyncadd.tile.s32 @!p0 $0x1;
	_ =	shalt  }
.Lfunc_end2:
_tile_overlayer_lowered:
.L_overlay_start_2:
0x2a5: {  	(tag) =	ssettag $0x2  }
0x2a6: {  	s0 =	rddreg [dreg:$0x0];
	s2 =	stileid.u32  }
0x2a7: {  	s1 =	rddreg [dreg:$0x1];
	p0 =	sne.s32 s2, $0x0  }
0x2a8: {  	s3 =	rddreg [dreg:$0x2];
	[bflag:$0x3] =	sbarrier.arrive $0xFFFF;
	s2 =	simm.s32 @!p0 $0x1C03  }
0x2a9: {  	[timem:s3], [sflag:s2] =	dma.local @!p0 [hbm:s0], s1  }
0x2aa: {  	s0 =	simm.s32 @!p0 $0x3  }
0x2ab: {  	_ =	swait.ge @!p0 [sflag:s0], s1  }
0x2ac: {  	s1 =	ssub.s32 @!p0 $0x0, s1;
	[sflag:s0] =	ssyncset.done @!p0 $0x0  }
0x2ad: {  	[sflag:s0] =	ssyncadd.s32 @!p0 s1  }
0x2ae: {  	[bflag:$0x3] =	sbarrier.arrive $0xFFFF  }
0x2af: {  	_ =	shalt  }

// kernel: kernel.16.cloned.1.call-start
scs
__scs_entry_jumppad:
0x0: {  	(pc) =	sbr.rel $0x88, $3  }
0x1: {  	(tag) =	ssettag $0x0;
	lr =	simm.s32 $0x1  }
0x2: {  	[smem:$0x3F94] =	sst lr;
	_ =	strace $0xD0000000  }
0x3: {  	_ = 	snop  }
0x4: {  	_ = 	snop  }
0x5: {  	_ = 	snop  }
0x6: {  	_ = 	snop  }
0x7: {  	_ = 	snop  }
__scs_overlays_trampoline_lowered:
0x8: {  	[smem:$0x3FA3] =	sst s0  }
0x9: {  	[smem:$0x3FA4] =	sst s1  }
0xa: {  	[smem:$0x3FA5] =	sst s2  }
0xb: {  	[smem:$0x3FA6] =	sst s3  }
0xc: {  	[smem:$0x3FA7] =	sst s4  }
0xd: {  	[smem:$0x3FA8] =	sst s5  }
0xe: {  	[smem:$0x3FA9] =	sst s6  }
0xf: {  	[smem:$0x3FAA] =	sst s7  }
0x10: {  	[smem:$0x3FAB] =	sst s8  }
0x11: {  	[smem:$0x3FAC] =	sst s9;
	s0 =	simm.s32 @!p0 $0x0  }
0x12: {  	s1 =	sld [smem:$0x3F92];
	s0 =	simm.s32 @p0 $0x1  }
0x13: {  	[smem:$0x3FAD] =	sst s0;
	s0 =	simm.s32 @!p1 $0x0  }
0x14: {  	s2 =	sld [smem:$0x3F91];
	s0 =	simm.s32 @p1 $0x1  }
0x15: {  	[smem:$0x3FAE] =	sst s0;
	s0 =	simm.s32 @!p2 $0x0  }
0x16: {  	s3 =	sld [smem:$0x3FDB];
	s0 =	simm.s32 @p2 $0x1  }
0x17: {  	s4 =	simm.s32 $0x1BF5;
	[smem:$0x3FB0] =	sst s0  }
0x18: {  	s0 =	sld [smem:$0x3F93];
	_ =	swait.ge [sflag:s4], $0x0  }
0x19: {  	s7 =	sld [smem:$0x3F94]  }
0x1a: {  	s8 =	sadd.s32 $0xFFFFE003, lr  }
0x1b: {  	s9 =	sadd.s32 $0xFFFFFEF7, lr;
	s5 =	simm.s32 $0xFFFFFFFF;
	p2 =	slt.u32 s8, $0xFFFFF086  }
0x1c: {  	p1 =	slt.u32 s9, $0xF7A;
	s5 =	simm.s32 @!p2 $0x0  }
0x1d: {  	s5 =	simm.s32 @p1 $0x1;
	p0 =	seq.s32 s7, s2  }
0x1e: {  	s7 =	smul.u32 @!p0 $0xF7A, s2;
	p2 =	seq.s32 @!p0 s5, $0x0  }
0x1f: {  	s9 =	smul.u32 $0xF7A, s1;
	s8 =	simm.s32 @!p0 $0x1BF5;
	p2 =	por !p2, p0  }
0x20: {  	[sflag:s8] =	ssyncset.s32 @!p0 $0xFFFFF086;
	s6 =	sadd.s32 @!p0 s3, s7;
	s7 =	simm.s32 @!p0 $0x108  }
0x21: {  	s3 =	sadd.s32 s3, s9;
	s6 =	sadd.s32 @!p0 $0x88, s6;
	s7 =	simm.s32 @p2 $0x1082  }
0x22: {  	[simem:s7], [sflag:s8] =	dma.local @!p0 [hbm:s6], $0xF7A  }
0x23: {  	s9 =	sor.u32 $0xD0000000, s2;
	s6 =	simm.s32 $0x108;
	_ =	swait.ge @!p0 [sflag:s8], $0x0  }
0x24: {  	s3 =	sadd.s32 $0x88, s3;
	s6 =	simm.s32 @!p1 $0x1082;
	[sflag:s4] =	ssyncset.s32 $0xFFFFF086  }
0x25: {  	[simem:s6], [sflag:s4] =	dma.local [hbm:s3], $0xF7A  }
0x26: {  	[smem:$0x3F94] =	sst s1;
	(tag) =	ssettag s2;
	_ =	strace s9  }
0x27: {  	s1 =	sld [smem:$0x3FA4]  }
0x28: {  	s2 =	sld [smem:$0x3FA5]  }
0x29: {  	s4 =	sld [smem:$0x3FA7]  }
0x2a: {  	p0 =	seq.s32 s5, $0x0;
	s5 =	sld [smem:$0x3FA8]  }
0x2b: {  	s6 =	sld [smem:$0x3FA9]  }
0x2c: {  	s7 =	sld [smem:$0x3FAA]  }
0x2d: {  	s3 =	simm.s32 $0x108;
	s8 =	sld [smem:$0x3FAB]  }
0x2e: {  	s3 =	simm.s32 @!p0 $0x1082;
	s9 =	sld [smem:$0x3FAC]  }
0x2f: {  	lr =	sadd.s32 s0, s3;
	s0 =	sld [smem:$0x3FA3]  }
0x30: {  	s3 =	sld [smem:$0x3FA6]  }
0x31: {  	[smem:$0x3FAF] =	sst s10  }
0x32: {  	s10 =	sld [smem:$0x3FAD];
	_ =	sdelay $0x3  }
0x33: {  	p0 =	seq.s32 s10, $0x1;
	s10 =	sld [smem:$0x3FAF];
	_ =	sdelay $0x3  }
0x34: {  	[smem:$0x3FAF] =	sst s10  }
0x35: {  	s10 =	sld [smem:$0x3FAE];
	_ =	sdelay $0x3  }
0x36: {  	p1 =	seq.s32 s10, $0x1;
	s10 =	sld [smem:$0x3FAF];
	_ =	sdelay $0x3  }
0x37: {  	[smem:$0x3FAF] =	sst s10  }
0x38: {  	s10 =	sld [smem:$0x3FB0]  }
0x39: {  	_ = 	snop;
	(pc) =	sbr.ind lr, $3  }
0x3a: {  	_ = 	snop  }
0x3b: {  	_ = 	snop  }
0x3c: {  	p2 =	seq.s32 s10, $0x1;
	s10 =	sld [smem:$0x3FAF]  }
0x3d: {  	_ =	shalt  }
0x3e: {  	_ =	shalt  }
0x3f: {  	_ =	shalt  }
0x40: {  	_ =	shalt  }
0x41: {  	_ =	shalt  }
0x42: {  	_ =	shalt  }
0x43: {  	_ =	shalt  }
0x44: {  	_ =	shalt  }
0x45: {  	_ =	shalt  }
0x46: {  	_ =	shalt  }
0x47: {  	_ =	shalt  }
0x48: {  	_ =	shalt  }
0x49: {  	_ =	shalt  }
0x4a: {  	_ =	shalt  }
0x4b: {  	_ =	shalt  }
0x4c: {  	_ =	shalt  }
0x4d: {  	_ =	shalt  }
0x4e: {  	_ =	shalt  }
0x4f: {  	_ =	shalt  }
0x50: {  	_ =	shalt  }
0x51: {  	_ =	shalt  }
0x52: {  	_ =	shalt  }
0x53: {  	_ =	shalt  }
0x54: {  	_ =	shalt  }
0x55: {  	_ =	shalt  }
0x56: {  	_ =	shalt  }
0x57: {  	_ =	shalt  }
0x58: {  	_ =	shalt  }
0x59: {  	_ =	shalt  }
0x5a: {  	_ =	shalt  }
0x5b: {  	_ =	shalt  }
0x5c: {  	_ =	shalt  }
0x5d: {  	_ =	shalt  }
0x5e: {  	_ =	shalt  }
0x5f: {  	_ =	shalt  }
0x60: {  	_ =	shalt  }
0x61: {  	_ =	shalt  }
0x62: {  	_ =	shalt  }
0x63: {  	_ =	shalt  }
0x64: {  	_ =	shalt  }
0x65: {  	_ =	shalt  }
0x66: {  	_ =	shalt  }
0x67: {  	_ =	shalt  }
0x68: {  	_ =	shalt  }
0x69: {  	_ =	shalt  }
0x6a: {  	_ =	shalt  }
0x6b: {  	_ =	shalt  }
0x6c: {  	_ =	shalt  }
0x6d: {  	_ =	shalt  }
0x6e: {  	_ =	shalt  }
0x6f: {  	_ =	shalt  }
0x70: {  	_ =	shalt  }
0x71: {  	_ =	shalt  }
0x72: {  	_ =	shalt  }
0x73: {  	_ =	shalt  }
0x74: {  	_ =	shalt  }
0x75: {  	_ =	shalt  }
0x76: {  	_ =	shalt  }
0x77: {  	_ =	shalt  }
0x78: {  	_ =	shalt  }
0x79: {  	_ =	shalt  }
0x7a: {  	_ =	shalt  }
0x7b: {  	_ =	shalt  }
0x7c: {  	_ =	shalt  }
0x7d: {  	_ =	shalt  }
0x7e: {  	_ =	shalt  }
0x7f: {  	_ =	shalt  }
0x80: {  	_ =	shalt  }
0x81: {  	_ =	shalt  }
0x82: {  	_ =	shalt  }
0x83: {  	_ =	shalt  }
0x84: {  	_ =	shalt  }
0x85: {  	_ =	shalt  }
0x86: {  	_ =	shalt  }
0x87: {  	_ =	shalt  }
.Lfunc_end0:
.L_simem_size_0:
called_computation.2_lowered:
.L_overlay_start_0:
0x88: {  	s2 =	sld [smem:$0x3FD9]  }
0x89: {  	s3 =	sld [smem:$0x3FFE];
	_ =	sdelay $0x1  }
0x8a: {  	s1 =	srdreg.scid  }
0x8b: {  	s0 =	sand.u32 $0x1, s1  }
0x8c: {  	s16 =	sshll.u32 s0, $0xA;
	s2 =	sadd.s32 s3, s2  }
0x8d: {  	s2 =	sadd.s32 s2, s16  }
0x8e: {  	[smem:$0x3FBB] =	sst s2  }
0x8f: {  	_ = 	snop  }
0x90: {  	(tm) =	ssettm $0x1  }
0x91: {  	s17 =	sld [smem:$0x3FFB];
	_ =	sdelay $0x3  }
0x92: {  	_ =	strace s17  }
0x93: {  	s2 =	sld [smem:$0x3FFC];
	_ =	sdelay $0x3  }
0x94: {  	_ =	strace s2  }
0x95: {  	s2 =	sld [smem:$0x3FFD];
	_ =	sdelay $0x3  }
0x96: {  	_ =	strace s2  }
0x97: {  	_ =	strace $0x8FFFFFFF  }
0x98: {  	s18 =	sld [smem:$0x3FDB];
	_ =	sdelay $0x1  }
0x99: {  	s19 =	simm.s32 $_scs_section_size  }
0x9a: {  	s4 =	simm.s32 $_size__tile_overlayer_lowered;
	s5 =	simm.s32 $_tile_overlayer_lowered  }
0x9b: {  	s22 =	simm.s32 $0x1BFF;
	s21 =	sshll.u32 s5, $0x1;
	s2 =	sadd.s32 s19, s18  }
0x9c: {  	s6 =	simm.s32 $0x0;
	s20 =	sshll.u32 s4, $0x1;
	s4 =	sadd.s32 s21, s2  }
0x9d: {  	[timem:s6], [sflag:s22] =	dma.local [hbm:s4], s20  }
0x9e: {  	_ =	swait.ge [sflag:s22], s20  }
0x9f: {  	s3 =	ssub.s32 $0x0, s20;
	[sflag:s22] =	ssyncset.done $0x0  }
0xa0: {  	[sflag:s22] =	ssyncadd.s32 s3;
	_ =	sdelay $0x1  }
0xa1: {  	s23 =	simm.s32 $0x1B8B  }
0xa2: {  	_ =	swait.ge [sflag:s23], $0x1  }
0xa3: {  	[sflag:s23] =	ssyncset.done $0x0  }
0xa4: {  	s25 =	simm.s32 $0x1B8E;
	s24 =	sld [smem:$0x3FFE];
	[sflag:s23] =	ssyncadd.s32 $0xFFFFFFFF  }
0xa5: {  	s26 =	simm.s32 $execute0_lowered;
	[smem:$0x3FD2] =	sst s25  }
0xa6: {  	s4 =	sshll.u32 s26, $0x1;
	_ =	strace $0x8000004C;
	[dreg:$0x1] =	wrdreg $0xFFFFFFFF  }
0xa7: {  	s28 =	simm.s32 $_size_execute0_lowered;
	s2 =	sadd.s32 s2, s4;
	[dreg:$0x0] =	wrdreg $0x0  }
0xa8: {  	s4 =	sshll.u32 s28, $0x1;
	[dreg:$0x2] =	wrdreg s2  }
0xa9: {  	[dreg:$0x3] =	wrdreg s4  }
0xaa: {  	[dreg:$0x4] =	wrdreg $0xC0  }
0xab: {  	_ =	task [dreg:s6], $0x5FFFF  }
0xac: {  	[dreg:$0x1] =	wrdreg $0xFFFFFFFF  }
0xad: {  	[dreg:$0x0] =	wrdreg $0x60  }
0xae: {  	[dreg:$0x2] =	wrdreg s24  }
0xaf: {  	[dreg:$0x3] =	wrdreg $0x121800  }
0xb0: {  	[dreg:$0x4] =	wrdreg $0x9  }
0xb1: {  	_ =	task.clear_ibuf [dreg:s6], $0x5FFFF;
	_ =	strace $0x9000004C  }
0xb2: {  	s29 =	simm.s32 $0x9;
	_ =	strace $0x8000004E  }
0xb3: {  	_ =	swait.ge [sflag:s29], $0x1  }
0xb4: {  	[sflag:s29] =	ssyncadd.s32 $0xFFFFFFFF  }
0xb5: {  	_ =	strace $0x9000004E  }
0xb6: {  	_ =	sfence  }
0xb7: {  	s30 =	sld [smem:$0x0];
	_ =	sdelay $0x2  }
0xb8: {  	s31 =	sshll.u32 s1, $0xD;
	s1 =	sshrl.u32 s1, $0x2  }
0xb9: {  	s3 =	sand.u32 $0x4000, s31;
	s1 =	sadd.s32 s1, s30  }
0xba: {  	s0 =	sor.u32 s3, s0;
	s1 =	sshll.u32 s1, $0x11  }
0xbb: {  	s0 =	sor.u32 s1, s0  }
0xbc: {  	s0 =	sadd.s32 $0x8F2B, s0  }
0xbd: {  	[sflag:s0] =	ssyncadd.remote.s32 $0x1  }
0xbe: {  	_ =	sfence.sel $0xFFFF  }
0xbf: {  	[dreg:$0x0] =	wrdreg $0xFFFFFFFF;
	(pc) =	sbr.abs _section_cstart, $3  }
0xc0: {  	[dreg:$0x1] =	wrdreg $0xFFFFFFFF  }
0xc1: {  	_ =	task.clear_ibuf [dreg:s6], $0x2FFFF;
	_ =	strace $0x9FFFFFFF  }
0xc2: {  	(tm) =	ssettm $0x7FFFFFFF  }
0xc3: {  	_ =	shalt  }
tec
execute0_lowered:
.L_overlay_start_1:
0x0: {  	(tag) =	ssettag $0x1  }
0x1: {  	s0 =	srdreg.scid;
	s1 =	rddreg [dreg:$0x0]  }
0x2: {  	s19 =	stileid.u32;
	s2 =	rddreg [dreg:$0x1]  }
0x3: {  	s3 =	simm.s32 $0x0;
	s18 =	simm.s32 $0x3;
	s21 =	simm.s32 $0x80  }
0x4: {  	s22 =	simm.s32 $0xA180;
	s23 =	simm.s32 $0xE180;
	s5 =	smul.u32 $0x5000, s19  }
0x5: {  	s24 =	simm.s32 $0x1;
	s25 =	simm.s32 $0xA080;
	s7 =	smul.u32 $0x138, s19  }
0x6: {  	s28 =	simm.s32 $0xA100;
	s0 =	sand.u32 $0x1, s0;
	s11 =	smul.u32 $0x27000, s19  }
0x7: {  	s29 =	simm.s32 $0x0;
	[smem:$0x7FF] =	sst s3;
	s4 =	smul.u32 $0x50000, s0  }
0x8: {  	p0 =	sne.s32 s19, $0xF;
	s31 =	sshll.u32 s19, $0x6;
	s9 =	smul.u32 $0x2710, s0  }
0x9: {  	_ =	strace $0x8000004D;
	s8 =	ssub.s32 $0x2, s0;
	s0 =	smul.u32 $0x138800, s0  }
0xa: {  	s20 =	sor.u32 $0x1C03, s31;
	s10 =	sshrl.u32 s8, $0x1;
	s30 =	sshrl.u32 s11, $0x2  }
0xb: {  	s4 =	sadd.s32 s5, s4;
	s5 =	sshrl.u32 s5, $0x3;
	s17 =	ssub.s32 s8, s10  }
0xc: {  	s26 =	sadd.s32 s7, s9;
	s0 =	sshrl.u32 s0, $0x3;
	s7 =	sadd.s32 s30, s2  }
0xd: {  	s9 =	sadd.s32 $0x9C000, s2;
	s6 =	sshrl.u32 s4, $0x3;
	s4 =	sadd.s32 $0x6F400, s1  }
0xe: {  	s5 =	sadd.s32 s5, s1;
	s12 =	sadd.s32 $0x13800, s0;
	s0 =	sadd.s32 $0x27080, s0  }
0xf: {  	s17 =	smax.u32 s17, $0x1;
	s6 =	sadd.s32 s6, s1;
	s1 =	sadd.s32 $0xBD600, s1  }
0x10: {  	s5 =	sadd.s32 $0x3200, s5;
	s10 =	sadd.s32 s4, s12;
	s14 =	sadd.s32 s4, s0  }
0x11: {  	s6 =	sadd.s32 $0x5B400, s6;
	[dreg:$0x4] =	wrdreg s5;
	s5 =	sshll.u32 s26, $0x4  }
0x12: {  	s12 =	sadd.s32 s1, s12;
	s16 =	sadd.s32 s1, s0;
	s26 =	simm.s32 $0x2  }
0x13: {  	s8 =	sadd.s32 s4, s5;
	s11 =	sadd.s32 s1, s5;
	s5 =	sadd.s32 $0x13880, s5  }
0x14: {  	v0 =	vimm.s32 $0x0;
	[dreg:$0x3] =	wrdreg s6;
	s13 =	sadd.s32 s4, s5;
	s15 =	sadd.s32 s1, s5  }
.LBB2_1:
0x15: {  	s0 =	rddreg [dreg:$0x3]  }
0x16: {  	[tilespmem:s3], [sflag:$0x3] =	stream.linear.gather [hbm4b:s0+s3], $0x5000, $0x38;
	[tilespmem:$0x1BFC0] =	vst v63  }
0x17: {  	_ =	swait.ge [sflag:s18], $0x5000  }
0x18: {  	[sflag:s18] =	ssyncset.done $0x0  }
0x19: {  	s1 =	simm.s32 $0x5080;
	s19 =	rddreg [dreg:$0x4];
	[sflag:s18] =	ssyncadd.s32 $0xFFFFB000  }
0x1a: {  	[tilespmem:s1], [sflag:$0x3] =	stream.linear.gather [hbm4b:s19+s3], $0x5000, $0x38;
	[tilespmem:$0x1BFC0] =	vst v63  }
0x1b: {  	_ =	swait.ge [sflag:s18], $0x5000  }
0x1c: {  	[sflag:s18] =	ssyncset.done $0x0  }
0x1d: {  	[sflag:s18] =	ssyncadd.s32 $0xFFFFB000  }
0x1e: {  	[tilespmem:$0x5000] =	vst v0  }
0x1f: {  	[tilespmem:$0x5010] =	vst v0  }
0x20: {  	[tilespmem:$0x5020] =	vst v0  }
0x21: {  	[tilespmem:$0x5030] =	vst v0  }
0x22: {  	[tilespmem:$0x5040] =	vst v0  }
0x23: {  	[tilespmem:$0x5050] =	vst v0  }
0x24: {  	[tilespmem:$0x5060] =	vst v0  }
0x25: {  	s30 =	sshrl.u32 s7, $0x3;
	[tilespmem:$0x5070] =	vst v0  }
0x26: {  	[spmem:s30], [sflag:s20] =	dma.local [hbm:s8], $0x1380  }
0x27: {  	_ =	swait.ge [sflag:s18], $0x1380  }
0x28: {  	[sflag:s18] =	ssyncset.done $0x0  }
0x29: {  	s31 =	sshrl.u32 @!p0 s9, $0x3;
	s0 =	simm.s32 @!p0 $0x3;
	[sflag:s18] =	ssyncadd.s32 $0xFFFFEC80  }
0x2a: {  	[spmem:s31], [sflag:s20] =	dma.local @!p0 [hbm:s10], $0x80  }
0x2b: {  	_ =	swait.ge @!p0 [sflag:s0], $0x80  }
0x2c: {  	[sflag:s0] =	ssyncset.done @!p0 $0x0  }
0x2d: {  	[sflag:s0] =	ssyncadd.s32 @!p0 $0xFFFFFF80  }
0x2e: {  	[bflag:$0x0] =	sbarrier.arrive $0xFFFF  }
0x2f: {  	[tilespmem:s22], [sflag:$0x1] =	stream.indirect.gather [hbm4b:s4+s21], $0x80, s3, s21, $0xb8;
	[tilespmem:$0x1BFC0] =	vst v63  }
0x30: {  	s5 =	simm.s32 $0x0;
	s6 =	simm.s32 $0x80  }
0x31: {  	[tilespmem:s23], [sflag:$0x2] =	stream.indirect.gather [hbm4b:s4+s21], $0x80, s6, s21, $0xb8;
	[tilespmem:$0x1BFC0] =	vst v63  }
0x32: {  	v1 =	vld [tilespmem:s5+$0x5080];
	_ =	sdelay $0x4  }
0x33: {  	v2 =	vand.u32 $0x3F, v1  }
0x34: {  	vm0 =	vlt.s32 v1, $0x1388;
	v2 =	vadd.s32 $0x1388, v2  }
0x35: {  	v1 =	vsel vm0, v1, v2  }
0x36: {  	[tilespmem:$0xA080] =	vst v1  }
0x37: {  	v1 =	vld [tilespmem:s5+$0x5090];
	_ =	sdelay $0x4  }
0x38: {  	v2 =	vand.u32 $0x3F, v1  }
0x39: {  	vm13 =	vlt.s32 v1, $0x1388;
	v2 =	vadd.s32 $0x1388, v2  }
0x3a: {  	v1 =	vsel vm13, v1, v2  }
0x3b: {  	[tilespmem:$0xA090] =	vst v1  }
0x3c: {  	v1 =	vld [tilespmem:s5+$0x50A0];
	_ =	sdelay $0x4  }
0x3d: {  	v2 =	vand.u32 $0x3F, v1  }
0x3e: {  	vm14 =	vlt.s32 v1, $0x1388;
	v2 =	vadd.s32 $0x1388, v2  }
0x3f: {  	v1 =	vsel vm14, v1, v2  }
0x40: {  	[tilespmem:$0xA0A0] =	vst v1  }
0x41: {  	v1 =	vld [tilespmem:s5+$0x50B0];
	_ =	sdelay $0x4  }
0x42: {  	v2 =	vand.u32 $0x3F, v1  }
0x43: {  	vm15 =	vlt.s32 v1, $0x1388;
	v2 =	vadd.s32 $0x1388, v2  }
0x44: {  	v1 =	vsel vm15, v1, v2  }
0x45: {  	[tilespmem:$0xA0B0] =	vst v1  }
0x46: {  	v1 =	vld [tilespmem:s5+$0x50C0];
	_ =	sdelay $0x4  }
0x47: {  	v2 =	vand.u32 $0x3F, v1  }
0x48: {  	vm4 =	vlt.s32 v1, $0x1388;
	v2 =	vadd.s32 $0x1388, v2  }
0x49: {  	v1 =	vsel vm4, v1, v2  }
0x4a: {  	[tilespmem:$0xA0C0] =	vst v1  }
0x4b: {  	v1 =	vld [tilespmem:s5+$0x50D0];
	_ =	sdelay $0x4  }
0x4c: {  	v2 =	vand.u32 $0x3F, v1  }
0x4d: {  	vm5 =	vlt.s32 v1, $0x1388;
	v2 =	vadd.s32 $0x1388, v2  }
0x4e: {  	v1 =	vsel vm5, v1, v2  }
0x4f: {  	[tilespmem:$0xA0D0] =	vst v1  }
0x50: {  	v1 =	vld [tilespmem:s5+$0x50E0];
	_ =	sdelay $0x4  }
0x51: {  	v2 =	vand.u32 $0x3F, v1  }
0x52: {  	vm6 =	vlt.s32 v1, $0x1388;
	v2 =	vadd.s32 $0x1388, v2  }
0x53: {  	v1 =	vsel vm6, v1, v2  }
0x54: {  	[tilespmem:$0xA0E0] =	vst v1  }
0x55: {  	v1 =	vld [tilespmem:s5+$0x50F0];
	_ =	sdelay $0x4  }
0x56: {  	v2 =	vand.u32 $0x3F, v1  }
0x57: {  	vm7 =	vlt.s32 v1, $0x1388;
	v2 =	vadd.s32 $0x1388, v2  }
0x58: {  	v1 =	vsel vm7, v1, v2  }
0x59: {  	[tilespmem:$0xA0F0] =	vst v1  }
0x5a: {  	_ =	swait.ge [sflag:s24], $0x4000  }
0x5b: {  	[sflag:s24] =	ssyncset.done $0x0  }
0x5c: {  	[sflag:s24] =	ssyncadd.s32 $0xFFFFC000  }
0x5d: {  	[spmem:s2] =	stream.indirect.scatter.add.f32 [tilespmem:s22], [sflag:$0x3], $0x80, s25, s21, $0xb8;
	[tilespmem:$0x1BFC0] =	vst v63  }
0x5e: {  	_ =	swait.ge [sflag:s18], $0x4000  }
0x5f: {  	[sflag:s18] =	ssyncset.done $0x0  }
0x60: {  	s19 =	simm.s32 $0x100;
	[sflag:s18] =	ssyncadd.s32 $0xFFFFC000  }
0x61: {  	[tilespmem:s22], [sflag:$0x1] =	stream.indirect.gather [hbm4b:s4+s21], $0x80, s19, s21, $0xb8;
	[tilespmem:$0x1BFC0] =	vst v63  }
0x62: {  	v1 =	vld [tilespmem:s5+$0x5100];
	_ =	sdelay $0x4  }
0x63: {  	v2 =	vand.u32 $0x3F, v1  }
0x64: {  	vm8 =	vlt.s32 v1, $0x1388;
	v2 =	vadd.s32 $0x1388, v2  }
0x65: {  	v1 =	vsel vm8, v1, v2  }
0x66: {  	[tilespmem:$0xA100] =	vst v1  }
0x67: {  	v1 =	vld [tilespmem:s5+$0x5110];
	_ =	sdelay $0x4  }
0x68: {  	v2 =	vand.u32 $0x3F, v1  }
0x69: {  	vm9 =	vlt.s32 v1, $0x1388;
	v2 =	vadd.s32 $0x1388, v2  }
0x6a: {  	v1 =	vsel vm9, v1, v2  }
0x6b: {  	[tilespmem:$0xA110] =	vst v1  }
0x6c: {  	v1 =	vld [tilespmem:s5+$0x5120];
	_ =	sdelay $0x4  }
0x6d: {  	v2 =	vand.u32 $0x3F, v1  }
0x6e: {  	vm10 =	vlt.s32 v1, $0x1388;
	v2 =	vadd.s32 $0x1388, v2  }
0x6f: {  	v1 =	vsel vm10, v1, v2  }
0x70: {  	[tilespmem:$0xA120] =	vst v1  }
0x71: {  	v1 =	vld [tilespmem:s5+$0x5130];
	_ =	sdelay $0x4  }
0x72: {  	v2 =	vand.u32 $0x3F, v1  }
0x73: {  	vm11 =	vlt.s32 v1, $0x1388;
	v2 =	vadd.s32 $0x1388, v2  }
0x74: {  	v1 =	vsel vm11, v1, v2  }
0x75: {  	[tilespmem:$0xA130] =	vst v1  }
0x76: {  	v1 =	vld [tilespmem:s5+$0x5140];
	_ =	sdelay $0x4  }
0x77: {  	v2 =	vand.u32 $0x3F, v1  }
0x78: {  	vm12 =	vlt.s32 v1, $0x1388;
	v2 =	vadd.s32 $0x1388, v2  }
0x79: {  	v1 =	vsel vm12, v1, v2  }
0x7a: {  	[tilespmem:$0xA140] =	vst v1  }
0x7b: {  	v1 =	vld [tilespmem:s5+$0x5150];
	_ =	sdelay $0x4  }
0x7c: {  	v2 =	vand.u32 $0x3F, v1  }
0x7d: {  	vm13 =	vlt.s32 v1, $0x1388;
	v2 =	vadd.s32 $0x1388, v2  }
0x7e: {  	v1 =	vsel vm13, v1, v2  }
0x7f: {  	[tilespmem:$0xA150] =	vst v1  }
0x80: {  	v1 =	vld [tilespmem:s5+$0x5160];
	_ =	sdelay $0x4  }
0x81: {  	v2 =	vand.u32 $0x3F, v1  }
0x82: {  	vm14 =	vlt.s32 v1, $0x1388;
	v2 =	vadd.s32 $0x1388, v2  }
0x83: {  	v1 =	vsel vm14, v1, v2  }
0x84: {  	[tilespmem:$0xA160] =	vst v1  }
0x85: {  	v1 =	vld [tilespmem:s5+$0x5170];
	_ =	sdelay $0x4  }
0x86: {  	v2 =	vand.u32 $0x3F, v1  }
0x87: {  	vm15 =	vlt.s32 v1, $0x1388;
	v2 =	vadd.s32 $0x1388, v2  }
0x88: {  	v1 =	vsel vm15, v1, v2  }
0x89: {  	[tilespmem:$0xA170] =	vst v1  }
0x8a: {  	_ =	swait.ge [sflag:s26], $0x4000  }
0x8b: {  	[sflag:s26] =	ssyncset.done $0x0  }
0x8c: {  	[sflag:s26] =	ssyncadd.s32 $0xFFFFC000  }
0x8d: {  	[spmem:s2] =	stream.indirect.scatter.add.f32 [tilespmem:s23], [sflag:$0x3], $0x80, s28, s21, $0xb8;
	[tilespmem:$0x1BFC0] =	vst v63  }
0x8e: {  	_ =	swait.ge [sflag:s18], $0x4000  }
0x8f: {  	s1 =	simm.s32 $0x100;
	s0 =	simm.s32 $0x800;
	[sflag:s18] =	ssyncset.done $0x0  }
.LBB2_2:
0x90: {  	s6 =	sadd.s32 $0x80, s1  }
0x91: {  	[sflag:s18] =	ssyncadd.s32 $0xFFFFC000;
	s19 =	smov.u32 s0;
	s5 =	sadd.s32 $0x400, s0  }
0x92: {  	[tilespmem:s23], [sflag:$0x2] =	stream.indirect.gather [hbm4b:s4+s21], $0x80, s6, s21, $0xb8;
	[tilespmem:$0x1BFC0] =	vst v63  }
0x93: {  	p1 =	sne.s32 s0, $0x13C00;
	v1 =	vld [tilespmem:s1+$0x5080];
	_ =	sdelay $0x4  }
0x94: {  	v2 =	vand.u32 $0x3F, v1  }
0x95: {  	vm0 =	vlt.s32 v1, $0x1388;
	v2 =	vadd.s32 $0x1388, v2  }
0x96: {  	v1 =	vsel vm0, v1, v2  }
0x97: {  	[tilespmem:$0xA080] =	vst v1  }
0x98: {  	v1 =	vld [tilespmem:s1+$0x5090];
	_ =	sdelay $0x4  }
0x99: {  	v2 =	vand.u32 $0x3F, v1  }
0x9a: {  	vm0 =	vlt.s32 v1, $0x1388;
	v2 =	vadd.s32 $0x1388, v2  }
0x9b: {  	v1 =	vsel vm0, v1, v2  }
0x9c: {  	[tilespmem:$0xA090] =	vst v1  }
0x9d: {  	v1 =	vld [tilespmem:s1+$0x50A0];
	_ =	sdelay $0x4  }
0x9e: {  	v2 =	vand.u32 $0x3F, v1  }
0x9f: {  	vm0 =	vlt.s32 v1, $0x1388;
	v2 =	vadd.s32 $0x1388, v2  }
0xa0: {  	v1 =	vsel vm0, v1, v2  }
0xa1: {  	[tilespmem:$0xA0A0] =	vst v1  }
0xa2: {  	v1 =	vld [tilespmem:s1+$0x50B0];
	_ =	sdelay $0x4  }
0xa3: {  	v2 =	vand.u32 $0x3F, v1  }
0xa4: {  	vm0 =	vlt.s32 v1, $0x1388;
	v2 =	vadd.s32 $0x1388, v2  }
0xa5: {  	v1 =	vsel vm0, v1, v2  }
0xa6: {  	[tilespmem:$0xA0B0] =	vst v1  }
0xa7: {  	v1 =	vld [tilespmem:s1+$0x50C0];
	_ =	sdelay $0x4  }
0xa8: {  	v2 =	vand.u32 $0x3F, v1  }
0xa9: {  	vm0 =	vlt.s32 v1, $0x1388;
	v2 =	vadd.s32 $0x1388, v2  }
0xaa: {  	v1 =	vsel vm0, v1, v2  }
0xab: {  	[tilespmem:$0xA0C0] =	vst v1  }
0xac: {  	v1 =	vld [tilespmem:s1+$0x50D0];
	_ =	sdelay $0x4  }
0xad: {  	v2 =	vand.u32 $0x3F, v1  }
0xae: {  	vm0 =	vlt.s32 v1, $0x1388;
	v2 =	vadd.s32 $0x1388, v2  }
0xaf: {  	v1 =	vsel vm0, v1, v2  }
0xb0: {  	[tilespmem:$0xA0D0] =	vst v1  }
0xb1: {  	v1 =	vld [tilespmem:s1+$0x50E0];
	_ =	sdelay $0x4  }
0xb2: {  	v2 =	vand.u32 $0x3F, v1  }
0xb3: {  	vm0 =	vlt.s32 v1, $0x1388;
	v2 =	vadd.s32 $0x1388, v2  }
0xb4: {  	v1 =	vsel vm0, v1, v2  }
0xb5: {  	[tilespmem:$0xA0E0] =	vst v1  }
0xb6: {  	v1 =	vld [tilespmem:s1+$0x50F0];
	_ =	sdelay $0x4  }
0xb7: {  	v2 =	vand.u32 $0x3F, v1  }
0xb8: {  	vm0 =	vlt.s32 v1, $0x1388;
	v2 =	vadd.s32 $0x1388, v2  }
0xb9: {  	v1 =	vsel vm0, v1, v2  }
0xba: {  	[tilespmem:$0xA0F0] =	vst v1  }
0xbb: {  	_ =	swait.ge [sflag:s24], $0x4000  }
0xbc: {  	[sflag:s24] =	ssyncset.done $0x0  }
0xbd: {  	[sflag:s24] =	ssyncadd.s32 $0xFFFFC000  }
0xbe: {  	[spmem:s2] =	stream.indirect.scatter.add.f32 [tilespmem:s22], [sflag:$0x3], $0x80, s25, s21, $0xb8;
	[tilespmem:$0x1BFC0] =	vst v63  }
0xbf: {  	_ =	swait.ge [sflag:s18], $0x4000  }
0xc0: {  	[sflag:s18] =	ssyncset.done $0x0  }
0xc1: {  	s0 =	sadd.s32 $0x100, s1;
	[sflag:s18] =	ssyncadd.s32 $0xFFFFC000  }
0xc2: {  	[tilespmem:s22], [sflag:$0x1] =	stream.indirect.gather [hbm4b:s4+s21], $0x80, s0, s21, $0xb8;
	[tilespmem:$0x1BFC0] =	vst v63  }
0xc3: {  	v1 =	vld [tilespmem:s1+$0x5100];
	_ =	sdelay $0x4  }
0xc4: {  	v2 =	vand.u32 $0x3F, v1  }
0xc5: {  	vm0 =	vlt.s32 v1, $0x1388;
	v2 =	vadd.s32 $0x1388, v2  }
0xc6: {  	v1 =	vsel vm0, v1, v2  }
0xc7: {  	[tilespmem:$0xA100] =	vst v1  }
0xc8: {  	v1 =	vld [tilespmem:s1+$0x5110];
	_ =	sdelay $0x4  }
0xc9: {  	v2 =	vand.u32 $0x3F, v1  }
0xca: {  	vm0 =	vlt.s32 v1, $0x1388;
	v2 =	vadd.s32 $0x1388, v2  }
0xcb: {  	v1 =	vsel vm0, v1, v2  }
0xcc: {  	[tilespmem:$0xA110] =	vst v1  }
0xcd: {  	v1 =	vld [tilespmem:s1+$0x5120];
	_ =	sdelay $0x4  }
0xce: {  	v2 =	vand.u32 $0x3F, v1  }
0xcf: {  	vm0 =	vlt.s32 v1, $0x1388;
	v2 =	vadd.s32 $0x1388, v2  }
0xd0: {  	v1 =	vsel vm0, v1, v2  }
0xd1: {  	[tilespmem:$0xA120] =	vst v1  }
0xd2: {  	v1 =	vld [tilespmem:s1+$0x5130];
	_ =	sdelay $0x4  }
0xd3: {  	v2 =	vand.u32 $0x3F, v1  }
0xd4: {  	vm0 =	vlt.s32 v1, $0x1388;
	v2 =	vadd.s32 $0x1388, v2  }
0xd5: {  	v1 =	vsel vm0, v1, v2  }
0xd6: {  	[tilespmem:$0xA130] =	vst v1  }
0xd7: {  	v1 =	vld [tilespmem:s1+$0x5140];
	_ =	sdelay $0x4  }
0xd8: {  	v2 =	vand.u32 $0x3F, v1  }
0xd9: {  	vm0 =	vlt.s32 v1, $0x1388;
	v2 =	vadd.s32 $0x1388, v2  }
0xda: {  	v1 =	vsel vm0, v1, v2  }
0xdb: {  	[tilespmem:$0xA140] =	vst v1  }
0xdc: {  	v1 =	vld [tilespmem:s1+$0x5150];
	_ =	sdelay $0x4  }
0xdd: {  	v2 =	vand.u32 $0x3F, v1  }
0xde: {  	vm0 =	vlt.s32 v1, $0x1388;
	v2 =	vadd.s32 $0x1388, v2  }
0xdf: {  	v1 =	vsel vm0, v1, v2  }
0xe0: {  	[tilespmem:$0xA150] =	vst v1  }
0xe1: {  	v1 =	vld [tilespmem:s1+$0x5160];
	_ =	sdelay $0x4  }
0xe2: {  	v2 =	vand.u32 $0x3F, v1  }
0xe3: {  	vm0 =	vlt.s32 v1, $0x1388;
	v2 =	vadd.s32 $0x1388, v2  }
0xe4: {  	v1 =	vsel vm0, v1, v2  }
0xe5: {  	[tilespmem:$0xA160] =	vst v1  }
0xe6: {  	v1 =	vld [tilespmem:s1+$0x5170];
	_ =	sdelay $0x4  }
0xe7: {  	v2 =	vand.u32 $0x3F, v1  }
0xe8: {  	vm0 =	vlt.s32 v1, $0x1388;
	v2 =	vadd.s32 $0x1388, v2  }
0xe9: {  	v1 =	vsel vm0, v1, v2  }
0xea: {  	[tilespmem:$0xA170] =	vst v1  }
0xeb: {  	_ =	swait.ge [sflag:s26], $0x4000  }
.Ltmp0:
0xec: {  	[sflag:s26] =	ssyncset.done $0x0;
	(pc) =	sbr.rel @p1 .LBB2_2-.Ltmp0, $4  }
0xed: {  	[sflag:s26] =	ssyncadd.s32 $0xFFFFC000  }
0xee: {  	[spmem:s2] =	stream.indirect.scatter.add.f32 [tilespmem:s23], [sflag:$0x3], $0x80, s28, s21, $0xb8;
	[tilespmem:$0x1BFC0] =	vst v63  }
0xef: {  	_ =	swait.ge [sflag:s18], $0x4000  }
0xf0: {  	s0 =	smov.u32 s5;
	s1 =	sshra.s32 s19, $0x2;
	[sflag:s18] =	ssyncset.done $0x0  }
0xf1: {  	s0 =	sadd.s32 $0x80, s1;
	[sflag:s18] =	ssyncadd.s32 $0xFFFFC000  }
0xf2: {  	[tilespmem:s23], [sflag:$0x2] =	stream.indirect.gather [hbm4b:s4+s21], $0x80, s0, s21, $0xb8;
	[tilespmem:$0x1BFC0] =	vst v63  }
0xf3: {  	v1 =	vld [tilespmem:s1+$0x5080];
	_ =	sdelay $0x4  }
0xf4: {  	v2 =	vand.u32 $0x3F, v1  }
0xf5: {  	vm0 =	vlt.s32 v1, $0x1388;
	v2 =	vadd.s32 $0x1388, v2  }
0xf6: {  	v1 =	vsel vm0, v1, v2  }
0xf7: {  	[tilespmem:$0xA080] =	vst v1  }
0xf8: {  	v1 =	vld [tilespmem:s1+$0x5090];
	_ =	sdelay $0x4  }
0xf9: {  	v2 =	vand.u32 $0x3F, v1  }
0xfa: {  	vm9 =	vlt.s32 v1, $0x1388;
	v2 =	vadd.s32 $0x1388, v2  }
0xfb: {  	v1 =	vsel vm9, v1, v2  }
0xfc: {  	[tilespmem:$0xA090] =	vst v1  }
0xfd: {  	v1 =	vld [tilespmem:s1+$0x50A0];
	_ =	sdelay $0x4  }
0xfe: {  	v2 =	vand.u32 $0x3F, v1  }
0xff: {  	vm10 =	vlt.s32 v1, $0x1388;
	v2 =	vadd.s32 $0x1388, v2  }
0x100: {  	v1 =	vsel vm10, v1, v2  }
0x101: {  	[tilespmem:$0xA0A0] =	vst v1  }
0x102: {  	v1 =	vld [tilespmem:s1+$0x50B0];
	_ =	sdelay $0x4  }
0x103: {  	v2 =	vand.u32 $0x3F, v1  }
0x104: {  	vm11 =	vlt.s32 v1, $0x1388;
	v2 =	vadd.s32 $0x1388, v2  }
0x105: {  	v1 =	vsel vm11, v1, v2  }
0x106: {  	[tilespmem:$0xA0B0] =	vst v1  }
0x107: {  	v1 =	vld [tilespmem:s1+$0x50C0];
	_ =	sdelay $0x4  }
0x108: {  	v2 =	vand.u32 $0x3F, v1  }
0x109: {  	vm12 =	vlt.s32 v1, $0x1388;
	v2 =	vadd.s32 $0x1388, v2  }
0x10a: {  	v1 =	vsel vm12, v1, v2  }
0x10b: {  	[tilespmem:$0xA0C0] =	vst v1  }
0x10c: {  	v1 =	vld [tilespmem:s1+$0x50D0];
	_ =	sdelay $0x4  }
0x10d: {  	v2 =	vand.u32 $0x3F, v1  }
0x10e: {  	vm13 =	vlt.s32 v1, $0x1388;
	v2 =	vadd.s32 $0x1388, v2  }
0x10f: {  	v1 =	vsel vm13, v1, v2  }
0x110: {  	[tilespmem:$0xA0D0] =	vst v1  }
0x111: {  	v1 =	vld [tilespmem:s1+$0x50E0];
	_ =	sdelay $0x4  }
0x112: {  	v2 =	vand.u32 $0x3F, v1  }
0x113: {  	vm14 =	vlt.s32 v1, $0x1388;
	v2 =	vadd.s32 $0x1388, v2  }
0x114: {  	v1 =	vsel vm14, v1, v2  }
0x115: {  	[tilespmem:$0xA0E0] =	vst v1  }
0x116: {  	v1 =	vld [tilespmem:s1+$0x50F0];
	_ =	sdelay $0x4  }
0x117: {  	v2 =	vand.u32 $0x3F, v1  }
0x118: {  	vm15 =	vlt.s32 v1, $0x1388;
	v2 =	vadd.s32 $0x1388, v2  }
0x119: {  	v1 =	vsel vm15, v1, v2  }
0x11a: {  	[tilespmem:$0xA0F0] =	vst v1  }
0x11b: {  	_ =	swait.ge [sflag:s24], $0x4000  }
0x11c: {  	[sflag:s24] =	ssyncset.done $0x0  }
0x11d: {  	[sflag:s24] =	ssyncadd.s32 $0xFFFFC000  }
0x11e: {  	[spmem:s2] =	stream.indirect.scatter.add.f32 [tilespmem:s22], [sflag:$0x3], $0x80, s25, s21, $0xb8;
	[tilespmem:$0x1BFC0] =	vst v63  }
0x11f: {  	_ =	swait.ge [sflag:s18], $0x4000  }
0x120: {  	[sflag:s18] =	ssyncset.done $0x0  }
0x121: {  	s19 =	sadd.s32 $0x100, s1;
	[sflag:s18] =	ssyncadd.s32 $0xFFFFC000  }
0x122: {  	[tilespmem:s22], [sflag:$0x1] =	stream.indirect.gather [hbm4b:s4+s21], $0x80, s19, s21, $0xb8;
	[tilespmem:$0x1BFC0] =	vst v63  }
0x123: {  	v1 =	vld [tilespmem:s1+$0x5100];
	_ =	sdelay $0x4  }
0x124: {  	v2 =	vand.u32 $0x3F, v1  }
0x125: {  	vm4 =	vlt.s32 v1, $0x1388;
	v2 =	vadd.s32 $0x1388, v2  }
0x126: {  	v1 =	vsel vm4, v1, v2  }
0x127: {  	[tilespmem:$0xA100] =	vst v1  }
0x128: {  	v1 =	vld [tilespmem:s1+$0x5110];
	_ =	sdelay $0x4  }
0x129: {  	v2 =	vand.u32 $0x3F, v1  }
0x12a: {  	vm5 =	vlt.s32 v1, $0x1388;
	v2 =	vadd.s32 $0x1388, v2  }
0x12b: {  	v1 =	vsel vm5, v1, v2  }
0x12c: {  	[tilespmem:$0xA110] =	vst v1  }
0x12d: {  	v1 =	vld [tilespmem:s1+$0x5120];
	_ =	sdelay $0x4  }
0x12e: {  	v2 =	vand.u32 $0x3F, v1  }
0x12f: {  	vm6 =	vlt.s32 v1, $0x1388;
	v2 =	vadd.s32 $0x1388, v2  }
0x130: {  	v1 =	vsel vm6, v1, v2  }
0x131: {  	[tilespmem:$0xA120] =	vst v1  }
0x132: {  	v1 =	vld [tilespmem:s1+$0x5130];
	_ =	sdelay $0x4  }
0x133: {  	v2 =	vand.u32 $0x3F, v1  }
0x134: {  	vm7 =	vlt.s32 v1, $0x1388;
	v2 =	vadd.s32 $0x1388, v2  }
0x135: {  	v1 =	vsel vm7, v1, v2  }
0x136: {  	[tilespmem:$0xA130] =	vst v1  }
0x137: {  	v1 =	vld [tilespmem:s1+$0x5140];
	_ =	sdelay $0x4  }
0x138: {  	v2 =	vand.u32 $0x3F, v1  }
0x139: {  	vm8 =	vlt.s32 v1, $0x1388;
	v2 =	vadd.s32 $0x1388, v2  }
0x13a: {  	v1 =	vsel vm8, v1, v2  }
0x13b: {  	[tilespmem:$0xA140] =	vst v1  }
0x13c: {  	v1 =	vld [tilespmem:s1+$0x5150];
	_ =	sdelay $0x4  }
0x13d: {  	v2 =	vand.u32 $0x3F, v1  }
0x13e: {  	vm9 =	vlt.s32 v1, $0x1388;
	v2 =	vadd.s32 $0x1388, v2  }
0x13f: {  	v1 =	vsel vm9, v1, v2  }
0x140: {  	[tilespmem:$0xA150] =	vst v1  }
0x141: {  	v1 =	vld [tilespmem:s1+$0x5160];
	_ =	sdelay $0x4  }
0x142: {  	v2 =	vand.u32 $0x3F, v1  }
0x143: {  	vm10 =	vlt.s32 v1, $0x1388;
	v2 =	vadd.s32 $0x1388, v2  }
0x144: {  	v1 =	vsel vm10, v1, v2  }
0x145: {  	[tilespmem:$0xA160] =	vst v1  }
0x146: {  	v1 =	vld [tilespmem:s1+$0x5170];
	_ =	sdelay $0x4  }
0x147: {  	v2 =	vand.u32 $0x3F, v1  }
0x148: {  	vm11 =	vlt.s32 v1, $0x1388;
	v2 =	vadd.s32 $0x1388, v2  }
0x149: {  	v1 =	vsel vm11, v1, v2  }
0x14a: {  	[tilespmem:$0xA170] =	vst v1  }
0x14b: {  	_ =	swait.ge [sflag:s26], $0x4000  }
0x14c: {  	[sflag:s26] =	ssyncset.done $0x0  }
0x14d: {  	[sflag:s26] =	ssyncadd.s32 $0xFFFFC000  }
0x14e: {  	[spmem:s2] =	stream.indirect.scatter.add.f32 [tilespmem:s23], [sflag:$0x3], $0x80, s28, s21, $0xb8;
	[tilespmem:$0x1BFC0] =	vst v63  }
0x14f: {  	_ =	swait.ge [sflag:s18], $0x4000  }
0x150: {  	[sflag:s18] =	ssyncset.done $0x0  }
0x151: {  	[sflag:s18] =	ssyncadd.s32 $0xFFFFC000  }
0x152: {  	_ =	swait.ge [sflag:s24], $0x4000  }
0x153: {  	[sflag:s24] =	ssyncset.done $0x0  }
0x154: {  	[sflag:s24] =	ssyncadd.s32 $0xFFFFC000  }
0x155: {  	[bflag:$0x0] =	sbarrier.arrive $0xFFFF  }
0x156: {  	[hbm:s11], [sflag:s20] =	dma.local [spmem:s30], $0x1380  }
0x157: {  	_ =	swait.ge [sflag:s18], $0x1380  }
0x158: {  	[sflag:s18] =	ssyncset.done $0x0  }
0x159: {  	[sflag:s18] =	ssyncadd.s32 $0xFFFFEC80  }
0x15a: {  	s0 =	sshrl.u32 @p0 s7, $0x3;
	[bflag:$0x0] =	sbarrier.arrive @p0 $0xFFFF  }
0x15b: {  	[spmem:s0], [sflag:s20] =	dma.local @p0 [hbm:s13], $0x1380  }
0x15c: {  	s0 =	simm.s32 @p0 $0x3  }
0x15d: {  	_ =	swait.ge @p0 [sflag:s0], $0x1380  }
0x15e: {  	[sflag:s0] =	ssyncset.done @p0 $0x0  }
0x15f: {  	[sflag:s0] =	ssyncadd.s32 @p0 $0xFFFFEC80;
	s0 =	simm.s32 @!p0 $0x3  }
0x160: {  	[hbm:s12], [sflag:s20] =	dma.local @!p0 [spmem:s31], $0x80  }
0x161: {  	_ =	swait.ge @!p0 [sflag:s0], $0x80  }
0x162: {  	[sflag:s0] =	ssyncset.done @!p0 $0x0  }
0x163: {  	[sflag:s0] =	ssyncadd.s32 @!p0 $0xFFFFFF80  }
0x164: {  	s1 =	sshrl.u32 @!p0 s7, $0x3;
	[bflag:$0x0] =	sbarrier.arrive @!p0 $0xFFFF  }
0x165: {  	[spmem:s1], [sflag:s20] =	dma.local @!p0 [hbm:s13], $0x1380  }
0x166: {  	_ =	swait.ge @!p0 [sflag:s0], $0x1380  }
0x167: {  	[sflag:s0] =	ssyncset.done @!p0 $0x0  }
0x168: {  	[sflag:s0] =	ssyncadd.s32 @!p0 $0xFFFFEC80  }
0x169: {  	[spmem:s31], [sflag:s20] =	dma.local @!p0 [hbm:s14], $0x80  }
0x16a: {  	_ =	swait.ge @!p0 [sflag:s0], $0x80  }
0x16b: {  	[sflag:s0] =	ssyncset.done @!p0 $0x0  }
0x16c: {  	[sflag:s0] =	ssyncadd.s32 @!p0 $0xFFFFFF80  }
0x16d: {  	s1 =	simm.s32 $0x0;
	[bflag:$0x0] =	sbarrier.arrive $0xFFFF  }
0x16e: {  	[tilespmem:s22], [sflag:$0x1] =	stream.indirect.gather [hbm4b:s4+s21], $0x80, s1, s21, $0xb8;
	[tilespmem:$0x1BFC0] =	vst v63  }
0x16f: {  	s5 =	simm.s32 $0x0;
	s6 =	simm.s32 $0x80  }
0x170: {  	[tilespmem:s23], [sflag:$0x2] =	stream.indirect.gather [hbm4b:s4+s21], $0x80, s6, s21, $0xb8;
	[tilespmem:$0x1BFC0] =	vst v63  }
0x171: {  	v1 =	vld [tilespmem:s5+$0x5080];
	_ =	sdelay $0x4  }
0x172: {  	v2 =	vand.u32 $0x3F, v1;
	v1 =	vadd.s32 $0xFFFFEC78, v1  }
0x173: {  	v2 =	vadd.s32 $0x1388, v2;
	vm12 =	vlt.u32 v1, $0x1388  }
0x174: {  	v1 =	vsel vm12, v1, v2  }
0x175: {  	[tilespmem:$0xA080] =	vst v1  }
0x176: {  	v1 =	vld [tilespmem:s5+$0x5090];
	_ =	sdelay $0x4  }
0x177: {  	v2 =	vand.u32 $0x3F, v1;
	v1 =	vadd.s32 $0xFFFFEC78, v1  }
0x178: {  	v2 =	vadd.s32 $0x1388, v2;
	vm13 =	vlt.u32 v1, $0x1388  }
0x179: {  	v1 =	vsel vm13, v1, v2  }
0x17a: {  	[tilespmem:$0xA090] =	vst v1  }
0x17b: {  	v1 =	vld [tilespmem:s5+$0x50A0];
	_ =	sdelay $0x4  }
0x17c: {  	v2 =	vand.u32 $0x3F, v1;
	v1 =	vadd.s32 $0xFFFFEC78, v1  }
0x17d: {  	v2 =	vadd.s32 $0x1388, v2;
	vm14 =	vlt.u32 v1, $0x1388  }
0x17e: {  	v1 =	vsel vm14, v1, v2  }
0x17f: {  	[tilespmem:$0xA0A0] =	vst v1  }
0x180: {  	v1 =	vld [tilespmem:s5+$0x50B0];
	_ =	sdelay $0x4  }
0x181: {  	v2 =	vand.u32 $0x3F, v1;
	v1 =	vadd.s32 $0xFFFFEC78, v1  }
0x182: {  	v2 =	vadd.s32 $0x1388, v2;
	vm15 =	vlt.u32 v1, $0x1388  }
0x183: {  	v1 =	vsel vm15, v1, v2  }
0x184: {  	[tilespmem:$0xA0B0] =	vst v1  }
0x185: {  	v1 =	vld [tilespmem:s5+$0x50C0];
	_ =	sdelay $0x4  }
0x186: {  	v2 =	vand.u32 $0x3F, v1;
	v1 =	vadd.s32 $0xFFFFEC78, v1  }
0x187: {  	v2 =	vadd.s32 $0x1388, v2;
	vm4 =	vlt.u32 v1, $0x1388  }
0x188: {  	v1 =	vsel vm4, v1, v2  }
0x189: {  	[tilespmem:$0xA0C0] =	vst v1  }
0x18a: {  	v1 =	vld [tilespmem:s5+$0x50D0];
	_ =	sdelay $0x4  }
0x18b: {  	v2 =	vand.u32 $0x3F, v1;
	v1 =	vadd.s32 $0xFFFFEC78, v1  }
0x18c: {  	v2 =	vadd.s32 $0x1388, v2;
	vm5 =	vlt.u32 v1, $0x1388  }
0x18d: {  	v1 =	vsel vm5, v1, v2  }
0x18e: {  	[tilespmem:$0xA0D0] =	vst v1  }
0x18f: {  	v1 =	vld [tilespmem:s5+$0x50E0];
	_ =	sdelay $0x4  }
0x190: {  	v2 =	vand.u32 $0x3F, v1;
	v1 =	vadd.s32 $0xFFFFEC78, v1  }
0x191: {  	v2 =	vadd.s32 $0x1388, v2;
	vm6 =	vlt.u32 v1, $0x1388  }
0x192: {  	v1 =	vsel vm6, v1, v2  }
0x193: {  	[tilespmem:$0xA0E0] =	vst v1  }
0x194: {  	v1 =	vld [tilespmem:s5+$0x50F0];
	_ =	sdelay $0x4  }
0x195: {  	v2 =	vand.u32 $0x3F, v1;
	v1 =	vadd.s32 $0xFFFFEC78, v1  }
0x196: {  	v2 =	vadd.s32 $0x1388, v2;
	vm7 =	vlt.u32 v1, $0x1388  }
0x197: {  	v1 =	vsel vm7, v1, v2  }
0x198: {  	[tilespmem:$0xA0F0] =	vst v1  }
0x199: {  	_ =	swait.ge [sflag:s24], $0x4000  }
0x19a: {  	[sflag:s24] =	ssyncset.done $0x0  }
0x19b: {  	[sflag:s24] =	ssyncadd.s32 $0xFFFFC000  }
0x19c: {  	[spmem:s2] =	stream.indirect.scatter.add.f32 [tilespmem:s22], [sflag:$0x3], $0x80, s25, s21, $0xb8;
	[tilespmem:$0x1BFC0] =	vst v63  }
0x19d: {  	_ =	swait.ge [sflag:s18], $0x4000  }
0x19e: {  	[sflag:s18] =	ssyncset.done $0x0  }
0x19f: {  	s19 =	simm.s32 $0x100;
	[sflag:s18] =	ssyncadd.s32 $0xFFFFC000  }
0x1a0: {  	[tilespmem:s22], [sflag:$0x1] =	stream.indirect.gather [hbm4b:s4+s21], $0x80, s19, s21, $0xb8;
	[tilespmem:$0x1BFC0] =	vst v63  }
0x1a1: {  	v1 =	vld [tilespmem:s5+$0x5100];
	_ =	sdelay $0x4  }
0x1a2: {  	v2 =	vand.u32 $0x3F, v1;
	v1 =	vadd.s32 $0xFFFFEC78, v1  }
0x1a3: {  	v2 =	vadd.s32 $0x1388, v2;
	vm8 =	vlt.u32 v1, $0x1388  }
0x1a4: {  	v1 =	vsel vm8, v1, v2  }
0x1a5: {  	[tilespmem:$0xA100] =	vst v1  }
0x1a6: {  	v1 =	vld [tilespmem:s5+$0x5110];
	_ =	sdelay $0x4  }
0x1a7: {  	v2 =	vand.u32 $0x3F, v1;
	v1 =	vadd.s32 $0xFFFFEC78, v1  }
0x1a8: {  	v2 =	vadd.s32 $0x1388, v2;
	vm9 =	vlt.u32 v1, $0x1388  }
0x1a9: {  	v1 =	vsel vm9, v1, v2  }
0x1aa: {  	[tilespmem:$0xA110] =	vst v1  }
0x1ab: {  	v1 =	vld [tilespmem:s5+$0x5120];
	_ =	sdelay $0x4  }
0x1ac: {  	v2 =	vand.u32 $0x3F, v1;
	v1 =	vadd.s32 $0xFFFFEC78, v1  }
0x1ad: {  	v2 =	vadd.s32 $0x1388, v2;
	vm10 =	vlt.u32 v1, $0x1388  }
0x1ae: {  	v1 =	vsel vm10, v1, v2  }
0x1af: {  	[tilespmem:$0xA120] =	vst v1  }
0x1b0: {  	v1 =	vld [tilespmem:s5+$0x5130];
	_ =	sdelay $0x4  }
0x1b1: {  	v2 =	vand.u32 $0x3F, v1;
	v1 =	vadd.s32 $0xFFFFEC78, v1  }
0x1b2: {  	v2 =	vadd.s32 $0x1388, v2;
	vm11 =	vlt.u32 v1, $0x1388  }
0x1b3: {  	v1 =	vsel vm11, v1, v2  }
0x1b4: {  	[tilespmem:$0xA130] =	vst v1  }
0x1b5: {  	v1 =	vld [tilespmem:s5+$0x5140];
	_ =	sdelay $0x4  }
0x1b6: {  	v2 =	vand.u32 $0x3F, v1;
	v1 =	vadd.s32 $0xFFFFEC78, v1  }
0x1b7: {  	v2 =	vadd.s32 $0x1388, v2;
	vm12 =	vlt.u32 v1, $0x1388  }
0x1b8: {  	v1 =	vsel vm12, v1, v2  }
0x1b9: {  	[tilespmem:$0xA140] =	vst v1  }
0x1ba: {  	v1 =	vld [tilespmem:s5+$0x5150];
	_ =	sdelay $0x4  }
0x1bb: {  	v2 =	vand.u32 $0x3F, v1;
	v1 =	vadd.s32 $0xFFFFEC78, v1  }
0x1bc: {  	v2 =	vadd.s32 $0x1388, v2;
	vm13 =	vlt.u32 v1, $0x1388  }
0x1bd: {  	v1 =	vsel vm13, v1, v2  }
0x1be: {  	[tilespmem:$0xA150] =	vst v1  }
0x1bf: {  	v1 =	vld [tilespmem:s5+$0x5160];
	_ =	sdelay $0x4  }
0x1c0: {  	v2 =	vand.u32 $0x3F, v1;
	v1 =	vadd.s32 $0xFFFFEC78, v1  }
0x1c1: {  	v2 =	vadd.s32 $0x1388, v2;
	vm14 =	vlt.u32 v1, $0x1388  }
0x1c2: {  	v1 =	vsel vm14, v1, v2  }
0x1c3: {  	[tilespmem:$0xA160] =	vst v1  }
0x1c4: {  	v1 =	vld [tilespmem:s5+$0x5170];
	_ =	sdelay $0x4  }
0x1c5: {  	v2 =	vand.u32 $0x3F, v1;
	v1 =	vadd.s32 $0xFFFFEC78, v1  }
0x1c6: {  	v2 =	vadd.s32 $0x1388, v2;
	vm15 =	vlt.u32 v1, $0x1388  }
0x1c7: {  	v1 =	vsel vm15, v1, v2  }
0x1c8: {  	[tilespmem:$0xA170] =	vst v1  }
0x1c9: {  	_ =	swait.ge [sflag:s26], $0x4000  }
0x1ca: {  	[sflag:s26] =	ssyncset.done $0x0  }
0x1cb: {  	[sflag:s26] =	ssyncadd.s32 $0xFFFFC000  }
0x1cc: {  	[spmem:s2] =	stream.indirect.scatter.add.f32 [tilespmem:s23], [sflag:$0x3], $0x80, s28, s21, $0xb8;
	[tilespmem:$0x1BFC0] =	vst v63  }
0x1cd: {  	_ =	swait.ge [sflag:s18], $0x4000  }
0x1ce: {  	s1 =	simm.s32 $0x100;
	s5 =	simm.s32 $0x800;
	[sflag:s18] =	ssyncset.done $0x0  }
.LBB2_4:
0x1cf: {  	s6 =	sadd.s32 $0x80, s1  }
0x1d0: {  	[sflag:s18] =	ssyncadd.s32 $0xFFFFC000;
	s19 =	smov.u32 s5;
	s0 =	sadd.s32 $0x400, s5  }
0x1d1: {  	[tilespmem:s23], [sflag:$0x2] =	stream.indirect.gather [hbm4b:s4+s21], $0x80, s6, s21, $0xb8;
	[tilespmem:$0x1BFC0] =	vst v63  }
0x1d2: {  	p1 =	sne.s32 s5, $0x13C00;
	v1 =	vld [tilespmem:s1+$0x5080];
	_ =	sdelay $0x4  }
0x1d3: {  	v2 =	vand.u32 $0x3F, v1;
	v1 =	vadd.s32 $0xFFFFEC78, v1  }
0x1d4: {  	v2 =	vadd.s32 $0x1388, v2;
	vm0 =	vlt.u32 v1, $0x1388  }
0x1d5: {  	v1 =	vsel vm0, v1, v2  }
0x1d6: {  	[tilespmem:$0xA080] =	vst v1  }
0x1d7: {  	v1 =	vld [tilespmem:s1+$0x5090];
	_ =	sdelay $0x4  }
0x1d8: {  	v2 =	vand.u32 $0x3F, v1;
	v1 =	vadd.s32 $0xFFFFEC78, v1  }
0x1d9: {  	v2 =	vadd.s32 $0x1388, v2;
	vm0 =	vlt.u32 v1, $0x1388  }
0x1da: {  	v1 =	vsel vm0, v1, v2  }
0x1db: {  	[tilespmem:$0xA090] =	vst v1  }
0x1dc: {  	v1 =	vld [tilespmem:s1+$0x50A0];
	_ =	sdelay $0x4  }
0x1dd: {  	v2 =	vand.u32 $0x3F, v1;
	v1 =	vadd.s32 $0xFFFFEC78, v1  }
0x1de: {  	v2 =	vadd.s32 $0x1388, v2;
	vm0 =	vlt.u32 v1, $0x1388  }
0x1df: {  	v1 =	vsel vm0, v1, v2  }
0x1e0: {  	[tilespmem:$0xA0A0] =	vst v1  }
0x1e1: {  	v1 =	vld [tilespmem:s1+$0x50B0];
	_ =	sdelay $0x4  }
0x1e2: {  	v2 =	vand.u32 $0x3F, v1;
	v1 =	vadd.s32 $0xFFFFEC78, v1  }
0x1e3: {  	v2 =	vadd.s32 $0x1388, v2;
	vm0 =	vlt.u32 v1, $0x1388  }
0x1e4: {  	v1 =	vsel vm0, v1, v2  }
0x1e5: {  	[tilespmem:$0xA0B0] =	vst v1  }
0x1e6: {  	v1 =	vld [tilespmem:s1+$0x50C0];
	_ =	sdelay $0x4  }
0x1e7: {  	v2 =	vand.u32 $0x3F, v1;
	v1 =	vadd.s32 $0xFFFFEC78, v1  }
0x1e8: {  	v2 =	vadd.s32 $0x1388, v2;
	vm0 =	vlt.u32 v1, $0x1388  }
0x1e9: {  	v1 =	vsel vm0, v1, v2  }
0x1ea: {  	[tilespmem:$0xA0C0] =	vst v1  }
0x1eb: {  	v1 =	vld [tilespmem:s1+$0x50D0];
	_ =	sdelay $0x4  }
0x1ec: {  	v2 =	vand.u32 $0x3F, v1;
	v1 =	vadd.s32 $0xFFFFEC78, v1  }
0x1ed: {  	v2 =	vadd.s32 $0x1388, v2;
	vm0 =	vlt.u32 v1, $0x1388  }
0x1ee: {  	v1 =	vsel vm0, v1, v2  }
0x1ef: {  	[tilespmem:$0xA0D0] =	vst v1  }
0x1f0: {  	v1 =	vld [tilespmem:s1+$0x50E0];
	_ =	sdelay $0x4  }
0x1f1: {  	v2 =	vand.u32 $0x3F, v1;
	v1 =	vadd.s32 $0xFFFFEC78, v1  }
0x1f2: {  	v2 =	vadd.s32 $0x1388, v2;
	vm0 =	vlt.u32 v1, $0x1388  }
0x1f3: {  	v1 =	vsel vm0, v1, v2  }
0x1f4: {  	[tilespmem:$0xA0E0] =	vst v1  }
0x1f5: {  	v1 =	vld [tilespmem:s1+$0x50F0];
	_ =	sdelay $0x4  }
0x1f6: {  	v2 =	vand.u32 $0x3F, v1;
	v1 =	vadd.s32 $0xFFFFEC78, v1  }
0x1f7: {  	v2 =	vadd.s32 $0x1388, v2;
	vm0 =	vlt.u32 v1, $0x1388  }
0x1f8: {  	v1 =	vsel vm0, v1, v2  }
0x1f9: {  	[tilespmem:$0xA0F0] =	vst v1  }
0x1fa: {  	_ =	swait.ge [sflag:s24], $0x4000  }
0x1fb: {  	[sflag:s24] =	ssyncset.done $0x0  }
0x1fc: {  	[sflag:s24] =	ssyncadd.s32 $0xFFFFC000  }
0x1fd: {  	[spmem:s2] =	stream.indirect.scatter.add.f32 [tilespmem:s22], [sflag:$0x3], $0x80, s25, s21, $0xb8;
	[tilespmem:$0x1BFC0] =	vst v63  }
0x1fe: {  	_ =	swait.ge [sflag:s18], $0x4000  }
0x1ff: {  	[sflag:s18] =	ssyncset.done $0x0  }
0x200: {  	s5 =	sadd.s32 $0x100, s1;
	[sflag:s18] =	ssyncadd.s32 $0xFFFFC000  }
0x201: {  	[tilespmem:s22], [sflag:$0x1] =	stream.indirect.gather [hbm4b:s4+s21], $0x80, s5, s21, $0xb8;
	[tilespmem:$0x1BFC0] =	vst v63  }
0x202: {  	v1 =	vld [tilespmem:s1+$0x5100];
	_ =	sdelay $0x4  }
0x203: {  	v2 =	vand.u32 $0x3F, v1;
	v1 =	vadd.s32 $0xFFFFEC78, v1  }
0x204: {  	v2 =	vadd.s32 $0x1388, v2;
	vm0 =	vlt.u32 v1, $0x1388  }
0x205: {  	v1 =	vsel vm0, v1, v2  }
0x206: {  	[tilespmem:$0xA100] =	vst v1  }
0x207: {  	v1 =	vld [tilespmem:s1+$0x5110];
	_ =	sdelay $0x4  }
0x208: {  	v2 =	vand.u32 $0x3F, v1;
	v1 =	vadd.s32 $0xFFFFEC78, v1  }
0x209: {  	v2 =	vadd.s32 $0x1388, v2;
	vm0 =	vlt.u32 v1, $0x1388  }
0x20a: {  	v1 =	vsel vm0, v1, v2  }
0x20b: {  	[tilespmem:$0xA110] =	vst v1  }
0x20c: {  	v1 =	vld [tilespmem:s1+$0x5120];
	_ =	sdelay $0x4  }
0x20d: {  	v2 =	vand.u32 $0x3F, v1;
	v1 =	vadd.s32 $0xFFFFEC78, v1  }
0x20e: {  	v2 =	vadd.s32 $0x1388, v2;
	vm0 =	vlt.u32 v1, $0x1388  }
0x20f: {  	v1 =	vsel vm0, v1, v2  }
0x210: {  	[tilespmem:$0xA120] =	vst v1  }
0x211: {  	v1 =	vld [tilespmem:s1+$0x5130];
	_ =	sdelay $0x4  }
0x212: {  	v2 =	vand.u32 $0x3F, v1;
	v1 =	vadd.s32 $0xFFFFEC78, v1  }
0x213: {  	v2 =	vadd.s32 $0x1388, v2;
	vm0 =	vlt.u32 v1, $0x1388  }
0x214: {  	v1 =	vsel vm0, v1, v2  }
0x215: {  	[tilespmem:$0xA130] =	vst v1  }
0x216: {  	v1 =	vld [tilespmem:s1+$0x5140];
	_ =	sdelay $0x4  }
0x217: {  	v2 =	vand.u32 $0x3F, v1;
	v1 =	vadd.s32 $0xFFFFEC78, v1  }
0x218: {  	v2 =	vadd.s32 $0x1388, v2;
	vm0 =	vlt.u32 v1, $0x1388  }
0x219: {  	v1 =	vsel vm0, v1, v2  }
0x21a: {  	[tilespmem:$0xA140] =	vst v1  }
0x21b: {  	v1 =	vld [tilespmem:s1+$0x5150];
	_ =	sdelay $0x4  }
0x21c: {  	v2 =	vand.u32 $0x3F, v1;
	v1 =	vadd.s32 $0xFFFFEC78, v1  }
0x21d: {  	v2 =	vadd.s32 $0x1388, v2;
	vm0 =	vlt.u32 v1, $0x1388  }
0x21e: {  	v1 =	vsel vm0, v1, v2  }
0x21f: {  	[tilespmem:$0xA150] =	vst v1  }
0x220: {  	v1 =	vld [tilespmem:s1+$0x5160];
	_ =	sdelay $0x4  }
0x221: {  	v2 =	vand.u32 $0x3F, v1;
	v1 =	vadd.s32 $0xFFFFEC78, v1  }
0x222: {  	v2 =	vadd.s32 $0x1388, v2;
	vm0 =	vlt.u32 v1, $0x1388  }
0x223: {  	v1 =	vsel vm0, v1, v2  }
0x224: {  	[tilespmem:$0xA160] =	vst v1  }
0x225: {  	v1 =	vld [tilespmem:s1+$0x5170];
	_ =	sdelay $0x4  }
0x226: {  	v2 =	vand.u32 $0x3F, v1;
	v1 =	vadd.s32 $0xFFFFEC78, v1  }
0x227: {  	v2 =	vadd.s32 $0x1388, v2;
	vm0 =	vlt.u32 v1, $0x1388  }
0x228: {  	v1 =	vsel vm0, v1, v2  }
0x229: {  	[tilespmem:$0xA170] =	vst v1  }
0x22a: {  	_ =	swait.ge [sflag:s26], $0x4000  }
.Ltmp1:
0x22b: {  	[sflag:s26] =	ssyncset.done $0x0;
	(pc) =	sbr.rel @p1 .LBB2_4-.Ltmp1, $4  }
0x22c: {  	[sflag:s26] =	ssyncadd.s32 $0xFFFFC000  }
0x22d: {  	[spmem:s2] =	stream.indirect.scatter.add.f32 [tilespmem:s23], [sflag:$0x3], $0x80, s28, s21, $0xb8;
	[tilespmem:$0x1BFC0] =	vst v63  }
0x22e: {  	_ =	swait.ge [sflag:s18], $0x4000  }
0x22f: {  	s5 =	smov.u32 s0;
	s1 =	sshra.s32 s19, $0x2;
	[sflag:s18] =	ssyncset.done $0x0  }
0x230: {  	s0 =	sadd.s32 $0x80, s1;
	[sflag:s18] =	ssyncadd.s32 $0xFFFFC000  }
0x231: {  	[tilespmem:s23], [sflag:$0x2] =	stream.indirect.gather [hbm4b:s4+s21], $0x80, s0, s21, $0xb8;
	[tilespmem:$0x1BFC0] =	vst v63  }
0x232: {  	v1 =	vld [tilespmem:s1+$0x5080];
	_ =	sdelay $0x4  }
0x233: {  	v2 =	vand.u32 $0x3F, v1;
	v1 =	vadd.s32 $0xFFFFEC78, v1  }
0x234: {  	v2 =	vadd.s32 $0x1388, v2;
	vm0 =	vlt.u32 v1, $0x1388  }
0x235: {  	v1 =	vsel vm0, v1, v2  }
0x236: {  	[tilespmem:$0xA080] =	vst v1  }
0x237: {  	v1 =	vld [tilespmem:s1+$0x5090];
	_ =	sdelay $0x4  }
0x238: {  	v2 =	vand.u32 $0x3F, v1;
	v1 =	vadd.s32 $0xFFFFEC78, v1  }
0x239: {  	v2 =	vadd.s32 $0x1388, v2;
	vm13 =	vlt.u32 v1, $0x1388  }
0x23a: {  	v1 =	vsel vm13, v1, v2  }
0x23b: {  	[tilespmem:$0xA090] =	vst v1  }
0x23c: {  	v1 =	vld [tilespmem:s1+$0x50A0];
	_ =	sdelay $0x4  }
0x23d: {  	v2 =	vand.u32 $0x3F, v1;
	v1 =	vadd.s32 $0xFFFFEC78, v1  }
0x23e: {  	v2 =	vadd.s32 $0x1388, v2;
	vm14 =	vlt.u32 v1, $0x1388  }
0x23f: {  	v1 =	vsel vm14, v1, v2  }
0x240: {  	[tilespmem:$0xA0A0] =	vst v1  }
0x241: {  	v1 =	vld [tilespmem:s1+$0x50B0];
	_ =	sdelay $0x4  }
0x242: {  	v2 =	vand.u32 $0x3F, v1;
	v1 =	vadd.s32 $0xFFFFEC78, v1  }
0x243: {  	v2 =	vadd.s32 $0x1388, v2;
	vm15 =	vlt.u32 v1, $0x1388  }
0x244: {  	v1 =	vsel vm15, v1, v2  }
0x245: {  	[tilespmem:$0xA0B0] =	vst v1  }
0x246: {  	v1 =	vld [tilespmem:s1+$0x50C0];
	_ =	sdelay $0x4  }
0x247: {  	v2 =	vand.u32 $0x3F, v1;
	v1 =	vadd.s32 $0xFFFFEC78, v1  }
0x248: {  	v2 =	vadd.s32 $0x1388, v2;
	vm4 =	vlt.u32 v1, $0x1388  }
0x249: {  	v1 =	vsel vm4, v1, v2  }
0x24a: {  	[tilespmem:$0xA0C0] =	vst v1  }
0x24b: {  	v1 =	vld [tilespmem:s1+$0x50D0];
	_ =	sdelay $0x4  }
0x24c: {  	v2 =	vand.u32 $0x3F, v1;
	v1 =	vadd.s32 $0xFFFFEC78, v1  }
0x24d: {  	v2 =	vadd.s32 $0x1388, v2;
	vm5 =	vlt.u32 v1, $0x1388  }
0x24e: {  	v1 =	vsel vm5, v1, v2  }
0x24f: {  	[tilespmem:$0xA0D0] =	vst v1  }
0x250: {  	v1 =	vld [tilespmem:s1+$0x50E0];
	_ =	sdelay $0x4  }
0x251: {  	v2 =	vand.u32 $0x3F, v1;
	v1 =	vadd.s32 $0xFFFFEC78, v1  }
0x252: {  	v2 =	vadd.s32 $0x1388, v2;
	vm6 =	vlt.u32 v1, $0x1388  }
0x253: {  	v1 =	vsel vm6, v1, v2  }
0x254: {  	[tilespmem:$0xA0E0] =	vst v1  }
0x255: {  	v1 =	vld [tilespmem:s1+$0x50F0];
	_ =	sdelay $0x4  }
0x256: {  	v2 =	vand.u32 $0x3F, v1;
	v1 =	vadd.s32 $0xFFFFEC78, v1  }
0x257: {  	v2 =	vadd.s32 $0x1388, v2;
	vm7 =	vlt.u32 v1, $0x1388  }
0x258: {  	v1 =	vsel vm7, v1, v2  }
0x259: {  	[tilespmem:$0xA0F0] =	vst v1  }
0x25a: {  	_ =	swait.ge [sflag:s24], $0x4000  }
0x25b: {  	[sflag:s24] =	ssyncset.done $0x0  }
0x25c: {  	[sflag:s24] =	ssyncadd.s32 $0xFFFFC000  }
0x25d: {  	[spmem:s2] =	stream.indirect.scatter.add.f32 [tilespmem:s22], [sflag:$0x3], $0x80, s25, s21, $0xb8;
	[tilespmem:$0x1BFC0] =	vst v63  }
0x25e: {  	_ =	swait.ge [sflag:s18], $0x4000  }
0x25f: {  	[sflag:s18] =	ssyncset.done $0x0  }
0x260: {  	s19 =	sadd.s32 $0x100, s1;
	[sflag:s18] =	ssyncadd.s32 $0xFFFFC000  }
0x261: {  	[tilespmem:s22], [sflag:$0x1] =	stream.indirect.gather [hbm4b:s4+s21], $0x80, s19, s21, $0xb8;
	[tilespmem:$0x1BFC0] =	vst v63  }
0x262: {  	v1 =	vld [tilespmem:s1+$0x5100];
	_ =	sdelay $0x4  }
0x263: {  	v2 =	vand.u32 $0x3F, v1;
	v1 =	vadd.s32 $0xFFFFEC78, v1  }
0x264: {  	v2 =	vadd.s32 $0x1388, v2;
	vm8 =	vlt.u32 v1, $0x1388  }
0x265: {  	v1 =	vsel vm8, v1, v2  }
0x266: {  	[tilespmem:$0xA100] =	vst v1  }
0x267: {  	v1 =	vld [tilespmem:s1+$0x5110];
	_ =	sdelay $0x4  }
0x268: {  	v2 =	vand.u32 $0x3F, v1;
	v1 =	vadd.s32 $0xFFFFEC78, v1  }
0x269: {  	v2 =	vadd.s32 $0x1388, v2;
	vm9 =	vlt.u32 v1, $0x1388  }
0x26a: {  	v1 =	vsel vm9, v1, v2  }
0x26b: {  	[tilespmem:$0xA110] =	vst v1  }
0x26c: {  	v1 =	vld [tilespmem:s1+$0x5120];
	_ =	sdelay $0x4  }
0x26d: {  	v2 =	vand.u32 $0x3F, v1;
	v1 =	vadd.s32 $0xFFFFEC78, v1  }
0x26e: {  	v2 =	vadd.s32 $0x1388, v2;
	vm10 =	vlt.u32 v1, $0x1388  }
0x26f: {  	v1 =	vsel vm10, v1, v2  }
0x270: {  	[tilespmem:$0xA120] =	vst v1  }
0x271: {  	v1 =	vld [tilespmem:s1+$0x5130];
	_ =	sdelay $0x4  }
0x272: {  	v2 =	vand.u32 $0x3F, v1;
	v1 =	vadd.s32 $0xFFFFEC78, v1  }
0x273: {  	v2 =	vadd.s32 $0x1388, v2;
	vm11 =	vlt.u32 v1, $0x1388  }
0x274: {  	v1 =	vsel vm11, v1, v2  }
0x275: {  	[tilespmem:$0xA130] =	vst v1  }
0x276: {  	v1 =	vld [tilespmem:s1+$0x5140];
	_ =	sdelay $0x4  }
0x277: {  	v2 =	vand.u32 $0x3F, v1;
	v1 =	vadd.s32 $0xFFFFEC78, v1  }
0x278: {  	v2 =	vadd.s32 $0x1388, v2;
	vm12 =	vlt.u32 v1, $0x1388  }
0x279: {  	v1 =	vsel vm12, v1, v2  }
0x27a: {  	[tilespmem:$0xA140] =	vst v1  }
0x27b: {  	v1 =	vld [tilespmem:s1+$0x5150];
	_ =	sdelay $0x4  }
0x27c: {  	v2 =	vand.u32 $0x3F, v1;
	v1 =	vadd.s32 $0xFFFFEC78, v1  }
0x27d: {  	v2 =	vadd.s32 $0x1388, v2;
	vm13 =	vlt.u32 v1, $0x1388  }
0x27e: {  	v1 =	vsel vm13, v1, v2  }
0x27f: {  	[tilespmem:$0xA150] =	vst v1  }
0x280: {  	v1 =	vld [tilespmem:s1+$0x5160];
	_ =	sdelay $0x4  }
0x281: {  	v2 =	vand.u32 $0x3F, v1;
	v1 =	vadd.s32 $0xFFFFEC78, v1  }
0x282: {  	v2 =	vadd.s32 $0x1388, v2;
	vm14 =	vlt.u32 v1, $0x1388  }
0x283: {  	v1 =	vsel vm14, v1, v2  }
0x284: {  	[tilespmem:$0xA160] =	vst v1  }
0x285: {  	v1 =	vld [tilespmem:s1+$0x5170];
	_ =	sdelay $0x4  }
0x286: {  	v2 =	vand.u32 $0x3F, v1;
	v1 =	vadd.s32 $0xFFFFEC78, v1  }
0x287: {  	v2 =	vadd.s32 $0x1388, v2;
	vm15 =	vlt.u32 v1, $0x1388  }
0x288: {  	v1 =	vsel vm15, v1, v2  }
0x289: {  	[tilespmem:$0xA170] =	vst v1  }
0x28a: {  	_ =	swait.ge [sflag:s26], $0x4000  }
0x28b: {  	[sflag:s26] =	ssyncset.done $0x0  }
0x28c: {  	[sflag:s26] =	ssyncadd.s32 $0xFFFFC000  }
0x28d: {  	[spmem:s2] =	stream.indirect.scatter.add.f32 [tilespmem:s23], [sflag:$0x3], $0x80, s28, s21, $0xb8;
	[tilespmem:$0x1BFC0] =	vst v63  }
0x28e: {  	_ =	swait.ge [sflag:s18], $0x4000  }
0x28f: {  	[sflag:s18] =	ssyncset.done $0x0  }
0x290: {  	[sflag:s18] =	ssyncadd.s32 $0xFFFFC000  }
0x291: {  	_ =	swait.ge [sflag:s24], $0x4000  }
0x292: {  	[sflag:s24] =	ssyncset.done $0x0  }
0x293: {  	[sflag:s24] =	ssyncadd.s32 $0xFFFFC000  }
0x294: {  	[bflag:$0x0] =	sbarrier.arrive $0xFFFF  }
0x295: {  	[hbm:s15], [sflag:s20] =	dma.local [spmem:s30], $0x1380  }
0x296: {  	_ =	swait.ge [sflag:s18], $0x1380  }
0x297: {  	s29 =	sadd.s32 $0x1, s29;
	[sflag:s18] =	ssyncset.done $0x0  }
0x298: {  	s0 =	simm.s32 @!p0 $0x3;
	p1 =	sne.s32 s29, s17;
	[sflag:s18] =	ssyncadd.s32 $0xFFFFEC80  }
0x299: {  	[hbm:s16], [sflag:s20] =	dma.local @!p0 [spmem:s31], $0x80  }
.Ltmp2:
0x29a: {  	_ =	swait.ge @!p0 [sflag:s0], $0x80;
	(pc) =	sbr.rel @p1 .LBB2_1-.Ltmp2, $3  }
0x29b: {  	[sflag:s0] =	ssyncset.done @!p0 $0x0  }
0x29c: {  	[sflag:s0] =	ssyncadd.s32 @!p0 $0xFFFFFF80  }
0x29d: {  	[bflag:$0x0] =	sbarrier.arrive $0xFFFF;
	_ =	sdelay $0x1  }
0x29e: {  	_ =	sfence.sel $0x180000  }
0x29f: {  	[bflag:$0x0] =	sbarrier.arrive $0xFFFF  }
0x2a0: {  	_ =	strace $0x9000004D  }
0x2a1: {  	s0 =	stileid.u32;
	[bflag:$0x2] =	sbarrier.arrive $0xFFFF  }
0x2a2: {  	p0 =	sne.s32 s0, $0x0;
	s0 =	rddreg [dreg:$0x2]  }
0x2a3: {  	s0 =	sadd.s32 @!p0 $0x100000, s0  }
0x2a4: {  	[sflag:s0] =	ssyncadd.tile.s32 @!p0 $0x1;
	_ =	shalt  }
.Lfunc_end2:
_tile_overlayer_lowered:
.L_overlay_start_2:
0x2a5: {  	(tag) =	ssettag $0x2  }
0x2a6: {  	s0 =	rddreg [dreg:$0x0];
	s2 =	stileid.u32  }
0x2a7: {  	s1 =	rddreg [dreg:$0x1];
	p0 =	sne.s32 s2, $0x0  }
0x2a8: {  	s3 =	rddreg [dreg:$0x2];
	[bflag:$0x3] =	sbarrier.arrive $0xFFFF;
	s2 =	simm.s32 @!p0 $0x1C03  }
0x2a9: {  	[timem:s3], [sflag:s2] =	dma.local @!p0 [hbm:s0], s1  }
0x2aa: {  	s0 =	simm.s32 @!p0 $0x3  }
0x2ab: {  	_ =	swait.ge @!p0 [sflag:s0], s1  }
0x2ac: {  	s1 =	ssub.s32 @!p0 $0x0, s1;
	[sflag:s0] =	ssyncset.done @!p0 $0x0  }
0x2ad: {  	[sflag:s0] =	ssyncadd.s32 @!p0 s1  }
0x2ae: {  	[bflag:$0x3] =	sbarrier.arrive $0xFFFF  }
0x2af: {  	_ =	shalt  }

// kernel: kernel.19.cloned.1.call-start
scs
__scs_entry_jumppad:
0x0: {  	(pc) =	sbr.rel $0x88, $3  }
0x1: {  	(tag) =	ssettag $0x0;
	lr =	simm.s32 $0x1  }
0x2: {  	[smem:$0x3F94] =	sst lr;
	_ =	strace $0xD0000000  }
0x3: {  	_ = 	snop  }
0x4: {  	_ = 	snop  }
0x5: {  	_ = 	snop  }
0x6: {  	_ = 	snop  }
0x7: {  	_ = 	snop  }
__scs_overlays_trampoline_lowered:
0x8: {  	[smem:$0x3FA3] =	sst s0  }
0x9: {  	[smem:$0x3FA4] =	sst s1  }
0xa: {  	[smem:$0x3FA5] =	sst s2  }
0xb: {  	[smem:$0x3FA6] =	sst s3  }
0xc: {  	[smem:$0x3FA7] =	sst s4  }
0xd: {  	[smem:$0x3FA8] =	sst s5  }
0xe: {  	[smem:$0x3FA9] =	sst s6  }
0xf: {  	[smem:$0x3FAA] =	sst s7  }
0x10: {  	[smem:$0x3FAB] =	sst s8  }
0x11: {  	[smem:$0x3FAC] =	sst s9;
	s0 =	simm.s32 @!p0 $0x0  }
0x12: {  	s1 =	sld [smem:$0x3F92];
	s0 =	simm.s32 @p0 $0x1  }
0x13: {  	[smem:$0x3FAD] =	sst s0;
	s0 =	simm.s32 @!p1 $0x0  }
0x14: {  	s2 =	sld [smem:$0x3F91];
	s0 =	simm.s32 @p1 $0x1  }
0x15: {  	[smem:$0x3FAE] =	sst s0;
	s0 =	simm.s32 @!p2 $0x0  }
0x16: {  	s3 =	sld [smem:$0x3FDB];
	s0 =	simm.s32 @p2 $0x1  }
0x17: {  	s4 =	simm.s32 $0x1BF5;
	[smem:$0x3FB0] =	sst s0  }
0x18: {  	s0 =	sld [smem:$0x3F93];
	_ =	swait.ge [sflag:s4], $0x0  }
0x19: {  	s7 =	sld [smem:$0x3F94]  }
0x1a: {  	s8 =	sadd.s32 $0xFFFFE003, lr  }
0x1b: {  	s9 =	sadd.s32 $0xFFFFFEF7, lr;
	s5 =	simm.s32 $0xFFFFFFFF;
	p2 =	slt.u32 s8, $0xFFFFF086  }
0x1c: {  	p1 =	slt.u32 s9, $0xF7A;
	s5 =	simm.s32 @!p2 $0x0  }
0x1d: {  	s5 =	simm.s32 @p1 $0x1;
	p0 =	seq.s32 s7, s2  }
0x1e: {  	s7 =	smul.u32 @!p0 $0xF7A, s2;
	p2 =	seq.s32 @!p0 s5, $0x0  }
0x1f: {  	s9 =	smul.u32 $0xF7A, s1;
	s8 =	simm.s32 @!p0 $0x1BF5;
	p2 =	por !p2, p0  }
0x20: {  	[sflag:s8] =	ssyncset.s32 @!p0 $0xFFFFF086;
	s6 =	sadd.s32 @!p0 s3, s7;
	s7 =	simm.s32 @!p0 $0x108  }
0x21: {  	s3 =	sadd.s32 s3, s9;
	s6 =	sadd.s32 @!p0 $0x88, s6;
	s7 =	simm.s32 @p2 $0x1082  }
0x22: {  	[simem:s7], [sflag:s8] =	dma.local @!p0 [hbm:s6], $0xF7A  }
0x23: {  	s9 =	sor.u32 $0xD0000000, s2;
	s6 =	simm.s32 $0x108;
	_ =	swait.ge @!p0 [sflag:s8], $0x0  }
0x24: {  	s3 =	sadd.s32 $0x88, s3;
	s6 =	simm.s32 @!p1 $0x1082;
	[sflag:s4] =	ssyncset.s32 $0xFFFFF086  }
0x25: {  	[simem:s6], [sflag:s4] =	dma.local [hbm:s3], $0xF7A  }
0x26: {  	[smem:$0x3F94] =	sst s1;
	(tag) =	ssettag s2;
	_ =	strace s9  }
0x27: {  	s1 =	sld [smem:$0x3FA4]  }
0x28: {  	s2 =	sld [smem:$0x3FA5]  }
0x29: {  	s4 =	sld [smem:$0x3FA7]  }
0x2a: {  	p0 =	seq.s32 s5, $0x0;
	s5 =	sld [smem:$0x3FA8]  }
0x2b: {  	s6 =	sld [smem:$0x3FA9]  }
0x2c: {  	s7 =	sld [smem:$0x3FAA]  }
0x2d: {  	s3 =	simm.s32 $0x108;
	s8 =	sld [smem:$0x3FAB]  }
0x2e: {  	s3 =	simm.s32 @!p0 $0x1082;
	s9 =	sld [smem:$0x3FAC]  }
0x2f: {  	lr =	sadd.s32 s0, s3;
	s0 =	sld [smem:$0x3FA3]  }
0x30: {  	s3 =	sld [smem:$0x3FA6]  }
0x31: {  	[smem:$0x3FAF] =	sst s10  }
0x32: {  	s10 =	sld [smem:$0x3FAD];
	_ =	sdelay $0x3  }
0x33: {  	p0 =	seq.s32 s10, $0x1;
	s10 =	sld [smem:$0x3FAF];
	_ =	sdelay $0x3  }
0x34: {  	[smem:$0x3FAF] =	sst s10  }
0x35: {  	s10 =	sld [smem:$0x3FAE];
	_ =	sdelay $0x3  }
0x36: {  	p1 =	seq.s32 s10, $0x1;
	s10 =	sld [smem:$0x3FAF];
	_ =	sdelay $0x3  }
0x37: {  	[smem:$0x3FAF] =	sst s10  }
0x38: {  	s10 =	sld [smem:$0x3FB0]  }
0x39: {  	_ = 	snop;
	(pc) =	sbr.ind lr, $3  }
0x3a: {  	_ = 	snop  }
0x3b: {  	_ = 	snop  }
0x3c: {  	p2 =	seq.s32 s10, $0x1;
	s10 =	sld [smem:$0x3FAF]  }
0x3d: {  	_ =	shalt  }
0x3e: {  	_ =	shalt  }
0x3f: {  	_ =	shalt  }
0x40: {  	_ =	shalt  }
0x41: {  	_ =	shalt  }
0x42: {  	_ =	shalt  }
0x43: {  	_ =	shalt  }
0x44: {  	_ =	shalt  }
0x45: {  	_ =	shalt  }
0x46: {  	_ =	shalt  }
0x47: {  	_ =	shalt  }
0x48: {  	_ =	shalt  }
0x49: {  	_ =	shalt  }
0x4a: {  	_ =	shalt  }
0x4b: {  	_ =	shalt  }
0x4c: {  	_ =	shalt  }
0x4d: {  	_ =	shalt  }
0x4e: {  	_ =	shalt  }
0x4f: {  	_ =	shalt  }
0x50: {  	_ =	shalt  }
0x51: {  	_ =	shalt  }
0x52: {  	_ =	shalt  }
0x53: {  	_ =	shalt  }
0x54: {  	_ =	shalt  }
0x55: {  	_ =	shalt  }
0x56: {  	_ =	shalt  }
0x57: {  	_ =	shalt  }
0x58: {  	_ =	shalt  }
0x59: {  	_ =	shalt  }
0x5a: {  	_ =	shalt  }
0x5b: {  	_ =	shalt  }
0x5c: {  	_ =	shalt  }
0x5d: {  	_ =	shalt  }
0x5e: {  	_ =	shalt  }
0x5f: {  	_ =	shalt  }
0x60: {  	_ =	shalt  }
0x61: {  	_ =	shalt  }
0x62: {  	_ =	shalt  }
0x63: {  	_ =	shalt  }
0x64: {  	_ =	shalt  }
0x65: {  	_ =	shalt  }
0x66: {  	_ =	shalt  }
0x67: {  	_ =	shalt  }
0x68: {  	_ =	shalt  }
0x69: {  	_ =	shalt  }
0x6a: {  	_ =	shalt  }
0x6b: {  	_ =	shalt  }
0x6c: {  	_ =	shalt  }
0x6d: {  	_ =	shalt  }
0x6e: {  	_ =	shalt  }
0x6f: {  	_ =	shalt  }
0x70: {  	_ =	shalt  }
0x71: {  	_ =	shalt  }
0x72: {  	_ =	shalt  }
0x73: {  	_ =	shalt  }
0x74: {  	_ =	shalt  }
0x75: {  	_ =	shalt  }
0x76: {  	_ =	shalt  }
0x77: {  	_ =	shalt  }
0x78: {  	_ =	shalt  }
0x79: {  	_ =	shalt  }
0x7a: {  	_ =	shalt  }
0x7b: {  	_ =	shalt  }
0x7c: {  	_ =	shalt  }
0x7d: {  	_ =	shalt  }
0x7e: {  	_ =	shalt  }
0x7f: {  	_ =	shalt  }
0x80: {  	_ =	shalt  }
0x81: {  	_ =	shalt  }
0x82: {  	_ =	shalt  }
0x83: {  	_ =	shalt  }
0x84: {  	_ =	shalt  }
0x85: {  	_ =	shalt  }
0x86: {  	_ =	shalt  }
0x87: {  	_ =	shalt  }
.Lfunc_end0:
.L_simem_size_0:
called_computation.3_lowered:
.L_overlay_start_0:
0x88: {  	s2 =	sld [smem:$0x3FD9]  }
0x89: {  	s3 =	sld [smem:$0x3FFE];
	_ =	sdelay $0x1  }
0x8a: {  	s1 =	srdreg.scid  }
0x8b: {  	s0 =	sand.u32 $0x1, s1  }
0x8c: {  	s16 =	sshll.u32 s0, $0xA;
	s2 =	sadd.s32 s3, s2  }
0x8d: {  	s2 =	sadd.s32 s2, s16  }
0x8e: {  	[smem:$0x3FBB] =	sst s2  }
0x8f: {  	_ = 	snop  }
0x90: {  	(tm) =	ssettm $0x1  }
0x91: {  	s17 =	sld [smem:$0x3FFB];
	_ =	sdelay $0x3  }
0x92: {  	_ =	strace s17  }
0x93: {  	s2 =	sld [smem:$0x3FFC];
	_ =	sdelay $0x3  }
0x94: {  	_ =	strace s2  }
0x95: {  	s2 =	sld [smem:$0x3FFD];
	_ =	sdelay $0x3  }
0x96: {  	_ =	strace s2  }
0x97: {  	_ =	strace $0x8FFFFFFF  }
0x98: {  	s18 =	sld [smem:$0x3FDB];
	_ =	sdelay $0x1  }
0x99: {  	s19 =	simm.s32 $_scs_section_size  }
0x9a: {  	s4 =	simm.s32 $_size__tile_overlayer_lowered;
	s5 =	simm.s32 $_tile_overlayer_lowered  }
0x9b: {  	s22 =	simm.s32 $0x1BFF;
	s21 =	sshll.u32 s5, $0x1;
	s2 =	sadd.s32 s19, s18  }
0x9c: {  	s6 =	simm.s32 $0x0;
	s20 =	sshll.u32 s4, $0x1;
	s4 =	sadd.s32 s21, s2  }
0x9d: {  	[timem:s6], [sflag:s22] =	dma.local [hbm:s4], s20  }
0x9e: {  	_ =	swait.ge [sflag:s22], s20  }
0x9f: {  	s3 =	ssub.s32 $0x0, s20;
	[sflag:s22] =	ssyncset.done $0x0  }
0xa0: {  	[sflag:s22] =	ssyncadd.s32 s3;
	_ =	sdelay $0x1  }
0xa1: {  	s23 =	simm.s32 $0x1B8B  }
0xa2: {  	_ =	swait.ge [sflag:s23], $0x1  }
0xa3: {  	[sflag:s23] =	ssyncset.done $0x0  }
0xa4: {  	s25 =	simm.s32 $0x1B8E;
	s24 =	sld [smem:$0x3FFE];
	[sflag:s23] =	ssyncadd.s32 $0xFFFFFFFF  }
0xa5: {  	s26 =	simm.s32 $execute0_lowered;
	[smem:$0x3FD2] =	sst s25  }
0xa6: {  	s4 =	sshll.u32 s26, $0x1;
	_ =	strace $0x8000004F;
	[dreg:$0x1] =	wrdreg $0xFFFFFFFF  }
0xa7: {  	s28 =	simm.s32 $_size_execute0_lowered;
	s2 =	sadd.s32 s2, s4;
	[dreg:$0x0] =	wrdreg $0x0  }
0xa8: {  	s4 =	sshll.u32 s28, $0x1;
	[dreg:$0x2] =	wrdreg s2  }
0xa9: {  	[dreg:$0x3] =	wrdreg s4  }
0xaa: {  	[dreg:$0x4] =	wrdreg $0xC0  }
0xab: {  	_ =	task [dreg:s6], $0x5FFFF  }
0xac: {  	[dreg:$0x1] =	wrdreg $0xFFFFFFFF  }
0xad: {  	[dreg:$0x0] =	wrdreg $0x60  }
0xae: {  	[dreg:$0x2] =	wrdreg s24  }
0xaf: {  	[dreg:$0x3] =	wrdreg $0x121800  }
0xb0: {  	[dreg:$0x4] =	wrdreg $0x9  }
0xb1: {  	_ =	task.clear_ibuf [dreg:s6], $0x5FFFF;
	_ =	strace $0x9000004F  }
0xb2: {  	s29 =	simm.s32 $0x9;
	_ =	strace $0x80000051  }
0xb3: {  	_ =	swait.ge [sflag:s29], $0x1  }
0xb4: {  	[sflag:s29] =	ssyncadd.s32 $0xFFFFFFFF  }
0xb5: {  	_ =	strace $0x90000051  }
0xb6: {  	_ =	sfence  }
0xb7: {  	s30 =	sld [smem:$0x0];
	_ =	sdelay $0x2  }
0xb8: {  	s31 =	sshll.u32 s1, $0xD;
	s1 =	sshrl.u32 s1, $0x2  }
0xb9: {  	s3 =	sand.u32 $0x4000, s31;
	s1 =	sadd.s32 s1, s30  }
0xba: {  	s0 =	sor.u32 s3, s0;
	s1 =	sshll.u32 s1, $0x11  }
0xbb: {  	s0 =	sor.u32 s1, s0  }
0xbc: {  	s0 =	sadd.s32 $0x8F2B, s0  }
0xbd: {  	[sflag:s0] =	ssyncadd.remote.s32 $0x1  }
0xbe: {  	_ =	sfence.sel $0xFFFF  }
0xbf: {  	[dreg:$0x0] =	wrdreg $0xFFFFFFFF;
	(pc) =	sbr.abs _section_cstart, $3  }
0xc0: {  	[dreg:$0x1] =	wrdreg $0xFFFFFFFF  }
0xc1: {  	_ =	task.clear_ibuf [dreg:s6], $0x2FFFF;
	_ =	strace $0x9FFFFFFF  }
0xc2: {  	(tm) =	ssettm $0x7FFFFFFF  }
0xc3: {  	_ =	shalt  }
tec
execute0_lowered:
.L_overlay_start_1:
0x0: {  	(tag) =	ssettag $0x1  }
0x1: {  	s0 =	srdreg.scid;
	s1 =	rddreg [dreg:$0x0]  }
0x2: {  	s19 =	stileid.u32;
	s2 =	rddreg [dreg:$0x1]  }
0x3: {  	s3 =	simm.s32 $0x0;
	s18 =	simm.s32 $0x3;
	s21 =	simm.s32 $0x80  }
0x4: {  	s22 =	simm.s32 $0xA180;
	s23 =	simm.s32 $0xE180;
	s5 =	smul.u32 $0x5000, s19  }
0x5: {  	s24 =	simm.s32 $0x1;
	s25 =	simm.s32 $0xA080;
	s7 =	smul.u32 $0x138, s19  }
0x6: {  	s28 =	simm.s32 $0xA100;
	s0 =	sand.u32 $0x1, s0;
	s11 =	smul.u32 $0x27000, s19  }
0x7: {  	s29 =	simm.s32 $0x0;
	[smem:$0x7FF] =	sst s3;
	s4 =	smul.u32 $0x50000, s0  }
0x8: {  	p0 =	sne.s32 s19, $0xF;
	s31 =	sshll.u32 s19, $0x6;
	s9 =	smul.u32 $0x2710, s0  }
0x9: {  	_ =	strace $0x80000050;
	s8 =	ssub.s32 $0x2, s0;
	s0 =	smul.u32 $0x138800, s0  }
0xa: {  	s20 =	sor.u32 $0x1C03, s31;
	s10 =	sshrl.u32 s8, $0x1;
	s30 =	sshrl.u32 s11, $0x2  }
0xb: {  	s4 =	sadd.s32 s5, s4;
	s5 =	sshrl.u32 s5, $0x3;
	s17 =	ssub.s32 s8, s10  }
0xc: {  	s26 =	sadd.s32 s7, s9;
	s0 =	sshrl.u32 s0, $0x3;
	s7 =	sadd.s32 s30, s2  }
0xd: {  	s9 =	sadd.s32 $0x9C000, s2;
	s6 =	sshrl.u32 s4, $0x3;
	s4 =	sadd.s32 $0x6F400, s1  }
0xe: {  	s5 =	sadd.s32 s5, s1;
	s12 =	sadd.s32 $0x13800, s0;
	s0 =	sadd.s32 $0x27080, s0  }
0xf: {  	s17 =	smax.u32 s17, $0x1;
	s6 =	sadd.s32 s6, s1;
	s1 =	sadd.s32 $0xBD600, s1  }
0x10: {  	s5 =	sadd.s32 $0x3200, s5;
	s10 =	sadd.s32 s4, s12;
	s14 =	sadd.s32 s4, s0  }
0x11: {  	s6 =	sadd.s32 $0x5B400, s6;
	[dreg:$0x4] =	wrdreg s5;
	s5 =	sshll.u32 s26, $0x4  }
0x12: {  	s12 =	sadd.s32 s1, s12;
	s16 =	sadd.s32 s1, s0;
	s26 =	simm.s32 $0x2  }
0x13: {  	s8 =	sadd.s32 s4, s5;
	s11 =	sadd.s32 s1, s5;
	s5 =	sadd.s32 $0x13880, s5  }
0x14: {  	v0 =	vimm.s32 $0x0;
	[dreg:$0x3] =	wrdreg s6;
	s13 =	sadd.s32 s4, s5;
	s15 =	sadd.s32 s1, s5  }
.LBB2_1:
0x15: {  	s0 =	rddreg [dreg:$0x3]  }
0x16: {  	[tilespmem:s3], [sflag:$0x3] =	stream.linear.gather [hbm4b:s0+s3], $0x5000, $0x38;
	[tilespmem:$0x1BFC0] =	vst v63  }
0x17: {  	_ =	swait.ge [sflag:s18], $0x5000  }
0x18: {  	[sflag:s18] =	ssyncset.done $0x0  }
0x19: {  	s1 =	simm.s32 $0x5080;
	s19 =	rddreg [dreg:$0x4];
	[sflag:s18] =	ssyncadd.s32 $0xFFFFB000  }
0x1a: {  	[tilespmem:s1], [sflag:$0x3] =	stream.linear.gather [hbm4b:s19+s3], $0x5000, $0x38;
	[tilespmem:$0x1BFC0] =	vst v63  }
0x1b: {  	_ =	swait.ge [sflag:s18], $0x5000  }
0x1c: {  	[sflag:s18] =	ssyncset.done $0x0  }
0x1d: {  	[sflag:s18] =	ssyncadd.s32 $0xFFFFB000  }
0x1e: {  	[tilespmem:$0x5000] =	vst v0  }
0x1f: {  	[tilespmem:$0x5010] =	vst v0  }
0x20: {  	[tilespmem:$0x5020] =	vst v0  }
0x21: {  	[tilespmem:$0x5030] =	vst v0  }
0x22: {  	[tilespmem:$0x5040] =	vst v0  }
0x23: {  	[tilespmem:$0x5050] =	vst v0  }
0x24: {  	[tilespmem:$0x5060] =	vst v0  }
0x25: {  	s30 =	sshrl.u32 s7, $0x3;
	[tilespmem:$0x5070] =	vst v0  }
0x26: {  	[spmem:s30], [sflag:s20] =	dma.local [hbm:s8], $0x1380  }
0x27: {  	_ =	swait.ge [sflag:s18], $0x1380  }
0x28: {  	[sflag:s18] =	ssyncset.done $0x0  }
0x29: {  	s31 =	sshrl.u32 @!p0 s9, $0x3;
	s0 =	simm.s32 @!p0 $0x3;
	[sflag:s18] =	ssyncadd.s32 $0xFFFFEC80  }
0x2a: {  	[spmem:s31], [sflag:s20] =	dma.local @!p0 [hbm:s10], $0x80  }
0x2b: {  	_ =	swait.ge @!p0 [sflag:s0], $0x80  }
0x2c: {  	[sflag:s0] =	ssyncset.done @!p0 $0x0  }
0x2d: {  	[sflag:s0] =	ssyncadd.s32 @!p0 $0xFFFFFF80  }
0x2e: {  	[bflag:$0x0] =	sbarrier.arrive $0xFFFF  }
0x2f: {  	[tilespmem:s22], [sflag:$0x1] =	stream.indirect.gather [hbm4b:s4+s21], $0x80, s3, s21, $0xb8;
	[tilespmem:$0x1BFC0] =	vst v63  }
0x30: {  	s5 =	simm.s32 $0x0;
	s6 =	simm.s32 $0x80  }
0x31: {  	[tilespmem:s23], [sflag:$0x2] =	stream.indirect.gather [hbm4b:s4+s21], $0x80, s6, s21, $0xb8;
	[tilespmem:$0x1BFC0] =	vst v63  }
0x32: {  	v1 =	vld [tilespmem:s5+$0x5080];
	_ =	sdelay $0x4  }
0x33: {  	v2 =	vand.u32 $0x3F, v1  }
0x34: {  	vm0 =	vlt.s32 v1, $0x1388;
	v2 =	vadd.s32 $0x1388, v2  }
0x35: {  	v1 =	vsel vm0, v1, v2  }
0x36: {  	[tilespmem:$0xA080] =	vst v1  }
0x37: {  	v1 =	vld [tilespmem:s5+$0x5090];
	_ =	sdelay $0x4  }
0x38: {  	v2 =	vand.u32 $0x3F, v1  }
0x39: {  	vm13 =	vlt.s32 v1, $0x1388;
	v2 =	vadd.s32 $0x1388, v2  }
0x3a: {  	v1 =	vsel vm13, v1, v2  }
0x3b: {  	[tilespmem:$0xA090] =	vst v1  }
0x3c: {  	v1 =	vld [tilespmem:s5+$0x50A0];
	_ =	sdelay $0x4  }
0x3d: {  	v2 =	vand.u32 $0x3F, v1  }
0x3e: {  	vm14 =	vlt.s32 v1, $0x1388;
	v2 =	vadd.s32 $0x1388, v2  }
0x3f: {  	v1 =	vsel vm14, v1, v2  }
0x40: {  	[tilespmem:$0xA0A0] =	vst v1  }
0x41: {  	v1 =	vld [tilespmem:s5+$0x50B0];
	_ =	sdelay $0x4  }
0x42: {  	v2 =	vand.u32 $0x3F, v1  }
0x43: {  	vm15 =	vlt.s32 v1, $0x1388;
	v2 =	vadd.s32 $0x1388, v2  }
0x44: {  	v1 =	vsel vm15, v1, v2  }
0x45: {  	[tilespmem:$0xA0B0] =	vst v1  }
0x46: {  	v1 =	vld [tilespmem:s5+$0x50C0];
	_ =	sdelay $0x4  }
0x47: {  	v2 =	vand.u32 $0x3F, v1  }
0x48: {  	vm4 =	vlt.s32 v1, $0x1388;
	v2 =	vadd.s32 $0x1388, v2  }
0x49: {  	v1 =	vsel vm4, v1, v2  }
0x4a: {  	[tilespmem:$0xA0C0] =	vst v1  }
0x4b: {  	v1 =	vld [tilespmem:s5+$0x50D0];
	_ =	sdelay $0x4  }
0x4c: {  	v2 =	vand.u32 $0x3F, v1  }
0x4d: {  	vm5 =	vlt.s32 v1, $0x1388;
	v2 =	vadd.s32 $0x1388, v2  }
0x4e: {  	v1 =	vsel vm5, v1, v2  }
0x4f: {  	[tilespmem:$0xA0D0] =	vst v1  }
0x50: {  	v1 =	vld [tilespmem:s5+$0x50E0];
	_ =	sdelay $0x4  }
0x51: {  	v2 =	vand.u32 $0x3F, v1  }
0x52: {  	vm6 =	vlt.s32 v1, $0x1388;
	v2 =	vadd.s32 $0x1388, v2  }
0x53: {  	v1 =	vsel vm6, v1, v2  }
0x54: {  	[tilespmem:$0xA0E0] =	vst v1  }
0x55: {  	v1 =	vld [tilespmem:s5+$0x50F0];
	_ =	sdelay $0x4  }
0x56: {  	v2 =	vand.u32 $0x3F, v1  }
0x57: {  	vm7 =	vlt.s32 v1, $0x1388;
	v2 =	vadd.s32 $0x1388, v2  }
0x58: {  	v1 =	vsel vm7, v1, v2  }
0x59: {  	[tilespmem:$0xA0F0] =	vst v1  }
0x5a: {  	_ =	swait.ge [sflag:s24], $0x4000  }
0x5b: {  	[sflag:s24] =	ssyncset.done $0x0  }
0x5c: {  	[sflag:s24] =	ssyncadd.s32 $0xFFFFC000  }
0x5d: {  	[spmem:s2] =	stream.indirect.scatter.add.f32 [tilespmem:s22], [sflag:$0x3], $0x80, s25, s21, $0xb8;
	[tilespmem:$0x1BFC0] =	vst v63  }
0x5e: {  	_ =	swait.ge [sflag:s18], $0x4000  }
0x5f: {  	[sflag:s18] =	ssyncset.done $0x0  }
0x60: {  	s19 =	simm.s32 $0x100;
	[sflag:s18] =	ssyncadd.s32 $0xFFFFC000  }
0x61: {  	[tilespmem:s22], [sflag:$0x1] =	stream.indirect.gather [hbm4b:s4+s21], $0x80, s19, s21, $0xb8;
	[tilespmem:$0x1BFC0] =	vst v63  }
0x62: {  	v1 =	vld [tilespmem:s5+$0x5100];
	_ =	sdelay $0x4  }
0x63: {  	v2 =	vand.u32 $0x3F, v1  }
0x64: {  	vm8 =	vlt.s32 v1, $0x1388;
	v2 =	vadd.s32 $0x1388, v2  }
0x65: {  	v1 =	vsel vm8, v1, v2  }
0x66: {  	[tilespmem:$0xA100] =	vst v1  }
0x67: {  	v1 =	vld [tilespmem:s5+$0x5110];
	_ =	sdelay $0x4  }
0x68: {  	v2 =	vand.u32 $0x3F, v1  }
0x69: {  	vm9 =	vlt.s32 v1, $0x1388;
	v2 =	vadd.s32 $0x1388, v2  }
0x6a: {  	v1 =	vsel vm9, v1, v2  }
0x6b: {  	[tilespmem:$0xA110] =	vst v1  }
0x6c: {  	v1 =	vld [tilespmem:s5+$0x5120];
	_ =	sdelay $0x4  }
0x6d: {  	v2 =	vand.u32 $0x3F, v1  }
0x6e: {  	vm10 =	vlt.s32 v1, $0x1388;
	v2 =	vadd.s32 $0x1388, v2  }
0x6f: {  	v1 =	vsel vm10, v1, v2  }
0x70: {  	[tilespmem:$0xA120] =	vst v1  }
0x71: {  	v1 =	vld [tilespmem:s5+$0x5130];
	_ =	sdelay $0x4  }
0x72: {  	v2 =	vand.u32 $0x3F, v1  }
0x73: {  	vm11 =	vlt.s32 v1, $0x1388;
	v2 =	vadd.s32 $0x1388, v2  }
0x74: {  	v1 =	vsel vm11, v1, v2  }
0x75: {  	[tilespmem:$0xA130] =	vst v1  }
0x76: {  	v1 =	vld [tilespmem:s5+$0x5140];
	_ =	sdelay $0x4  }
0x77: {  	v2 =	vand.u32 $0x3F, v1  }
0x78: {  	vm12 =	vlt.s32 v1, $0x1388;
	v2 =	vadd.s32 $0x1388, v2  }
0x79: {  	v1 =	vsel vm12, v1, v2  }
0x7a: {  	[tilespmem:$0xA140] =	vst v1  }
0x7b: {  	v1 =	vld [tilespmem:s5+$0x5150];
	_ =	sdelay $0x4  }
0x7c: {  	v2 =	vand.u32 $0x3F, v1  }
0x7d: {  	vm13 =	vlt.s32 v1, $0x1388;
	v2 =	vadd.s32 $0x1388, v2  }
0x7e: {  	v1 =	vsel vm13, v1, v2  }
0x7f: {  	[tilespmem:$0xA150] =	vst v1  }
0x80: {  	v1 =	vld [tilespmem:s5+$0x5160];
	_ =	sdelay $0x4  }
0x81: {  	v2 =	vand.u32 $0x3F, v1  }
0x82: {  	vm14 =	vlt.s32 v1, $0x1388;
	v2 =	vadd.s32 $0x1388, v2  }
0x83: {  	v1 =	vsel vm14, v1, v2  }
0x84: {  	[tilespmem:$0xA160] =	vst v1  }
0x85: {  	v1 =	vld [tilespmem:s5+$0x5170];
	_ =	sdelay $0x4  }
0x86: {  	v2 =	vand.u32 $0x3F, v1  }
0x87: {  	vm15 =	vlt.s32 v1, $0x1388;
	v2 =	vadd.s32 $0x1388, v2  }
0x88: {  	v1 =	vsel vm15, v1, v2  }
0x89: {  	[tilespmem:$0xA170] =	vst v1  }
0x8a: {  	_ =	swait.ge [sflag:s26], $0x4000  }
0x8b: {  	[sflag:s26] =	ssyncset.done $0x0  }
0x8c: {  	[sflag:s26] =	ssyncadd.s32 $0xFFFFC000  }
0x8d: {  	[spmem:s2] =	stream.indirect.scatter.add.f32 [tilespmem:s23], [sflag:$0x3], $0x80, s28, s21, $0xb8;
	[tilespmem:$0x1BFC0] =	vst v63  }
0x8e: {  	_ =	swait.ge [sflag:s18], $0x4000  }
0x8f: {  	s1 =	simm.s32 $0x100;
	s0 =	simm.s32 $0x800;
	[sflag:s18] =	ssyncset.done $0x0  }
.LBB2_2:
0x90: {  	s6 =	sadd.s32 $0x80, s1  }
0x91: {  	[sflag:s18] =	ssyncadd.s32 $0xFFFFC000;
	s19 =	smov.u32 s0;
	s5 =	sadd.s32 $0x400, s0  }
0x92: {  	[tilespmem:s23], [sflag:$0x2] =	stream.indirect.gather [hbm4b:s4+s21], $0x80, s6, s21, $0xb8;
	[tilespmem:$0x1BFC0] =	vst v63  }
0x93: {  	p1 =	sne.s32 s0, $0x13C00;
	v1 =	vld [tilespmem:s1+$0x5080];
	_ =	sdelay $0x4  }
0x94: {  	v2 =	vand.u32 $0x3F, v1  }
0x95: {  	vm0 =	vlt.s32 v1, $0x1388;
	v2 =	vadd.s32 $0x1388, v2  }
0x96: {  	v1 =	vsel vm0, v1, v2  }
0x97: {  	[tilespmem:$0xA080] =	vst v1  }
0x98: {  	v1 =	vld [tilespmem:s1+$0x5090];
	_ =	sdelay $0x4  }
0x99: {  	v2 =	vand.u32 $0x3F, v1  }
0x9a: {  	vm0 =	vlt.s32 v1, $0x1388;
	v2 =	vadd.s32 $0x1388, v2  }
0x9b: {  	v1 =	vsel vm0, v1, v2  }
0x9c: {  	[tilespmem:$0xA090] =	vst v1  }
0x9d: {  	v1 =	vld [tilespmem:s1+$0x50A0];
	_ =	sdelay $0x4  }
0x9e: {  	v2 =	vand.u32 $0x3F, v1  }
0x9f: {  	vm0 =	vlt.s32 v1, $0x1388;
	v2 =	vadd.s32 $0x1388, v2  }
0xa0: {  	v1 =	vsel vm0, v1, v2  }
0xa1: {  	[tilespmem:$0xA0A0] =	vst v1  }
0xa2: {  	v1 =	vld [tilespmem:s1+$0x50B0];
	_ =	sdelay $0x4  }
0xa3: {  	v2 =	vand.u32 $0x3F, v1  }
0xa4: {  	vm0 =	vlt.s32 v1, $0x1388;
	v2 =	vadd.s32 $0x1388, v2  }
0xa5: {  	v1 =	vsel vm0, v1, v2  }
0xa6: {  	[tilespmem:$0xA0B0] =	vst v1  }
0xa7: {  	v1 =	vld [tilespmem:s1+$0x50C0];
	_ =	sdelay $0x4  }
0xa8: {  	v2 =	vand.u32 $0x3F, v1  }
0xa9: {  	vm0 =	vlt.s32 v1, $0x1388;
	v2 =	vadd.s32 $0x1388, v2  }
0xaa: {  	v1 =	vsel vm0, v1, v2  }
0xab: {  	[tilespmem:$0xA0C0] =	vst v1  }
0xac: {  	v1 =	vld [tilespmem:s1+$0x50D0];
	_ =	sdelay $0x4  }
0xad: {  	v2 =	vand.u32 $0x3F, v1  }
0xae: {  	vm0 =	vlt.s32 v1, $0x1388;
	v2 =	vadd.s32 $0x1388, v2  }
0xaf: {  	v1 =	vsel vm0, v1, v2  }
0xb0: {  	[tilespmem:$0xA0D0] =	vst v1  }
0xb1: {  	v1 =	vld [tilespmem:s1+$0x50E0];
	_ =	sdelay $0x4  }
0xb2: {  	v2 =	vand.u32 $0x3F, v1  }
0xb3: {  	vm0 =	vlt.s32 v1, $0x1388;
	v2 =	vadd.s32 $0x1388, v2  }
0xb4: {  	v1 =	vsel vm0, v1, v2  }
0xb5: {  	[tilespmem:$0xA0E0] =	vst v1  }
0xb6: {  	v1 =	vld [tilespmem:s1+$0x50F0];
	_ =	sdelay $0x4  }
0xb7: {  	v2 =	vand.u32 $0x3F, v1  }
0xb8: {  	vm0 =	vlt.s32 v1, $0x1388;
	v2 =	vadd.s32 $0x1388, v2  }
0xb9: {  	v1 =	vsel vm0, v1, v2  }
0xba: {  	[tilespmem:$0xA0F0] =	vst v1  }
0xbb: {  	_ =	swait.ge [sflag:s24], $0x4000  }
0xbc: {  	[sflag:s24] =	ssyncset.done $0x0  }
0xbd: {  	[sflag:s24] =	ssyncadd.s32 $0xFFFFC000  }
0xbe: {  	[spmem:s2] =	stream.indirect.scatter.add.f32 [tilespmem:s22], [sflag:$0x3], $0x80, s25, s21, $0xb8;
	[tilespmem:$0x1BFC0] =	vst v63  }
0xbf: {  	_ =	swait.ge [sflag:s18], $0x4000  }
0xc0: {  	[sflag:s18] =	ssyncset.done $0x0  }
0xc1: {  	s0 =	sadd.s32 $0x100, s1;
	[sflag:s18] =	ssyncadd.s32 $0xFFFFC000  }
0xc2: {  	[tilespmem:s22], [sflag:$0x1] =	stream.indirect.gather [hbm4b:s4+s21], $0x80, s0, s21, $0xb8;
	[tilespmem:$0x1BFC0] =	vst v63  }
0xc3: {  	v1 =	vld [tilespmem:s1+$0x5100];
	_ =	sdelay $0x4  }
0xc4: {  	v2 =	vand.u32 $0x3F, v1  }
0xc5: {  	vm0 =	vlt.s32 v1, $0x1388;
	v2 =	vadd.s32 $0x1388, v2  }
0xc6: {  	v1 =	vsel vm0, v1, v2  }
0xc7: {  	[tilespmem:$0xA100] =	vst v1  }
0xc8: {  	v1 =	vld [tilespmem:s1+$0x5110];
	_ =	sdelay $0x4  }
0xc9: {  	v2 =	vand.u32 $0x3F, v1  }
0xca: {  	vm0 =	vlt.s32 v1, $0x1388;
	v2 =	vadd.s32 $0x1388, v2  }
0xcb: {  	v1 =	vsel vm0, v1, v2  }
0xcc: {  	[tilespmem:$0xA110] =	vst v1  }
0xcd: {  	v1 =	vld [tilespmem:s1+$0x5120];
	_ =	sdelay $0x4  }
0xce: {  	v2 =	vand.u32 $0x3F, v1  }
0xcf: {  	vm0 =	vlt.s32 v1, $0x1388;
	v2 =	vadd.s32 $0x1388, v2  }
0xd0: {  	v1 =	vsel vm0, v1, v2  }
0xd1: {  	[tilespmem:$0xA120] =	vst v1  }
0xd2: {  	v1 =	vld [tilespmem:s1+$0x5130];
	_ =	sdelay $0x4  }
0xd3: {  	v2 =	vand.u32 $0x3F, v1  }
0xd4: {  	vm0 =	vlt.s32 v1, $0x1388;
	v2 =	vadd.s32 $0x1388, v2  }
0xd5: {  	v1 =	vsel vm0, v1, v2  }
0xd6: {  	[tilespmem:$0xA130] =	vst v1  }
0xd7: {  	v1 =	vld [tilespmem:s1+$0x5140];
	_ =	sdelay $0x4  }
0xd8: {  	v2 =	vand.u32 $0x3F, v1  }
0xd9: {  	vm0 =	vlt.s32 v1, $0x1388;
	v2 =	vadd.s32 $0x1388, v2  }
0xda: {  	v1 =	vsel vm0, v1, v2  }
0xdb: {  	[tilespmem:$0xA140] =	vst v1  }
0xdc: {  	v1 =	vld [tilespmem:s1+$0x5150];
	_ =	sdelay $0x4  }
0xdd: {  	v2 =	vand.u32 $0x3F, v1  }
0xde: {  	vm0 =	vlt.s32 v1, $0x1388;
	v2 =	vadd.s32 $0x1388, v2  }
0xdf: {  	v1 =	vsel vm0, v1, v2  }
0xe0: {  	[tilespmem:$0xA150] =	vst v1  }
0xe1: {  	v1 =	vld [tilespmem:s1+$0x5160];
	_ =	sdelay $0x4  }
0xe2: {  	v2 =	vand.u32 $0x3F, v1  }
0xe3: {  	vm0 =	vlt.s32 v1, $0x1388;
	v2 =	vadd.s32 $0x1388, v2  }
0xe4: {  	v1 =	vsel vm0, v1, v2  }
0xe5: {  	[tilespmem:$0xA160] =	vst v1  }
0xe6: {  	v1 =	vld [tilespmem:s1+$0x5170];
	_ =	sdelay $0x4  }
0xe7: {  	v2 =	vand.u32 $0x3F, v1  }
0xe8: {  	vm0 =	vlt.s32 v1, $0x1388;
	v2 =	vadd.s32 $0x1388, v2  }
0xe9: {  	v1 =	vsel vm0, v1, v2  }
0xea: {  	[tilespmem:$0xA170] =	vst v1  }
0xeb: {  	_ =	swait.ge [sflag:s26], $0x4000  }
.Ltmp0:
0xec: {  	[sflag:s26] =	ssyncset.done $0x0;
	(pc) =	sbr.rel @p1 .LBB2_2-.Ltmp0, $4  }
0xed: {  	[sflag:s26] =	ssyncadd.s32 $0xFFFFC000  }
0xee: {  	[spmem:s2] =	stream.indirect.scatter.add.f32 [tilespmem:s23], [sflag:$0x3], $0x80, s28, s21, $0xb8;
	[tilespmem:$0x1BFC0] =	vst v63  }
0xef: {  	_ =	swait.ge [sflag:s18], $0x4000  }
0xf0: {  	s0 =	smov.u32 s5;
	s1 =	sshra.s32 s19, $0x2;
	[sflag:s18] =	ssyncset.done $0x0  }
0xf1: {  	s0 =	sadd.s32 $0x80, s1;
	[sflag:s18] =	ssyncadd.s32 $0xFFFFC000  }
0xf2: {  	[tilespmem:s23], [sflag:$0x2] =	stream.indirect.gather [hbm4b:s4+s21], $0x80, s0, s21, $0xb8;
	[tilespmem:$0x1BFC0] =	vst v63  }
0xf3: {  	v1 =	vld [tilespmem:s1+$0x5080];
	_ =	sdelay $0x4  }
0xf4: {  	v2 =	vand.u32 $0x3F, v1  }
0xf5: {  	vm0 =	vlt.s32 v1, $0x1388;
	v2 =	vadd.s32 $0x1388, v2  }
0xf6: {  	v1 =	vsel vm0, v1, v2  }
0xf7: {  	[tilespmem:$0xA080] =	vst v1  }
0xf8: {  	v1 =	vld [tilespmem:s1+$0x5090];
	_ =	sdelay $0x4  }
0xf9: {  	v2 =	vand.u32 $0x3F, v1  }
0xfa: {  	vm9 =	vlt.s32 v1, $0x1388;
	v2 =	vadd.s32 $0x1388, v2  }
0xfb: {  	v1 =	vsel vm9, v1, v2  }
0xfc: {  	[tilespmem:$0xA090] =	vst v1  }
0xfd: {  	v1 =	vld [tilespmem:s1+$0x50A0];
	_ =	sdelay $0x4  }
0xfe: {  	v2 =	vand.u32 $0x3F, v1  }
0xff: {  	vm10 =	vlt.s32 v1, $0x1388;
	v2 =	vadd.s32 $0x1388, v2  }
0x100: {  	v1 =	vsel vm10, v1, v2  }
0x101: {  	[tilespmem:$0xA0A0] =	vst v1  }
0x102: {  	v1 =	vld [tilespmem:s1+$0x50B0];
	_ =	sdelay $0x4  }
0x103: {  	v2 =	vand.u32 $0x3F, v1  }
0x104: {  	vm11 =	vlt.s32 v1, $0x1388;
	v2 =	vadd.s32 $0x1388, v2  }
0x105: {  	v1 =	vsel vm11, v1, v2  }
0x106: {  	[tilespmem:$0xA0B0] =	vst v1  }
0x107: {  	v1 =	vld [tilespmem:s1+$0x50C0];
	_ =	sdelay $0x4  }
0x108: {  	v2 =	vand.u32 $0x3F, v1  }
0x109: {  	vm12 =	vlt.s32 v1, $0x1388;
	v2 =	vadd.s32 $0x1388, v2  }
0x10a: {  	v1 =	vsel vm12, v1, v2  }
0x10b: {  	[tilespmem:$0xA0C0] =	vst v1  }
0x10c: {  	v1 =	vld [tilespmem:s1+$0x50D0];
	_ =	sdelay $0x4  }
0x10d: {  	v2 =	vand.u32 $0x3F, v1  }
0x10e: {  	vm13 =	vlt.s32 v1, $0x1388;
	v2 =	vadd.s32 $0x1388, v2  }
0x10f: {  	v1 =	vsel vm13, v1, v2  }
0x110: {  	[tilespmem:$0xA0D0] =	vst v1  }
0x111: {  	v1 =	vld [tilespmem:s1+$0x50E0];
	_ =	sdelay $0x4  }
0x112: {  	v2 =	vand.u32 $0x3F, v1  }
0x113: {  	vm14 =	vlt.s32 v1, $0x1388;
	v2 =	vadd.s32 $0x1388, v2  }
0x114: {  	v1 =	vsel vm14, v1, v2  }
0x115: {  	[tilespmem:$0xA0E0] =	vst v1  }
0x116: {  	v1 =	vld [tilespmem:s1+$0x50F0];
	_ =	sdelay $0x4  }
0x117: {  	v2 =	vand.u32 $0x3F, v1  }
0x118: {  	vm15 =	vlt.s32 v1, $0x1388;
	v2 =	vadd.s32 $0x1388, v2  }
0x119: {  	v1 =	vsel vm15, v1, v2  }
0x11a: {  	[tilespmem:$0xA0F0] =	vst v1  }
0x11b: {  	_ =	swait.ge [sflag:s24], $0x4000  }
0x11c: {  	[sflag:s24] =	ssyncset.done $0x0  }
0x11d: {  	[sflag:s24] =	ssyncadd.s32 $0xFFFFC000  }
0x11e: {  	[spmem:s2] =	stream.indirect.scatter.add.f32 [tilespmem:s22], [sflag:$0x3], $0x80, s25, s21, $0xb8;
	[tilespmem:$0x1BFC0] =	vst v63  }
0x11f: {  	_ =	swait.ge [sflag:s18], $0x4000  }
0x120: {  	[sflag:s18] =	ssyncset.done $0x0  }
0x121: {  	s19 =	sadd.s32 $0x100, s1;
	[sflag:s18] =	ssyncadd.s32 $0xFFFFC000  }
0x122: {  	[tilespmem:s22], [sflag:$0x1] =	stream.indirect.gather [hbm4b:s4+s21], $0x80, s19, s21, $0xb8;
	[tilespmem:$0x1BFC0] =	vst v63  }
0x123: {  	v1 =	vld [tilespmem:s1+$0x5100];
	_ =	sdelay $0x4  }
0x124: {  	v2 =	vand.u32 $0x3F, v1  }
0x125: {  	vm4 =	vlt.s32 v1, $0x1388;
	v2 =	vadd.s32 $0x1388, v2  }
0x126: {  	v1 =	vsel vm4, v1, v2  }
0x127: {  	[tilespmem:$0xA100] =	vst v1  }
0x128: {  	v1 =	vld [tilespmem:s1+$0x5110];
	_ =	sdelay $0x4  }
0x129: {  	v2 =	vand.u32 $0x3F, v1  }
0x12a: {  	vm5 =	vlt.s32 v1, $0x1388;
	v2 =	vadd.s32 $0x1388, v2  }
0x12b: {  	v1 =	vsel vm5, v1, v2  }
0x12c: {  	[tilespmem:$0xA110] =	vst v1  }
0x12d: {  	v1 =	vld [tilespmem:s1+$0x5120];
	_ =	sdelay $0x4  }
0x12e: {  	v2 =	vand.u32 $0x3F, v1  }
0x12f: {  	vm6 =	vlt.s32 v1, $0x1388;
	v2 =	vadd.s32 $0x1388, v2  }
0x130: {  	v1 =	vsel vm6, v1, v2  }
0x131: {  	[tilespmem:$0xA120] =	vst v1  }
0x132: {  	v1 =	vld [tilespmem:s1+$0x5130];
	_ =	sdelay $0x4  }
0x133: {  	v2 =	vand.u32 $0x3F, v1  }
0x134: {  	vm7 =	vlt.s32 v1, $0x1388;
	v2 =	vadd.s32 $0x1388, v2  }
0x135: {  	v1 =	vsel vm7, v1, v2  }
0x136: {  	[tilespmem:$0xA130] =	vst v1  }
0x137: {  	v1 =	vld [tilespmem:s1+$0x5140];
	_ =	sdelay $0x4  }
0x138: {  	v2 =	vand.u32 $0x3F, v1  }
0x139: {  	vm8 =	vlt.s32 v1, $0x1388;
	v2 =	vadd.s32 $0x1388, v2  }
0x13a: {  	v1 =	vsel vm8, v1, v2  }
0x13b: {  	[tilespmem:$0xA140] =	vst v1  }
0x13c: {  	v1 =	vld [tilespmem:s1+$0x5150];
	_ =	sdelay $0x4  }
0x13d: {  	v2 =	vand.u32 $0x3F, v1  }
0x13e: {  	vm9 =	vlt.s32 v1, $0x1388;
	v2 =	vadd.s32 $0x1388, v2  }
0x13f: {  	v1 =	vsel vm9, v1, v2  }
0x140: {  	[tilespmem:$0xA150] =	vst v1  }
0x141: {  	v1 =	vld [tilespmem:s1+$0x5160];
	_ =	sdelay $0x4  }
0x142: {  	v2 =	vand.u32 $0x3F, v1  }
0x143: {  	vm10 =	vlt.s32 v1, $0x1388;
	v2 =	vadd.s32 $0x1388, v2  }
0x144: {  	v1 =	vsel vm10, v1, v2  }
0x145: {  	[tilespmem:$0xA160] =	vst v1  }
0x146: {  	v1 =	vld [tilespmem:s1+$0x5170];
	_ =	sdelay $0x4  }
0x147: {  	v2 =	vand.u32 $0x3F, v1  }
0x148: {  	vm11 =	vlt.s32 v1, $0x1388;
	v2 =	vadd.s32 $0x1388, v2  }
0x149: {  	v1 =	vsel vm11, v1, v2  }
0x14a: {  	[tilespmem:$0xA170] =	vst v1  }
0x14b: {  	_ =	swait.ge [sflag:s26], $0x4000  }
0x14c: {  	[sflag:s26] =	ssyncset.done $0x0  }
0x14d: {  	[sflag:s26] =	ssyncadd.s32 $0xFFFFC000  }
0x14e: {  	[spmem:s2] =	stream.indirect.scatter.add.f32 [tilespmem:s23], [sflag:$0x3], $0x80, s28, s21, $0xb8;
	[tilespmem:$0x1BFC0] =	vst v63  }
0x14f: {  	_ =	swait.ge [sflag:s18], $0x4000  }
0x150: {  	[sflag:s18] =	ssyncset.done $0x0  }
0x151: {  	[sflag:s18] =	ssyncadd.s32 $0xFFFFC000  }
0x152: {  	_ =	swait.ge [sflag:s24], $0x4000  }
0x153: {  	[sflag:s24] =	ssyncset.done $0x0  }
0x154: {  	[sflag:s24] =	ssyncadd.s32 $0xFFFFC000  }
0x155: {  	[bflag:$0x0] =	sbarrier.arrive $0xFFFF  }
0x156: {  	[hbm:s11], [sflag:s20] =	dma.local [spmem:s30], $0x1380  }
0x157: {  	_ =	swait.ge [sflag:s18], $0x1380  }
0x158: {  	[sflag:s18] =	ssyncset.done $0x0  }
0x159: {  	[sflag:s18] =	ssyncadd.s32 $0xFFFFEC80  }
0x15a: {  	s0 =	sshrl.u32 @p0 s7, $0x3;
	[bflag:$0x0] =	sbarrier.arrive @p0 $0xFFFF  }
0x15b: {  	[spmem:s0], [sflag:s20] =	dma.local @p0 [hbm:s13], $0x1380  }
0x15c: {  	s0 =	simm.s32 @p0 $0x3  }
0x15d: {  	_ =	swait.ge @p0 [sflag:s0], $0x1380  }
0x15e: {  	[sflag:s0] =	ssyncset.done @p0 $0x0  }
0x15f: {  	[sflag:s0] =	ssyncadd.s32 @p0 $0xFFFFEC80;
	s0 =	simm.s32 @!p0 $0x3  }
0x160: {  	[hbm:s12], [sflag:s20] =	dma.local @!p0 [spmem:s31], $0x80  }
0x161: {  	_ =	swait.ge @!p0 [sflag:s0], $0x80  }
0x162: {  	[sflag:s0] =	ssyncset.done @!p0 $0x0  }
0x163: {  	[sflag:s0] =	ssyncadd.s32 @!p0 $0xFFFFFF80  }
0x164: {  	s1 =	sshrl.u32 @!p0 s7, $0x3;
	[bflag:$0x0] =	sbarrier.arrive @!p0 $0xFFFF  }
0x165: {  	[spmem:s1], [sflag:s20] =	dma.local @!p0 [hbm:s13], $0x1380  }
0x166: {  	_ =	swait.ge @!p0 [sflag:s0], $0x1380  }
0x167: {  	[sflag:s0] =	ssyncset.done @!p0 $0x0  }
0x168: {  	[sflag:s0] =	ssyncadd.s32 @!p0 $0xFFFFEC80  }
0x169: {  	[spmem:s31], [sflag:s20] =	dma.local @!p0 [hbm:s14], $0x80  }
0x16a: {  	_ =	swait.ge @!p0 [sflag:s0], $0x80  }
0x16b: {  	[sflag:s0] =	ssyncset.done @!p0 $0x0  }
0x16c: {  	[sflag:s0] =	ssyncadd.s32 @!p0 $0xFFFFFF80  }
0x16d: {  	s1 =	simm.s32 $0x0;
	[bflag:$0x0] =	sbarrier.arrive $0xFFFF  }
0x16e: {  	[tilespmem:s22], [sflag:$0x1] =	stream.indirect.gather [hbm4b:s4+s21], $0x80, s1, s21, $0xb8;
	[tilespmem:$0x1BFC0] =	vst v63  }
0x16f: {  	s5 =	simm.s32 $0x0;
	s6 =	simm.s32 $0x80  }
0x170: {  	[tilespmem:s23], [sflag:$0x2] =	stream.indirect.gather [hbm4b:s4+s21], $0x80, s6, s21, $0xb8;
	[tilespmem:$0x1BFC0] =	vst v63  }
0x171: {  	v1 =	vld [tilespmem:s5+$0x5080];
	_ =	sdelay $0x4  }
0x172: {  	v2 =	vand.u32 $0x3F, v1;
	v1 =	vadd.s32 $0xFFFFEC78, v1  }
0x173: {  	v2 =	vadd.s32 $0x1388, v2;
	vm12 =	vlt.u32 v1, $0x1388  }
0x174: {  	v1 =	vsel vm12, v1, v2  }
0x175: {  	[tilespmem:$0xA080] =	vst v1  }
0x176: {  	v1 =	vld [tilespmem:s5+$0x5090];
	_ =	sdelay $0x4  }
0x177: {  	v2 =	vand.u32 $0x3F, v1;
	v1 =	vadd.s32 $0xFFFFEC78, v1  }
0x178: {  	v2 =	vadd.s32 $0x1388, v2;
	vm13 =	vlt.u32 v1, $0x1388  }
0x179: {  	v1 =	vsel vm13, v1, v2  }
0x17a: {  	[tilespmem:$0xA090] =	vst v1  }
0x17b: {  	v1 =	vld [tilespmem:s5+$0x50A0];
	_ =	sdelay $0x4  }
0x17c: {  	v2 =	vand.u32 $0x3F, v1;
	v1 =	vadd.s32 $0xFFFFEC78, v1  }
0x17d: {  	v2 =	vadd.s32 $0x1388, v2;
	vm14 =	vlt.u32 v1, $0x1388  }
0x17e: {  	v1 =	vsel vm14, v1, v2  }
0x17f: {  	[tilespmem:$0xA0A0] =	vst v1  }
0x180: {  	v1 =	vld [tilespmem:s5+$0x50B0];
	_ =	sdelay $0x4  }
0x181: {  	v2 =	vand.u32 $0x3F, v1;
	v1 =	vadd.s32 $0xFFFFEC78, v1  }
0x182: {  	v2 =	vadd.s32 $0x1388, v2;
	vm15 =	vlt.u32 v1, $0x1388  }
0x183: {  	v1 =	vsel vm15, v1, v2  }
0x184: {  	[tilespmem:$0xA0B0] =	vst v1  }
0x185: {  	v1 =	vld [tilespmem:s5+$0x50C0];
	_ =	sdelay $0x4  }
0x186: {  	v2 =	vand.u32 $0x3F, v1;
	v1 =	vadd.s32 $0xFFFFEC78, v1  }
0x187: {  	v2 =	vadd.s32 $0x1388, v2;
	vm4 =	vlt.u32 v1, $0x1388  }
0x188: {  	v1 =	vsel vm4, v1, v2  }
0x189: {  	[tilespmem:$0xA0C0] =	vst v1  }
0x18a: {  	v1 =	vld [tilespmem:s5+$0x50D0];
	_ =	sdelay $0x4  }
0x18b: {  	v2 =	vand.u32 $0x3F, v1;
	v1 =	vadd.s32 $0xFFFFEC78, v1  }
0x18c: {  	v2 =	vadd.s32 $0x1388, v2;
	vm5 =	vlt.u32 v1, $0x1388  }
0x18d: {  	v1 =	vsel vm5, v1, v2  }
0x18e: {  	[tilespmem:$0xA0D0] =	vst v1  }
0x18f: {  	v1 =	vld [tilespmem:s5+$0x50E0];
	_ =	sdelay $0x4  }
0x190: {  	v2 =	vand.u32 $0x3F, v1;
	v1 =	vadd.s32 $0xFFFFEC78, v1  }
0x191: {  	v2 =	vadd.s32 $0x1388, v2;
	vm6 =	vlt.u32 v1, $0x1388  }
0x192: {  	v1 =	vsel vm6, v1, v2  }
0x193: {  	[tilespmem:$0xA0E0] =	vst v1  }
0x194: {  	v1 =	vld [tilespmem:s5+$0x50F0];
	_ =	sdelay $0x4  }
0x195: {  	v2 =	vand.u32 $0x3F, v1;
	v1 =	vadd.s32 $0xFFFFEC78, v1  }
0x196: {  	v2 =	vadd.s32 $0x1388, v2;
	vm7 =	vlt.u32 v1, $0x1388  }
0x197: {  	v1 =	vsel vm7, v1, v2  }
0x198: {  	[tilespmem:$0xA0F0] =	vst v1  }
0x199: {  	_ =	swait.ge [sflag:s24], $0x4000  }
0x19a: {  	[sflag:s24] =	ssyncset.done $0x0  }
0x19b: {  	[sflag:s24] =	ssyncadd.s32 $0xFFFFC000  }
0x19c: {  	[spmem:s2] =	stream.indirect.scatter.add.f32 [tilespmem:s22], [sflag:$0x3], $0x80, s25, s21, $0xb8;
	[tilespmem:$0x1BFC0] =	vst v63  }
0x19d: {  	_ =	swait.ge [sflag:s18], $0x4000  }
0x19e: {  	[sflag:s18] =	ssyncset.done $0x0  }
0x19f: {  	s19 =	simm.s32 $0x100;
	[sflag:s18] =	ssyncadd.s32 $0xFFFFC000  }
0x1a0: {  	[tilespmem:s22], [sflag:$0x1] =	stream.indirect.gather [hbm4b:s4+s21], $0x80, s19, s21, $0xb8;
	[tilespmem:$0x1BFC0] =	vst v63  }
0x1a1: {  	v1 =	vld [tilespmem:s5+$0x5100];
	_ =	sdelay $0x4  }
0x1a2: {  	v2 =	vand.u32 $0x3F, v1;
	v1 =	vadd.s32 $0xFFFFEC78, v1  }
0x1a3: {  	v2 =	vadd.s32 $0x1388, v2;
	vm8 =	vlt.u32 v1, $0x1388  }
0x1a4: {  	v1 =	vsel vm8, v1, v2  }
0x1a5: {  	[tilespmem:$0xA100] =	vst v1  }
0x1a6: {  	v1 =	vld [tilespmem:s5+$0x5110];
	_ =	sdelay $0x4  }
0x1a7: {  	v2 =	vand.u32 $0x3F, v1;
	v1 =	vadd.s32 $0xFFFFEC78, v1  }
0x1a8: {  	v2 =	vadd.s32 $0x1388, v2;
	vm9 =	vlt.u32 v1, $0x1388  }
0x1a9: {  	v1 =	vsel vm9, v1, v2  }
0x1aa: {  	[tilespmem:$0xA110] =	vst v1  }
0x1ab: {  	v1 =	vld [tilespmem:s5+$0x5120];
	_ =	sdelay $0x4  }
0x1ac: {  	v2 =	vand.u32 $0x3F, v1;
	v1 =	vadd.s32 $0xFFFFEC78, v1  }
0x1ad: {  	v2 =	vadd.s32 $0x1388, v2;
	vm10 =	vlt.u32 v1, $0x1388  }
0x1ae: {  	v1 =	vsel vm10, v1, v2  }
0x1af: {  	[tilespmem:$0xA120] =	vst v1  }
0x1b0: {  	v1 =	vld [tilespmem:s5+$0x5130];
	_ =	sdelay $0x4  }
0x1b1: {  	v2 =	vand.u32 $0x3F, v1;
	v1 =	vadd.s32 $0xFFFFEC78, v1  }
0x1b2: {  	v2 =	vadd.s32 $0x1388, v2;
	vm11 =	vlt.u32 v1, $0x1388  }
0x1b3: {  	v1 =	vsel vm11, v1, v2  }
0x1b4: {  	[tilespmem:$0xA130] =	vst v1  }
0x1b5: {  	v1 =	vld [tilespmem:s5+$0x5140];
	_ =	sdelay $0x4  }
0x1b6: {  	v2 =	vand.u32 $0x3F, v1;
	v1 =	vadd.s32 $0xFFFFEC78, v1  }
0x1b7: {  	v2 =	vadd.s32 $0x1388, v2;
	vm12 =	vlt.u32 v1, $0x1388  }
0x1b8: {  	v1 =	vsel vm12, v1, v2  }
0x1b9: {  	[tilespmem:$0xA140] =	vst v1  }
0x1ba: {  	v1 =	vld [tilespmem:s5+$0x5150];
	_ =	sdelay $0x4  }
0x1bb: {  	v2 =	vand.u32 $0x3F, v1;
	v1 =	vadd.s32 $0xFFFFEC78, v1  }
0x1bc: {  	v2 =	vadd.s32 $0x1388, v2;
	vm13 =	vlt.u32 v1, $0x1388  }
0x1bd: {  	v1 =	vsel vm13, v1, v2  }
0x1be: {  	[tilespmem:$0xA150] =	vst v1  }
0x1bf: {  	v1 =	vld [tilespmem:s5+$0x5160];
	_ =	sdelay $0x4  }
0x1c0: {  	v2 =	vand.u32 $0x3F, v1;
	v1 =	vadd.s32 $0xFFFFEC78, v1  }
0x1c1: {  	v2 =	vadd.s32 $0x1388, v2;
	vm14 =	vlt.u32 v1, $0x1388  }
0x1c2: {  	v1 =	vsel vm14, v1, v2  }
0x1c3: {  	[tilespmem:$0xA160] =	vst v1  }
0x1c4: {  	v1 =	vld [tilespmem:s5+$0x5170];
	_ =	sdelay $0x4  }
0x1c5: {  	v2 =	vand.u32 $0x3F, v1;
	v1 =	vadd.s32 $0xFFFFEC78, v1  }
0x1c6: {  	v2 =	vadd.s32 $0x1388, v2;
	vm15 =	vlt.u32 v1, $0x1388  }
0x1c7: {  	v1 =	vsel vm15, v1, v2  }
0x1c8: {  	[tilespmem:$0xA170] =	vst v1  }
0x1c9: {  	_ =	swait.ge [sflag:s26], $0x4000  }
0x1ca: {  	[sflag:s26] =	ssyncset.done $0x0  }
0x1cb: {  	[sflag:s26] =	ssyncadd.s32 $0xFFFFC000  }
0x1cc: {  	[spmem:s2] =	stream.indirect.scatter.add.f32 [tilespmem:s23], [sflag:$0x3], $0x80, s28, s21, $0xb8;
	[tilespmem:$0x1BFC0] =	vst v63  }
0x1cd: {  	_ =	swait.ge [sflag:s18], $0x4000  }
0x1ce: {  	s1 =	simm.s32 $0x100;
	s5 =	simm.s32 $0x800;
	[sflag:s18] =	ssyncset.done $0x0  }
.LBB2_4:
0x1cf: {  	s6 =	sadd.s32 $0x80, s1  }
0x1d0: {  	[sflag:s18] =	ssyncadd.s32 $0xFFFFC000;
	s19 =	smov.u32 s5;
	s0 =	sadd.s32 $0x400, s5  }
0x1d1: {  	[tilespmem:s23], [sflag:$0x2] =	stream.indirect.gather [hbm4b:s4+s21], $0x80, s6, s21, $0xb8;
	[tilespmem:$0x1BFC0] =	vst v63  }
0x1d2: {  	p1 =	sne.s32 s5, $0x13C00;
	v1 =	vld [tilespmem:s1+$0x5080];
	_ =	sdelay $0x4  }
0x1d3: {  	v2 =	vand.u32 $0x3F, v1;
	v1 =	vadd.s32 $0xFFFFEC78, v1  }
0x1d4: {  	v2 =	vadd.s32 $0x1388, v2;
	vm0 =	vlt.u32 v1, $0x1388  }
0x1d5: {  	v1 =	vsel vm0, v1, v2  }
0x1d6: {  	[tilespmem:$0xA080] =	vst v1  }
0x1d7: {  	v1 =	vld [tilespmem:s1+$0x5090];
	_ =	sdelay $0x4  }
0x1d8: {  	v2 =	vand.u32 $0x3F, v1;
	v1 =	vadd.s32 $0xFFFFEC78, v1  }
0x1d9: {  	v2 =	vadd.s32 $0x1388, v2;
	vm0 =	vlt.u32 v1, $0x1388  }
0x1da: {  	v1 =	vsel vm0, v1, v2  }
0x1db: {  	[tilespmem:$0xA090] =	vst v1  }
0x1dc: {  	v1 =	vld [tilespmem:s1+$0x50A0];
	_ =	sdelay $0x4  }
0x1dd: {  	v2 =	vand.u32 $0x3F, v1;
	v1 =	vadd.s32 $0xFFFFEC78, v1  }
0x1de: {  	v2 =	vadd.s32 $0x1388, v2;
	vm0 =	vlt.u32 v1, $0x1388  }
0x1df: {  	v1 =	vsel vm0, v1, v2  }
0x1e0: {  	[tilespmem:$0xA0A0] =	vst v1  }
0x1e1: {  	v1 =	vld [tilespmem:s1+$0x50B0];
	_ =	sdelay $0x4  }
0x1e2: {  	v2 =	vand.u32 $0x3F, v1;
	v1 =	vadd.s32 $0xFFFFEC78, v1  }
0x1e3: {  	v2 =	vadd.s32 $0x1388, v2;
	vm0 =	vlt.u32 v1, $0x1388  }
0x1e4: {  	v1 =	vsel vm0, v1, v2  }
0x1e5: {  	[tilespmem:$0xA0B0] =	vst v1  }
0x1e6: {  	v1 =	vld [tilespmem:s1+$0x50C0];
	_ =	sdelay $0x4  }
0x1e7: {  	v2 =	vand.u32 $0x3F, v1;
	v1 =	vadd.s32 $0xFFFFEC78, v1  }
0x1e8: {  	v2 =	vadd.s32 $0x1388, v2;
	vm0 =	vlt.u32 v1, $0x1388  }
0x1e9: {  	v1 =	vsel vm0, v1, v2  }
0x1ea: {  	[tilespmem:$0xA0C0] =	vst v1  }
0x1eb: {  	v1 =	vld [tilespmem:s1+$0x50D0];
	_ =	sdelay $0x4  }
0x1ec: {  	v2 =	vand.u32 $0x3F, v1;
	v1 =	vadd.s32 $0xFFFFEC78, v1  }
0x1ed: {  	v2 =	vadd.s32 $0x1388, v2;
	vm0 =	vlt.u32 v1, $0x1388  }
0x1ee: {  	v1 =	vsel vm0, v1, v2  }
0x1ef: {  	[tilespmem:$0xA0D0] =	vst v1  }
0x1f0: {  	v1 =	vld [tilespmem:s1+$0x50E0];
	_ =	sdelay $0x4  }
0x1f1: {  	v2 =	vand.u32 $0x3F, v1;
	v1 =	vadd.s32 $0xFFFFEC78, v1  }
0x1f2: {  	v2 =	vadd.s32 $0x1388, v2;
	vm0 =	vlt.u32 v1, $0x1388  }
0x1f3: {  	v1 =	vsel vm0, v1, v2  }
0x1f4: {  	[tilespmem:$0xA0E0] =	vst v1  }
0x1f5: {  	v1 =	vld [tilespmem:s1+$0x50F0];
	_ =	sdelay $0x4  }
0x1f6: {  	v2 =	vand.u32 $0x3F, v1;
	v1 =	vadd.s32 $0xFFFFEC78, v1  }
0x1f7: {  	v2 =	vadd.s32 $0x1388, v2;
	vm0 =	vlt.u32 v1, $0x1388  }
0x1f8: {  	v1 =	vsel vm0, v1, v2  }
0x1f9: {  	[tilespmem:$0xA0F0] =	vst v1  }
0x1fa: {  	_ =	swait.ge [sflag:s24], $0x4000  }
0x1fb: {  	[sflag:s24] =	ssyncset.done $0x0  }
0x1fc: {  	[sflag:s24] =	ssyncadd.s32 $0xFFFFC000  }
0x1fd: {  	[spmem:s2] =	stream.indirect.scatter.add.f32 [tilespmem:s22], [sflag:$0x3], $0x80, s25, s21, $0xb8;
	[tilespmem:$0x1BFC0] =	vst v63  }
0x1fe: {  	_ =	swait.ge [sflag:s18], $0x4000  }
0x1ff: {  	[sflag:s18] =	ssyncset.done $0x0  }
0x200: {  	s5 =	sadd.s32 $0x100, s1;
	[sflag:s18] =	ssyncadd.s32 $0xFFFFC000  }
0x201: {  	[tilespmem:s22], [sflag:$0x1] =	stream.indirect.gather [hbm4b:s4+s21], $0x80, s5, s21, $0xb8;
	[tilespmem:$0x1BFC0] =	vst v63  }
0x202: {  	v1 =	vld [tilespmem:s1+$0x5100];
	_ =	sdelay $0x4  }
0x203: {  	v2 =	vand.u32 $0x3F, v1;
	v1 =	vadd.s32 $0xFFFFEC78, v1  }
0x204: {  	v2 =	vadd.s32 $0x1388, v2;
	vm0 =	vlt.u32 v1, $0x1388  }
0x205: {  	v1 =	vsel vm0, v1, v2  }
0x206: {  	[tilespmem:$0xA100] =	vst v1  }
0x207: {  	v1 =	vld [tilespmem:s1+$0x5110];
	_ =	sdelay $0x4  }
0x208: {  	v2 =	vand.u32 $0x3F, v1;
	v1 =	vadd.s32 $0xFFFFEC78, v1  }
0x209: {  	v2 =	vadd.s32 $0x1388, v2;
	vm0 =	vlt.u32 v1, $0x1388  }
0x20a: {  	v1 =	vsel vm0, v1, v2  }
0x20b: {  	[tilespmem:$0xA110] =	vst v1  }
0x20c: {  	v1 =	vld [tilespmem:s1+$0x5120];
	_ =	sdelay $0x4  }
0x20d: {  	v2 =	vand.u32 $0x3F, v1;
	v1 =	vadd.s32 $0xFFFFEC78, v1  }
0x20e: {  	v2 =	vadd.s32 $0x1388, v2;
	vm0 =	vlt.u32 v1, $0x1388  }
0x20f: {  	v1 =	vsel vm0, v1, v2  }
0x210: {  	[tilespmem:$0xA120] =	vst v1  }
0x211: {  	v1 =	vld [tilespmem:s1+$0x5130];
	_ =	sdelay $0x4  }
0x212: {  	v2 =	vand.u32 $0x3F, v1;
	v1 =	vadd.s32 $0xFFFFEC78, v1  }
0x213: {  	v2 =	vadd.s32 $0x1388, v2;
	vm0 =	vlt.u32 v1, $0x1388  }
0x214: {  	v1 =	vsel vm0, v1, v2  }
0x215: {  	[tilespmem:$0xA130] =	vst v1  }
0x216: {  	v1 =	vld [tilespmem:s1+$0x5140];
	_ =	sdelay $0x4  }
0x217: {  	v2 =	vand.u32 $0x3F, v1;
	v1 =	vadd.s32 $0xFFFFEC78, v1  }
0x218: {  	v2 =	vadd.s32 $0x1388, v2;
	vm0 =	vlt.u32 v1, $0x1388  }
0x219: {  	v1 =	vsel vm0, v1, v2  }
0x21a: {  	[tilespmem:$0xA140] =	vst v1  }
0x21b: {  	v1 =	vld [tilespmem:s1+$0x5150];
	_ =	sdelay $0x4  }
0x21c: {  	v2 =	vand.u32 $0x3F, v1;
	v1 =	vadd.s32 $0xFFFFEC78, v1  }
0x21d: {  	v2 =	vadd.s32 $0x1388, v2;
	vm0 =	vlt.u32 v1, $0x1388  }
0x21e: {  	v1 =	vsel vm0, v1, v2  }
0x21f: {  	[tilespmem:$0xA150] =	vst v1  }
0x220: {  	v1 =	vld [tilespmem:s1+$0x5160];
	_ =	sdelay $0x4  }
0x221: {  	v2 =	vand.u32 $0x3F, v1;
	v1 =	vadd.s32 $0xFFFFEC78, v1  }
0x222: {  	v2 =	vadd.s32 $0x1388, v2;
	vm0 =	vlt.u32 v1, $0x1388  }
0x223: {  	v1 =	vsel vm0, v1, v2  }
0x224: {  	[tilespmem:$0xA160] =	vst v1  }
0x225: {  	v1 =	vld [tilespmem:s1+$0x5170];
	_ =	sdelay $0x4  }
0x226: {  	v2 =	vand.u32 $0x3F, v1;
	v1 =	vadd.s32 $0xFFFFEC78, v1  }
0x227: {  	v2 =	vadd.s32 $0x1388, v2;
	vm0 =	vlt.u32 v1, $0x1388  }
0x228: {  	v1 =	vsel vm0, v1, v2  }
0x229: {  	[tilespmem:$0xA170] =	vst v1  }
0x22a: {  	_ =	swait.ge [sflag:s26], $0x4000  }
.Ltmp1:
0x22b: {  	[sflag:s26] =	ssyncset.done $0x0;
	(pc) =	sbr.rel @p1 .LBB2_4-.Ltmp1, $4  }
0x22c: {  	[sflag:s26] =	ssyncadd.s32 $0xFFFFC000  }
0x22d: {  	[spmem:s2] =	stream.indirect.scatter.add.f32 [tilespmem:s23], [sflag:$0x3], $0x80, s28, s21, $0xb8;
	[tilespmem:$0x1BFC0] =	vst v63  }
0x22e: {  	_ =	swait.ge [sflag:s18], $0x4000  }
0x22f: {  	s5 =	smov.u32 s0;
	s1 =	sshra.s32 s19, $0x2;
	[sflag:s18] =	ssyncset.done $0x0  }
0x230: {  	s0 =	sadd.s32 $0x80, s1;
	[sflag:s18] =	ssyncadd.s32 $0xFFFFC000  }
0x231: {  	[tilespmem:s23], [sflag:$0x2] =	stream.indirect.gather [hbm4b:s4+s21], $0x80, s0, s21, $0xb8;
	[tilespmem:$0x1BFC0] =	vst v63  }
0x232: {  	v1 =	vld [tilespmem:s1+$0x5080];
	_ =	sdelay $0x4  }
0x233: {  	v2 =	vand.u32 $0x3F, v1;
	v1 =	vadd.s32 $0xFFFFEC78, v1  }
0x234: {  	v2 =	vadd.s32 $0x1388, v2;
	vm0 =	vlt.u32 v1, $0x1388  }
0x235: {  	v1 =	vsel vm0, v1, v2  }
0x236: {  	[tilespmem:$0xA080] =	vst v1  }
0x237: {  	v1 =	vld [tilespmem:s1+$0x5090];
	_ =	sdelay $0x4  }
0x238: {  	v2 =	vand.u32 $0x3F, v1;
	v1 =	vadd.s32 $0xFFFFEC78, v1  }
0x239: {  	v2 =	vadd.s32 $0x1388, v2;
	vm13 =	vlt.u32 v1, $0x1388  }
0x23a: {  	v1 =	vsel vm13, v1, v2  }
0x23b: {  	[tilespmem:$0xA090] =	vst v1  }
0x23c: {  	v1 =	vld [tilespmem:s1+$0x50A0];
	_ =	sdelay $0x4  }
0x23d: {  	v2 =	vand.u32 $0x3F, v1;
	v1 =	vadd.s32 $0xFFFFEC78, v1  }
0x23e: {  	v2 =	vadd.s32 $0x1388, v2;
	vm14 =	vlt.u32 v1, $0x1388  }
0x23f: {  	v1 =	vsel vm14, v1, v2  }
0x240: {  	[tilespmem:$0xA0A0] =	vst v1  }
0x241: {  	v1 =	vld [tilespmem:s1+$0x50B0];
	_ =	sdelay $0x4  }
0x242: {  	v2 =	vand.u32 $0x3F, v1;
	v1 =	vadd.s32 $0xFFFFEC78, v1  }
0x243: {  	v2 =	vadd.s32 $0x1388, v2;
	vm15 =	vlt.u32 v1, $0x1388  }
0x244: {  	v1 =	vsel vm15, v1, v2  }
0x245: {  	[tilespmem:$0xA0B0] =	vst v1  }
0x246: {  	v1 =	vld [tilespmem:s1+$0x50C0];
	_ =	sdelay $0x4  }
0x247: {  	v2 =	vand.u32 $0x3F, v1;
	v1 =	vadd.s32 $0xFFFFEC78, v1  }
0x248: {  	v2 =	vadd.s32 $0x1388, v2;
	vm4 =	vlt.u32 v1, $0x1388  }
0x249: {  	v1 =	vsel vm4, v1, v2  }
0x24a: {  	[tilespmem:$0xA0C0] =	vst v1  }
0x24b: {  	v1 =	vld [tilespmem:s1+$0x50D0];
	_ =	sdelay $0x4  }
0x24c: {  	v2 =	vand.u32 $0x3F, v1;
	v1 =	vadd.s32 $0xFFFFEC78, v1  }
0x24d: {  	v2 =	vadd.s32 $0x1388, v2;
	vm5 =	vlt.u32 v1, $0x1388  }
0x24e: {  	v1 =	vsel vm5, v1, v2  }
0x24f: {  	[tilespmem:$0xA0D0] =	vst v1  }
0x250: {  	v1 =	vld [tilespmem:s1+$0x50E0];
	_ =	sdelay $0x4  }
0x251: {  	v2 =	vand.u32 $0x3F, v1;
	v1 =	vadd.s32 $0xFFFFEC78, v1  }
0x252: {  	v2 =	vadd.s32 $0x1388, v2;
	vm6 =	vlt.u32 v1, $0x1388  }
0x253: {  	v1 =	vsel vm6, v1, v2  }
0x254: {  	[tilespmem:$0xA0E0] =	vst v1  }
0x255: {  	v1 =	vld [tilespmem:s1+$0x50F0];
	_ =	sdelay $0x4  }
0x256: {  	v2 =	vand.u32 $0x3F, v1;
	v1 =	vadd.s32 $0xFFFFEC78, v1  }
0x257: {  	v2 =	vadd.s32 $0x1388, v2;
	vm7 =	vlt.u32 v1, $0x1388  }
0x258: {  	v1 =	vsel vm7, v1, v2  }
0x259: {  	[tilespmem:$0xA0F0] =	vst v1  }
0x25a: {  	_ =	swait.ge [sflag:s24], $0x4000  }
0x25b: {  	[sflag:s24] =	ssyncset.done $0x0  }
0x25c: {  	[sflag:s24] =	ssyncadd.s32 $0xFFFFC000  }
0x25d: {  	[spmem:s2] =	stream.indirect.scatter.add.f32 [tilespmem:s22], [sflag:$0x3], $0x80, s25, s21, $0xb8;
	[tilespmem:$0x1BFC0] =	vst v63  }
0x25e: {  	_ =	swait.ge [sflag:s18], $0x4000  }
0x25f: {  	[sflag:s18] =	ssyncset.done $0x0  }
0x260: {  	s19 =	sadd.s32 $0x100, s1;
	[sflag:s18] =	ssyncadd.s32 $0xFFFFC000  }
0x261: {  	[tilespmem:s22], [sflag:$0x1] =	stream.indirect.gather [hbm4b:s4+s21], $0x80, s19, s21, $0xb8;
	[tilespmem:$0x1BFC0] =	vst v63  }
0x262: {  	v1 =	vld [tilespmem:s1+$0x5100];
	_ =	sdelay $0x4  }
0x263: {  	v2 =	vand.u32 $0x3F, v1;
	v1 =	vadd.s32 $0xFFFFEC78, v1  }
0x264: {  	v2 =	vadd.s32 $0x1388, v2;
	vm8 =	vlt.u32 v1, $0x1388  }
0x265: {  	v1 =	vsel vm8, v1, v2  }
0x266: {  	[tilespmem:$0xA100] =	vst v1  }
0x267: {  	v1 =	vld [tilespmem:s1+$0x5110];
	_ =	sdelay $0x4  }
0x268: {  	v2 =	vand.u32 $0x3F, v1;
	v1 =	vadd.s32 $0xFFFFEC78, v1  }
0x269: {  	v2 =	vadd.s32 $0x1388, v2;
	vm9 =	vlt.u32 v1, $0x1388  }
0x26a: {  	v1 =	vsel vm9, v1, v2  }
0x26b: {  	[tilespmem:$0xA110] =	vst v1  }
0x26c: {  	v1 =	vld [tilespmem:s1+$0x5120];
	_ =	sdelay $0x4  }
0x26d: {  	v2 =	vand.u32 $0x3F, v1;
	v1 =	vadd.s32 $0xFFFFEC78, v1  }
0x26e: {  	v2 =	vadd.s32 $0x1388, v2;
	vm10 =	vlt.u32 v1, $0x1388  }
0x26f: {  	v1 =	vsel vm10, v1, v2  }
0x270: {  	[tilespmem:$0xA120] =	vst v1  }
0x271: {  	v1 =	vld [tilespmem:s1+$0x5130];
	_ =	sdelay $0x4  }
0x272: {  	v2 =	vand.u32 $0x3F, v1;
	v1 =	vadd.s32 $0xFFFFEC78, v1  }
0x273: {  	v2 =	vadd.s32 $0x1388, v2;
	vm11 =	vlt.u32 v1, $0x1388  }
0x274: {  	v1 =	vsel vm11, v1, v2  }
0x275: {  	[tilespmem:$0xA130] =	vst v1  }
0x276: {  	v1 =	vld [tilespmem:s1+$0x5140];
	_ =	sdelay $0x4  }
0x277: {  	v2 =	vand.u32 $0x3F, v1;
	v1 =	vadd.s32 $0xFFFFEC78, v1  }
0x278: {  	v2 =	vadd.s32 $0x1388, v2;
	vm12 =	vlt.u32 v1, $0x1388  }
0x279: {  	v1 =	vsel vm12, v1, v2  }
0x27a: {  	[tilespmem:$0xA140] =	vst v1  }
0x27b: {  	v1 =	vld [tilespmem:s1+$0x5150];
	_ =	sdelay $0x4  }
0x27c: {  	v2 =	vand.u32 $0x3F, v1;
	v1 =	vadd.s32 $0xFFFFEC78, v1  }
0x27d: {  	v2 =	vadd.s32 $0x1388, v2;
	vm13 =	vlt.u32 v1, $0x1388  }
0x27e: {  	v1 =	vsel vm13, v1, v2  }
0x27f: {  	[tilespmem:$0xA150] =	vst v1  }
0x280: {  	v1 =	vld [tilespmem:s1+$0x5160];
	_ =	sdelay $0x4  }
0x281: {  	v2 =	vand.u32 $0x3F, v1;
	v1 =	vadd.s32 $0xFFFFEC78, v1  }
0x282: {  	v2 =	vadd.s32 $0x1388, v2;
	vm14 =	vlt.u32 v1, $0x1388  }
0x283: {  	v1 =	vsel vm14, v1, v2  }
0x284: {  	[tilespmem:$0xA160] =	vst v1  }
0x285: {  	v1 =	vld [tilespmem:s1+$0x5170];
	_ =	sdelay $0x4  }
0x286: {  	v2 =	vand.u32 $0x3F, v1;
	v1 =	vadd.s32 $0xFFFFEC78, v1  }
0x287: {  	v2 =	vadd.s32 $0x1388, v2;
	vm15 =	vlt.u32 v1, $0x1388  }
0x288: {  	v1 =	vsel vm15, v1, v2  }
0x289: {  	[tilespmem:$0xA170] =	vst v1  }
0x28a: {  	_ =	swait.ge [sflag:s26], $0x4000  }
0x28b: {  	[sflag:s26] =	ssyncset.done $0x0  }
0x28c: {  	[sflag:s26] =	ssyncadd.s32 $0xFFFFC000  }
0x28d: {  	[spmem:s2] =	stream.indirect.scatter.add.f32 [tilespmem:s23], [sflag:$0x3], $0x80, s28, s21, $0xb8;
	[tilespmem:$0x1BFC0] =	vst v63  }
0x28e: {  	_ =	swait.ge [sflag:s18], $0x4000  }
0x28f: {  	[sflag:s18] =	ssyncset.done $0x0  }
0x290: {  	[sflag:s18] =	ssyncadd.s32 $0xFFFFC000  }
0x291: {  	_ =	swait.ge [sflag:s24], $0x4000  }
0x292: {  	[sflag:s24] =	ssyncset.done $0x0  }
0x293: {  	[sflag:s24] =	ssyncadd.s32 $0xFFFFC000  }
0x294: {  	[bflag:$0x0] =	sbarrier.arrive $0xFFFF  }
0x295: {  	[hbm:s15], [sflag:s20] =	dma.local [spmem:s30], $0x1380  }
0x296: {  	_ =	swait.ge [sflag:s18], $0x1380  }
0x297: {  	s29 =	sadd.s32 $0x1, s29;
	[sflag:s18] =	ssyncset.done $0x0  }
0x298: {  	s0 =	simm.s32 @!p0 $0x3;
	p1 =	sne.s32 s29, s17;
	[sflag:s18] =	ssyncadd.s32 $0xFFFFEC80  }
0x299: {  	[hbm:s16], [sflag:s20] =	dma.local @!p0 [spmem:s31], $0x80  }
.Ltmp2:
0x29a: {  	_ =	swait.ge @!p0 [sflag:s0], $0x80;
	(pc) =	sbr.rel @p1 .LBB2_1-.Ltmp2, $3  }
0x29b: {  	[sflag:s0] =	ssyncset.done @!p0 $0x0  }
0x29c: {  	[sflag:s0] =	ssyncadd.s32 @!p0 $0xFFFFFF80  }
0x29d: {  	[bflag:$0x0] =	sbarrier.arrive $0xFFFF;
	_ =	sdelay $0x1  }
0x29e: {  	_ =	sfence.sel $0x180000  }
0x29f: {  	[bflag:$0x0] =	sbarrier.arrive $0xFFFF  }
0x2a0: {  	_ =	strace $0x90000050  }
0x2a1: {  	s0 =	stileid.u32;
	[bflag:$0x2] =	sbarrier.arrive $0xFFFF  }
0x2a2: {  	p0 =	sne.s32 s0, $0x0;
	s0 =	rddreg [dreg:$0x2]  }
0x2a3: {  	s0 =	sadd.s32 @!p0 $0x100000, s0  }
0x2a4: {  	[sflag:s0] =	ssyncadd.tile.s32 @!p0 $0x1;
	_ =	shalt  }
.Lfunc_end2:
_tile_overlayer_lowered:
.L_overlay_start_2:
0x2a5: {  	(tag) =	ssettag $0x2  }
0x2a6: {  	s0 =	rddreg [dreg:$0x0];
	s2 =	stileid.u32  }
0x2a7: {  	s1 =	rddreg [dreg:$0x1];
	p0 =	sne.s32 s2, $0x0  }
0x2a8: {  	s3 =	rddreg [dreg:$0x2];
	[bflag:$0x3] =	sbarrier.arrive $0xFFFF;
	s2 =	simm.s32 @!p0 $0x1C03  }
0x2a9: {  	[timem:s3], [sflag:s2] =	dma.local @!p0 [hbm:s0], s1  }
0x2aa: {  	s0 =	simm.s32 @!p0 $0x3  }
0x2ab: {  	_ =	swait.ge @!p0 [sflag:s0], s1  }
0x2ac: {  	s1 =	ssub.s32 @!p0 $0x0, s1;
	[sflag:s0] =	ssyncset.done @!p0 $0x0  }
0x2ad: {  	[sflag:s0] =	ssyncadd.s32 @!p0 s1  }
0x2ae: {  	[bflag:$0x3] =	sbarrier.arrive $0xFFFF  }
0x2af: {  	_ =	shalt  }

</sc_bundles>
